<compile_context>
chip_gen: v7x
topology: tpu7x:2x2x1
jax: 0.10.2.dev20260603
libtpu: 0.0.44.dev20260713+nightly
codegen_flags: <defaults>
</compile_context>

<pallas_src>
import functools

import jax
import jax.numpy as jnp
from jax import lax
from jax.experimental import pallas as pl
from jax.experimental.pallas import tpu as pltpu
from jax.experimental.pallas import tpu_sc as plsc

N = 50000
D = 512
S = 256
NC = 2
NS = 16
CW = D // NS
R = 1024
RT = R // NS
NROW0 = 24992
NFULL = 24
NQUAD = NFULL // 4
TAIL0 = NROW0 - NFULL * R
TAIL1 = (N - NROW0) - NFULL * R
TOFF0 = NFULL * R
TOFF1 = NROW0 + NFULL * R


def _tree(vs):
    while len(vs) > 1:
        nxt = [vs[i] + vs[i + 1] for i in range(0, len(vs) - 1, 2)]
        if len(vs) % 2:
            nxt.append(vs[-1])
        vs = nxt
    return vs[0]


def _sc_partials(feats, ids):
    mesh = plsc.VectorSubcoreMesh(core_axis_name="c", subcore_axis_name="s")

    @functools.partial(
        pl.kernel,
        mesh=mesh,
        out_type=jax.ShapeDtypeStruct((NC * S, D), jnp.float32),
        compiler_params=pltpu.CompilerParams(
            use_tc_tiling_on_sc=False, needs_layout_passes=False),
        scratch_types=[
            pltpu.VMEM((S, CW), jnp.float32),
            pltpu.VMEM((R, CW), jnp.float32),
            pltpu.VMEM((R,), jnp.int32),
            pltpu.VMEM((R,), jnp.int32),
            pltpu.VMEM((R,), jnp.int32),
            pltpu.VMEM((R,), jnp.int32),
            pltpu.VMEM((TAIL1,), jnp.int32),
            pltpu.VMEM_SHARED((R, D), jnp.float32),
            pltpu.VMEM_SHARED((R, D), jnp.float32),
            pltpu.SemaphoreType.DMA,
            pltpu.SemaphoreType.DMA,
        ],
    )
    def k(feats_hbm, ids_hbm, out_hbm, acc, rowbuf, idxa, idxb, idxc,
          idxd, tidx, sbuf0, sbuf1, sem0, sem1):
        cid = lax.axis_index("c")
        sid = lax.axis_index("s")
        roff = cid * NROW0
        c0 = sid * CW

        zf = jnp.zeros((16,), jnp.float32)
        lanes = lax.iota(jnp.int32, 16)
        lanes_b = lanes + 16
        cols = [jnp.full((16,), c, jnp.int32) for c in range(CW)]

        def zacc(i, _):
            acc[i, pl.ds(0, 16)] = zf
            acc[i, pl.ds(16, 16)] = zf
            return 0

        lax.fori_loop(0, S, zacc, 0)

        def stage(off, sbuf, idxv, sem):
            pltpu.async_copy(
                feats_hbm.at[pl.ds(off + sid * RT, RT), :],
                sbuf.at[pl.ds(sid * RT, RT), :], sem)
            pltpu.async_copy(ids_hbm.at[pl.ds(off, R)], idxv, sem)

        def stage_wait(sbuf, idxv, sem):
            pltpu.make_async_copy(
                feats_hbm.at[pl.ds(0, RT), :],
                sbuf.at[pl.ds(0, RT), :], sem).wait()
            pltpu.make_async_copy(ids_hbm.at[pl.ds(0, R)], idxv, sem).wait()

        def make_group_body(buf, idxref):
            def gbody(g, carry):
                pid, ga, gb = carry
                base = g * 16
                idv = idxref[pl.ds(base, 16)]
                rows_a = [buf[base + j, pl.ds(0, 16)] for j in range(16)]
                rows_b = [buf[base + j, pl.ds(16, 16)] for j in range(16)]
                tot_a = _tree(rows_a)
                tot_b = _tree(rows_b)
                mx = lax.reduce_max(idv, (0,))
                mn = lax.reduce_min(idv, (0,))
                pvec = jnp.full((16,), pid, jnp.int32)

                def uni(pid_, ga_, gb_):
                    def same_fn(p_, a_, b_):
                        return p_, a_ + tot_a, b_ + tot_b

                    def diff_fn(p_, a_, b_):
                        plsc.addupdate_scatter(acc, [pvec, lanes], a_)
                        plsc.addupdate_scatter(acc, [pvec, lanes_b], b_)
                        return mx, tot_a, tot_b

                    return lax.cond(
                        pid_ == mn, same_fn, diff_fn, pid_, ga_, gb_)

                def nonuni(pid_, ga_, gb_):
                    plsc.addupdate_scatter(acc, [pvec, lanes], ga_)
                    plsc.addupdate_scatter(acc, [pvec, lanes_b], gb_)
                    mnv = jnp.full((16,), mn, jnp.int32)
                    mxv = jnp.full((16,), mx, jnp.int32)
                    lo = idv == mnv
                    two_runs = jnp.all(lo | (idv == mxv))
                    pm = plsc.all_reduce_population_count(lo)

                    def two(p_, a_, b_):
                        sa = _tree([
                            jnp.where(j < pm, rows_a[j], zf)
                            for j in range(16)
                        ])
                        sb = _tree([
                            jnp.where(j < pm, rows_b[j], zf)
                            for j in range(16)
                        ])
                        plsc.addupdate_scatter(acc, [mnv, lanes], sa)
                        plsc.addupdate_scatter(acc, [mnv, lanes_b], sb)
                        return mx, tot_a - sa, tot_b - sb

                    def many(p_, a_, b_):
                        riv = lanes + base
                        for c in range(CW):
                            x = plsc.load_gather(buf, [riv, cols[c]])
                            plsc.addupdate_scatter(acc, [idv, cols[c]], x)
                        return mx, zf, zf

                    return lax.cond(two_runs, two, many, pid_, ga_, gb_)

                return lax.cond(mn == mx, uni, nonuni, pid, ga, gb)

            return gbody

        def step(sbuf, idxv, sem, nxt_off, nxt_idxv, do_nxt, carry):
            stage_wait(sbuf, idxv, sem)
            plsc.subcore_barrier()
            pltpu.sync_copy(sbuf.at[:, pl.ds(c0, CW)], rowbuf)
            plsc.subcore_barrier()

            @pl.when(do_nxt)
            def _():
                stage(nxt_off, sbuf, nxt_idxv, sem)

            return lax.fori_loop(
                0, R // 16, make_group_body(rowbuf, idxv), carry)

        stage(roff, sbuf0, idxa, sem0)
        stage(roff + R, sbuf1, idxb, sem1)

        true_ = jnp.bool_(True)

        def quad_body(q, carry):
            base = roff + 4 * q * R
            more = q < NQUAD - 1
            carry = step(sbuf0, idxa, sem0, base + 2 * R, idxc, true_,
                         carry)
            carry = step(sbuf1, idxb, sem1, base + 3 * R, idxd, true_,
                         carry)
            carry = step(sbuf0, idxc, sem0, base + 4 * R, idxa, more,
                         carry)
            carry = step(sbuf1, idxd, sem1, base + 5 * R, idxb, more,
                         carry)
            return carry

        carry = lax.fori_loop(0, NQUAD, quad_body, (0, zf, zf))

        def tail(toff, ntail, carry):
            tt = ntail // NS
            pltpu.async_copy(
                feats_hbm.at[pl.ds(toff + sid * tt, tt), :],
                sbuf0.at[pl.ds(sid * tt, tt), :], sem0)
            pltpu.async_copy(
                ids_hbm.at[pl.ds(toff, ntail)], tidx.at[pl.ds(0, ntail)],
                sem0)
            pltpu.make_async_copy(
                feats_hbm.at[pl.ds(0, tt), :],
                sbuf0.at[pl.ds(0, tt), :], sem0).wait()
            pltpu.make_async_copy(
                ids_hbm.at[pl.ds(0, ntail)], tidx.at[pl.ds(0, ntail)],
                sem0).wait()
            plsc.subcore_barrier()
            pltpu.sync_copy(
                sbuf0.at[pl.ds(0, ntail), pl.ds(c0, CW)],
                rowbuf.at[pl.ds(0, ntail), :])
            return lax.fori_loop(
                0, ntail // 16, make_group_body(rowbuf, tidx), carry)

        carry = lax.cond(
            cid == 0,
            lambda c: tail(TOFF0, TAIL0, c),
            lambda c: tail(TOFF1, TAIL1, c),
            carry)

        pid, ga, gb = carry
        pvec = jnp.full((16,), pid, jnp.int32)
        plsc.addupdate_scatter(acc, [pvec, lanes], ga)
        plsc.addupdate_scatter(acc, [pvec, lanes_b], gb)

        pltpu.sync_copy(
            acc, out_hbm.at[pl.ds(cid * S, S), pl.ds(c0, CW)])

    return k(feats, ids)


def _combine(partials):
    def body(p_ref, o_ref):
        o_ref[...] = p_ref[:S, :] + p_ref[S:, :]

    return pl.pallas_call(
        body,
        out_shape=jax.ShapeDtypeStruct((S, D), jnp.float32),
    )(partials)


@jax.jit
def kernel(feats, batch):
    ids = batch.astype(jnp.int32)
    return _combine(_sc_partials(feats, ids))

# --- scband reference (transcript-rebuilt; emitter-appended) ---
"""Pipeline reference for scband-pool-sum-38474317038554 (READ-ONLY COPY).

The authoritative reference and input builder live on the scoring server;
editing this copy changes nothing except your own understanding.
"""

import jax, jax.numpy as jnp
import numpy as np

NUM_SEGMENTS = 256

def setup_inputs(seed: int = 0) -> dict:
    key = jax.random.key(seed)
    k1, k2 = jax.random.split(key)
    feats = jax.random.normal(k1, (50000, 512), dtype=jnp.float32)
    batch = jnp.sort(jax.random.randint(k2, (50000,), 0, NUM_SEGMENTS, dtype=jnp.int64))
    return {"feats": feats, "batch": batch}

def reference(feats, batch):
    # PoolSum.forward: scatter_add(feats, batch, dim=0)
    summed_nodes = jax.ops.segment_sum(feats, batch, num_segments=NUM_SEGMENTS)
    return summed_nodes

if __name__ == "__main__":
    import jax
    _d = setup_inputs()
    print(jax.jit(kernel)(*tuple(_d.values())))

</pallas_src>

<mosaic_0001>
#map = affine_map<(d0, d1) -> (0, 0)>
#map1 = affine_map<(d0, d1) -> (0)>
module attributes {stable_mosaic.version = 14 : i64} {
  func.func @k(%arg0: i32, %arg1: i32, %arg2: memref<50000x512xf32, #tpu.memory_space<hbm>>, %arg3: memref<50000xi32, #tpu.memory_space<hbm>>, %arg4: memref<512x512xf32, #tpu.memory_space<hbm>>, %arg5: memref<256x32xf32, #tpu.memory_space<vmem>>, %arg6: memref<1024x32xf32, #tpu.memory_space<vmem>>, %arg7: memref<1024xi32, #tpu.memory_space<vmem>>, %arg8: memref<1024xi32, #tpu.memory_space<vmem>>, %arg9: memref<1024xi32, #tpu.memory_space<vmem>>, %arg10: memref<1024xi32, #tpu.memory_space<vmem>>, %arg11: memref<432xi32, #tpu.memory_space<vmem>>, %arg12: memref<1024x512xf32, #tpu.memory_space<vmem_shared>>, %arg13: memref<1024x512xf32, #tpu.memory_space<vmem_shared>>, %arg14: memref<!tpu.dma_semaphore, #tpu.memory_space<semaphore_mem>>, %arg15: memref<!tpu.dma_semaphore, #tpu.memory_space<semaphore_mem>>) attributes {dimension_semantics = [#tpu.dimension_semantics<core_parallel>, #tpu.dimension_semantics<subcore_parallel>], iteration_bounds = array<i64: 2, 16>, scalar_prefetch = 0 : i64, scratch_operands = 11 : i64, tpu.core_type = #tpu.core_type<sc_vector_subcore>, window_params = [{transform_indices = #map}, {transform_indices = #map1}, {transform_indices = #map}]} {
    %mul3A = arith.constant 24992 : i32
    %mul3A_0 = arith.muli %arg0, %mul3A : i32
    %mul3A_1 = arith.constant 32 : i32
    %mul3A_2 = arith.muli %arg1, %mul3A_1 : i32
    %broadcast_in_dim3A = arith.constant 0.000000e+00 : f32
    %broadcast_in_dim3A_3 = vector.broadcast %broadcast_in_dim3A : f32 to vector<16xf32>
    %iota3A = tpu.iota {dimensions = array<i32: 0>} : vector<16xi32>
    %add3A = arith.constant 16 : i32
    %add3A_4 = vector.broadcast %add3A : i32 to vector<16xi32>
    %add3A_5 = arith.addi %iota3A, %add3A_4 : vector<16xi32>
    %broadcast_in_dim3A_6 = arith.constant 0 : i32
    %broadcast_in_dim3A_7 = vector.broadcast %broadcast_in_dim3A_6 : i32 to vector<16xi32>
    %broadcast_in_dim3A_8 = arith.constant 1 : i32
    %broadcast_in_dim3A_9 = vector.broadcast %broadcast_in_dim3A_8 : i32 to vector<16xi32>
    %broadcast_in_dim3A_10 = arith.constant 2 : i32
    %broadcast_in_dim3A_11 = vector.broadcast %broadcast_in_dim3A_10 : i32 to vector<16xi32>
    %broadcast_in_dim3A_12 = arith.constant 3 : i32
    %broadcast_in_dim3A_13 = vector.broadcast %broadcast_in_dim3A_12 : i32 to vector<16xi32>
    %broadcast_in_dim3A_14 = arith.constant 4 : i32
    %broadcast_in_dim3A_15 = vector.broadcast %broadcast_in_dim3A_14 : i32 to vector<16xi32>
    %broadcast_in_dim3A_16 = arith.constant 5 : i32
    %broadcast_in_dim3A_17 = vector.broadcast %broadcast_in_dim3A_16 : i32 to vector<16xi32>
    %broadcast_in_dim3A_18 = arith.constant 6 : i32
    %broadcast_in_dim3A_19 = vector.broadcast %broadcast_in_dim3A_18 : i32 to vector<16xi32>
    %broadcast_in_dim3A_20 = arith.constant 7 : i32
    %broadcast_in_dim3A_21 = vector.broadcast %broadcast_in_dim3A_20 : i32 to vector<16xi32>
    %broadcast_in_dim3A_22 = arith.constant 8 : i32
    %broadcast_in_dim3A_23 = vector.broadcast %broadcast_in_dim3A_22 : i32 to vector<16xi32>
    %broadcast_in_dim3A_24 = arith.constant 9 : i32
    %broadcast_in_dim3A_25 = vector.broadcast %broadcast_in_dim3A_24 : i32 to vector<16xi32>
    %broadcast_in_dim3A_26 = arith.constant 10 : i32
    %broadcast_in_dim3A_27 = vector.broadcast %broadcast_in_dim3A_26 : i32 to vector<16xi32>
    %broadcast_in_dim3A_28 = arith.constant 11 : i32
    %broadcast_in_dim3A_29 = vector.broadcast %broadcast_in_dim3A_28 : i32 to vector<16xi32>
    %broadcast_in_dim3A_30 = arith.constant 12 : i32
    %broadcast_in_dim3A_31 = vector.broadcast %broadcast_in_dim3A_30 : i32 to vector<16xi32>
    %broadcast_in_dim3A_32 = arith.constant 13 : i32
    %broadcast_in_dim3A_33 = vector.broadcast %broadcast_in_dim3A_32 : i32 to vector<16xi32>
    %broadcast_in_dim3A_34 = arith.constant 14 : i32
    %broadcast_in_dim3A_35 = vector.broadcast %broadcast_in_dim3A_34 : i32 to vector<16xi32>
    %broadcast_in_dim3A_36 = arith.constant 15 : i32
    %broadcast_in_dim3A_37 = vector.broadcast %broadcast_in_dim3A_36 : i32 to vector<16xi32>
    %broadcast_in_dim3A_38 = arith.constant 16 : i32
    %broadcast_in_dim3A_39 = vector.broadcast %broadcast_in_dim3A_38 : i32 to vector<16xi32>
    %broadcast_in_dim3A_40 = arith.constant 17 : i32
    %broadcast_in_dim3A_41 = vector.broadcast %broadcast_in_dim3A_40 : i32 to vector<16xi32>
    %broadcast_in_dim3A_42 = arith.constant 18 : i32
    %broadcast_in_dim3A_43 = vector.broadcast %broadcast_in_dim3A_42 : i32 to vector<16xi32>
    %broadcast_in_dim3A_44 = arith.constant 19 : i32
    %broadcast_in_dim3A_45 = vector.broadcast %broadcast_in_dim3A_44 : i32 to vector<16xi32>
    %broadcast_in_dim3A_46 = arith.constant 20 : i32
    %broadcast_in_dim3A_47 = vector.broadcast %broadcast_in_dim3A_46 : i32 to vector<16xi32>
    %broadcast_in_dim3A_48 = arith.constant 21 : i32
    %broadcast_in_dim3A_49 = vector.broadcast %broadcast_in_dim3A_48 : i32 to vector<16xi32>
    %broadcast_in_dim3A_50 = arith.constant 22 : i32
    %broadcast_in_dim3A_51 = vector.broadcast %broadcast_in_dim3A_50 : i32 to vector<16xi32>
    %broadcast_in_dim3A_52 = arith.constant 23 : i32
    %broadcast_in_dim3A_53 = vector.broadcast %broadcast_in_dim3A_52 : i32 to vector<16xi32>
    %broadcast_in_dim3A_54 = arith.constant 24 : i32
    %broadcast_in_dim3A_55 = vector.broadcast %broadcast_in_dim3A_54 : i32 to vector<16xi32>
    %broadcast_in_dim3A_56 = arith.constant 25 : i32
    %broadcast_in_dim3A_57 = vector.broadcast %broadcast_in_dim3A_56 : i32 to vector<16xi32>
    %broadcast_in_dim3A_58 = arith.constant 26 : i32
    %broadcast_in_dim3A_59 = vector.broadcast %broadcast_in_dim3A_58 : i32 to vector<16xi32>
    %broadcast_in_dim3A_60 = arith.constant 27 : i32
    %broadcast_in_dim3A_61 = vector.broadcast %broadcast_in_dim3A_60 : i32 to vector<16xi32>
    %broadcast_in_dim3A_62 = arith.constant 28 : i32
    %broadcast_in_dim3A_63 = vector.broadcast %broadcast_in_dim3A_62 : i32 to vector<16xi32>
    %broadcast_in_dim3A_64 = arith.constant 29 : i32
    %broadcast_in_dim3A_65 = vector.broadcast %broadcast_in_dim3A_64 : i32 to vector<16xi32>
    %broadcast_in_dim3A_66 = arith.constant 30 : i32
    %broadcast_in_dim3A_67 = vector.broadcast %broadcast_in_dim3A_66 : i32 to vector<16xi32>
    %broadcast_in_dim3A_68 = arith.constant 31 : i32
    %broadcast_in_dim3A_69 = vector.broadcast %broadcast_in_dim3A_68 : i32 to vector<16xi32>
    %scan3A = arith.constant 0 : i32
    %scan3A_70 = arith.constant 0 : i32
    %scan3A_71 = arith.constant 256 : i32
    %scan3A_72 = arith.addi %scan3A_70, %scan3A_71 : i32
    %scan3A_73 = arith.constant 1 : i32
    %scan3A_74 = scf.for %scan3A_113 = %scan3A_70 to %scan3A_72 step %scan3A_73 iter_args(%scan3A_114 = %scan3A) -> (i32)  : i32 {
      %swap3A = arith.index_cast %scan3A_113 : i32 to index
      %swap3A_115 = arith.constant 0 : index
      %swap3A_116 = tpu.vector_load %arg5[%swap3A, %swap3A_115] {strides = array<i32>} : memref<256x32xf32, #tpu.memory_space<vmem>>, vector<16xf32>,
      tpu.vector_store %arg5[%swap3A, %swap3A_115], %broadcast_in_dim3A_3 {strides = array<i32>} : memref<256x32xf32, #tpu.memory_space<vmem>>, vector<16xf32>,
      %swap3A_117 = arith.index_cast %scan3A_113 : i32 to index
      %swap3A_118 = arith.constant 16 : index
      %swap3A_119 = tpu.vector_load %arg5[%swap3A_117, %swap3A_118] {strides = array<i32>} : memref<256x32xf32, #tpu.memory_space<vmem>>, vector<16xf32>,
      tpu.vector_store %arg5[%swap3A_117, %swap3A_118], %broadcast_in_dim3A_3 {strides = array<i32>} : memref<256x32xf32, #tpu.memory_space<vmem>>, vector<16xf32>,
      %scan3A_120 = arith.constant 0 : i32
      scf.yield %scan3A_120 : i32
    }
    %scan3A_75 = arith.constant 256 : i32
    %mul3A_76 = arith.constant 64 : i32
    %mul3A_77 = arith.muli %arg1, %mul3A_76 : i32
    %add3A_78 = arith.addi %mul3A_0, %mul3A_77 : i32
    %mul3A_79 = arith.constant 64 : i32
    %mul3A_80 = arith.muli %arg1, %mul3A_79 : i32
    %dma_start3A = arith.constant 0 : i32
    %dma_start3A_81 = tpu.memref_slice %arg12[%mul3A_80, %dma_start3A] : memref<1024x512xf32, #tpu.memory_space<vmem_shared>> -> memref<64x512xf32, #tpu.memory_space<vmem_shared>>
    %dma_start3A_82 = arith.constant 0 : i32
    %dma_start3A_83 = tpu.memref_slice %arg2[%add3A_78, %dma_start3A_82] : memref<50000x512xf32, #tpu.memory_space<hbm>> -> memref<64x512xf32, #tpu.memory_space<hbm>>
    tpu.enqueue_dma source(%dma_start3A_83 : memref<64x512xf32, #tpu.memory_space<hbm>>) target(%dma_start3A_81 : memref<64x512xf32, #tpu.memory_space<vmem_shared>>) target_semaphore(%arg14 : memref<!tpu.dma_semaphore, #tpu.memory_space<semaphore_mem>>)
    %dma_start3A_84 = tpu.memref_slice %arg3[%mul3A_0] : memref<50000xi32, #tpu.memory_space<hbm>> -> memref<1024xi32, #tpu.memory_space<hbm>>
    %dma_start3A_85 = tpu.memref_slice %arg3[%mul3A_0] : memref<50000xi32, #tpu.memory_space<hbm>> -> memref<1024xi32, #tpu.memory_space<hbm>>
    tpu.enqueue_dma source(%dma_start3A_85 : memref<1024xi32, #tpu.memory_space<hbm>>) target(%arg7 : memref<1024xi32, #tpu.memory_space<vmem>>) target_semaphore(%arg14 : memref<!tpu.dma_semaphore, #tpu.memory_space<semaphore_mem>>)
    %add3A_86 = arith.constant 1024 : i32
    %add3A_87 = arith.addi %mul3A_0, %add3A_86 : i32
    %mul3A_88 = arith.constant 64 : i32
    %mul3A_89 = arith.muli %arg1, %mul3A_88 : i32
    %add3A_90 = arith.addi %add3A_87, %mul3A_89 : i32
    %mul3A_91 = arith.constant 64 : i32
    %mul3A_92 = arith.muli %arg1, %mul3A_91 : i32
    %dma_start3A_93 = arith.constant 0 : i32
    %dma_start3A_94 = tpu.memref_slice %arg13[%mul3A_92, %dma_start3A_93] : memref<1024x512xf32, #tpu.memory_space<vmem_shared>> -> memref<64x512xf32, #tpu.memory_space<vmem_shared>>
    %dma_start3A_95 = arith.constant 0 : i32
    %dma_start3A_96 = tpu.memref_slice %arg2[%add3A_90, %dma_start3A_95] : memref<50000x512xf32, #tpu.memory_space<hbm>> -> memref<64x512xf32, #tpu.memory_space<hbm>>
    tpu.enqueue_dma source(%dma_start3A_96 : memref<64x512xf32, #tpu.memory_space<hbm>>) target(%dma_start3A_94 : memref<64x512xf32, #tpu.memory_space<vmem_shared>>) target_semaphore(%arg15 : memref<!tpu.dma_semaphore, #tpu.memory_space<semaphore_mem>>)
    %dma_start3A_97 = tpu.memref_slice %arg3[%add3A_87] : memref<50000xi32, #tpu.memory_space<hbm>> -> memref<1024xi32, #tpu.memory_space<hbm>>
    %dma_start3A_98 = tpu.memref_slice %arg3[%add3A_87] : memref<50000xi32, #tpu.memory_space<hbm>> -> memref<1024xi32, #tpu.memory_space<hbm>>
    tpu.enqueue_dma source(%dma_start3A_98 : memref<1024xi32, #tpu.memory_space<hbm>>) target(%arg8 : memref<1024xi32, #tpu.memory_space<vmem>>) target_semaphore(%arg15 : memref<!tpu.dma_semaphore, #tpu.memory_space<semaphore_mem>>)
    %scan3A_99 = arith.constant true
    %scan3A_100 = arith.constant 0 : i32
    %scan3A_101 = arith.constant 0 : i32
    %scan3A_102 = arith.constant 6 : i32
    %scan3A_103 = arith.addi %scan3A_101, %scan3A_102 : i32
    %scan3A_104 = arith.constant 1 : i32
    %scan3A_105:3 = scf.for %scan3A_113 = %scan3A_101 to %scan3A_103 step %scan3A_104 iter_args(%scan3A_114 = %scan3A_100, %scan3A_115 = %broadcast_in_dim3A_3, %scan3A_116 = %broadcast_in_dim3A_3) -> (i32, vector<16xf32>, vector<16xf32>)  : i32 {
      %mul3A_117 = arith.constant 4 : i32
      %mul3A_118 = arith.muli %mul3A_117, %scan3A_113 : i32
      %mul3A_119 = arith.constant 1024 : i32
      %mul3A_120 = arith.muli %mul3A_118, %mul3A_119 : i32
      %add3A_121 = arith.addi %mul3A_0, %mul3A_120 : i32
      %lt3A = arith.constant 5 : i32
      %lt3A_122 = arith.cmpi slt, %scan3A_113, %lt3A : i32
      %add3A_123 = arith.constant 2048 : i32
      %add3A_124 = arith.addi %add3A_121, %add3A_123 : i32
      %dma_wait3A = arith.constant 0 : i32
      %dma_wait3A_125 = arith.constant 0 : i32
      %dma_wait3A_126 = tpu.memref_slice %arg12[%dma_wait3A, %dma_wait3A_125] : memref<1024x512xf32, #tpu.memory_space<vmem_shared>> -> memref<64x512xf32, #tpu.memory_space<vmem_shared>>
      %dma_wait3A_127 = arith.constant 0 : i32
      %dma_wait3A_128 = arith.constant 0 : i32
      %dma_wait3A_129 = tpu.memref_slice %arg2[%dma_wait3A_127, %dma_wait3A_128] : memref<50000x512xf32, #tpu.memory_space<hbm>> -> memref<64x512xf32, #tpu.memory_space<hbm>>
      tpu.wait_dma2 semaphore(%arg14 : memref<!tpu.dma_semaphore, #tpu.memory_space<semaphore_mem>>) src(%dma_wait3A_129 : memref<64x512xf32, #tpu.memory_space<hbm>>) dst(%dma_wait3A_126 : memref<64x512xf32, #tpu.memory_space<vmem_shared>>)
      %dma_wait3A_130 = arith.constant 0 : i32
      %dma_wait3A_131 = tpu.memref_slice %arg3[%dma_wait3A_130] : memref<50000xi32, #tpu.memory_space<hbm>> -> memref<1024xi32, #tpu.memory_space<hbm>>
      %dma_wait3A_132 = arith.constant 0 : i32
      %dma_wait3A_133 = tpu.memref_slice %arg3[%dma_wait3A_132] : memref<50000xi32, #tpu.memory_space<hbm>> -> memref<1024xi32, #tpu.memory_space<hbm>>
      tpu.wait_dma2 semaphore(%arg14 : memref<!tpu.dma_semaphore, #tpu.memory_space<semaphore_mem>>) src(%dma_wait3A_133 : memref<1024xi32, #tpu.memory_space<hbm>>) dst(%arg7 : memref<1024xi32, #tpu.memory_space<vmem>>)
      %barrier3A = arith.constant 0 : index
      tpu.barrier barrier_id(%barrier3A)
      "tpu.region"() ({
        %run_scoped3A = tpu.sem_alloc : memref<!tpu.dma_semaphore, #tpu.memory_space<semaphore_mem>>
        %dma_start3A_213 = arith.constant 0 : i32
        %dma_start3A_214 = tpu.memref_slice %arg12[%dma_start3A_213, %mul3A_2] : memref<1024x512xf32, #tpu.memory_space<vmem_shared>> -> memref<1024x32xf32, #tpu.memory_space<vmem_shared>>
        %dma_start3A_215 = arith.constant 0 : i32
        %dma_start3A_216 = tpu.memref_slice %arg12[%dma_start3A_215, %mul3A_2] : memref<1024x512xf32, #tpu.memory_space<vmem_shared>> -> memref<1024x32xf32, #tpu.memory_space<vmem_shared>>
        tpu.enqueue_dma source(%dma_start3A_216 : memref<1024x32xf32, #tpu.memory_space<vmem_shared>>) target(%arg6 : memref<1024x32xf32, #tpu.memory_space<vmem>>) target_semaphore(%run_scoped3A : memref<!tpu.dma_semaphore, #tpu.memory_space<semaphore_mem>>)
        %dma_wait3A_217 = arith.constant 0 : i32
        %dma_wait3A_218 = tpu.memref_slice %arg12[%dma_wait3A_217, %mul3A_2] : memref<1024x512xf32, #tpu.memory_space<vmem_shared>> -> memref<1024x32xf32, #tpu.memory_space<vmem_shared>>
        %dma_wait3A_219 = arith.constant 0 : i32
        %dma_wait3A_220 = tpu.memref_slice %arg12[%dma_wait3A_219, %mul3A_2] : memref<1024x512xf32, #tpu.memory_space<vmem_shared>> -> memref<1024x32xf32, #tpu.memory_space<vmem_shared>>
        tpu.wait_dma2 semaphore(%run_scoped3A : memref<!tpu.dma_semaphore, #tpu.memory_space<semaphore_mem>>) src(%dma_wait3A_220 : memref<1024x32xf32, #tpu.memory_space<vmem_shared>>) dst(%arg6 : memref<1024x32xf32, #tpu.memory_space<vmem>>)
        tpu.yield
      }) : () -> ()
      %barrier3A_134 = arith.constant 0 : index
      tpu.barrier barrier_id(%barrier3A_134)
      %convert_element_type3A_135 = arith.extui %scan3A_99 : i1 to i32
      %cond3A_136 = arith.constant 0 : i32
      %cond3A_137 = arith.cmpi ne, %convert_element_type3A_135, %cond3A_136 : i32
      scf.if %cond3A_137 {
        %mul3A_213 = arith.constant 64 : i32
        %mul3A_214 = arith.muli %arg1, %mul3A_213 : i32
        %add3A_215 = arith.addi %add3A_124, %mul3A_214 : i32
        %mul3A_216 = arith.constant 64 : i32
        %mul3A_217 = arith.muli %arg1, %mul3A_216 : i32
        %dma_start3A_218 = arith.constant 0 : i32
        %dma_start3A_219 = tpu.memref_slice %arg12[%mul3A_217, %dma_start3A_218] : memref<1024x512xf32, #tpu.memory_space<vmem_shared>> -> memref<64x512xf32, #tpu.memory_space<vmem_shared>>
        %dma_start3A_220 = arith.constant 0 : i32
        %dma_start3A_221 = tpu.memref_slice %arg2[%add3A_215, %dma_start3A_220] : memref<50000x512xf32, #tpu.memory_space<hbm>> -> memref<64x512xf32, #tpu.memory_space<hbm>>
        tpu.enqueue_dma source(%dma_start3A_221 : memref<64x512xf32, #tpu.memory_space<hbm>>) target(%dma_start3A_219 : memref<64x512xf32, #tpu.memory_space<vmem_shared>>) target_semaphore(%arg14 : memref<!tpu.dma_semaphore, #tpu.memory_space<semaphore_mem>>)
        %dma_start3A_222 = tpu.memref_slice %arg3[%add3A_124] : memref<50000xi32, #tpu.memory_space<hbm>> -> memref<1024xi32, #tpu.memory_space<hbm>>
        %dma_start3A_223 = tpu.memref_slice %arg3[%add3A_124] : memref<50000xi32, #tpu.memory_space<hbm>> -> memref<1024xi32, #tpu.memory_space<hbm>>
        tpu.enqueue_dma source(%dma_start3A_223 : memref<1024xi32, #tpu.memory_space<hbm>>) target(%arg9 : memref<1024xi32, #tpu.memory_space<vmem>>) target_semaphore(%arg14 : memref<!tpu.dma_semaphore, #tpu.memory_space<semaphore_mem>>)
      } else {
      }
      %scan3A_138 = arith.constant 0 : i32
      %scan3A_139 = arith.constant 64 : i32
      %scan3A_140 = arith.addi %scan3A_138, %scan3A_139 : i32
      %scan3A_141 = arith.constant 1 : i32
      %scan3A_142:3 = scf.for %scan3A_213 = %scan3A_138 to %scan3A_140 step %scan3A_141 iter_args(%scan3A_214 = %scan3A_114, %scan3A_215 = %scan3A_115, %scan3A_216 = %scan3A_116) -> (i32, vector<16xf32>, vector<16xf32>)  : i32 {
        %mul3A_217 = arith.constant 16 : i32
        %mul3A_218 = arith.muli %scan3A_213, %mul3A_217 : i32
        %get3A = arith.index_cast %mul3A_218 : i32 to index
        %get3A_219 = tpu.vector_load %arg7[%get3A] {strides = array<i32>} : memref<1024xi32, #tpu.memory_space<vmem>>, vector<16xi32>,
        %add3A_220 = arith.constant 0 : i32
        %add3A_221 = arith.addi %mul3A_218, %add3A_220 : i32
        %get3A_222 = arith.index_cast %add3A_221 : i32 to index
        %get3A_223 = arith.constant 0 : index
        %get3A_224 = tpu.vector_load %arg6[%get3A_222, %get3A_223] {strides = array<i32>} : memref<1024x32xf32, #tpu.memory_space<vmem>>, vector<16xf32>,
        %add3A_225 = arith.constant 1 : i32
        %add3A_226 = arith.addi %mul3A_218, %add3A_225 : i32
        %get3A_227 = arith.index_cast %add3A_226 : i32 to index
        %get3A_228 = arith.constant 0 : index
        %get3A_229 = tpu.vector_load %arg6[%get3A_227, %get3A_228] {strides = array<i32>} : memref<1024x32xf32, #tpu.memory_space<vmem>>, vector<16xf32>,
        %add3A_230 = arith.constant 2 : i32
        %add3A_231 = arith.addi %mul3A_218, %add3A_230 : i32
        %get3A_232 = arith.index_cast %add3A_231 : i32 to index
        %get3A_233 = arith.constant 0 : index
        %get3A_234 = tpu.vector_load %arg6[%get3A_232, %get3A_233] {strides = array<i32>} : memref<1024x32xf32, #tpu.memory_space<vmem>>, vector<16xf32>,
        %add3A_235 = arith.constant 3 : i32
        %add3A_236 = arith.addi %mul3A_218, %add3A_235 : i32
        %get3A_237 = arith.index_cast %add3A_236 : i32 to index
        %get3A_238 = arith.constant 0 : index
        %get3A_239 = tpu.vector_load %arg6[%get3A_237, %get3A_238] {strides = array<i32>} : memref<1024x32xf32, #tpu.memory_space<vmem>>, vector<16xf32>,
        %add3A_240 = arith.constant 4 : i32
        %add3A_241 = arith.addi %mul3A_218, %add3A_240 : i32
        %get3A_242 = arith.index_cast %add3A_241 : i32 to index
        %get3A_243 = arith.constant 0 : index
        %get3A_244 = tpu.vector_load %arg6[%get3A_242, %get3A_243] {strides = array<i32>} : memref<1024x32xf32, #tpu.memory_space<vmem>>, vector<16xf32>,
        %add3A_245 = arith.constant 5 : i32
        %add3A_246 = arith.addi %mul3A_218, %add3A_245 : i32
        %get3A_247 = arith.index_cast %add3A_246 : i32 to index
        %get3A_248 = arith.constant 0 : index
        %get3A_249 = tpu.vector_load %arg6[%get3A_247, %get3A_248] {strides = array<i32>} : memref<1024x32xf32, #tpu.memory_space<vmem>>, vector<16xf32>,
        %add3A_250 = arith.constant 6 : i32
        %add3A_251 = arith.addi %mul3A_218, %add3A_250 : i32
        %get3A_252 = arith.index_cast %add3A_251 : i32 to index
        %get3A_253 = arith.constant 0 : index
        %get3A_254 = tpu.vector_load %arg6[%get3A_252, %get3A_253] {strides = array<i32>} : memref<1024x32xf32, #tpu.memory_space<vmem>>, vector<16xf32>,
        %add3A_255 = arith.constant 7 : i32
        %add3A_256 = arith.addi %mul3A_218, %add3A_255 : i32
        %get3A_257 = arith.index_cast %add3A_256 : i32 to index
        %get3A_258 = arith.constant 0 : index
        %get3A_259 = tpu.vector_load %arg6[%get3A_257, %get3A_258] {strides = array<i32>} : memref<1024x32xf32, #tpu.memory_space<vmem>>, vector<16xf32>,
        %add3A_260 = arith.constant 8 : i32
        %add3A_261 = arith.addi %mul3A_218, %add3A_260 : i32
        %get3A_262 = arith.index_cast %add3A_261 : i32 to index
        %get3A_263 = arith.constant 0 : index
        %get3A_264 = tpu.vector_load %arg6[%get3A_262, %get3A_263] {strides = array<i32>} : memref<1024x32xf32, #tpu.memory_space<vmem>>, vector<16xf32>,
        %add3A_265 = arith.constant 9 : i32
        %add3A_266 = arith.addi %mul3A_218, %add3A_265 : i32
        %get3A_267 = arith.index_cast %add3A_266 : i32 to index
        %get3A_268 = arith.constant 0 : index
        %get3A_269 = tpu.vector_load %arg6[%get3A_267, %get3A_268] {strides = array<i32>} : memref<1024x32xf32, #tpu.memory_space<vmem>>, vector<16xf32>,
        %add3A_270 = arith.constant 10 : i32
        %add3A_271 = arith.addi %mul3A_218, %add3A_270 : i32
        %get3A_272 = arith.index_cast %add3A_271 : i32 to index
        %get3A_273 = arith.constant 0 : index
        %get3A_274 = tpu.vector_load %arg6[%get3A_272, %get3A_273] {strides = array<i32>} : memref<1024x32xf32, #tpu.memory_space<vmem>>, vector<16xf32>,
        %add3A_275 = arith.constant 11 : i32
        %add3A_276 = arith.addi %mul3A_218, %add3A_275 : i32
        %get3A_277 = arith.index_cast %add3A_276 : i32 to index
        %get3A_278 = arith.constant 0 : index
        %get3A_279 = tpu.vector_load %arg6[%get3A_277, %get3A_278] {strides = array<i32>} : memref<1024x32xf32, #tpu.memory_space<vmem>>, vector<16xf32>,
        %add3A_280 = arith.constant 12 : i32
        %add3A_281 = arith.addi %mul3A_218, %add3A_280 : i32
        %get3A_282 = arith.index_cast %add3A_281 : i32 to index
        %get3A_283 = arith.constant 0 : index
        %get3A_284 = tpu.vector_load %arg6[%get3A_282, %get3A_283] {strides = array<i32>} : memref<1024x32xf32, #tpu.memory_space<vmem>>, vector<16xf32>,
        %add3A_285 = arith.constant 13 : i32
        %add3A_286 = arith.addi %mul3A_218, %add3A_285 : i32
        %get3A_287 = arith.index_cast %add3A_286 : i32 to index
        %get3A_288 = arith.constant 0 : index
        %get3A_289 = tpu.vector_load %arg6[%get3A_287, %get3A_288] {strides = array<i32>} : memref<1024x32xf32, #tpu.memory_space<vmem>>, vector<16xf32>,
        %add3A_290 = arith.constant 14 : i32
        %add3A_291 = arith.addi %mul3A_218, %add3A_290 : i32
        %get3A_292 = arith.index_cast %add3A_291 : i32 to index
        %get3A_293 = arith.constant 0 : index
        %get3A_294 = tpu.vector_load %arg6[%get3A_292, %get3A_293] {strides = array<i32>} : memref<1024x32xf32, #tpu.memory_space<vmem>>, vector<16xf32>,
        %add3A_295 = arith.constant 15 : i32
        %add3A_296 = arith.addi %mul3A_218, %add3A_295 : i32
        %get3A_297 = arith.index_cast %add3A_296 : i32 to index
        %get3A_298 = arith.constant 0 : index
        %get3A_299 = tpu.vector_load %arg6[%get3A_297, %get3A_298] {strides = array<i32>} : memref<1024x32xf32, #tpu.memory_space<vmem>>, vector<16xf32>,
        %add3A_300 = arith.constant 0 : i32
        %add3A_301 = arith.addi %mul3A_218, %add3A_300 : i32
        %get3A_302 = arith.index_cast %add3A_301 : i32 to index
        %get3A_303 = arith.constant 16 : index
        %get3A_304 = tpu.vector_load %arg6[%get3A_302, %get3A_303] {strides = array<i32>} : memref<1024x32xf32, #tpu.memory_space<vmem>>, vector<16xf32>,
        %add3A_305 = arith.constant 1 : i32
        %add3A_306 = arith.addi %mul3A_218, %add3A_305 : i32
        %get3A_307 = arith.index_cast %add3A_306 : i32 to index
        %get3A_308 = arith.constant 16 : index
        %get3A_309 = tpu.vector_load %arg6[%get3A_307, %get3A_308] {strides = array<i32>} : memref<1024x32xf32, #tpu.memory_space<vmem>>, vector<16xf32>,
        %add3A_310 = arith.constant 2 : i32
        %add3A_311 = arith.addi %mul3A_218, %add3A_310 : i32
        %get3A_312 = arith.index_cast %add3A_311 : i32 to index
        %get3A_313 = arith.constant 16 : index
        %get3A_314 = tpu.vector_load %arg6[%get3A_312, %get3A_313] {strides = array<i32>} : memref<1024x32xf32, #tpu.memory_space<vmem>>, vector<16xf32>,
        %add3A_315 = arith.constant 3 : i32
        %add3A_316 = arith.addi %mul3A_218, %add3A_315 : i32
        %get3A_317 = arith.index_cast %add3A_316 : i32 to index
        %get3A_318 = arith.constant 16 : index
        %get3A_319 = tpu.vector_load %arg6[%get3A_317, %get3A_318] {strides = array<i32>} : memref<1024x32xf32, #tpu.memory_space<vmem>>, vector<16xf32>,
        %add3A_320 = arith.constant 4 : i32
        %add3A_321 = arith.addi %mul3A_218, %add3A_320 : i32
        %get3A_322 = arith.index_cast %add3A_321 : i32 to index
        %get3A_323 = arith.constant 16 : index
        %get3A_324 = tpu.vector_load %arg6[%get3A_322, %get3A_323] {strides = array<i32>} : memref<1024x32xf32, #tpu.memory_space<vmem>>, vector<16xf32>,
        %add3A_325 = arith.constant 5 : i32
        %add3A_326 = arith.addi %mul3A_218, %add3A_325 : i32
        %get3A_327 = arith.index_cast %add3A_326 : i32 to index
        %get3A_328 = arith.constant 16 : index
        %get3A_329 = tpu.vector_load %arg6[%get3A_327, %get3A_328] {strides = array<i32>} : memref<1024x32xf32, #tpu.memory_space<vmem>>, vector<16xf32>,
        %add3A_330 = arith.constant 6 : i32
        %add3A_331 = arith.addi %mul3A_218, %add3A_330 : i32
        %get3A_332 = arith.index_cast %add3A_331 : i32 to index
        %get3A_333 = arith.constant 16 : index
        %get3A_334 = tpu.vector_load %arg6[%get3A_332, %get3A_333] {strides = array<i32>} : memref<1024x32xf32, #tpu.memory_space<vmem>>, vector<16xf32>,
        %add3A_335 = arith.constant 7 : i32
        %add3A_336 = arith.addi %mul3A_218, %add3A_335 : i32
        %get3A_337 = arith.index_cast %add3A_336 : i32 to index
        %get3A_338 = arith.constant 16 : index
        %get3A_339 = tpu.vector_load %arg6[%get3A_337, %get3A_338] {strides = array<i32>} : memref<1024x32xf32, #tpu.memory_space<vmem>>, vector<16xf32>,
        %add3A_340 = arith.constant 8 : i32
        %add3A_341 = arith.addi %mul3A_218, %add3A_340 : i32
        %get3A_342 = arith.index_cast %add3A_341 : i32 to index
        %get3A_343 = arith.constant 16 : index
        %get3A_344 = tpu.vector_load %arg6[%get3A_342, %get3A_343] {strides = array<i32>} : memref<1024x32xf32, #tpu.memory_space<vmem>>, vector<16xf32>,
        %add3A_345 = arith.constant 9 : i32
        %add3A_346 = arith.addi %mul3A_218, %add3A_345 : i32
        %get3A_347 = arith.index_cast %add3A_346 : i32 to index
        %get3A_348 = arith.constant 16 : index
        %get3A_349 = tpu.vector_load %arg6[%get3A_347, %get3A_348] {strides = array<i32>} : memref<1024x32xf32, #tpu.memory_space<vmem>>, vector<16xf32>,
        %add3A_350 = arith.constant 10 : i32
        %add3A_351 = arith.addi %mul3A_218, %add3A_350 : i32
        %get3A_352 = arith.index_cast %add3A_351 : i32 to index
        %get3A_353 = arith.constant 16 : index
        %get3A_354 = tpu.vector_load %arg6[%get3A_352, %get3A_353] {strides = array<i32>} : memref<1024x32xf32, #tpu.memory_space<vmem>>, vector<16xf32>,
        %add3A_355 = arith.constant 11 : i32
        %add3A_356 = arith.addi %mul3A_218, %add3A_355 : i32
        %get3A_357 = arith.index_cast %add3A_356 : i32 to index
        %get3A_358 = arith.constant 16 : index
        %get3A_359 = tpu.vector_load %arg6[%get3A_357, %get3A_358] {strides = array<i32>} : memref<1024x32xf32, #tpu.memory_space<vmem>>, vector<16xf32>,
        %add3A_360 = arith.constant 12 : i32
        %add3A_361 = arith.addi %mul3A_218, %add3A_360 : i32
        %get3A_362 = arith.index_cast %add3A_361 : i32 to index
        %get3A_363 = arith.constant 16 : index
        %get3A_364 = tpu.vector_load %arg6[%get3A_362, %get3A_363] {strides = array<i32>} : memref<1024x32xf32, #tpu.memory_space<vmem>>, vector<16xf32>,
        %add3A_365 = arith.constant 13 : i32
        %add3A_366 = arith.addi %mul3A_218, %add3A_365 : i32
        %get3A_367 = arith.index_cast %add3A_366 : i32 to index
        %get3A_368 = arith.constant 16 : index
        %get3A_369 = tpu.vector_load %arg6[%get3A_367, %get3A_368] {strides = array<i32>} : memref<1024x32xf32, #tpu.memory_space<vmem>>, vector<16xf32>,
        %add3A_370 = arith.constant 14 : i32
        %add3A_371 = arith.addi %mul3A_218, %add3A_370 : i32
        %get3A_372 = arith.index_cast %add3A_371 : i32 to index
        %get3A_373 = arith.constant 16 : index
        %get3A_374 = tpu.vector_load %arg6[%get3A_372, %get3A_373] {strides = array<i32>} : memref<1024x32xf32, #tpu.memory_space<vmem>>, vector<16xf32>,
        %add3A_375 = arith.constant 15 : i32
        %add3A_376 = arith.addi %mul3A_218, %add3A_375 : i32
        %get3A_377 = arith.index_cast %add3A_376 : i32 to index
        %get3A_378 = arith.constant 16 : index
        %get3A_379 = tpu.vector_load %arg6[%get3A_377, %get3A_378] {strides = array<i32>} : memref<1024x32xf32, #tpu.memory_space<vmem>>, vector<16xf32>,
        %add3A_380 = arith.addf %get3A_224, %get3A_229 : vector<16xf32>
        %add3A_381 = arith.addf %get3A_234, %get3A_239 : vector<16xf32>
        %add3A_382 = arith.addf %get3A_244, %get3A_249 : vector<16xf32>
        %add3A_383 = arith.addf %get3A_254, %get3A_259 : vector<16xf32>
        %add3A_384 = arith.addf %get3A_264, %get3A_269 : vector<16xf32>
        %add3A_385 = arith.addf %get3A_274, %get3A_279 : vector<16xf32>
        %add3A_386 = arith.addf %get3A_284, %get3A_289 : vector<16xf32>
        %add3A_387 = arith.addf %get3A_294, %get3A_299 : vector<16xf32>
        %add3A_388 = arith.addf %add3A_380, %add3A_381 : vector<16xf32>
        %add3A_389 = arith.addf %add3A_382, %add3A_383 : vector<16xf32>
        %add3A_390 = arith.addf %add3A_384, %add3A_385 : vector<16xf32>
        %add3A_391 = arith.addf %add3A_386, %add3A_387 : vector<16xf32>
        %add3A_392 = arith.addf %add3A_388, %add3A_389 : vector<16xf32>
        %add3A_393 = arith.addf %add3A_390, %add3A_391 : vector<16xf32>
        %add3A_394 = arith.addf %add3A_392, %add3A_393 : vector<16xf32>
        %add3A_395 = arith.addf %get3A_304, %get3A_309 : vector<16xf32>
        %add3A_396 = arith.addf %get3A_314, %get3A_319 : vector<16xf32>
        %add3A_397 = arith.addf %get3A_324, %get3A_329 : vector<16xf32>
        %add3A_398 = arith.addf %get3A_334, %get3A_339 : vector<16xf32>
        %add3A_399 = arith.addf %get3A_344, %get3A_349 : vector<16xf32>
        %add3A_400 = arith.addf %get3A_354, %get3A_359 : vector<16xf32>
        %add3A_401 = arith.addf %get3A_364, %get3A_369 : vector<16xf32>
        %add3A_402 = arith.addf %get3A_374, %get3A_379 : vector<16xf32>
        %add3A_403 = arith.addf %add3A_395, %add3A_396 : vector<16xf32>
        %add3A_404 = arith.addf %add3A_397, %add3A_398 : vector<16xf32>
        %add3A_405 = arith.addf %add3A_399, %add3A_400 : vector<16xf32>
        %add3A_406 = arith.addf %add3A_401, %add3A_402 : vector<16xf32>
        %add3A_407 = arith.addf %add3A_403, %add3A_404 : vector<16xf32>
        %add3A_408 = arith.addf %add3A_405, %add3A_406 : vector<16xf32>
        %add3A_409 = arith.addf %add3A_407, %add3A_408 : vector<16xf32>
        %reduce_max3A = arith.constant true
        %reduce_max3A_410 = vector.broadcast %reduce_max3A : i1 to vector<16xi1>
        %reduce_max3A_411 = arith.constant -2147483648 : i32
        %reduce_max3A_412 = vector.broadcast %reduce_max3A_411 : i32 to vector<16xi32>
        %reduce_max3A_413 = arith.xori %get3A_219, %reduce_max3A_412 : vector<16xi32>
        %reduce_max3A_414 = tpu.scan <max>, %reduce_max3A_413 masked %reduce_max3A_410 : vector<16xi32>, vector<16xi1> -> vector<16xi32>
        %reduce_max3A_415 = arith.xori %reduce_max3A_414, %reduce_max3A_412 : vector<16xi32>
        %reduce_max3A_416 = vector.extract %reduce_max3A_415[15] : i32 from vector<16xi32>
        %reduce_min3A = arith.constant true
        %reduce_min3A_417 = vector.broadcast %reduce_min3A : i1 to vector<16xi1>
        %reduce_min3A_418 = arith.constant -2147483648 : i32
        %reduce_min3A_419 = vector.broadcast %reduce_min3A_418 : i32 to vector<16xi32>
        %reduce_min3A_420 = arith.xori %get3A_219, %reduce_min3A_419 : vector<16xi32>
        %reduce_min3A_421 = tpu.scan <min>, %reduce_min3A_420 masked %reduce_min3A_417 : vector<16xi32>, vector<16xi1> -> vector<16xi32>
        %reduce_min3A_422 = arith.xori %reduce_min3A_421, %reduce_min3A_419 : vector<16xi32>
        %reduce_min3A_423 = vector.extract %reduce_min3A_422[15] : i32 from vector<16xi32>
        %broadcast_in_dim3A_424 = vector.broadcast %scan3A_214 : i32 to vector<16xi32>
        %eq3A_425 = arith.cmpi eq, %reduce_min3A_423, %reduce_max3A_416 : i32
        %convert_element_type3A_426 = arith.extui %eq3A_425 : i1 to i32
        %cond3A_427 = arith.constant 0 : i32
        %cond3A_428 = arith.cmpi ne, %convert_element_type3A_426, %cond3A_427 : i32
        %cond3A_429:3 = scf.if %cond3A_428 -> (i32, vector<16xf32>, vector<16xf32>) {
          %eq3A_430 = arith.cmpi eq, %scan3A_214, %reduce_min3A_423 : i32
          %convert_element_type3A_431 = arith.extui %eq3A_430 : i1 to i32
          %cond3A_432 = arith.constant 0 : i32
          %cond3A_433 = arith.cmpi ne, %convert_element_type3A_431, %cond3A_432 : i32
          %cond3A_434:3 = scf.if %cond3A_433 -> (i32, vector<16xf32>, vector<16xf32>) {
            %add3A_435 = arith.addf %scan3A_215, %add3A_394 : vector<16xf32>
            %add3A_436 = arith.addf %scan3A_216, %add3A_409 : vector<16xf32>
            scf.yield %scan3A_214, %add3A_435, %add3A_436 : i32, vector<16xf32>, vector<16xf32>
          } else {
            tpu.vector_store_idx %arg5[%broadcast_in_dim3A_424, %iota3A], %scan3A_215 {add = true} : memref<256x32xf32, #tpu.memory_space<vmem>>[vector<16xi32>, vector<16xi32>], vector<16xf32>,
            tpu.vector_store_idx %arg5[%broadcast_in_dim3A_424, %add3A_5], %scan3A_216 {add = true} : memref<256x32xf32, #tpu.memory_space<vmem>>[vector<16xi32>, vector<16xi32>], vector<16xf32>,
            scf.yield %reduce_max3A_416, %add3A_394, %add3A_409 : i32, vector<16xf32>, vector<16xf32>
          }
          scf.yield %cond3A_434#0, %cond3A_434#1, %cond3A_434#2 : i32, vector<16xf32>, vector<16xf32>
        } else {
          tpu.vector_store_idx %arg5[%broadcast_in_dim3A_424, %iota3A], %scan3A_215 {add = true} : memref<256x32xf32, #tpu.memory_space<vmem>>[vector<16xi32>, vector<16xi32>], vector<16xf32>,
          tpu.vector_store_idx %arg5[%broadcast_in_dim3A_424, %add3A_5], %scan3A_216 {add = true} : memref<256x32xf32, #tpu.memory_space<vmem>>[vector<16xi32>, vector<16xi32>], vector<16xf32>,
          %broadcast_in_dim3A_430 = vector.broadcast %reduce_min3A_423 : i32 to vector<16xi32>
          %broadcast_in_dim3A_431 = vector.broadcast %reduce_max3A_416 : i32 to vector<16xi32>
          %eq3A_432 = arith.cmpi eq, %get3A_219, %broadcast_in_dim3A_430 : vector<16xi32>
          %eq3A_433 = arith.cmpi eq, %get3A_219, %broadcast_in_dim3A_431 : vector<16xi32>
          %or3A = arith.ori %eq3A_432, %eq3A_433 : vector<16xi1>
          %reduce_and3A = arith.constant 1.000000e+00 : f32
          %reduce_and3A_434 = arith.constant 0.000000e+00 : f32
          %reduce_and3A_435 = vector.broadcast %reduce_and3A : f32 to vector<16xf32>
          %reduce_and3A_436 = vector.broadcast %reduce_and3A_434 : f32 to vector<16xf32>
          %reduce_and3A_437 = arith.select %or3A, %reduce_and3A_435, %reduce_and3A_436 : vector<16xi1>, vector<16xf32>
          %reduce_and3A_438 = arith.constant true
          %reduce_and3A_439 = vector.broadcast %reduce_and3A_438 : i1 to vector<16xi1>
          %reduce_and3A_440 = tpu.scan <min>, %reduce_and3A_437 masked %reduce_and3A_439 : vector<16xf32>, vector<16xi1> -> vector<16xf32>
          %reduce_and3A_441 = vector.extract %reduce_and3A_440[15] : f32 from vector<16xf32>
          %reduce_and3A_442 = arith.constant 0.000000e+00 : f32
          %reduce_and3A_443 = arith.cmpf ogt, %reduce_and3A_441, %reduce_and3A_442 : f32
          %all_reduce_population_count3A = tpu.all_reduce %eq3A_432 {dim = 0 : i64, kind = #tpu.reduction_kind<sum>} : vector<16xi1> -> vector<16xi32>
          %convert_element_type3A_444 = arith.extui %reduce_and3A_443 : i1 to i32
          %cond3A_445 = arith.constant 0 : i32
          %cond3A_446 = arith.cmpi ne, %convert_element_type3A_444, %cond3A_445 : i32
          %cond3A_447:2 = scf.if %cond3A_446 -> (vector<16xf32>, vector<16xf32>) {
            %gt3A = arith.constant 0 : i32
            %gt3A_448 = vector.broadcast %gt3A : i32 to vector<16xi32>
            %gt3A_449 = arith.cmpi sgt, %all_reduce_population_count3A, %gt3A_448 : vector<16xi32>
            %select_n3A = arith.select %gt3A_449, %get3A_224, %broadcast_in_dim3A_3 : vector<16xi1>, vector<16xf32>
            %gt3A_450 = arith.constant 1 : i32
            %gt3A_451 = vector.broadcast %gt3A_450 : i32 to vector<16xi32>
            %gt3A_452 = arith.cmpi sgt, %all_reduce_population_count3A, %gt3A_451 : vector<16xi32>
            %select_n3A_453 = arith.select %gt3A_452, %get3A_229, %broadcast_in_dim3A_3 : vector<16xi1>, vector<16xf32>
            %gt3A_454 = arith.constant 2 : i32
            %gt3A_455 = vector.broadcast %gt3A_454 : i32 to vector<16xi32>
            %gt3A_456 = arith.cmpi sgt, %all_reduce_population_count3A, %gt3A_455 : vector<16xi32>
            %select_n3A_457 = arith.select %gt3A_456, %get3A_234, %broadcast_in_dim3A_3 : vector<16xi1>, vector<16xf32>
            %gt3A_458 = arith.constant 3 : i32
            %gt3A_459 = vector.broadcast %gt3A_458 : i32 to vector<16xi32>
            %gt3A_460 = arith.cmpi sgt, %all_reduce_population_count3A, %gt3A_459 : vector<16xi32>
            %select_n3A_461 = arith.select %gt3A_460, %get3A_239, %broadcast_in_dim3A_3 : vector<16xi1>, vector<16xf32>
            %gt3A_462 = arith.constant 4 : i32
            %gt3A_463 = vector.broadcast %gt3A_462 : i32 to vector<16xi32>
            %gt3A_464 = arith.cmpi sgt, %all_reduce_population_count3A, %gt3A_463 : vector<16xi32>
            %select_n3A_465 = arith.select %gt3A_464, %get3A_244, %broadcast_in_dim3A_3 : vector<16xi1>, vector<16xf32>
            %gt3A_466 = arith.constant 5 : i32
            %gt3A_467 = vector.broadcast %gt3A_466 : i32 to vector<16xi32>
            %gt3A_468 = arith.cmpi sgt, %all_reduce_population_count3A, %gt3A_467 : vector<16xi32>
            %select_n3A_469 = arith.select %gt3A_468, %get3A_249, %broadcast_in_dim3A_3 : vector<16xi1>, vector<16xf32>
            %gt3A_470 = arith.constant 6 : i32
            %gt3A_471 = vector.broadcast %gt3A_470 : i32 to vector<16xi32>
            %gt3A_472 = arith.cmpi sgt, %all_reduce_population_count3A, %gt3A_471 : vector<16xi32>
            %select_n3A_473 = arith.select %gt3A_472, %get3A_254, %broadcast_in_dim3A_3 : vector<16xi1>, vector<16xf32>
            %gt3A_474 = arith.constant 7 : i32
            %gt3A_475 = vector.broadcast %gt3A_474 : i32 to vector<16xi32>
            %gt3A_476 = arith.cmpi sgt, %all_reduce_population_count3A, %gt3A_475 : vector<16xi32>
            %select_n3A_477 = arith.select %gt3A_476, %get3A_259, %broadcast_in_dim3A_3 : vector<16xi1>, vector<16xf32>
            %gt3A_478 = arith.constant 8 : i32
            %gt3A_479 = vector.broadcast %gt3A_478 : i32 to vector<16xi32>
            %gt3A_480 = arith.cmpi sgt, %all_reduce_population_count3A, %gt3A_479 : vector<16xi32>
            %select_n3A_481 = arith.select %gt3A_480, %get3A_264, %broadcast_in_dim3A_3 : vector<16xi1>, vector<16xf32>
            %gt3A_482 = arith.constant 9 : i32
            %gt3A_483 = vector.broadcast %gt3A_482 : i32 to vector<16xi32>
            %gt3A_484 = arith.cmpi sgt, %all_reduce_population_count3A, %gt3A_483 : vector<16xi32>
            %select_n3A_485 = arith.select %gt3A_484, %get3A_269, %broadcast_in_dim3A_3 : vector<16xi1>, vector<16xf32>
            %gt3A_486 = arith.constant 10 : i32
            %gt3A_487 = vector.broadcast %gt3A_486 : i32 to vector<16xi32>
            %gt3A_488 = arith.cmpi sgt, %all_reduce_population_count3A, %gt3A_487 : vector<16xi32>
            %select_n3A_489 = arith.select %gt3A_488, %get3A_274, %broadcast_in_dim3A_3 : vector<16xi1>, vector<16xf32>
            %gt3A_490 = arith.constant 11 : i32
            %gt3A_491 = vector.broadcast %gt3A_490 : i32 to vector<16xi32>
            %gt3A_492 = arith.cmpi sgt, %all_reduce_population_count3A, %gt3A_491 : vector<16xi32>
            %select_n3A_493 = arith.select %gt3A_492, %get3A_279, %broadcast_in_dim3A_3 : vector<16xi1>, vector<16xf32>
            %gt3A_494 = arith.constant 12 : i32
            %gt3A_495 = vector.broadcast %gt3A_494 : i32 to vector<16xi32>
            %gt3A_496 = arith.cmpi sgt, %all_reduce_population_count3A, %gt3A_495 : vector<16xi32>
            %select_n3A_497 = arith.select %gt3A_496, %get3A_284, %broadcast_in_dim3A_3 : vector<16xi1>, vector<16xf32>
            %gt3A_498 = arith.constant 13 : i32
            %gt3A_499 = vector.broadcast %gt3A_498 : i32 to vector<16xi32>
            %gt3A_500 = arith.cmpi sgt, %all_reduce_population_count3A, %gt3A_499 : vector<16xi32>
            %select_n3A_501 = arith.select %gt3A_500, %get3A_289, %broadcast_in_dim3A_3 : vector<16xi1>, vector<16xf32>
            %gt3A_502 = arith.constant 14 : i32
            %gt3A_503 = vector.broadcast %gt3A_502 : i32 to vector<16xi32>
            %gt3A_504 = arith.cmpi sgt, %all_reduce_population_count3A, %gt3A_503 : vector<16xi32>
            %select_n3A_505 = arith.select %gt3A_504, %get3A_294, %broadcast_in_dim3A_3 : vector<16xi1>, vector<16xf32>
            %gt3A_506 = arith.constant 15 : i32
            %gt3A_507 = vector.broadcast %gt3A_506 : i32 to vector<16xi32>
            %gt3A_508 = arith.cmpi sgt, %all_reduce_population_count3A, %gt3A_507 : vector<16xi32>
            %select_n3A_509 = arith.select %gt3A_508, %get3A_299, %broadcast_in_dim3A_3 : vector<16xi1>, vector<16xf32>
            %add3A_510 = arith.addf %select_n3A, %select_n3A_453 : vector<16xf32>
            %add3A_511 = arith.addf %select_n3A_457, %select_n3A_461 : vector<16xf32>
            %add3A_512 = arith.addf %select_n3A_465, %select_n3A_469 : vector<16xf32>
            %add3A_513 = arith.addf %select_n3A_473, %select_n3A_477 : vector<16xf32>
            %add3A_514 = arith.addf %select_n3A_481, %select_n3A_485 : vector<16xf32>
            %add3A_515 = arith.addf %select_n3A_489, %select_n3A_493 : vector<16xf32>
            %add3A_516 = arith.addf %select_n3A_497, %select_n3A_501 : vector<16xf32>
            %add3A_517 = arith.addf %select_n3A_505, %select_n3A_509 : vector<16xf32>
            %add3A_518 = arith.addf %add3A_510, %add3A_511 : vector<16xf32>
            %add3A_519 = arith.addf %add3A_512, %add3A_513 : vector<16xf32>
            %add3A_520 = arith.addf %add3A_514, %add3A_515 : vector<16xf32>
            %add3A_521 = arith.addf %add3A_516, %add3A_517 : vector<16xf32>
            %add3A_522 = arith.addf %add3A_518, %add3A_519 : vector<16xf32>
            %add3A_523 = arith.addf %add3A_520, %add3A_521 : vector<16xf32>
            %add3A_524 = arith.addf %add3A_522, %add3A_523 : vector<16xf32>
            %gt3A_525 = arith.constant 0 : i32
            %gt3A_526 = vector.broadcast %gt3A_525 : i32 to vector<16xi32>
            %gt3A_527 = arith.cmpi sgt, %all_reduce_population_count3A, %gt3A_526 : vector<16xi32>
            %select_n3A_528 = arith.select %gt3A_527, %get3A_304, %broadcast_in_dim3A_3 : vector<16xi1>, vector<16xf32>
            %gt3A_529 = arith.constant 1 : i32
            %gt3A_530 = vector.broadcast %gt3A_529 : i32 to vector<16xi32>
            %gt3A_531 = arith.cmpi sgt, %all_reduce_population_count3A, %gt3A_530 : vector<16xi32>
            %select_n3A_532 = arith.select %gt3A_531, %get3A_309, %broadcast_in_dim3A_3 : vector<16xi1>, vector<16xf32>
            %gt3A_533 = arith.constant 2 : i32
            %gt3A_534 = vector.broadcast %gt3A_533 : i32 to vector<16xi32>
            %gt3A_535 = arith.cmpi sgt, %all_reduce_population_count3A, %gt3A_534 : vector<16xi32>
            %select_n3A_536 = arith.select %gt3A_535, %get3A_314, %broadcast_in_dim3A_3 : vector<16xi1>, vector<16xf32>
            %gt3A_537 = arith.constant 3 : i32
            %gt3A_538 = vector.broadcast %gt3A_537 : i32 to vector<16xi32>
            %gt3A_539 = arith.cmpi sgt, %all_reduce_population_count3A, %gt3A_538 : vector<16xi32>
            %select_n3A_540 = arith.select %gt3A_539, %get3A_319, %broadcast_in_dim3A_3 : vector<16xi1>, vector<16xf32>
            %gt3A_541 = arith.constant 4 : i32
            %gt3A_542 = vector.broadcast %gt3A_541 : i32 to vector<16xi32>
            %gt3A_543 = arith.cmpi sgt, %all_reduce_population_count3A, %gt3A_542 : vector<16xi32>
            %select_n3A_544 = arith.select %gt3A_543, %get3A_324, %broadcast_in_dim3A_3 : vector<16xi1>, vector<16xf32>
            %gt3A_545 = arith.constant 5 : i32
            %gt3A_546 = vector.broadcast %gt3A_545 : i32 to vector<16xi32>
            %gt3A_547 = arith.cmpi sgt, %all_reduce_population_count3A, %gt3A_546 : vector<16xi32>
            %select_n3A_548 = arith.select %gt3A_547, %get3A_329, %broadcast_in_dim3A_3 : vector<16xi1>, vector<16xf32>
            %gt3A_549 = arith.constant 6 : i32
            %gt3A_550 = vector.broadcast %gt3A_549 : i32 to vector<16xi32>
            %gt3A_551 = arith.cmpi sgt, %all_reduce_population_count3A, %gt3A_550 : vector<16xi32>
            %select_n3A_552 = arith.select %gt3A_551, %get3A_334, %broadcast_in_dim3A_3 : vector<16xi1>, vector<16xf32>
            %gt3A_553 = arith.constant 7 : i32
            %gt3A_554 = vector.broadcast %gt3A_553 : i32 to vector<16xi32>
            %gt3A_555 = arith.cmpi sgt, %all_reduce_population_count3A, %gt3A_554 : vector<16xi32>
            %select_n3A_556 = arith.select %gt3A_555, %get3A_339, %broadcast_in_dim3A_3 : vector<16xi1>, vector<16xf32>
            %gt3A_557 = arith.constant 8 : i32
            %gt3A_558 = vector.broadcast %gt3A_557 : i32 to vector<16xi32>
            %gt3A_559 = arith.cmpi sgt, %all_reduce_population_count3A, %gt3A_558 : vector<16xi32>
            %select_n3A_560 = arith.select %gt3A_559, %get3A_344, %broadcast_in_dim3A_3 : vector<16xi1>, vector<16xf32>
            %gt3A_561 = arith.constant 9 : i32
            %gt3A_562 = vector.broadcast %gt3A_561 : i32 to vector<16xi32>
            %gt3A_563 = arith.cmpi sgt, %all_reduce_population_count3A, %gt3A_562 : vector<16xi32>
            %select_n3A_564 = arith.select %gt3A_563, %get3A_349, %broadcast_in_dim3A_3 : vector<16xi1>, vector<16xf32>
            %gt3A_565 = arith.constant 10 : i32
            %gt3A_566 = vector.broadcast %gt3A_565 : i32 to vector<16xi32>
            %gt3A_567 = arith.cmpi sgt, %all_reduce_population_count3A, %gt3A_566 : vector<16xi32>
            %select_n3A_568 = arith.select %gt3A_567, %get3A_354, %broadcast_in_dim3A_3 : vector<16xi1>, vector<16xf32>
            %gt3A_569 = arith.constant 11 : i32
            %gt3A_570 = vector.broadcast %gt3A_569 : i32 to vector<16xi32>
            %gt3A_571 = arith.cmpi sgt, %all_reduce_population_count3A, %gt3A_570 : vector<16xi32>
            %select_n3A_572 = arith.select %gt3A_571, %get3A_359, %broadcast_in_dim3A_3 : vector<16xi1>, vector<16xf32>
            %gt3A_573 = arith.constant 12 : i32
            %gt3A_574 = vector.broadcast %gt3A_573 : i32 to vector<16xi32>
            %gt3A_575 = arith.cmpi sgt, %all_reduce_population_count3A, %gt3A_574 : vector<16xi32>
            %select_n3A_576 = arith.select %gt3A_575, %get3A_364, %broadcast_in_dim3A_3 : vector<16xi1>, vector<16xf32>
            %gt3A_577 = arith.constant 13 : i32
            %gt3A_578 = vector.broadcast %gt3A_577 : i32 to vector<16xi32>
            %gt3A_579 = arith.cmpi sgt, %all_reduce_population_count3A, %gt3A_578 : vector<16xi32>
            %select_n3A_580 = arith.select %gt3A_579, %get3A_369, %broadcast_in_dim3A_3 : vector<16xi1>, vector<16xf32>
            %gt3A_581 = arith.constant 14 : i32
            %gt3A_582 = vector.broadcast %gt3A_581 : i32 to vector<16xi32>
            %gt3A_583 = arith.cmpi sgt, %all_reduce_population_count3A, %gt3A_582 : vector<16xi32>
            %select_n3A_584 = arith.select %gt3A_583, %get3A_374, %broadcast_in_dim3A_3 : vector<16xi1>, vector<16xf32>
            %gt3A_585 = arith.constant 15 : i32
            %gt3A_586 = vector.broadcast %gt3A_585 : i32 to vector<16xi32>
            %gt3A_587 = arith.cmpi sgt, %all_reduce_population_count3A, %gt3A_586 : vector<16xi32>
            %select_n3A_588 = arith.select %gt3A_587, %get3A_379, %broadcast_in_dim3A_3 : vector<16xi1>, vector<16xf32>
            %add3A_589 = arith.addf %select_n3A_528, %select_n3A_532 : vector<16xf32>
            %add3A_590 = arith.addf %select_n3A_536, %select_n3A_540 : vector<16xf32>
            %add3A_591 = arith.addf %select_n3A_544, %select_n3A_548 : vector<16xf32>
            %add3A_592 = arith.addf %select_n3A_552, %select_n3A_556 : vector<16xf32>
            %add3A_593 = arith.addf %select_n3A_560, %select_n3A_564 : vector<16xf32>
            %add3A_594 = arith.addf %select_n3A_568, %select_n3A_572 : vector<16xf32>
            %add3A_595 = arith.addf %select_n3A_576, %select_n3A_580 : vector<16xf32>
            %add3A_596 = arith.addf %select_n3A_584, %select_n3A_588 : vector<16xf32>
            %add3A_597 = arith.addf %add3A_589, %add3A_590 : vector<16xf32>
            %add3A_598 = arith.addf %add3A_591, %add3A_592 : vector<16xf32>
            %add3A_599 = arith.addf %add3A_593, %add3A_594 : vector<16xf32>
            %add3A_600 = arith.addf %add3A_595, %add3A_596 : vector<16xf32>
            %add3A_601 = arith.addf %add3A_597, %add3A_598 : vector<16xf32>
            %add3A_602 = arith.addf %add3A_599, %add3A_600 : vector<16xf32>
            %add3A_603 = arith.addf %add3A_601, %add3A_602 : vector<16xf32>
            tpu.vector_store_idx %arg5[%broadcast_in_dim3A_430, %iota3A], %add3A_524 {add = true} : memref<256x32xf32, #tpu.memory_space<vmem>>[vector<16xi32>, vector<16xi32>], vector<16xf32>,
            tpu.vector_store_idx %arg5[%broadcast_in_dim3A_430, %add3A_5], %add3A_603 {add = true} : memref<256x32xf32, #tpu.memory_space<vmem>>[vector<16xi32>, vector<16xi32>], vector<16xf32>,
            %sub3A = arith.subf %add3A_394, %add3A_524 : vector<16xf32>
            %sub3A_604 = arith.subf %add3A_409, %add3A_603 : vector<16xf32>
            scf.yield %sub3A, %sub3A_604 : vector<16xf32>, vector<16xf32>
          } else {
            %add3A_448 = vector.broadcast %mul3A_218 : i32 to vector<16xi32>
            %add3A_449 = arith.addi %iota3A, %add3A_448 : vector<16xi32>
            %gather3A = tpu.vector_load_idx %arg6[%add3A_449, %broadcast_in_dim3A_7] : memref<1024x32xf32, #tpu.memory_space<vmem>>[vector<16xi32>, vector<16xi32>], vector<16xf32>,
            tpu.vector_store_idx %arg5[%get3A_219, %broadcast_in_dim3A_7], %gather3A {add = true} : memref<256x32xf32, #tpu.memory_space<vmem>>[vector<16xi32>, vector<16xi32>], vector<16xf32>,
            %gather3A_450 = tpu.vector_load_idx %arg6[%add3A_449, %broadcast_in_dim3A_9] : memref<1024x32xf32, #tpu.memory_space<vmem>>[vector<16xi32>, vector<16xi32>], vector<16xf32>,
            tpu.vector_store_idx %arg5[%get3A_219, %broadcast_in_dim3A_9], %gather3A_450 {add = true} : memref<256x32xf32, #tpu.memory_space<vmem>>[vector<16xi32>, vector<16xi32>], vector<16xf32>,
            %gather3A_451 = tpu.vector_load_idx %arg6[%add3A_449, %broadcast_in_dim3A_11] : memref<1024x32xf32, #tpu.memory_space<vmem>>[vector<16xi32>, vector<16xi32>], vector<16xf32>,
            tpu.vector_store_idx %arg5[%get3A_219, %broadcast_in_dim3A_11], %gather3A_451 {add = true} : memref<256x32xf32, #tpu.memory_space<vmem>>[vector<16xi32>, vector<16xi32>], vector<16xf32>,
            %gather3A_452 = tpu.vector_load_idx %arg6[%add3A_449, %broadcast_in_dim3A_13] : memref<1024x32xf32, #tpu.memory_space<vmem>>[vector<16xi32>, vector<16xi32>], vector<16xf32>,
            tpu.vector_store_idx %arg5[%get3A_219, %broadcast_in_dim3A_13], %gather3A_452 {add = true} : memref<256x32xf32, #tpu.memory_space<vmem>>[vector<16xi32>, vector<16xi32>], vector<16xf32>,
            %gather3A_453 = tpu.vector_load_idx %arg6[%add3A_449, %broadcast_in_dim3A_15] : memref<1024x32xf32, #tpu.memory_space<vmem>>[vector<16xi32>, vector<16xi32>], vector<16xf32>,
            tpu.vector_store_idx %arg5[%get3A_219, %broadcast_in_dim3A_15], %gather3A_453 {add = true} : memref<256x32xf32, #tpu.memory_space<vmem>>[vector<16xi32>, vector<16xi32>], vector<16xf32>,
            %gather3A_454 = tpu.vector_load_idx %arg6[%add3A_449, %broadcast_in_dim3A_17] : memref<1024x32xf32, #tpu.memory_space<vmem>>[vector<16xi32>, vector<16xi32>], vector<16xf32>,
            tpu.vector_store_idx %arg5[%get3A_219, %broadcast_in_dim3A_17], %gather3A_454 {add = true} : memref<256x32xf32, #tpu.memory_space<vmem>>[vector<16xi32>, vector<16xi32>], vector<16xf32>,
            %gather3A_455 = tpu.vector_load_idx %arg6[%add3A_449, %broadcast_in_dim3A_19] : memref<1024x32xf32, #tpu.memory_space<vmem>>[vector<16xi32>, vector<16xi32>], vector<16xf32>,
            tpu.vector_store_idx %arg5[%get3A_219, %broadcast_in_dim3A_19], %gather3A_455 {add = true} : memref<256x32xf32, #tpu.memory_space<vmem>>[vector<16xi32>, vector<16xi32>], vector<16xf32>,
            %gather3A_456 = tpu.vector_load_idx %arg6[%add3A_449, %broadcast_in_dim3A_21] : memref<1024x32xf32, #tpu.memory_space<vmem>>[vector<16xi32>, vector<16xi32>], vector<16xf32>,
            tpu.vector_store_idx %arg5[%get3A_219, %broadcast_in_dim3A_21], %gather3A_456 {add = true} : memref<256x32xf32, #tpu.memory_space<vmem>>[vector<16xi32>, vector<16xi32>], vector<16xf32>,
            %gather3A_457 = tpu.vector_load_idx %arg6[%add3A_449, %broadcast_in_dim3A_23] : memref<1024x32xf32, #tpu.memory_space<vmem>>[vector<16xi32>, vector<16xi32>], vector<16xf32>,
            tpu.vector_store_idx %arg5[%get3A_219, %broadcast_in_dim3A_23], %gather3A_457 {add = true} : memref<256x32xf32, #tpu.memory_space<vmem>>[vector<16xi32>, vector<16xi32>], vector<16xf32>,
            %gather3A_458 = tpu.vector_load_idx %arg6[%add3A_449, %broadcast_in_dim3A_25] : memref<1024x32xf32, #tpu.memory_space<vmem>>[vector<16xi32>, vector<16xi32>], vector<16xf32>,
            tpu.vector_store_idx %arg5[%get3A_219, %broadcast_in_dim3A_25], %gather3A_458 {add = true} : memref<256x32xf32, #tpu.memory_space<vmem>>[vector<16xi32>, vector<16xi32>], vector<16xf32>,
            %gather3A_459 = tpu.vector_load_idx %arg6[%add3A_449, %broadcast_in_dim3A_27] : memref<1024x32xf32, #tpu.memory_space<vmem>>[vector<16xi32>, vector<16xi32>], vector<16xf32>,
            tpu.vector_store_idx %arg5[%get3A_219, %broadcast_in_dim3A_27], %gather3A_459 {add = true} : memref<256x32xf32, #tpu.memory_space<vmem>>[vector<16xi32>, vector<16xi32>], vector<16xf32>,
            %gather3A_460 = tpu.vector_load_idx %arg6[%add3A_449, %broadcast_in_dim3A_29] : memref<1024x32xf32, #tpu.memory_space<vmem>>[vector<16xi32>, vector<16xi32>], vector<16xf32>,
            tpu.vector_store_idx %arg5[%get3A_219, %broadcast_in_dim3A_29], %gather3A_460 {add = true} : memref<256x32xf32, #tpu.memory_space<vmem>>[vector<16xi32>, vector<16xi32>], vector<16xf32>,
            %gather3A_461 = tpu.vector_load_idx %arg6[%add3A_449, %broadcast_in_dim3A_31] : memref<1024x32xf32, #tpu.memory_space<vmem>>[vector<16xi32>, vector<16xi32>], vector<16xf32>,
            tpu.vector_store_idx %arg5[%get3A_219, %broadcast_in_dim3A_31], %gather3A_461 {add = true} : memref<256x32xf32, #tpu.memory_space<vmem>>[vector<16xi32>, vector<16xi32>], vector<16xf32>,
            %gather3A_462 = tpu.vector_load_idx %arg6[%add3A_449, %broadcast_in_dim3A_33] : memref<1024x32xf32, #tpu.memory_space<vmem>>[vector<16xi32>, vector<16xi32>], vector<16xf32>,
            tpu.vector_store_idx %arg5[%get3A_219, %broadcast_in_dim3A_33], %gather3A_462 {add = true} : memref<256x32xf32, #tpu.memory_space<vmem>>[vector<16xi32>, vector<16xi32>], vector<16xf32>,
            %gather3A_463 = tpu.vector_load_idx %arg6[%add3A_449, %broadcast_in_dim3A_35] : memref<1024x32xf32, #tpu.memory_space<vmem>>[vector<16xi32>, vector<16xi32>], vector<16xf32>,
            tpu.vector_store_idx %arg5[%get3A_219, %broadcast_in_dim3A_35], %gather3A_463 {add = true} : memref<256x32xf32, #tpu.memory_space<vmem>>[vector<16xi32>, vector<16xi32>], vector<16xf32>,
            %gather3A_464 = tpu.vector_load_idx %arg6[%add3A_449, %broadcast_in_dim3A_37] : memref<1024x32xf32, #tpu.memory_space<vmem>>[vector<16xi32>, vector<16xi32>], vector<16xf32>,
            tpu.vector_store_idx %arg5[%get3A_219, %broadcast_in_dim3A_37], %gather3A_464 {add = true} : memref<256x32xf32, #tpu.memory_space<vmem>>[vector<16xi32>, vector<16xi32>], vector<16xf32>,
            %gather3A_465 = tpu.vector_load_idx %arg6[%add3A_449, %broadcast_in_dim3A_39] : memref<1024x32xf32, #tpu.memory_space<vmem>>[vector<16xi32>, vector<16xi32>], vector<16xf32>,
            tpu.vector_store_idx %arg5[%get3A_219, %broadcast_in_dim3A_39], %gather3A_465 {add = true} : memref<256x32xf32, #tpu.memory_space<vmem>>[vector<16xi32>, vector<16xi32>], vector<16xf32>,
            %gather3A_466 = tpu.vector_load_idx %arg6[%add3A_449, %broadcast_in_dim3A_41] : memref<1024x32xf32, #tpu.memory_space<vmem>>[vector<16xi32>, vector<16xi32>], vector<16xf32>,
            tpu.vector_store_idx %arg5[%get3A_219, %broadcast_in_dim3A_41], %gather3A_466 {add = true} : memref<256x32xf32, #tpu.memory_space<vmem>>[vector<16xi32>, vector<16xi32>], vector<16xf32>,
            %gather3A_467 = tpu.vector_load_idx %arg6[%add3A_449, %broadcast_in_dim3A_43] : memref<1024x32xf32, #tpu.memory_space<vmem>>[vector<16xi32>, vector<16xi32>], vector<16xf32>,
            tpu.vector_store_idx %arg5[%get3A_219, %broadcast_in_dim3A_43], %gather3A_467 {add = true} : memref<256x32xf32, #tpu.memory_space<vmem>>[vector<16xi32>, vector<16xi32>], vector<16xf32>,
            %gather3A_468 = tpu.vector_load_idx %arg6[%add3A_449, %broadcast_in_dim3A_45] : memref<1024x32xf32, #tpu.memory_space<vmem>>[vector<16xi32>, vector<16xi32>], vector<16xf32>,
            tpu.vector_store_idx %arg5[%get3A_219, %broadcast_in_dim3A_45], %gather3A_468 {add = true} : memref<256x32xf32, #tpu.memory_space<vmem>>[vector<16xi32>, vector<16xi32>], vector<16xf32>,
            %gather3A_469 = tpu.vector_load_idx %arg6[%add3A_449, %broadcast_in_dim3A_47] : memref<1024x32xf32, #tpu.memory_space<vmem>>[vector<16xi32>, vector<16xi32>], vector<16xf32>,
            tpu.vector_store_idx %arg5[%get3A_219, %broadcast_in_dim3A_47], %gather3A_469 {add = true} : memref<256x32xf32, #tpu.memory_space<vmem>>[vector<16xi32>, vector<16xi32>], vector<16xf32>,
            %gather3A_470 = tpu.vector_load_idx %arg6[%add3A_449, %broadcast_in_dim3A_49] : memref<1024x32xf32, #tpu.memory_space<vmem>>[vector<16xi32>, vector<16xi32>], vector<16xf32>,
            tpu.vector_store_idx %arg5[%get3A_219, %broadcast_in_dim3A_49], %gather3A_470 {add = true} : memref<256x32xf32, #tpu.memory_space<vmem>>[vector<16xi32>, vector<16xi32>], vector<16xf32>,
            %gather3A_471 = tpu.vector_load_idx %arg6[%add3A_449, %broadcast_in_dim3A_51] : memref<1024x32xf32, #tpu.memory_space<vmem>>[vector<16xi32>, vector<16xi32>], vector<16xf32>,
            tpu.vector_store_idx %arg5[%get3A_219, %broadcast_in_dim3A_51], %gather3A_471 {add = true} : memref<256x32xf32, #tpu.memory_space<vmem>>[vector<16xi32>, vector<16xi32>], vector<16xf32>,
            %gather3A_472 = tpu.vector_load_idx %arg6[%add3A_449, %broadcast_in_dim3A_53] : memref<1024x32xf32, #tpu.memory_space<vmem>>[vector<16xi32>, vector<16xi32>], vector<16xf32>,
            tpu.vector_store_idx %arg5[%get3A_219, %broadcast_in_dim3A_53], %gather3A_472 {add = true} : memref<256x32xf32, #tpu.memory_space<vmem>>[vector<16xi32>, vector<16xi32>], vector<16xf32>,
            %gather3A_473 = tpu.vector_load_idx %arg6[%add3A_449, %broadcast_in_dim3A_55] : memref<1024x32xf32, #tpu.memory_space<vmem>>[vector<16xi32>, vector<16xi32>], vector<16xf32>,
            tpu.vector_store_idx %arg5[%get3A_219, %broadcast_in_dim3A_55], %gather3A_473 {add = true} : memref<256x32xf32, #tpu.memory_space<vmem>>[vector<16xi32>, vector<16xi32>], vector<16xf32>,
            %gather3A_474 = tpu.vector_load_idx %arg6[%add3A_449, %broadcast_in_dim3A_57] : memref<1024x32xf32, #tpu.memory_space<vmem>>[vector<16xi32>, vector<16xi32>], vector<16xf32>,
            tpu.vector_store_idx %arg5[%get3A_219, %broadcast_in_dim3A_57], %gather3A_474 {add = true} : memref<256x32xf32, #tpu.memory_space<vmem>>[vector<16xi32>, vector<16xi32>], vector<16xf32>,
            %gather3A_475 = tpu.vector_load_idx %arg6[%add3A_449, %broadcast_in_dim3A_59] : memref<1024x32xf32, #tpu.memory_space<vmem>>[vector<16xi32>, vector<16xi32>], vector<16xf32>,
            tpu.vector_store_idx %arg5[%get3A_219, %broadcast_in_dim3A_59], %gather3A_475 {add = true} : memref<256x32xf32, #tpu.memory_space<vmem>>[vector<16xi32>, vector<16xi32>], vector<16xf32>,
            %gather3A_476 = tpu.vector_load_idx %arg6[%add3A_449, %broadcast_in_dim3A_61] : memref<1024x32xf32, #tpu.memory_space<vmem>>[vector<16xi32>, vector<16xi32>], vector<16xf32>,
            tpu.vector_store_idx %arg5[%get3A_219, %broadcast_in_dim3A_61], %gather3A_476 {add = true} : memref<256x32xf32, #tpu.memory_space<vmem>>[vector<16xi32>, vector<16xi32>], vector<16xf32>,
            %gather3A_477 = tpu.vector_load_idx %arg6[%add3A_449, %broadcast_in_dim3A_63] : memref<1024x32xf32, #tpu.memory_space<vmem>>[vector<16xi32>, vector<16xi32>], vector<16xf32>,
            tpu.vector_store_idx %arg5[%get3A_219, %broadcast_in_dim3A_63], %gather3A_477 {add = true} : memref<256x32xf32, #tpu.memory_space<vmem>>[vector<16xi32>, vector<16xi32>], vector<16xf32>,
            %gather3A_478 = tpu.vector_load_idx %arg6[%add3A_449, %broadcast_in_dim3A_65] : memref<1024x32xf32, #tpu.memory_space<vmem>>[vector<16xi32>, vector<16xi32>], vector<16xf32>,
            tpu.vector_store_idx %arg5[%get3A_219, %broadcast_in_dim3A_65], %gather3A_478 {add = true} : memref<256x32xf32, #tpu.memory_space<vmem>>[vector<16xi32>, vector<16xi32>], vector<16xf32>,
            %gather3A_479 = tpu.vector_load_idx %arg6[%add3A_449, %broadcast_in_dim3A_67] : memref<1024x32xf32, #tpu.memory_space<vmem>>[vector<16xi32>, vector<16xi32>], vector<16xf32>,
            tpu.vector_store_idx %arg5[%get3A_219, %broadcast_in_dim3A_67], %gather3A_479 {add = true} : memref<256x32xf32, #tpu.memory_space<vmem>>[vector<16xi32>, vector<16xi32>], vector<16xf32>,
            %gather3A_480 = tpu.vector_load_idx %arg6[%add3A_449, %broadcast_in_dim3A_69] : memref<1024x32xf32, #tpu.memory_space<vmem>>[vector<16xi32>, vector<16xi32>], vector<16xf32>,
            tpu.vector_store_idx %arg5[%get3A_219, %broadcast_in_dim3A_69], %gather3A_480 {add = true} : memref<256x32xf32, #tpu.memory_space<vmem>>[vector<16xi32>, vector<16xi32>], vector<16xf32>,
            scf.yield %broadcast_in_dim3A_3, %broadcast_in_dim3A_3 : vector<16xf32>, vector<16xf32>
          }
          scf.yield %reduce_max3A_416, %cond3A_447#0, %cond3A_447#1 : i32, vector<16xf32>, vector<16xf32>
        }
        scf.yield %cond3A_429#0, %cond3A_429#1, %cond3A_429#2 : i32, vector<16xf32>, vector<16xf32>
      }
      %scan3A_143 = arith.constant 64 : i32
      %add3A_144 = arith.constant 3072 : i32
      %add3A_145 = arith.addi %add3A_121, %add3A_144 : i32
      %dma_wait3A_146 = arith.constant 0 : i32
      %dma_wait3A_147 = arith.constant 0 : i32
      %dma_wait3A_148 = tpu.memref_slice %arg13[%dma_wait3A_146, %dma_wait3A_147] : memref<1024x512xf32, #tpu.memory_space<vmem_shared>> -> memref<64x512xf32, #tpu.memory_space<vmem_shared>>
      %dma_wait3A_149 = arith.constant 0 : i32
      %dma_wait3A_150 = arith.constant 0 : i32
      %dma_wait3A_151 = tpu.memref_slice %arg2[%dma_wait3A_149, %dma_wait3A_150] : memref<50000x512xf32, #tpu.memory_space<hbm>> -> memref<64x512xf32, #tpu.memory_space<hbm>>
      tpu.wait_dma2 semaphore(%arg15 : memref<!tpu.dma_semaphore, #tpu.memory_space<semaphore_mem>>) src(%dma_wait3A_151 : memref<64x512xf32, #tpu.memory_space<hbm>>) dst(%dma_wait3A_148 : memref<64x512xf32, #tpu.memory_space<vmem_shared>>)
      %dma_wait3A_152 = arith.constant 0 : i32
      %dma_wait3A_153 = tpu.memref_slice %arg3[%dma_wait3A_152] : memref<50000xi32, #tpu.memory_space<hbm>> -> memref<1024xi32, #tpu.memory_space<hbm>>
      %dma_wait3A_154 = arith.constant 0 : i32
      %dma_wait3A_155 = tpu.memref_slice %arg3[%dma_wait3A_154] : memref<50000xi32, #tpu.memory_space<hbm>> -> memref<1024xi32, #tpu.memory_space<hbm>>
      tpu.wait_dma2 semaphore(%arg15 : memref<!tpu.dma_semaphore, #tpu.memory_space<semaphore_mem>>) src(%dma_wait3A_155 : memref<1024xi32, #tpu.memory_space<hbm>>) dst(%arg8 : memref<1024xi32, #tpu.memory_space<vmem>>)
      %barrier3A_156 = arith.constant 0 : index
      tpu.barrier barrier_id(%barrier3A_156)
      "tpu.region"() ({
        %run_scoped3A = tpu.sem_alloc : memref<!tpu.dma_semaphore, #tpu.memory_space<semaphore_mem>>
        %dma_start3A_213 = arith.constant 0 : i32
        %dma_start3A_214 = tpu.memref_slice %arg13[%dma_start3A_213, %mul3A_2] : memref<1024x512xf32, #tpu.memory_space<vmem_shared>> -> memref<1024x32xf32, #tpu.memory_space<vmem_shared>>
        %dma_start3A_215 = arith.constant 0 : i32
        %dma_start3A_216 = tpu.memref_slice %arg13[%dma_start3A_215, %mul3A_2] : memref<1024x512xf32, #tpu.memory_space<vmem_shared>> -> memref<1024x32xf32, #tpu.memory_space<vmem_shared>>
        tpu.enqueue_dma source(%dma_start3A_216 : memref<1024x32xf32, #tpu.memory_space<vmem_shared>>) target(%arg6 : memref<1024x32xf32, #tpu.memory_space<vmem>>) target_semaphore(%run_scoped3A : memref<!tpu.dma_semaphore, #tpu.memory_space<semaphore_mem>>)
        %dma_wait3A_217 = arith.constant 0 : i32
        %dma_wait3A_218 = tpu.memref_slice %arg13[%dma_wait3A_217, %mul3A_2] : memref<1024x512xf32, #tpu.memory_space<vmem_shared>> -> memref<1024x32xf32, #tpu.memory_space<vmem_shared>>
        %dma_wait3A_219 = arith.constant 0 : i32
        %dma_wait3A_220 = tpu.memref_slice %arg13[%dma_wait3A_219, %mul3A_2] : memref<1024x512xf32, #tpu.memory_space<vmem_shared>> -> memref<1024x32xf32, #tpu.memory_space<vmem_shared>>
        tpu.wait_dma2 semaphore(%run_scoped3A : memref<!tpu.dma_semaphore, #tpu.memory_space<semaphore_mem>>) src(%dma_wait3A_220 : memref<1024x32xf32, #tpu.memory_space<vmem_shared>>) dst(%arg6 : memref<1024x32xf32, #tpu.memory_space<vmem>>)
        tpu.yield
      }) : () -> ()
      %barrier3A_157 = arith.constant 0 : index
      tpu.barrier barrier_id(%barrier3A_157)
      %convert_element_type3A_158 = arith.extui %scan3A_99 : i1 to i32
      %cond3A_159 = arith.constant 0 : i32
      %cond3A_160 = arith.cmpi ne, %convert_element_type3A_158, %cond3A_159 : i32
      scf.if %cond3A_160 {
        %mul3A_213 = arith.constant 64 : i32
        %mul3A_214 = arith.muli %arg1, %mul3A_213 : i32
        %add3A_215 = arith.addi %add3A_145, %mul3A_214 : i32
        %mul3A_216 = arith.constant 64 : i32
        %mul3A_217 = arith.muli %arg1, %mul3A_216 : i32
        %dma_start3A_218 = arith.constant 0 : i32
        %dma_start3A_219 = tpu.memref_slice %arg13[%mul3A_217, %dma_start3A_218] : memref<1024x512xf32, #tpu.memory_space<vmem_shared>> -> memref<64x512xf32, #tpu.memory_space<vmem_shared>>
        %dma_start3A_220 = arith.constant 0 : i32
        %dma_start3A_221 = tpu.memref_slice %arg2[%add3A_215, %dma_start3A_220] : memref<50000x512xf32, #tpu.memory_space<hbm>> -> memref<64x512xf32, #tpu.memory_space<hbm>>
        tpu.enqueue_dma source(%dma_start3A_221 : memref<64x512xf32, #tpu.memory_space<hbm>>) target(%dma_start3A_219 : memref<64x512xf32, #tpu.memory_space<vmem_shared>>) target_semaphore(%arg15 : memref<!tpu.dma_semaphore, #tpu.memory_space<semaphore_mem>>)
        %dma_start3A_222 = tpu.memref_slice %arg3[%add3A_145] : memref<50000xi32, #tpu.memory_space<hbm>> -> memref<1024xi32, #tpu.memory_space<hbm>>
        %dma_start3A_223 = tpu.memref_slice %arg3[%add3A_145] : memref<50000xi32, #tpu.memory_space<hbm>> -> memref<1024xi32, #tpu.memory_space<hbm>>
        tpu.enqueue_dma source(%dma_start3A_223 : memref<1024xi32, #tpu.memory_space<hbm>>) target(%arg10 : memref<1024xi32, #tpu.memory_space<vmem>>) target_semaphore(%arg15 : memref<!tpu.dma_semaphore, #tpu.memory_space<semaphore_mem>>)
      } else {
      }
      %scan3A_161 = arith.constant 0 : i32
      %scan3A_162 = arith.constant 64 : i32
      %scan3A_163 = arith.addi %scan3A_161, %scan3A_162 : i32
      %scan3A_164 = arith.constant 1 : i32
      %scan3A_165:3 = scf.for %scan3A_213 = %scan3A_161 to %scan3A_163 step %scan3A_164 iter_args(%scan3A_214 = %scan3A_142#0, %scan3A_215 = %scan3A_142#1, %scan3A_216 = %scan3A_142#2) -> (i32, vector<16xf32>, vector<16xf32>)  : i32 {
        %mul3A_217 = arith.constant 16 : i32
        %mul3A_218 = arith.muli %scan3A_213, %mul3A_217 : i32
        %get3A = arith.index_cast %mul3A_218 : i32 to index
        %get3A_219 = tpu.vector_load %arg8[%get3A] {strides = array<i32>} : memref<1024xi32, #tpu.memory_space<vmem>>, vector<16xi32>,
        %add3A_220 = arith.constant 0 : i32
        %add3A_221 = arith.addi %mul3A_218, %add3A_220 : i32
        %get3A_222 = arith.index_cast %add3A_221 : i32 to index
        %get3A_223 = arith.constant 0 : index
        %get3A_224 = tpu.vector_load %arg6[%get3A_222, %get3A_223] {strides = array<i32>} : memref<1024x32xf32, #tpu.memory_space<vmem>>, vector<16xf32>,
        %add3A_225 = arith.constant 1 : i32
        %add3A_226 = arith.addi %mul3A_218, %add3A_225 : i32
        %get3A_227 = arith.index_cast %add3A_226 : i32 to index
        %get3A_228 = arith.constant 0 : index
        %get3A_229 = tpu.vector_load %arg6[%get3A_227, %get3A_228] {strides = array<i32>} : memref<1024x32xf32, #tpu.memory_space<vmem>>, vector<16xf32>,
        %add3A_230 = arith.constant 2 : i32
        %add3A_231 = arith.addi %mul3A_218, %add3A_230 : i32
        %get3A_232 = arith.index_cast %add3A_231 : i32 to index
        %get3A_233 = arith.constant 0 : index
        %get3A_234 = tpu.vector_load %arg6[%get3A_232, %get3A_233] {strides = array<i32>} : memref<1024x32xf32, #tpu.memory_space<vmem>>, vector<16xf32>,
        %add3A_235 = arith.constant 3 : i32
        %add3A_236 = arith.addi %mul3A_218, %add3A_235 : i32
        %get3A_237 = arith.index_cast %add3A_236 : i32 to index
        %get3A_238 = arith.constant 0 : index
        %get3A_239 = tpu.vector_load %arg6[%get3A_237, %get3A_238] {strides = array<i32>} : memref<1024x32xf32, #tpu.memory_space<vmem>>, vector<16xf32>,
        %add3A_240 = arith.constant 4 : i32
        %add3A_241 = arith.addi %mul3A_218, %add3A_240 : i32
        %get3A_242 = arith.index_cast %add3A_241 : i32 to index
        %get3A_243 = arith.constant 0 : index
        %get3A_244 = tpu.vector_load %arg6[%get3A_242, %get3A_243] {strides = array<i32>} : memref<1024x32xf32, #tpu.memory_space<vmem>>, vector<16xf32>,
        %add3A_245 = arith.constant 5 : i32
        %add3A_246 = arith.addi %mul3A_218, %add3A_245 : i32
        %get3A_247 = arith.index_cast %add3A_246 : i32 to index
        %get3A_248 = arith.constant 0 : index
        %get3A_249 = tpu.vector_load %arg6[%get3A_247, %get3A_248] {strides = array<i32>} : memref<1024x32xf32, #tpu.memory_space<vmem>>, vector<16xf32>,
        %add3A_250 = arith.constant 6 : i32
        %add3A_251 = arith.addi %mul3A_218, %add3A_250 : i32
        %get3A_252 = arith.index_cast %add3A_251 : i32 to index
        %get3A_253 = arith.constant 0 : index
        %get3A_254 = tpu.vector_load %arg6[%get3A_252, %get3A_253] {strides = array<i32>} : memref<1024x32xf32, #tpu.memory_space<vmem>>, vector<16xf32>,
        %add3A_255 = arith.constant 7 : i32
        %add3A_256 = arith.addi %mul3A_218, %add3A_255 : i32
        %get3A_257 = arith.index_cast %add3A_256 : i32 to index
        %get3A_258 = arith.constant 0 : index
        %get3A_259 = tpu.vector_load %arg6[%get3A_257, %get3A_258] {strides = array<i32>} : memref<1024x32xf32, #tpu.memory_space<vmem>>, vector<16xf32>,
        %add3A_260 = arith.constant 8 : i32
        %add3A_261 = arith.addi %mul3A_218, %add3A_260 : i32
        %get3A_262 = arith.index_cast %add3A_261 : i32 to index
        %get3A_263 = arith.constant 0 : index
        %get3A_264 = tpu.vector_load %arg6[%get3A_262, %get3A_263] {strides = array<i32>} : memref<1024x32xf32, #tpu.memory_space<vmem>>, vector<16xf32>,
        %add3A_265 = arith.constant 9 : i32
        %add3A_266 = arith.addi %mul3A_218, %add3A_265 : i32
        %get3A_267 = arith.index_cast %add3A_266 : i32 to index
        %get3A_268 = arith.constant 0 : index
        %get3A_269 = tpu.vector_load %arg6[%get3A_267, %get3A_268] {strides = array<i32>} : memref<1024x32xf32, #tpu.memory_space<vmem>>, vector<16xf32>,
        %add3A_270 = arith.constant 10 : i32
        %add3A_271 = arith.addi %mul3A_218, %add3A_270 : i32
        %get3A_272 = arith.index_cast %add3A_271 : i32 to index
        %get3A_273 = arith.constant 0 : index
        %get3A_274 = tpu.vector_load %arg6[%get3A_272, %get3A_273] {strides = array<i32>} : memref<1024x32xf32, #tpu.memory_space<vmem>>, vector<16xf32>,
        %add3A_275 = arith.constant 11 : i32
        %add3A_276 = arith.addi %mul3A_218, %add3A_275 : i32
        %get3A_277 = arith.index_cast %add3A_276 : i32 to index
        %get3A_278 = arith.constant 0 : index
        %get3A_279 = tpu.vector_load %arg6[%get3A_277, %get3A_278] {strides = array<i32>} : memref<1024x32xf32, #tpu.memory_space<vmem>>, vector<16xf32>,
        %add3A_280 = arith.constant 12 : i32
        %add3A_281 = arith.addi %mul3A_218, %add3A_280 : i32
        %get3A_282 = arith.index_cast %add3A_281 : i32 to index
        %get3A_283 = arith.constant 0 : index
        %get3A_284 = tpu.vector_load %arg6[%get3A_282, %get3A_283] {strides = array<i32>} : memref<1024x32xf32, #tpu.memory_space<vmem>>, vector<16xf32>,
        %add3A_285 = arith.constant 13 : i32
        %add3A_286 = arith.addi %mul3A_218, %add3A_285 : i32
        %get3A_287 = arith.index_cast %add3A_286 : i32 to index
        %get3A_288 = arith.constant 0 : index
        %get3A_289 = tpu.vector_load %arg6[%get3A_287, %get3A_288] {strides = array<i32>} : memref<1024x32xf32, #tpu.memory_space<vmem>>, vector<16xf32>,
        %add3A_290 = arith.constant 14 : i32
        %add3A_291 = arith.addi %mul3A_218, %add3A_290 : i32
        %get3A_292 = arith.index_cast %add3A_291 : i32 to index
        %get3A_293 = arith.constant 0 : index
        %get3A_294 = tpu.vector_load %arg6[%get3A_292, %get3A_293] {strides = array<i32>} : memref<1024x32xf32, #tpu.memory_space<vmem>>, vector<16xf32>,
        %add3A_295 = arith.constant 15 : i32
        %add3A_296 = arith.addi %mul3A_218, %add3A_295 : i32
        %get3A_297 = arith.index_cast %add3A_296 : i32 to index
        %get3A_298 = arith.constant 0 : index
        %get3A_299 = tpu.vector_load %arg6[%get3A_297, %get3A_298] {strides = array<i32>} : memref<1024x32xf32, #tpu.memory_space<vmem>>, vector<16xf32>,
        %add3A_300 = arith.constant 0 : i32
        %add3A_301 = arith.addi %mul3A_218, %add3A_300 : i32
        %get3A_302 = arith.index_cast %add3A_301 : i32 to index
        %get3A_303 = arith.constant 16 : index
        %get3A_304 = tpu.vector_load %arg6[%get3A_302, %get3A_303] {strides = array<i32>} : memref<1024x32xf32, #tpu.memory_space<vmem>>, vector<16xf32>,
        %add3A_305 = arith.constant 1 : i32
        %add3A_306 = arith.addi %mul3A_218, %add3A_305 : i32
        %get3A_307 = arith.index_cast %add3A_306 : i32 to index
        %get3A_308 = arith.constant 16 : index
        %get3A_309 = tpu.vector_load %arg6[%get3A_307, %get3A_308] {strides = array<i32>} : memref<1024x32xf32, #tpu.memory_space<vmem>>, vector<16xf32>,
        %add3A_310 = arith.constant 2 : i32
        %add3A_311 = arith.addi %mul3A_218, %add3A_310 : i32
        %get3A_312 = arith.index_cast %add3A_311 : i32 to index
        %get3A_313 = arith.constant 16 : index
        %get3A_314 = tpu.vector_load %arg6[%get3A_312, %get3A_313] {strides = array<i32>} : memref<1024x32xf32, #tpu.memory_space<vmem>>, vector<16xf32>,
        %add3A_315 = arith.constant 3 : i32
        %add3A_316 = arith.addi %mul3A_218, %add3A_315 : i32
        %get3A_317 = arith.index_cast %add3A_316 : i32 to index
        %get3A_318 = arith.constant 16 : index
        %get3A_319 = tpu.vector_load %arg6[%get3A_317, %get3A_318] {strides = array<i32>} : memref<1024x32xf32, #tpu.memory_space<vmem>>, vector<16xf32>,
        %add3A_320 = arith.constant 4 : i32
        %add3A_321 = arith.addi %mul3A_218, %add3A_320 : i32
        %get3A_322 = arith.index_cast %add3A_321 : i32 to index
        %get3A_323 = arith.constant 16 : index
        %get3A_324 = tpu.vector_load %arg6[%get3A_322, %get3A_323] {strides = array<i32>} : memref<1024x32xf32, #tpu.memory_space<vmem>>, vector<16xf32>,
        %add3A_325 = arith.constant 5 : i32
        %add3A_326 = arith.addi %mul3A_218, %add3A_325 : i32
        %get3A_327 = arith.index_cast %add3A_326 : i32 to index
        %get3A_328 = arith.constant 16 : index
        %get3A_329 = tpu.vector_load %arg6[%get3A_327, %get3A_328] {strides = array<i32>} : memref<1024x32xf32, #tpu.memory_space<vmem>>, vector<16xf32>,
        %add3A_330 = arith.constant 6 : i32
        %add3A_331 = arith.addi %mul3A_218, %add3A_330 : i32
        %get3A_332 = arith.index_cast %add3A_331 : i32 to index
        %get3A_333 = arith.constant 16 : index
        %get3A_334 = tpu.vector_load %arg6[%get3A_332, %get3A_333] {strides = array<i32>} : memref<1024x32xf32, #tpu.memory_space<vmem>>, vector<16xf32>,
        %add3A_335 = arith.constant 7 : i32
        %add3A_336 = arith.addi %mul3A_218, %add3A_335 : i32
        %get3A_337 = arith.index_cast %add3A_336 : i32 to index
        %get3A_338 = arith.constant 16 : index
        %get3A_339 = tpu.vector_load %arg6[%get3A_337, %get3A_338] {strides = array<i32>} : memref<1024x32xf32, #tpu.memory_space<vmem>>, vector<16xf32>,
        %add3A_340 = arith.constant 8 : i32
        %add3A_341 = arith.addi %mul3A_218, %add3A_340 : i32
        %get3A_342 = arith.index_cast %add3A_341 : i32 to index
        %get3A_343 = arith.constant 16 : index
        %get3A_344 = tpu.vector_load %arg6[%get3A_342, %get3A_343] {strides = array<i32>} : memref<1024x32xf32, #tpu.memory_space<vmem>>, vector<16xf32>,
        %add3A_345 = arith.constant 9 : i32
        %add3A_346 = arith.addi %mul3A_218, %add3A_345 : i32
        %get3A_347 = arith.index_cast %add3A_346 : i32 to index
        %get3A_348 = arith.constant 16 : index
        %get3A_349 = tpu.vector_load %arg6[%get3A_347, %get3A_348] {strides = array<i32>} : memref<1024x32xf32, #tpu.memory_space<vmem>>, vector<16xf32>,
        %add3A_350 = arith.constant 10 : i32
        %add3A_351 = arith.addi %mul3A_218, %add3A_350 : i32
        %get3A_352 = arith.index_cast %add3A_351 : i32 to index
        %get3A_353 = arith.constant 16 : index
        %get3A_354 = tpu.vector_load %arg6[%get3A_352, %get3A_353] {strides = array<i32>} : memref<1024x32xf32, #tpu.memory_space<vmem>>, vector<16xf32>,
        %add3A_355 = arith.constant 11 : i32
        %add3A_356 = arith.addi %mul3A_218, %add3A_355 : i32
        %get3A_357 = arith.index_cast %add3A_356 : i32 to index
        %get3A_358 = arith.constant 16 : index
        %get3A_359 = tpu.vector_load %arg6[%get3A_357, %get3A_358] {strides = array<i32>} : memref<1024x32xf32, #tpu.memory_space<vmem>>, vector<16xf32>,
        %add3A_360 = arith.constant 12 : i32
        %add3A_361 = arith.addi %mul3A_218, %add3A_360 : i32
        %get3A_362 = arith.index_cast %add3A_361 : i32 to index
        %get3A_363 = arith.constant 16 : index
        %get3A_364 = tpu.vector_load %arg6[%get3A_362, %get3A_363] {strides = array<i32>} : memref<1024x32xf32, #tpu.memory_space<vmem>>, vector<16xf32>,
        %add3A_365 = arith.constant 13 : i32
        %add3A_366 = arith.addi %mul3A_218, %add3A_365 : i32
        %get3A_367 = arith.index_cast %add3A_366 : i32 to index
        %get3A_368 = arith.constant 16 : index
        %get3A_369 = tpu.vector_load %arg6[%get3A_367, %get3A_368] {strides = array<i32>} : memref<1024x32xf32, #tpu.memory_space<vmem>>, vector<16xf32>,
        %add3A_370 = arith.constant 14 : i32
        %add3A_371 = arith.addi %mul3A_218, %add3A_370 : i32
        %get3A_372 = arith.index_cast %add3A_371 : i32 to index
        %get3A_373 = arith.constant 16 : index
        %get3A_374 = tpu.vector_load %arg6[%get3A_372, %get3A_373] {strides = array<i32>} : memref<1024x32xf32, #tpu.memory_space<vmem>>, vector<16xf32>,
        %add3A_375 = arith.constant 15 : i32
        %add3A_376 = arith.addi %mul3A_218, %add3A_375 : i32
        %get3A_377 = arith.index_cast %add3A_376 : i32 to index
        %get3A_378 = arith.constant 16 : index
        %get3A_379 = tpu.vector_load %arg6[%get3A_377, %get3A_378] {strides = array<i32>} : memref<1024x32xf32, #tpu.memory_space<vmem>>, vector<16xf32>,
        %add3A_380 = arith.addf %get3A_224, %get3A_229 : vector<16xf32>
        %add3A_381 = arith.addf %get3A_234, %get3A_239 : vector<16xf32>
        %add3A_382 = arith.addf %get3A_244, %get3A_249 : vector<16xf32>
        %add3A_383 = arith.addf %get3A_254, %get3A_259 : vector<16xf32>
        %add3A_384 = arith.addf %get3A_264, %get3A_269 : vector<16xf32>
        %add3A_385 = arith.addf %get3A_274, %get3A_279 : vector<16xf32>
        %add3A_386 = arith.addf %get3A_284, %get3A_289 : vector<16xf32>
        %add3A_387 = arith.addf %get3A_294, %get3A_299 : vector<16xf32>
        %add3A_388 = arith.addf %add3A_380, %add3A_381 : vector<16xf32>
        %add3A_389 = arith.addf %add3A_382, %add3A_383 : vector<16xf32>
        %add3A_390 = arith.addf %add3A_384, %add3A_385 : vector<16xf32>
        %add3A_391 = arith.addf %add3A_386, %add3A_387 : vector<16xf32>
        %add3A_392 = arith.addf %add3A_388, %add3A_389 : vector<16xf32>
        %add3A_393 = arith.addf %add3A_390, %add3A_391 : vector<16xf32>
        %add3A_394 = arith.addf %add3A_392, %add3A_393 : vector<16xf32>
        %add3A_395 = arith.addf %get3A_304, %get3A_309 : vector<16xf32>
        %add3A_396 = arith.addf %get3A_314, %get3A_319 : vector<16xf32>
        %add3A_397 = arith.addf %get3A_324, %get3A_329 : vector<16xf32>
        %add3A_398 = arith.addf %get3A_334, %get3A_339 : vector<16xf32>
        %add3A_399 = arith.addf %get3A_344, %get3A_349 : vector<16xf32>
        %add3A_400 = arith.addf %get3A_354, %get3A_359 : vector<16xf32>
        %add3A_401 = arith.addf %get3A_364, %get3A_369 : vector<16xf32>
        %add3A_402 = arith.addf %get3A_374, %get3A_379 : vector<16xf32>
        %add3A_403 = arith.addf %add3A_395, %add3A_396 : vector<16xf32>
        %add3A_404 = arith.addf %add3A_397, %add3A_398 : vector<16xf32>
        %add3A_405 = arith.addf %add3A_399, %add3A_400 : vector<16xf32>
        %add3A_406 = arith.addf %add3A_401, %add3A_402 : vector<16xf32>
        %add3A_407 = arith.addf %add3A_403, %add3A_404 : vector<16xf32>
        %add3A_408 = arith.addf %add3A_405, %add3A_406 : vector<16xf32>
        %add3A_409 = arith.addf %add3A_407, %add3A_408 : vector<16xf32>
        %reduce_max3A = arith.constant true
        %reduce_max3A_410 = vector.broadcast %reduce_max3A : i1 to vector<16xi1>
        %reduce_max3A_411 = arith.constant -2147483648 : i32
        %reduce_max3A_412 = vector.broadcast %reduce_max3A_411 : i32 to vector<16xi32>
        %reduce_max3A_413 = arith.xori %get3A_219, %reduce_max3A_412 : vector<16xi32>
        %reduce_max3A_414 = tpu.scan <max>, %reduce_max3A_413 masked %reduce_max3A_410 : vector<16xi32>, vector<16xi1> -> vector<16xi32>
        %reduce_max3A_415 = arith.xori %reduce_max3A_414, %reduce_max3A_412 : vector<16xi32>
        %reduce_max3A_416 = vector.extract %reduce_max3A_415[15] : i32 from vector<16xi32>
        %reduce_min3A = arith.constant true
        %reduce_min3A_417 = vector.broadcast %reduce_min3A : i1 to vector<16xi1>
        %reduce_min3A_418 = arith.constant -2147483648 : i32
        %reduce_min3A_419 = vector.broadcast %reduce_min3A_418 : i32 to vector<16xi32>
        %reduce_min3A_420 = arith.xori %get3A_219, %reduce_min3A_419 : vector<16xi32>
        %reduce_min3A_421 = tpu.scan <min>, %reduce_min3A_420 masked %reduce_min3A_417 : vector<16xi32>, vector<16xi1> -> vector<16xi32>
        %reduce_min3A_422 = arith.xori %reduce_min3A_421, %reduce_min3A_419 : vector<16xi32>
        %reduce_min3A_423 = vector.extract %reduce_min3A_422[15] : i32 from vector<16xi32>
        %broadcast_in_dim3A_424 = vector.broadcast %scan3A_214 : i32 to vector<16xi32>
        %eq3A_425 = arith.cmpi eq, %reduce_min3A_423, %reduce_max3A_416 : i32
        %convert_element_type3A_426 = arith.extui %eq3A_425 : i1 to i32
        %cond3A_427 = arith.constant 0 : i32
        %cond3A_428 = arith.cmpi ne, %convert_element_type3A_426, %cond3A_427 : i32
        %cond3A_429:3 = scf.if %cond3A_428 -> (i32, vector<16xf32>, vector<16xf32>) {
          %eq3A_430 = arith.cmpi eq, %scan3A_214, %reduce_min3A_423 : i32
          %convert_element_type3A_431 = arith.extui %eq3A_430 : i1 to i32
          %cond3A_432 = arith.constant 0 : i32
          %cond3A_433 = arith.cmpi ne, %convert_element_type3A_431, %cond3A_432 : i32
          %cond3A_434:3 = scf.if %cond3A_433 -> (i32, vector<16xf32>, vector<16xf32>) {
            %add3A_435 = arith.addf %scan3A_215, %add3A_394 : vector<16xf32>
            %add3A_436 = arith.addf %scan3A_216, %add3A_409 : vector<16xf32>
            scf.yield %scan3A_214, %add3A_435, %add3A_436 : i32, vector<16xf32>, vector<16xf32>
          } else {
            tpu.vector_store_idx %arg5[%broadcast_in_dim3A_424, %iota3A], %scan3A_215 {add = true} : memref<256x32xf32, #tpu.memory_space<vmem>>[vector<16xi32>, vector<16xi32>], vector<16xf32>,
            tpu.vector_store_idx %arg5[%broadcast_in_dim3A_424, %add3A_5], %scan3A_216 {add = true} : memref<256x32xf32, #tpu.memory_space<vmem>>[vector<16xi32>, vector<16xi32>], vector<16xf32>,
            scf.yield %reduce_max3A_416, %add3A_394, %add3A_409 : i32, vector<16xf32>, vector<16xf32>
          }
          scf.yield %cond3A_434#0, %cond3A_434#1, %cond3A_434#2 : i32, vector<16xf32>, vector<16xf32>
        } else {
          tpu.vector_store_idx %arg5[%broadcast_in_dim3A_424, %iota3A], %scan3A_215 {add = true} : memref<256x32xf32, #tpu.memory_space<vmem>>[vector<16xi32>, vector<16xi32>], vector<16xf32>,
          tpu.vector_store_idx %arg5[%broadcast_in_dim3A_424, %add3A_5], %scan3A_216 {add = true} : memref<256x32xf32, #tpu.memory_space<vmem>>[vector<16xi32>, vector<16xi32>], vector<16xf32>,
          %broadcast_in_dim3A_430 = vector.broadcast %reduce_min3A_423 : i32 to vector<16xi32>
          %broadcast_in_dim3A_431 = vector.broadcast %reduce_max3A_416 : i32 to vector<16xi32>
          %eq3A_432 = arith.cmpi eq, %get3A_219, %broadcast_in_dim3A_430 : vector<16xi32>
          %eq3A_433 = arith.cmpi eq, %get3A_219, %broadcast_in_dim3A_431 : vector<16xi32>
          %or3A = arith.ori %eq3A_432, %eq3A_433 : vector<16xi1>
          %reduce_and3A = arith.constant 1.000000e+00 : f32
          %reduce_and3A_434 = arith.constant 0.000000e+00 : f32
          %reduce_and3A_435 = vector.broadcast %reduce_and3A : f32 to vector<16xf32>
          %reduce_and3A_436 = vector.broadcast %reduce_and3A_434 : f32 to vector<16xf32>
          %reduce_and3A_437 = arith.select %or3A, %reduce_and3A_435, %reduce_and3A_436 : vector<16xi1>, vector<16xf32>
          %reduce_and3A_438 = arith.constant true
          %reduce_and3A_439 = vector.broadcast %reduce_and3A_438 : i1 to vector<16xi1>
          %reduce_and3A_440 = tpu.scan <min>, %reduce_and3A_437 masked %reduce_and3A_439 : vector<16xf32>, vector<16xi1> -> vector<16xf32>
          %reduce_and3A_441 = vector.extract %reduce_and3A_440[15] : f32 from vector<16xf32>
          %reduce_and3A_442 = arith.constant 0.000000e+00 : f32
          %reduce_and3A_443 = arith.cmpf ogt, %reduce_and3A_441, %reduce_and3A_442 : f32
          %all_reduce_population_count3A = tpu.all_reduce %eq3A_432 {dim = 0 : i64, kind = #tpu.reduction_kind<sum>} : vector<16xi1> -> vector<16xi32>
          %convert_element_type3A_444 = arith.extui %reduce_and3A_443 : i1 to i32
          %cond3A_445 = arith.constant 0 : i32
          %cond3A_446 = arith.cmpi ne, %convert_element_type3A_444, %cond3A_445 : i32
          %cond3A_447:2 = scf.if %cond3A_446 -> (vector<16xf32>, vector<16xf32>) {
            %gt3A = arith.constant 0 : i32
            %gt3A_448 = vector.broadcast %gt3A : i32 to vector<16xi32>
            %gt3A_449 = arith.cmpi sgt, %all_reduce_population_count3A, %gt3A_448 : vector<16xi32>
            %select_n3A = arith.select %gt3A_449, %get3A_224, %broadcast_in_dim3A_3 : vector<16xi1>, vector<16xf32>
            %gt3A_450 = arith.constant 1 : i32
            %gt3A_451 = vector.broadcast %gt3A_450 : i32 to vector<16xi32>
            %gt3A_452 = arith.cmpi sgt, %all_reduce_population_count3A, %gt3A_451 : vector<16xi32>
            %select_n3A_453 = arith.select %gt3A_452, %get3A_229, %broadcast_in_dim3A_3 : vector<16xi1>, vector<16xf32>
            %gt3A_454 = arith.constant 2 : i32
            %gt3A_455 = vector.broadcast %gt3A_454 : i32 to vector<16xi32>
            %gt3A_456 = arith.cmpi sgt, %all_reduce_population_count3A, %gt3A_455 : vector<16xi32>
            %select_n3A_457 = arith.select %gt3A_456, %get3A_234, %broadcast_in_dim3A_3 : vector<16xi1>, vector<16xf32>
            %gt3A_458 = arith.constant 3 : i32
            %gt3A_459 = vector.broadcast %gt3A_458 : i32 to vector<16xi32>
            %gt3A_460 = arith.cmpi sgt, %all_reduce_population_count3A, %gt3A_459 : vector<16xi32>
            %select_n3A_461 = arith.select %gt3A_460, %get3A_239, %broadcast_in_dim3A_3 : vector<16xi1>, vector<16xf32>
            %gt3A_462 = arith.constant 4 : i32
            %gt3A_463 = vector.broadcast %gt3A_462 : i32 to vector<16xi32>
            %gt3A_464 = arith.cmpi sgt, %all_reduce_population_count3A, %gt3A_463 : vector<16xi32>
            %select_n3A_465 = arith.select %gt3A_464, %get3A_244, %broadcast_in_dim3A_3 : vector<16xi1>, vector<16xf32>
            %gt3A_466 = arith.constant 5 : i32
            %gt3A_467 = vector.broadcast %gt3A_466 : i32 to vector<16xi32>
            %gt3A_468 = arith.cmpi sgt, %all_reduce_population_count3A, %gt3A_467 : vector<16xi32>
            %select_n3A_469 = arith.select %gt3A_468, %get3A_249, %broadcast_in_dim3A_3 : vector<16xi1>, vector<16xf32>
            %gt3A_470 = arith.constant 6 : i32
            %gt3A_471 = vector.broadcast %gt3A_470 : i32 to vector<16xi32>
            %gt3A_472 = arith.cmpi sgt, %all_reduce_population_count3A, %gt3A_471 : vector<16xi32>
            %select_n3A_473 = arith.select %gt3A_472, %get3A_254, %broadcast_in_dim3A_3 : vector<16xi1>, vector<16xf32>
            %gt3A_474 = arith.constant 7 : i32
            %gt3A_475 = vector.broadcast %gt3A_474 : i32 to vector<16xi32>
            %gt3A_476 = arith.cmpi sgt, %all_reduce_population_count3A, %gt3A_475 : vector<16xi32>
            %select_n3A_477 = arith.select %gt3A_476, %get3A_259, %broadcast_in_dim3A_3 : vector<16xi1>, vector<16xf32>
            %gt3A_478 = arith.constant 8 : i32
            %gt3A_479 = vector.broadcast %gt3A_478 : i32 to vector<16xi32>
            %gt3A_480 = arith.cmpi sgt, %all_reduce_population_count3A, %gt3A_479 : vector<16xi32>
            %select_n3A_481 = arith.select %gt3A_480, %get3A_264, %broadcast_in_dim3A_3 : vector<16xi1>, vector<16xf32>
            %gt3A_482 = arith.constant 9 : i32
            %gt3A_483 = vector.broadcast %gt3A_482 : i32 to vector<16xi32>
            %gt3A_484 = arith.cmpi sgt, %all_reduce_population_count3A, %gt3A_483 : vector<16xi32>
            %select_n3A_485 = arith.select %gt3A_484, %get3A_269, %broadcast_in_dim3A_3 : vector<16xi1>, vector<16xf32>
            %gt3A_486 = arith.constant 10 : i32
            %gt3A_487 = vector.broadcast %gt3A_486 : i32 to vector<16xi32>
            %gt3A_488 = arith.cmpi sgt, %all_reduce_population_count3A, %gt3A_487 : vector<16xi32>
            %select_n3A_489 = arith.select %gt3A_488, %get3A_274, %broadcast_in_dim3A_3 : vector<16xi1>, vector<16xf32>
            %gt3A_490 = arith.constant 11 : i32
            %gt3A_491 = vector.broadcast %gt3A_490 : i32 to vector<16xi32>
            %gt3A_492 = arith.cmpi sgt, %all_reduce_population_count3A, %gt3A_491 : vector<16xi32>
            %select_n3A_493 = arith.select %gt3A_492, %get3A_279, %broadcast_in_dim3A_3 : vector<16xi1>, vector<16xf32>
            %gt3A_494 = arith.constant 12 : i32
            %gt3A_495 = vector.broadcast %gt3A_494 : i32 to vector<16xi32>
            %gt3A_496 = arith.cmpi sgt, %all_reduce_population_count3A, %gt3A_495 : vector<16xi32>
            %select_n3A_497 = arith.select %gt3A_496, %get3A_284, %broadcast_in_dim3A_3 : vector<16xi1>, vector<16xf32>
            %gt3A_498 = arith.constant 13 : i32
            %gt3A_499 = vector.broadcast %gt3A_498 : i32 to vector<16xi32>
            %gt3A_500 = arith.cmpi sgt, %all_reduce_population_count3A, %gt3A_499 : vector<16xi32>
            %select_n3A_501 = arith.select %gt3A_500, %get3A_289, %broadcast_in_dim3A_3 : vector<16xi1>, vector<16xf32>
            %gt3A_502 = arith.constant 14 : i32
            %gt3A_503 = vector.broadcast %gt3A_502 : i32 to vector<16xi32>
            %gt3A_504 = arith.cmpi sgt, %all_reduce_population_count3A, %gt3A_503 : vector<16xi32>
            %select_n3A_505 = arith.select %gt3A_504, %get3A_294, %broadcast_in_dim3A_3 : vector<16xi1>, vector<16xf32>
            %gt3A_506 = arith.constant 15 : i32
            %gt3A_507 = vector.broadcast %gt3A_506 : i32 to vector<16xi32>
            %gt3A_508 = arith.cmpi sgt, %all_reduce_population_count3A, %gt3A_507 : vector<16xi32>
            %select_n3A_509 = arith.select %gt3A_508, %get3A_299, %broadcast_in_dim3A_3 : vector<16xi1>, vector<16xf32>
            %add3A_510 = arith.addf %select_n3A, %select_n3A_453 : vector<16xf32>
            %add3A_511 = arith.addf %select_n3A_457, %select_n3A_461 : vector<16xf32>
            %add3A_512 = arith.addf %select_n3A_465, %select_n3A_469 : vector<16xf32>
            %add3A_513 = arith.addf %select_n3A_473, %select_n3A_477 : vector<16xf32>
            %add3A_514 = arith.addf %select_n3A_481, %select_n3A_485 : vector<16xf32>
            %add3A_515 = arith.addf %select_n3A_489, %select_n3A_493 : vector<16xf32>
            %add3A_516 = arith.addf %select_n3A_497, %select_n3A_501 : vector<16xf32>
            %add3A_517 = arith.addf %select_n3A_505, %select_n3A_509 : vector<16xf32>
            %add3A_518 = arith.addf %add3A_510, %add3A_511 : vector<16xf32>
            %add3A_519 = arith.addf %add3A_512, %add3A_513 : vector<16xf32>
            %add3A_520 = arith.addf %add3A_514, %add3A_515 : vector<16xf32>
            %add3A_521 = arith.addf %add3A_516, %add3A_517 : vector<16xf32>
            %add3A_522 = arith.addf %add3A_518, %add3A_519 : vector<16xf32>
            %add3A_523 = arith.addf %add3A_520, %add3A_521 : vector<16xf32>
            %add3A_524 = arith.addf %add3A_522, %add3A_523 : vector<16xf32>
            %gt3A_525 = arith.constant 0 : i32
            %gt3A_526 = vector.broadcast %gt3A_525 : i32 to vector<16xi32>
            %gt3A_527 = arith.cmpi sgt, %all_reduce_population_count3A, %gt3A_526 : vector<16xi32>
            %select_n3A_528 = arith.select %gt3A_527, %get3A_304, %broadcast_in_dim3A_3 : vector<16xi1>, vector<16xf32>
            %gt3A_529 = arith.constant 1 : i32
            %gt3A_530 = vector.broadcast %gt3A_529 : i32 to vector<16xi32>
            %gt3A_531 = arith.cmpi sgt, %all_reduce_population_count3A, %gt3A_530 : vector<16xi32>
            %select_n3A_532 = arith.select %gt3A_531, %get3A_309, %broadcast_in_dim3A_3 : vector<16xi1>, vector<16xf32>
            %gt3A_533 = arith.constant 2 : i32
            %gt3A_534 = vector.broadcast %gt3A_533 : i32 to vector<16xi32>
            %gt3A_535 = arith.cmpi sgt, %all_reduce_population_count3A, %gt3A_534 : vector<16xi32>
            %select_n3A_536 = arith.select %gt3A_535, %get3A_314, %broadcast_in_dim3A_3 : vector<16xi1>, vector<16xf32>
            %gt3A_537 = arith.constant 3 : i32
            %gt3A_538 = vector.broadcast %gt3A_537 : i32 to vector<16xi32>
            %gt3A_539 = arith.cmpi sgt, %all_reduce_population_count3A, %gt3A_538 : vector<16xi32>
            %select_n3A_540 = arith.select %gt3A_539, %get3A_319, %broadcast_in_dim3A_3 : vector<16xi1>, vector<16xf32>
            %gt3A_541 = arith.constant 4 : i32
            %gt3A_542 = vector.broadcast %gt3A_541 : i32 to vector<16xi32>
            %gt3A_543 = arith.cmpi sgt, %all_reduce_population_count3A, %gt3A_542 : vector<16xi32>
            %select_n3A_544 = arith.select %gt3A_543, %get3A_324, %broadcast_in_dim3A_3 : vector<16xi1>, vector<16xf32>
            %gt3A_545 = arith.constant 5 : i32
            %gt3A_546 = vector.broadcast %gt3A_545 : i32 to vector<16xi32>
            %gt3A_547 = arith.cmpi sgt, %all_reduce_population_count3A, %gt3A_546 : vector<16xi32>
            %select_n3A_548 = arith.select %gt3A_547, %get3A_329, %broadcast_in_dim3A_3 : vector<16xi1>, vector<16xf32>
            %gt3A_549 = arith.constant 6 : i32
            %gt3A_550 = vector.broadcast %gt3A_549 : i32 to vector<16xi32>
            %gt3A_551 = arith.cmpi sgt, %all_reduce_population_count3A, %gt3A_550 : vector<16xi32>
            %select_n3A_552 = arith.select %gt3A_551, %get3A_334, %broadcast_in_dim3A_3 : vector<16xi1>, vector<16xf32>
            %gt3A_553 = arith.constant 7 : i32
            %gt3A_554 = vector.broadcast %gt3A_553 : i32 to vector<16xi32>
            %gt3A_555 = arith.cmpi sgt, %all_reduce_population_count3A, %gt3A_554 : vector<16xi32>
            %select_n3A_556 = arith.select %gt3A_555, %get3A_339, %broadcast_in_dim3A_3 : vector<16xi1>, vector<16xf32>
            %gt3A_557 = arith.constant 8 : i32
            %gt3A_558 = vector.broadcast %gt3A_557 : i32 to vector<16xi32>
            %gt3A_559 = arith.cmpi sgt, %all_reduce_population_count3A, %gt3A_558 : vector<16xi32>
            %select_n3A_560 = arith.select %gt3A_559, %get3A_344, %broadcast_in_dim3A_3 : vector<16xi1>, vector<16xf32>
            %gt3A_561 = arith.constant 9 : i32
            %gt3A_562 = vector.broadcast %gt3A_561 : i32 to vector<16xi32>
            %gt3A_563 = arith.cmpi sgt, %all_reduce_population_count3A, %gt3A_562 : vector<16xi32>
            %select_n3A_564 = arith.select %gt3A_563, %get3A_349, %broadcast_in_dim3A_3 : vector<16xi1>, vector<16xf32>
            %gt3A_565 = arith.constant 10 : i32
            %gt3A_566 = vector.broadcast %gt3A_565 : i32 to vector<16xi32>
            %gt3A_567 = arith.cmpi sgt, %all_reduce_population_count3A, %gt3A_566 : vector<16xi32>
            %select_n3A_568 = arith.select %gt3A_567, %get3A_354, %broadcast_in_dim3A_3 : vector<16xi1>, vector<16xf32>
            %gt3A_569 = arith.constant 11 : i32
            %gt3A_570 = vector.broadcast %gt3A_569 : i32 to vector<16xi32>
            %gt3A_571 = arith.cmpi sgt, %all_reduce_population_count3A, %gt3A_570 : vector<16xi32>
            %select_n3A_572 = arith.select %gt3A_571, %get3A_359, %broadcast_in_dim3A_3 : vector<16xi1>, vector<16xf32>
            %gt3A_573 = arith.constant 12 : i32
            %gt3A_574 = vector.broadcast %gt3A_573 : i32 to vector<16xi32>
            %gt3A_575 = arith.cmpi sgt, %all_reduce_population_count3A, %gt3A_574 : vector<16xi32>
            %select_n3A_576 = arith.select %gt3A_575, %get3A_364, %broadcast_in_dim3A_3 : vector<16xi1>, vector<16xf32>
            %gt3A_577 = arith.constant 13 : i32
            %gt3A_578 = vector.broadcast %gt3A_577 : i32 to vector<16xi32>
            %gt3A_579 = arith.cmpi sgt, %all_reduce_population_count3A, %gt3A_578 : vector<16xi32>
            %select_n3A_580 = arith.select %gt3A_579, %get3A_369, %broadcast_in_dim3A_3 : vector<16xi1>, vector<16xf32>
            %gt3A_581 = arith.constant 14 : i32
            %gt3A_582 = vector.broadcast %gt3A_581 : i32 to vector<16xi32>
            %gt3A_583 = arith.cmpi sgt, %all_reduce_population_count3A, %gt3A_582 : vector<16xi32>
            %select_n3A_584 = arith.select %gt3A_583, %get3A_374, %broadcast_in_dim3A_3 : vector<16xi1>, vector<16xf32>
            %gt3A_585 = arith.constant 15 : i32
            %gt3A_586 = vector.broadcast %gt3A_585 : i32 to vector<16xi32>
            %gt3A_587 = arith.cmpi sgt, %all_reduce_population_count3A, %gt3A_586 : vector<16xi32>
            %select_n3A_588 = arith.select %gt3A_587, %get3A_379, %broadcast_in_dim3A_3 : vector<16xi1>, vector<16xf32>
            %add3A_589 = arith.addf %select_n3A_528, %select_n3A_532 : vector<16xf32>
            %add3A_590 = arith.addf %select_n3A_536, %select_n3A_540 : vector<16xf32>
            %add3A_591 = arith.addf %select_n3A_544, %select_n3A_548 : vector<16xf32>
            %add3A_592 = arith.addf %select_n3A_552, %select_n3A_556 : vector<16xf32>
            %add3A_593 = arith.addf %select_n3A_560, %select_n3A_564 : vector<16xf32>
            %add3A_594 = arith.addf %select_n3A_568, %select_n3A_572 : vector<16xf32>
            %add3A_595 = arith.addf %select_n3A_576, %select_n3A_580 : vector<16xf32>
            %add3A_596 = arith.addf %select_n3A_584, %select_n3A_588 : vector<16xf32>
            %add3A_597 = arith.addf %add3A_589, %add3A_590 : vector<16xf32>
            %add3A_598 = arith.addf %add3A_591, %add3A_592 : vector<16xf32>
            %add3A_599 = arith.addf %add3A_593, %add3A_594 : vector<16xf32>
            %add3A_600 = arith.addf %add3A_595, %add3A_596 : vector<16xf32>
            %add3A_601 = arith.addf %add3A_597, %add3A_598 : vector<16xf32>
            %add3A_602 = arith.addf %add3A_599, %add3A_600 : vector<16xf32>
            %add3A_603 = arith.addf %add3A_601, %add3A_602 : vector<16xf32>
            tpu.vector_store_idx %arg5[%broadcast_in_dim3A_430, %iota3A], %add3A_524 {add = true} : memref<256x32xf32, #tpu.memory_space<vmem>>[vector<16xi32>, vector<16xi32>], vector<16xf32>,
            tpu.vector_store_idx %arg5[%broadcast_in_dim3A_430, %add3A_5], %add3A_603 {add = true} : memref<256x32xf32, #tpu.memory_space<vmem>>[vector<16xi32>, vector<16xi32>], vector<16xf32>,
            %sub3A = arith.subf %add3A_394, %add3A_524 : vector<16xf32>
            %sub3A_604 = arith.subf %add3A_409, %add3A_603 : vector<16xf32>
            scf.yield %sub3A, %sub3A_604 : vector<16xf32>, vector<16xf32>
          } else {
            %add3A_448 = vector.broadcast %mul3A_218 : i32 to vector<16xi32>
            %add3A_449 = arith.addi %iota3A, %add3A_448 : vector<16xi32>
            %gather3A = tpu.vector_load_idx %arg6[%add3A_449, %broadcast_in_dim3A_7] : memref<1024x32xf32, #tpu.memory_space<vmem>>[vector<16xi32>, vector<16xi32>], vector<16xf32>,
            tpu.vector_store_idx %arg5[%get3A_219, %broadcast_in_dim3A_7], %gather3A {add = true} : memref<256x32xf32, #tpu.memory_space<vmem>>[vector<16xi32>, vector<16xi32>], vector<16xf32>,
            %gather3A_450 = tpu.vector_load_idx %arg6[%add3A_449, %broadcast_in_dim3A_9] : memref<1024x32xf32, #tpu.memory_space<vmem>>[vector<16xi32>, vector<16xi32>], vector<16xf32>,
            tpu.vector_store_idx %arg5[%get3A_219, %broadcast_in_dim3A_9], %gather3A_450 {add = true} : memref<256x32xf32, #tpu.memory_space<vmem>>[vector<16xi32>, vector<16xi32>], vector<16xf32>,
            %gather3A_451 = tpu.vector_load_idx %arg6[%add3A_449, %broadcast_in_dim3A_11] : memref<1024x32xf32, #tpu.memory_space<vmem>>[vector<16xi32>, vector<16xi32>], vector<16xf32>,
            tpu.vector_store_idx %arg5[%get3A_219, %broadcast_in_dim3A_11], %gather3A_451 {add = true} : memref<256x32xf32, #tpu.memory_space<vmem>>[vector<16xi32>, vector<16xi32>], vector<16xf32>,
            %gather3A_452 = tpu.vector_load_idx %arg6[%add3A_449, %broadcast_in_dim3A_13] : memref<1024x32xf32, #tpu.memory_space<vmem>>[vector<16xi32>, vector<16xi32>], vector<16xf32>,
            tpu.vector_store_idx %arg5[%get3A_219, %broadcast_in_dim3A_13], %gather3A_452 {add = true} : memref<256x32xf32, #tpu.memory_space<vmem>>[vector<16xi32>, vector<16xi32>], vector<16xf32>,
            %gather3A_453 = tpu.vector_load_idx %arg6[%add3A_449, %broadcast_in_dim3A_15] : memref<1024x32xf32, #tpu.memory_space<vmem>>[vector<16xi32>, vector<16xi32>], vector<16xf32>,
            tpu.vector_store_idx %arg5[%get3A_219, %broadcast_in_dim3A_15], %gather3A_453 {add = true} : memref<256x32xf32, #tpu.memory_space<vmem>>[vector<16xi32>, vector<16xi32>], vector<16xf32>,
            %gather3A_454 = tpu.vector_load_idx %arg6[%add3A_449, %broadcast_in_dim3A_17] : memref<1024x32xf32, #tpu.memory_space<vmem>>[vector<16xi32>, vector<16xi32>], vector<16xf32>,
            tpu.vector_store_idx %arg5[%get3A_219, %broadcast_in_dim3A_17], %gather3A_454 {add = true} : memref<256x32xf32, #tpu.memory_space<vmem>>[vector<16xi32>, vector<16xi32>], vector<16xf32>,
            %gather3A_455 = tpu.vector_load_idx %arg6[%add3A_449, %broadcast_in_dim3A_19] : memref<1024x32xf32, #tpu.memory_space<vmem>>[vector<16xi32>, vector<16xi32>], vector<16xf32>,
            tpu.vector_store_idx %arg5[%get3A_219, %broadcast_in_dim3A_19], %gather3A_455 {add = true} : memref<256x32xf32, #tpu.memory_space<vmem>>[vector<16xi32>, vector<16xi32>], vector<16xf32>,
            %gather3A_456 = tpu.vector_load_idx %arg6[%add3A_449, %broadcast_in_dim3A_21] : memref<1024x32xf32, #tpu.memory_space<vmem>>[vector<16xi32>, vector<16xi32>], vector<16xf32>,
            tpu.vector_store_idx %arg5[%get3A_219, %broadcast_in_dim3A_21], %gather3A_456 {add = true} : memref<256x32xf32, #tpu.memory_space<vmem>>[vector<16xi32>, vector<16xi32>], vector<16xf32>,
            %gather3A_457 = tpu.vector_load_idx %arg6[%add3A_449, %broadcast_in_dim3A_23] : memref<1024x32xf32, #tpu.memory_space<vmem>>[vector<16xi32>, vector<16xi32>], vector<16xf32>,
            tpu.vector_store_idx %arg5[%get3A_219, %broadcast_in_dim3A_23], %gather3A_457 {add = true} : memref<256x32xf32, #tpu.memory_space<vmem>>[vector<16xi32>, vector<16xi32>], vector<16xf32>,
            %gather3A_458 = tpu.vector_load_idx %arg6[%add3A_449, %broadcast_in_dim3A_25] : memref<1024x32xf32, #tpu.memory_space<vmem>>[vector<16xi32>, vector<16xi32>], vector<16xf32>,
            tpu.vector_store_idx %arg5[%get3A_219, %broadcast_in_dim3A_25], %gather3A_458 {add = true} : memref<256x32xf32, #tpu.memory_space<vmem>>[vector<16xi32>, vector<16xi32>], vector<16xf32>,
            %gather3A_459 = tpu.vector_load_idx %arg6[%add3A_449, %broadcast_in_dim3A_27] : memref<1024x32xf32, #tpu.memory_space<vmem>>[vector<16xi32>, vector<16xi32>], vector<16xf32>,
            tpu.vector_store_idx %arg5[%get3A_219, %broadcast_in_dim3A_27], %gather3A_459 {add = true} : memref<256x32xf32, #tpu.memory_space<vmem>>[vector<16xi32>, vector<16xi32>], vector<16xf32>,
            %gather3A_460 = tpu.vector_load_idx %arg6[%add3A_449, %broadcast_in_dim3A_29] : memref<1024x32xf32, #tpu.memory_space<vmem>>[vector<16xi32>, vector<16xi32>], vector<16xf32>,
            tpu.vector_store_idx %arg5[%get3A_219, %broadcast_in_dim3A_29], %gather3A_460 {add = true} : memref<256x32xf32, #tpu.memory_space<vmem>>[vector<16xi32>, vector<16xi32>], vector<16xf32>,
            %gather3A_461 = tpu.vector_load_idx %arg6[%add3A_449, %broadcast_in_dim3A_31] : memref<1024x32xf32, #tpu.memory_space<vmem>>[vector<16xi32>, vector<16xi32>], vector<16xf32>,
            tpu.vector_store_idx %arg5[%get3A_219, %broadcast_in_dim3A_31], %gather3A_461 {add = true} : memref<256x32xf32, #tpu.memory_space<vmem>>[vector<16xi32>, vector<16xi32>], vector<16xf32>,
            %gather3A_462 = tpu.vector_load_idx %arg6[%add3A_449, %broadcast_in_dim3A_33] : memref<1024x32xf32, #tpu.memory_space<vmem>>[vector<16xi32>, vector<16xi32>], vector<16xf32>,
            tpu.vector_store_idx %arg5[%get3A_219, %broadcast_in_dim3A_33], %gather3A_462 {add = true} : memref<256x32xf32, #tpu.memory_space<vmem>>[vector<16xi32>, vector<16xi32>], vector<16xf32>,
            %gather3A_463 = tpu.vector_load_idx %arg6[%add3A_449, %broadcast_in_dim3A_35] : memref<1024x32xf32, #tpu.memory_space<vmem>>[vector<16xi32>, vector<16xi32>], vector<16xf32>,
            tpu.vector_store_idx %arg5[%get3A_219, %broadcast_in_dim3A_35], %gather3A_463 {add = true} : memref<256x32xf32, #tpu.memory_space<vmem>>[vector<16xi32>, vector<16xi32>], vector<16xf32>,
            %gather3A_464 = tpu.vector_load_idx %arg6[%add3A_449, %broadcast_in_dim3A_37] : memref<1024x32xf32, #tpu.memory_space<vmem>>[vector<16xi32>, vector<16xi32>], vector<16xf32>,
            tpu.vector_store_idx %arg5[%get3A_219, %broadcast_in_dim3A_37], %gather3A_464 {add = true} : memref<256x32xf32, #tpu.memory_space<vmem>>[vector<16xi32>, vector<16xi32>], vector<16xf32>,
            %gather3A_465 = tpu.vector_load_idx %arg6[%add3A_449, %broadcast_in_dim3A_39] : memref<1024x32xf32, #tpu.memory_space<vmem>>[vector<16xi32>, vector<16xi32>], vector<16xf32>,
            tpu.vector_store_idx %arg5[%get3A_219, %broadcast_in_dim3A_39], %gather3A_465 {add = true} : memref<256x32xf32, #tpu.memory_space<vmem>>[vector<16xi32>, vector<16xi32>], vector<16xf32>,
            %gather3A_466 = tpu.vector_load_idx %arg6[%add3A_449, %broadcast_in_dim3A_41] : memref<1024x32xf32, #tpu.memory_space<vmem>>[vector<16xi32>, vector<16xi32>], vector<16xf32>,
            tpu.vector_store_idx %arg5[%get3A_219, %broadcast_in_dim3A_41], %gather3A_466 {add = true} : memref<256x32xf32, #tpu.memory_space<vmem>>[vector<16xi32>, vector<16xi32>], vector<16xf32>,
            %gather3A_467 = tpu.vector_load_idx %arg6[%add3A_449, %broadcast_in_dim3A_43] : memref<1024x32xf32, #tpu.memory_space<vmem>>[vector<16xi32>, vector<16xi32>], vector<16xf32>,
            tpu.vector_store_idx %arg5[%get3A_219, %broadcast_in_dim3A_43], %gather3A_467 {add = true} : memref<256x32xf32, #tpu.memory_space<vmem>>[vector<16xi32>, vector<16xi32>], vector<16xf32>,
            %gather3A_468 = tpu.vector_load_idx %arg6[%add3A_449, %broadcast_in_dim3A_45] : memref<1024x32xf32, #tpu.memory_space<vmem>>[vector<16xi32>, vector<16xi32>], vector<16xf32>,
            tpu.vector_store_idx %arg5[%get3A_219, %broadcast_in_dim3A_45], %gather3A_468 {add = true} : memref<256x32xf32, #tpu.memory_space<vmem>>[vector<16xi32>, vector<16xi32>], vector<16xf32>,
            %gather3A_469 = tpu.vector_load_idx %arg6[%add3A_449, %broadcast_in_dim3A_47] : memref<1024x32xf32, #tpu.memory_space<vmem>>[vector<16xi32>, vector<16xi32>], vector<16xf32>,
            tpu.vector_store_idx %arg5[%get3A_219, %broadcast_in_dim3A_47], %gather3A_469 {add = true} : memref<256x32xf32, #tpu.memory_space<vmem>>[vector<16xi32>, vector<16xi32>], vector<16xf32>,
            %gather3A_470 = tpu.vector_load_idx %arg6[%add3A_449, %broadcast_in_dim3A_49] : memref<1024x32xf32, #tpu.memory_space<vmem>>[vector<16xi32>, vector<16xi32>], vector<16xf32>,
            tpu.vector_store_idx %arg5[%get3A_219, %broadcast_in_dim3A_49], %gather3A_470 {add = true} : memref<256x32xf32, #tpu.memory_space<vmem>>[vector<16xi32>, vector<16xi32>], vector<16xf32>,
            %gather3A_471 = tpu.vector_load_idx %arg6[%add3A_449, %broadcast_in_dim3A_51] : memref<1024x32xf32, #tpu.memory_space<vmem>>[vector<16xi32>, vector<16xi32>], vector<16xf32>,
            tpu.vector_store_idx %arg5[%get3A_219, %broadcast_in_dim3A_51], %gather3A_471 {add = true} : memref<256x32xf32, #tpu.memory_space<vmem>>[vector<16xi32>, vector<16xi32>], vector<16xf32>,
            %gather3A_472 = tpu.vector_load_idx %arg6[%add3A_449, %broadcast_in_dim3A_53] : memref<1024x32xf32, #tpu.memory_space<vmem>>[vector<16xi32>, vector<16xi32>], vector<16xf32>,
            tpu.vector_store_idx %arg5[%get3A_219, %broadcast_in_dim3A_53], %gather3A_472 {add = true} : memref<256x32xf32, #tpu.memory_space<vmem>>[vector<16xi32>, vector<16xi32>], vector<16xf32>,
            %gather3A_473 = tpu.vector_load_idx %arg6[%add3A_449, %broadcast_in_dim3A_55] : memref<1024x32xf32, #tpu.memory_space<vmem>>[vector<16xi32>, vector<16xi32>], vector<16xf32>,
            tpu.vector_store_idx %arg5[%get3A_219, %broadcast_in_dim3A_55], %gather3A_473 {add = true} : memref<256x32xf32, #tpu.memory_space<vmem>>[vector<16xi32>, vector<16xi32>], vector<16xf32>,
            %gather3A_474 = tpu.vector_load_idx %arg6[%add3A_449, %broadcast_in_dim3A_57] : memref<1024x32xf32, #tpu.memory_space<vmem>>[vector<16xi32>, vector<16xi32>], vector<16xf32>,
            tpu.vector_store_idx %arg5[%get3A_219, %broadcast_in_dim3A_57], %gather3A_474 {add = true} : memref<256x32xf32, #tpu.memory_space<vmem>>[vector<16xi32>, vector<16xi32>], vector<16xf32>,
            %gather3A_475 = tpu.vector_load_idx %arg6[%add3A_449, %broadcast_in_dim3A_59] : memref<1024x32xf32, #tpu.memory_space<vmem>>[vector<16xi32>, vector<16xi32>], vector<16xf32>,
            tpu.vector_store_idx %arg5[%get3A_219, %broadcast_in_dim3A_59], %gather3A_475 {add = true} : memref<256x32xf32, #tpu.memory_space<vmem>>[vector<16xi32>, vector<16xi32>], vector<16xf32>,
            %gather3A_476 = tpu.vector_load_idx %arg6[%add3A_449, %broadcast_in_dim3A_61] : memref<1024x32xf32, #tpu.memory_space<vmem>>[vector<16xi32>, vector<16xi32>], vector<16xf32>,
            tpu.vector_store_idx %arg5[%get3A_219, %broadcast_in_dim3A_61], %gather3A_476 {add = true} : memref<256x32xf32, #tpu.memory_space<vmem>>[vector<16xi32>, vector<16xi32>], vector<16xf32>,
            %gather3A_477 = tpu.vector_load_idx %arg6[%add3A_449, %broadcast_in_dim3A_63] : memref<1024x32xf32, #tpu.memory_space<vmem>>[vector<16xi32>, vector<16xi32>], vector<16xf32>,
            tpu.vector_store_idx %arg5[%get3A_219, %broadcast_in_dim3A_63], %gather3A_477 {add = true} : memref<256x32xf32, #tpu.memory_space<vmem>>[vector<16xi32>, vector<16xi32>], vector<16xf32>,
            %gather3A_478 = tpu.vector_load_idx %arg6[%add3A_449, %broadcast_in_dim3A_65] : memref<1024x32xf32, #tpu.memory_space<vmem>>[vector<16xi32>, vector<16xi32>], vector<16xf32>,
            tpu.vector_store_idx %arg5[%get3A_219, %broadcast_in_dim3A_65], %gather3A_478 {add = true} : memref<256x32xf32, #tpu.memory_space<vmem>>[vector<16xi32>, vector<16xi32>], vector<16xf32>,
            %gather3A_479 = tpu.vector_load_idx %arg6[%add3A_449, %broadcast_in_dim3A_67] : memref<1024x32xf32, #tpu.memory_space<vmem>>[vector<16xi32>, vector<16xi32>], vector<16xf32>,
            tpu.vector_store_idx %arg5[%get3A_219, %broadcast_in_dim3A_67], %gather3A_479 {add = true} : memref<256x32xf32, #tpu.memory_space<vmem>>[vector<16xi32>, vector<16xi32>], vector<16xf32>,
            %gather3A_480 = tpu.vector_load_idx %arg6[%add3A_449, %broadcast_in_dim3A_69] : memref<1024x32xf32, #tpu.memory_space<vmem>>[vector<16xi32>, vector<16xi32>], vector<16xf32>,
            tpu.vector_store_idx %arg5[%get3A_219, %broadcast_in_dim3A_69], %gather3A_480 {add = true} : memref<256x32xf32, #tpu.memory_space<vmem>>[vector<16xi32>, vector<16xi32>], vector<16xf32>,
            scf.yield %broadcast_in_dim3A_3, %broadcast_in_dim3A_3 : vector<16xf32>, vector<16xf32>
          }
          scf.yield %reduce_max3A_416, %cond3A_447#0, %cond3A_447#1 : i32, vector<16xf32>, vector<16xf32>
        }
        scf.yield %cond3A_429#0, %cond3A_429#1, %cond3A_429#2 : i32, vector<16xf32>, vector<16xf32>
      }
      %scan3A_166 = arith.constant 64 : i32
      %add3A_167 = arith.constant 4096 : i32
      %add3A_168 = arith.addi %add3A_121, %add3A_167 : i32
      %dma_wait3A_169 = arith.constant 0 : i32
      %dma_wait3A_170 = arith.constant 0 : i32
      %dma_wait3A_171 = tpu.memref_slice %arg12[%dma_wait3A_169, %dma_wait3A_170] : memref<1024x512xf32, #tpu.memory_space<vmem_shared>> -> memref<64x512xf32, #tpu.memory_space<vmem_shared>>
      %dma_wait3A_172 = arith.constant 0 : i32
      %dma_wait3A_173 = arith.constant 0 : i32
      %dma_wait3A_174 = tpu.memref_slice %arg2[%dma_wait3A_172, %dma_wait3A_173] : memref<50000x512xf32, #tpu.memory_space<hbm>> -> memref<64x512xf32, #tpu.memory_space<hbm>>
      tpu.wait_dma2 semaphore(%arg14 : memref<!tpu.dma_semaphore, #tpu.memory_space<semaphore_mem>>) src(%dma_wait3A_174 : memref<64x512xf32, #tpu.memory_space<hbm>>) dst(%dma_wait3A_171 : memref<64x512xf32, #tpu.memory_space<vmem_shared>>)
      %dma_wait3A_175 = arith.constant 0 : i32
      %dma_wait3A_176 = tpu.memref_slice %arg3[%dma_wait3A_175] : memref<50000xi32, #tpu.memory_space<hbm>> -> memref<1024xi32, #tpu.memory_space<hbm>>
      %dma_wait3A_177 = arith.constant 0 : i32
      %dma_wait3A_178 = tpu.memref_slice %arg3[%dma_wait3A_177] : memref<50000xi32, #tpu.memory_space<hbm>> -> memref<1024xi32, #tpu.memory_space<hbm>>
      tpu.wait_dma2 semaphore(%arg14 : memref<!tpu.dma_semaphore, #tpu.memory_space<semaphore_mem>>) src(%dma_wait3A_178 : memref<1024xi32, #tpu.memory_space<hbm>>) dst(%arg9 : memref<1024xi32, #tpu.memory_space<vmem>>)
      %barrier3A_179 = arith.constant 0 : index
      tpu.barrier barrier_id(%barrier3A_179)
      "tpu.region"() ({
        %run_scoped3A = tpu.sem_alloc : memref<!tpu.dma_semaphore, #tpu.memory_space<semaphore_mem>>
        %dma_start3A_213 = arith.constant 0 : i32
        %dma_start3A_214 = tpu.memref_slice %arg12[%dma_start3A_213, %mul3A_2] : memref<1024x512xf32, #tpu.memory_space<vmem_shared>> -> memref<1024x32xf32, #tpu.memory_space<vmem_shared>>
        %dma_start3A_215 = arith.constant 0 : i32
        %dma_start3A_216 = tpu.memref_slice %arg12[%dma_start3A_215, %mul3A_2] : memref<1024x512xf32, #tpu.memory_space<vmem_shared>> -> memref<1024x32xf32, #tpu.memory_space<vmem_shared>>
        tpu.enqueue_dma source(%dma_start3A_216 : memref<1024x32xf32, #tpu.memory_space<vmem_shared>>) target(%arg6 : memref<1024x32xf32, #tpu.memory_space<vmem>>) target_semaphore(%run_scoped3A : memref<!tpu.dma_semaphore, #tpu.memory_space<semaphore_mem>>)
        %dma_wait3A_217 = arith.constant 0 : i32
        %dma_wait3A_218 = tpu.memref_slice %arg12[%dma_wait3A_217, %mul3A_2] : memref<1024x512xf32, #tpu.memory_space<vmem_shared>> -> memref<1024x32xf32, #tpu.memory_space<vmem_shared>>
        %dma_wait3A_219 = arith.constant 0 : i32
        %dma_wait3A_220 = tpu.memref_slice %arg12[%dma_wait3A_219, %mul3A_2] : memref<1024x512xf32, #tpu.memory_space<vmem_shared>> -> memref<1024x32xf32, #tpu.memory_space<vmem_shared>>
        tpu.wait_dma2 semaphore(%run_scoped3A : memref<!tpu.dma_semaphore, #tpu.memory_space<semaphore_mem>>) src(%dma_wait3A_220 : memref<1024x32xf32, #tpu.memory_space<vmem_shared>>) dst(%arg6 : memref<1024x32xf32, #tpu.memory_space<vmem>>)
        tpu.yield
      }) : () -> ()
      %barrier3A_180 = arith.constant 0 : index
      tpu.barrier barrier_id(%barrier3A_180)
      %convert_element_type3A_181 = arith.extui %lt3A_122 : i1 to i32
      %cond3A_182 = arith.constant 0 : i32
      %cond3A_183 = arith.cmpi ne, %convert_element_type3A_181, %cond3A_182 : i32
      scf.if %cond3A_183 {
        %mul3A_213 = arith.constant 64 : i32
        %mul3A_214 = arith.muli %arg1, %mul3A_213 : i32
        %add3A_215 = arith.addi %add3A_168, %mul3A_214 : i32
        %mul3A_216 = arith.constant 64 : i32
        %mul3A_217 = arith.muli %arg1, %mul3A_216 : i32
        %dma_start3A_218 = arith.constant 0 : i32
        %dma_start3A_219 = tpu.memref_slice %arg12[%mul3A_217, %dma_start3A_218] : memref<1024x512xf32, #tpu.memory_space<vmem_shared>> -> memref<64x512xf32, #tpu.memory_space<vmem_shared>>
        %dma_start3A_220 = arith.constant 0 : i32
        %dma_start3A_221 = tpu.memref_slice %arg2[%add3A_215, %dma_start3A_220] : memref<50000x512xf32, #tpu.memory_space<hbm>> -> memref<64x512xf32, #tpu.memory_space<hbm>>
        tpu.enqueue_dma source(%dma_start3A_221 : memref<64x512xf32, #tpu.memory_space<hbm>>) target(%dma_start3A_219 : memref<64x512xf32, #tpu.memory_space<vmem_shared>>) target_semaphore(%arg14 : memref<!tpu.dma_semaphore, #tpu.memory_space<semaphore_mem>>)
        %dma_start3A_222 = tpu.memref_slice %arg3[%add3A_168] : memref<50000xi32, #tpu.memory_space<hbm>> -> memref<1024xi32, #tpu.memory_space<hbm>>
        %dma_start3A_223 = tpu.memref_slice %arg3[%add3A_168] : memref<50000xi32, #tpu.memory_space<hbm>> -> memref<1024xi32, #tpu.memory_space<hbm>>
        tpu.enqueue_dma source(%dma_start3A_223 : memref<1024xi32, #tpu.memory_space<hbm>>) target(%arg7 : memref<1024xi32, #tpu.memory_space<vmem>>) target_semaphore(%arg14 : memref<!tpu.dma_semaphore, #tpu.memory_space<semaphore_mem>>)
      } else {
      }
      %scan3A_184 = arith.constant 0 : i32
      %scan3A_185 = arith.constant 64 : i32
      %scan3A_186 = arith.addi %scan3A_184, %scan3A_185 : i32
      %scan3A_187 = arith.constant 1 : i32
      %scan3A_188:3 = scf.for %scan3A_213 = %scan3A_184 to %scan3A_186 step %scan3A_187 iter_args(%scan3A_214 = %scan3A_165#0, %scan3A_215 = %scan3A_165#1, %scan3A_216 = %scan3A_165#2) -> (i32, vector<16xf32>, vector<16xf32>)  : i32 {
        %mul3A_217 = arith.constant 16 : i32
        %mul3A_218 = arith.muli %scan3A_213, %mul3A_217 : i32
        %get3A = arith.index_cast %mul3A_218 : i32 to index
        %get3A_219 = tpu.vector_load %arg9[%get3A] {strides = array<i32>} : memref<1024xi32, #tpu.memory_space<vmem>>, vector<16xi32>,
        %add3A_220 = arith.constant 0 : i32
        %add3A_221 = arith.addi %mul3A_218, %add3A_220 : i32
        %get3A_222 = arith.index_cast %add3A_221 : i32 to index
        %get3A_223 = arith.constant 0 : index
        %get3A_224 = tpu.vector_load %arg6[%get3A_222, %get3A_223] {strides = array<i32>} : memref<1024x32xf32, #tpu.memory_space<vmem>>, vector<16xf32>,
        %add3A_225 = arith.constant 1 : i32
        %add3A_226 = arith.addi %mul3A_218, %add3A_225 : i32
        %get3A_227 = arith.index_cast %add3A_226 : i32 to index
        %get3A_228 = arith.constant 0 : index
        %get3A_229 = tpu.vector_load %arg6[%get3A_227, %get3A_228] {strides = array<i32>} : memref<1024x32xf32, #tpu.memory_space<vmem>>, vector<16xf32>,
        %add3A_230 = arith.constant 2 : i32
        %add3A_231 = arith.addi %mul3A_218, %add3A_230 : i32
        %get3A_232 = arith.index_cast %add3A_231 : i32 to index
        %get3A_233 = arith.constant 0 : index
        %get3A_234 = tpu.vector_load %arg6[%get3A_232, %get3A_233] {strides = array<i32>} : memref<1024x32xf32, #tpu.memory_space<vmem>>, vector<16xf32>,
        %add3A_235 = arith.constant 3 : i32
        %add3A_236 = arith.addi %mul3A_218, %add3A_235 : i32
        %get3A_237 = arith.index_cast %add3A_236 : i32 to index
        %get3A_238 = arith.constant 0 : index
        %get3A_239 = tpu.vector_load %arg6[%get3A_237, %get3A_238] {strides = array<i32>} : memref<1024x32xf32, #tpu.memory_space<vmem>>, vector<16xf32>,
        %add3A_240 = arith.constant 4 : i32
        %add3A_241 = arith.addi %mul3A_218, %add3A_240 : i32
        %get3A_242 = arith.index_cast %add3A_241 : i32 to index
        %get3A_243 = arith.constant 0 : index
        %get3A_244 = tpu.vector_load %arg6[%get3A_242, %get3A_243] {strides = array<i32>} : memref<1024x32xf32, #tpu.memory_space<vmem>>, vector<16xf32>,
        %add3A_245 = arith.constant 5 : i32
        %add3A_246 = arith.addi %mul3A_218, %add3A_245 : i32
        %get3A_247 = arith.index_cast %add3A_246 : i32 to index
        %get3A_248 = arith.constant 0 : index
        %get3A_249 = tpu.vector_load %arg6[%get3A_247, %get3A_248] {strides = array<i32>} : memref<1024x32xf32, #tpu.memory_space<vmem>>, vector<16xf32>,
        %add3A_250 = arith.constant 6 : i32
        %add3A_251 = arith.addi %mul3A_218, %add3A_250 : i32
        %get3A_252 = arith.index_cast %add3A_251 : i32 to index
        %get3A_253 = arith.constant 0 : index
        %get3A_254 = tpu.vector_load %arg6[%get3A_252, %get3A_253] {strides = array<i32>} : memref<1024x32xf32, #tpu.memory_space<vmem>>, vector<16xf32>,
        %add3A_255 = arith.constant 7 : i32
        %add3A_256 = arith.addi %mul3A_218, %add3A_255 : i32
        %get3A_257 = arith.index_cast %add3A_256 : i32 to index
        %get3A_258 = arith.constant 0 : index
        %get3A_259 = tpu.vector_load %arg6[%get3A_257, %get3A_258] {strides = array<i32>} : memref<1024x32xf32, #tpu.memory_space<vmem>>, vector<16xf32>,
        %add3A_260 = arith.constant 8 : i32
        %add3A_261 = arith.addi %mul3A_218, %add3A_260 : i32
        %get3A_262 = arith.index_cast %add3A_261 : i32 to index
        %get3A_263 = arith.constant 0 : index
        %get3A_264 = tpu.vector_load %arg6[%get3A_262, %get3A_263] {strides = array<i32>} : memref<1024x32xf32, #tpu.memory_space<vmem>>, vector<16xf32>,
        %add3A_265 = arith.constant 9 : i32
        %add3A_266 = arith.addi %mul3A_218, %add3A_265 : i32
        %get3A_267 = arith.index_cast %add3A_266 : i32 to index
        %get3A_268 = arith.constant 0 : index
        %get3A_269 = tpu.vector_load %arg6[%get3A_267, %get3A_268] {strides = array<i32>} : memref<1024x32xf32, #tpu.memory_space<vmem>>, vector<16xf32>,
        %add3A_270 = arith.constant 10 : i32
        %add3A_271 = arith.addi %mul3A_218, %add3A_270 : i32
        %get3A_272 = arith.index_cast %add3A_271 : i32 to index
        %get3A_273 = arith.constant 0 : index
        %get3A_274 = tpu.vector_load %arg6[%get3A_272, %get3A_273] {strides = array<i32>} : memref<1024x32xf32, #tpu.memory_space<vmem>>, vector<16xf32>,
        %add3A_275 = arith.constant 11 : i32
        %add3A_276 = arith.addi %mul3A_218, %add3A_275 : i32
        %get3A_277 = arith.index_cast %add3A_276 : i32 to index
        %get3A_278 = arith.constant 0 : index
        %get3A_279 = tpu.vector_load %arg6[%get3A_277, %get3A_278] {strides = array<i32>} : memref<1024x32xf32, #tpu.memory_space<vmem>>, vector<16xf32>,
        %add3A_280 = arith.constant 12 : i32
        %add3A_281 = arith.addi %mul3A_218, %add3A_280 : i32
        %get3A_282 = arith.index_cast %add3A_281 : i32 to index
        %get3A_283 = arith.constant 0 : index
        %get3A_284 = tpu.vector_load %arg6[%get3A_282, %get3A_283] {strides = array<i32>} : memref<1024x32xf32, #tpu.memory_space<vmem>>, vector<16xf32>,
        %add3A_285 = arith.constant 13 : i32
        %add3A_286 = arith.addi %mul3A_218, %add3A_285 : i32
        %get3A_287 = arith.index_cast %add3A_286 : i32 to index
        %get3A_288 = arith.constant 0 : index
        %get3A_289 = tpu.vector_load %arg6[%get3A_287, %get3A_288] {strides = array<i32>} : memref<1024x32xf32, #tpu.memory_space<vmem>>, vector<16xf32>,
        %add3A_290 = arith.constant 14 : i32
        %add3A_291 = arith.addi %mul3A_218, %add3A_290 : i32
        %get3A_292 = arith.index_cast %add3A_291 : i32 to index
        %get3A_293 = arith.constant 0 : index
        %get3A_294 = tpu.vector_load %arg6[%get3A_292, %get3A_293] {strides = array<i32>} : memref<1024x32xf32, #tpu.memory_space<vmem>>, vector<16xf32>,
        %add3A_295 = arith.constant 15 : i32
        %add3A_296 = arith.addi %mul3A_218, %add3A_295 : i32
        %get3A_297 = arith.index_cast %add3A_296 : i32 to index
        %get3A_298 = arith.constant 0 : index
        %get3A_299 = tpu.vector_load %arg6[%get3A_297, %get3A_298] {strides = array<i32>} : memref<1024x32xf32, #tpu.memory_space<vmem>>, vector<16xf32>,
        %add3A_300 = arith.constant 0 : i32
        %add3A_301 = arith.addi %mul3A_218, %add3A_300 : i32
        %get3A_302 = arith.index_cast %add3A_301 : i32 to index
        %get3A_303 = arith.constant 16 : index
        %get3A_304 = tpu.vector_load %arg6[%get3A_302, %get3A_303] {strides = array<i32>} : memref<1024x32xf32, #tpu.memory_space<vmem>>, vector<16xf32>,
        %add3A_305 = arith.constant 1 : i32
        %add3A_306 = arith.addi %mul3A_218, %add3A_305 : i32
        %get3A_307 = arith.index_cast %add3A_306 : i32 to index
        %get3A_308 = arith.constant 16 : index
        %get3A_309 = tpu.vector_load %arg6[%get3A_307, %get3A_308] {strides = array<i32>} : memref<1024x32xf32, #tpu.memory_space<vmem>>, vector<16xf32>,
        %add3A_310 = arith.constant 2 : i32
        %add3A_311 = arith.addi %mul3A_218, %add3A_310 : i32
        %get3A_312 = arith.index_cast %add3A_311 : i32 to index
        %get3A_313 = arith.constant 16 : index
        %get3A_314 = tpu.vector_load %arg6[%get3A_312, %get3A_313] {strides = array<i32>} : memref<1024x32xf32, #tpu.memory_space<vmem>>, vector<16xf32>,
        %add3A_315 = arith.constant 3 : i32
        %add3A_316 = arith.addi %mul3A_218, %add3A_315 : i32
        %get3A_317 = arith.index_cast %add3A_316 : i32 to index
        %get3A_318 = arith.constant 16 : index
        %get3A_319 = tpu.vector_load %arg6[%get3A_317, %get3A_318] {strides = array<i32>} : memref<1024x32xf32, #tpu.memory_space<vmem>>, vector<16xf32>,
        %add3A_320 = arith.constant 4 : i32
        %add3A_321 = arith.addi %mul3A_218, %add3A_320 : i32
        %get3A_322 = arith.index_cast %add3A_321 : i32 to index
        %get3A_323 = arith.constant 16 : index
        %get3A_324 = tpu.vector_load %arg6[%get3A_322, %get3A_323] {strides = array<i32>} : memref<1024x32xf32, #tpu.memory_space<vmem>>, vector<16xf32>,
        %add3A_325 = arith.constant 5 : i32
        %add3A_326 = arith.addi %mul3A_218, %add3A_325 : i32
        %get3A_327 = arith.index_cast %add3A_326 : i32 to index
        %get3A_328 = arith.constant 16 : index
        %get3A_329 = tpu.vector_load %arg6[%get3A_327, %get3A_328] {strides = array<i32>} : memref<1024x32xf32, #tpu.memory_space<vmem>>, vector<16xf32>,
        %add3A_330 = arith.constant 6 : i32
        %add3A_331 = arith.addi %mul3A_218, %add3A_330 : i32
        %get3A_332 = arith.index_cast %add3A_331 : i32 to index
        %get3A_333 = arith.constant 16 : index
        %get3A_334 = tpu.vector_load %arg6[%get3A_332, %get3A_333] {strides = array<i32>} : memref<1024x32xf32, #tpu.memory_space<vmem>>, vector<16xf32>,
        %add3A_335 = arith.constant 7 : i32
        %add3A_336 = arith.addi %mul3A_218, %add3A_335 : i32
        %get3A_337 = arith.index_cast %add3A_336 : i32 to index
        %get3A_338 = arith.constant 16 : index
        %get3A_339 = tpu.vector_load %arg6[%get3A_337, %get3A_338] {strides = array<i32>} : memref<1024x32xf32, #tpu.memory_space<vmem>>, vector<16xf32>,
        %add3A_340 = arith.constant 8 : i32
        %add3A_341 = arith.addi %mul3A_218, %add3A_340 : i32
        %get3A_342 = arith.index_cast %add3A_341 : i32 to index
        %get3A_343 = arith.constant 16 : index
        %get3A_344 = tpu.vector_load %arg6[%get3A_342, %get3A_343] {strides = array<i32>} : memref<1024x32xf32, #tpu.memory_space<vmem>>, vector<16xf32>,
        %add3A_345 = arith.constant 9 : i32
        %add3A_346 = arith.addi %mul3A_218, %add3A_345 : i32
        %get3A_347 = arith.index_cast %add3A_346 : i32 to index
        %get3A_348 = arith.constant 16 : index
        %get3A_349 = tpu.vector_load %arg6[%get3A_347, %get3A_348] {strides = array<i32>} : memref<1024x32xf32, #tpu.memory_space<vmem>>, vector<16xf32>,
        %add3A_350 = arith.constant 10 : i32
        %add3A_351 = arith.addi %mul3A_218, %add3A_350 : i32
        %get3A_352 = arith.index_cast %add3A_351 : i32 to index
        %get3A_353 = arith.constant 16 : index
        %get3A_354 = tpu.vector_load %arg6[%get3A_352, %get3A_353] {strides = array<i32>} : memref<1024x32xf32, #tpu.memory_space<vmem>>, vector<16xf32>,
        %add3A_355 = arith.constant 11 : i32
        %add3A_356 = arith.addi %mul3A_218, %add3A_355 : i32
        %get3A_357 = arith.index_cast %add3A_356 : i32 to index
        %get3A_358 = arith.constant 16 : index
        %get3A_359 = tpu.vector_load %arg6[%get3A_357, %get3A_358] {strides = array<i32>} : memref<1024x32xf32, #tpu.memory_space<vmem>>, vector<16xf32>,
        %add3A_360 = arith.constant 12 : i32
        %add3A_361 = arith.addi %mul3A_218, %add3A_360 : i32
        %get3A_362 = arith.index_cast %add3A_361 : i32 to index
        %get3A_363 = arith.constant 16 : index
        %get3A_364 = tpu.vector_load %arg6[%get3A_362, %get3A_363] {strides = array<i32>} : memref<1024x32xf32, #tpu.memory_space<vmem>>, vector<16xf32>,
        %add3A_365 = arith.constant 13 : i32
        %add3A_366 = arith.addi %mul3A_218, %add3A_365 : i32
        %get3A_367 = arith.index_cast %add3A_366 : i32 to index
        %get3A_368 = arith.constant 16 : index
        %get3A_369 = tpu.vector_load %arg6[%get3A_367, %get3A_368] {strides = array<i32>} : memref<1024x32xf32, #tpu.memory_space<vmem>>, vector<16xf32>,
        %add3A_370 = arith.constant 14 : i32
        %add3A_371 = arith.addi %mul3A_218, %add3A_370 : i32
        %get3A_372 = arith.index_cast %add3A_371 : i32 to index
        %get3A_373 = arith.constant 16 : index
        %get3A_374 = tpu.vector_load %arg6[%get3A_372, %get3A_373] {strides = array<i32>} : memref<1024x32xf32, #tpu.memory_space<vmem>>, vector<16xf32>,
        %add3A_375 = arith.constant 15 : i32
        %add3A_376 = arith.addi %mul3A_218, %add3A_375 : i32
        %get3A_377 = arith.index_cast %add3A_376 : i32 to index
        %get3A_378 = arith.constant 16 : index
        %get3A_379 = tpu.vector_load %arg6[%get3A_377, %get3A_378] {strides = array<i32>} : memref<1024x32xf32, #tpu.memory_space<vmem>>, vector<16xf32>,
        %add3A_380 = arith.addf %get3A_224, %get3A_229 : vector<16xf32>
        %add3A_381 = arith.addf %get3A_234, %get3A_239 : vector<16xf32>
        %add3A_382 = arith.addf %get3A_244, %get3A_249 : vector<16xf32>
        %add3A_383 = arith.addf %get3A_254, %get3A_259 : vector<16xf32>
        %add3A_384 = arith.addf %get3A_264, %get3A_269 : vector<16xf32>
        %add3A_385 = arith.addf %get3A_274, %get3A_279 : vector<16xf32>
        %add3A_386 = arith.addf %get3A_284, %get3A_289 : vector<16xf32>
        %add3A_387 = arith.addf %get3A_294, %get3A_299 : vector<16xf32>
        %add3A_388 = arith.addf %add3A_380, %add3A_381 : vector<16xf32>
        %add3A_389 = arith.addf %add3A_382, %add3A_383 : vector<16xf32>
        %add3A_390 = arith.addf %add3A_384, %add3A_385 : vector<16xf32>
        %add3A_391 = arith.addf %add3A_386, %add3A_387 : vector<16xf32>
        %add3A_392 = arith.addf %add3A_388, %add3A_389 : vector<16xf32>
        %add3A_393 = arith.addf %add3A_390, %add3A_391 : vector<16xf32>
        %add3A_394 = arith.addf %add3A_392, %add3A_393 : vector<16xf32>
        %add3A_395 = arith.addf %get3A_304, %get3A_309 : vector<16xf32>
        %add3A_396 = arith.addf %get3A_314, %get3A_319 : vector<16xf32>
        %add3A_397 = arith.addf %get3A_324, %get3A_329 : vector<16xf32>
        %add3A_398 = arith.addf %get3A_334, %get3A_339 : vector<16xf32>
        %add3A_399 = arith.addf %get3A_344, %get3A_349 : vector<16xf32>
        %add3A_400 = arith.addf %get3A_354, %get3A_359 : vector<16xf32>
        %add3A_401 = arith.addf %get3A_364, %get3A_369 : vector<16xf32>
        %add3A_402 = arith.addf %get3A_374, %get3A_379 : vector<16xf32>
        %add3A_403 = arith.addf %add3A_395, %add3A_396 : vector<16xf32>
        %add3A_404 = arith.addf %add3A_397, %add3A_398 : vector<16xf32>
        %add3A_405 = arith.addf %add3A_399, %add3A_400 : vector<16xf32>
        %add3A_406 = arith.addf %add3A_401, %add3A_402 : vector<16xf32>
        %add3A_407 = arith.addf %add3A_403, %add3A_404 : vector<16xf32>
        %add3A_408 = arith.addf %add3A_405, %add3A_406 : vector<16xf32>
        %add3A_409 = arith.addf %add3A_407, %add3A_408 : vector<16xf32>
        %reduce_max3A = arith.constant true
        %reduce_max3A_410 = vector.broadcast %reduce_max3A : i1 to vector<16xi1>
        %reduce_max3A_411 = arith.constant -2147483648 : i32
        %reduce_max3A_412 = vector.broadcast %reduce_max3A_411 : i32 to vector<16xi32>
        %reduce_max3A_413 = arith.xori %get3A_219, %reduce_max3A_412 : vector<16xi32>
        %reduce_max3A_414 = tpu.scan <max>, %reduce_max3A_413 masked %reduce_max3A_410 : vector<16xi32>, vector<16xi1> -> vector<16xi32>
        %reduce_max3A_415 = arith.xori %reduce_max3A_414, %reduce_max3A_412 : vector<16xi32>
        %reduce_max3A_416 = vector.extract %reduce_max3A_415[15] : i32 from vector<16xi32>
        %reduce_min3A = arith.constant true
        %reduce_min3A_417 = vector.broadcast %reduce_min3A : i1 to vector<16xi1>
        %reduce_min3A_418 = arith.constant -2147483648 : i32
        %reduce_min3A_419 = vector.broadcast %reduce_min3A_418 : i32 to vector<16xi32>
        %reduce_min3A_420 = arith.xori %get3A_219, %reduce_min3A_419 : vector<16xi32>
        %reduce_min3A_421 = tpu.scan <min>, %reduce_min3A_420 masked %reduce_min3A_417 : vector<16xi32>, vector<16xi1> -> vector<16xi32>
        %reduce_min3A_422 = arith.xori %reduce_min3A_421, %reduce_min3A_419 : vector<16xi32>
        %reduce_min3A_423 = vector.extract %reduce_min3A_422[15] : i32 from vector<16xi32>
        %broadcast_in_dim3A_424 = vector.broadcast %scan3A_214 : i32 to vector<16xi32>
        %eq3A_425 = arith.cmpi eq, %reduce_min3A_423, %reduce_max3A_416 : i32
        %convert_element_type3A_426 = arith.extui %eq3A_425 : i1 to i32
        %cond3A_427 = arith.constant 0 : i32
        %cond3A_428 = arith.cmpi ne, %convert_element_type3A_426, %cond3A_427 : i32
        %cond3A_429:3 = scf.if %cond3A_428 -> (i32, vector<16xf32>, vector<16xf32>) {
          %eq3A_430 = arith.cmpi eq, %scan3A_214, %reduce_min3A_423 : i32
          %convert_element_type3A_431 = arith.extui %eq3A_430 : i1 to i32
          %cond3A_432 = arith.constant 0 : i32
          %cond3A_433 = arith.cmpi ne, %convert_element_type3A_431, %cond3A_432 : i32
          %cond3A_434:3 = scf.if %cond3A_433 -> (i32, vector<16xf32>, vector<16xf32>) {
            %add3A_435 = arith.addf %scan3A_215, %add3A_394 : vector<16xf32>
            %add3A_436 = arith.addf %scan3A_216, %add3A_409 : vector<16xf32>
            scf.yield %scan3A_214, %add3A_435, %add3A_436 : i32, vector<16xf32>, vector<16xf32>
          } else {
            tpu.vector_store_idx %arg5[%broadcast_in_dim3A_424, %iota3A], %scan3A_215 {add = true} : memref<256x32xf32, #tpu.memory_space<vmem>>[vector<16xi32>, vector<16xi32>], vector<16xf32>,
            tpu.vector_store_idx %arg5[%broadcast_in_dim3A_424, %add3A_5], %scan3A_216 {add = true} : memref<256x32xf32, #tpu.memory_space<vmem>>[vector<16xi32>, vector<16xi32>], vector<16xf32>,
            scf.yield %reduce_max3A_416, %add3A_394, %add3A_409 : i32, vector<16xf32>, vector<16xf32>
          }
          scf.yield %cond3A_434#0, %cond3A_434#1, %cond3A_434#2 : i32, vector<16xf32>, vector<16xf32>
        } else {
          tpu.vector_store_idx %arg5[%broadcast_in_dim3A_424, %iota3A], %scan3A_215 {add = true} : memref<256x32xf32, #tpu.memory_space<vmem>>[vector<16xi32>, vector<16xi32>], vector<16xf32>,
          tpu.vector_store_idx %arg5[%broadcast_in_dim3A_424, %add3A_5], %scan3A_216 {add = true} : memref<256x32xf32, #tpu.memory_space<vmem>>[vector<16xi32>, vector<16xi32>], vector<16xf32>,
          %broadcast_in_dim3A_430 = vector.broadcast %reduce_min3A_423 : i32 to vector<16xi32>
          %broadcast_in_dim3A_431 = vector.broadcast %reduce_max3A_416 : i32 to vector<16xi32>
          %eq3A_432 = arith.cmpi eq, %get3A_219, %broadcast_in_dim3A_430 : vector<16xi32>
          %eq3A_433 = arith.cmpi eq, %get3A_219, %broadcast_in_dim3A_431 : vector<16xi32>
          %or3A = arith.ori %eq3A_432, %eq3A_433 : vector<16xi1>
          %reduce_and3A = arith.constant 1.000000e+00 : f32
          %reduce_and3A_434 = arith.constant 0.000000e+00 : f32
          %reduce_and3A_435 = vector.broadcast %reduce_and3A : f32 to vector<16xf32>
          %reduce_and3A_436 = vector.broadcast %reduce_and3A_434 : f32 to vector<16xf32>
          %reduce_and3A_437 = arith.select %or3A, %reduce_and3A_435, %reduce_and3A_436 : vector<16xi1>, vector<16xf32>
          %reduce_and3A_438 = arith.constant true
          %reduce_and3A_439 = vector.broadcast %reduce_and3A_438 : i1 to vector<16xi1>
          %reduce_and3A_440 = tpu.scan <min>, %reduce_and3A_437 masked %reduce_and3A_439 : vector<16xf32>, vector<16xi1> -> vector<16xf32>
          %reduce_and3A_441 = vector.extract %reduce_and3A_440[15] : f32 from vector<16xf32>
          %reduce_and3A_442 = arith.constant 0.000000e+00 : f32
          %reduce_and3A_443 = arith.cmpf ogt, %reduce_and3A_441, %reduce_and3A_442 : f32
          %all_reduce_population_count3A = tpu.all_reduce %eq3A_432 {dim = 0 : i64, kind = #tpu.reduction_kind<sum>} : vector<16xi1> -> vector<16xi32>
          %convert_element_type3A_444 = arith.extui %reduce_and3A_443 : i1 to i32
          %cond3A_445 = arith.constant 0 : i32
          %cond3A_446 = arith.cmpi ne, %convert_element_type3A_444, %cond3A_445 : i32
          %cond3A_447:2 = scf.if %cond3A_446 -> (vector<16xf32>, vector<16xf32>) {
            %gt3A = arith.constant 0 : i32
            %gt3A_448 = vector.broadcast %gt3A : i32 to vector<16xi32>
            %gt3A_449 = arith.cmpi sgt, %all_reduce_population_count3A, %gt3A_448 : vector<16xi32>
            %select_n3A = arith.select %gt3A_449, %get3A_224, %broadcast_in_dim3A_3 : vector<16xi1>, vector<16xf32>
            %gt3A_450 = arith.constant 1 : i32
            %gt3A_451 = vector.broadcast %gt3A_450 : i32 to vector<16xi32>
            %gt3A_452 = arith.cmpi sgt, %all_reduce_population_count3A, %gt3A_451 : vector<16xi32>
            %select_n3A_453 = arith.select %gt3A_452, %get3A_229, %broadcast_in_dim3A_3 : vector<16xi1>, vector<16xf32>
            %gt3A_454 = arith.constant 2 : i32
            %gt3A_455 = vector.broadcast %gt3A_454 : i32 to vector<16xi32>
            %gt3A_456 = arith.cmpi sgt, %all_reduce_population_count3A, %gt3A_455 : vector<16xi32>
            %select_n3A_457 = arith.select %gt3A_456, %get3A_234, %broadcast_in_dim3A_3 : vector<16xi1>, vector<16xf32>
            %gt3A_458 = arith.constant 3 : i32
            %gt3A_459 = vector.broadcast %gt3A_458 : i32 to vector<16xi32>
            %gt3A_460 = arith.cmpi sgt, %all_reduce_population_count3A, %gt3A_459 : vector<16xi32>
            %select_n3A_461 = arith.select %gt3A_460, %get3A_239, %broadcast_in_dim3A_3 : vector<16xi1>, vector<16xf32>
            %gt3A_462 = arith.constant 4 : i32
            %gt3A_463 = vector.broadcast %gt3A_462 : i32 to vector<16xi32>
            %gt3A_464 = arith.cmpi sgt, %all_reduce_population_count3A, %gt3A_463 : vector<16xi32>
            %select_n3A_465 = arith.select %gt3A_464, %get3A_244, %broadcast_in_dim3A_3 : vector<16xi1>, vector<16xf32>
            %gt3A_466 = arith.constant 5 : i32
            %gt3A_467 = vector.broadcast %gt3A_466 : i32 to vector<16xi32>
            %gt3A_468 = arith.cmpi sgt, %all_reduce_population_count3A, %gt3A_467 : vector<16xi32>
            %select_n3A_469 = arith.select %gt3A_468, %get3A_249, %broadcast_in_dim3A_3 : vector<16xi1>, vector<16xf32>
            %gt3A_470 = arith.constant 6 : i32
            %gt3A_471 = vector.broadcast %gt3A_470 : i32 to vector<16xi32>
            %gt3A_472 = arith.cmpi sgt, %all_reduce_population_count3A, %gt3A_471 : vector<16xi32>
            %select_n3A_473 = arith.select %gt3A_472, %get3A_254, %broadcast_in_dim3A_3 : vector<16xi1>, vector<16xf32>
            %gt3A_474 = arith.constant 7 : i32
            %gt3A_475 = vector.broadcast %gt3A_474 : i32 to vector<16xi32>
            %gt3A_476 = arith.cmpi sgt, %all_reduce_population_count3A, %gt3A_475 : vector<16xi32>
            %select_n3A_477 = arith.select %gt3A_476, %get3A_259, %broadcast_in_dim3A_3 : vector<16xi1>, vector<16xf32>
            %gt3A_478 = arith.constant 8 : i32
            %gt3A_479 = vector.broadcast %gt3A_478 : i32 to vector<16xi32>
            %gt3A_480 = arith.cmpi sgt, %all_reduce_population_count3A, %gt3A_479 : vector<16xi32>
            %select_n3A_481 = arith.select %gt3A_480, %get3A_264, %broadcast_in_dim3A_3 : vector<16xi1>, vector<16xf32>
            %gt3A_482 = arith.constant 9 : i32
            %gt3A_483 = vector.broadcast %gt3A_482 : i32 to vector<16xi32>
            %gt3A_484 = arith.cmpi sgt, %all_reduce_population_count3A, %gt3A_483 : vector<16xi32>
            %select_n3A_485 = arith.select %gt3A_484, %get3A_269, %broadcast_in_dim3A_3 : vector<16xi1>, vector<16xf32>
            %gt3A_486 = arith.constant 10 : i32
            %gt3A_487 = vector.broadcast %gt3A_486 : i32 to vector<16xi32>
            %gt3A_488 = arith.cmpi sgt, %all_reduce_population_count3A, %gt3A_487 : vector<16xi32>
            %select_n3A_489 = arith.select %gt3A_488, %get3A_274, %broadcast_in_dim3A_3 : vector<16xi1>, vector<16xf32>
            %gt3A_490 = arith.constant 11 : i32
            %gt3A_491 = vector.broadcast %gt3A_490 : i32 to vector<16xi32>
            %gt3A_492 = arith.cmpi sgt, %all_reduce_population_count3A, %gt3A_491 : vector<16xi32>
            %select_n3A_493 = arith.select %gt3A_492, %get3A_279, %broadcast_in_dim3A_3 : vector<16xi1>, vector<16xf32>
            %gt3A_494 = arith.constant 12 : i32
            %gt3A_495 = vector.broadcast %gt3A_494 : i32 to vector<16xi32>
            %gt3A_496 = arith.cmpi sgt, %all_reduce_population_count3A, %gt3A_495 : vector<16xi32>
            %select_n3A_497 = arith.select %gt3A_496, %get3A_284, %broadcast_in_dim3A_3 : vector<16xi1>, vector<16xf32>
            %gt3A_498 = arith.constant 13 : i32
            %gt3A_499 = vector.broadcast %gt3A_498 : i32 to vector<16xi32>
            %gt3A_500 = arith.cmpi sgt, %all_reduce_population_count3A, %gt3A_499 : vector<16xi32>
            %select_n3A_501 = arith.select %gt3A_500, %get3A_289, %broadcast_in_dim3A_3 : vector<16xi1>, vector<16xf32>
            %gt3A_502 = arith.constant 14 : i32
            %gt3A_503 = vector.broadcast %gt3A_502 : i32 to vector<16xi32>
            %gt3A_504 = arith.cmpi sgt, %all_reduce_population_count3A, %gt3A_503 : vector<16xi32>
            %select_n3A_505 = arith.select %gt3A_504, %get3A_294, %broadcast_in_dim3A_3 : vector<16xi1>, vector<16xf32>
            %gt3A_506 = arith.constant 15 : i32
            %gt3A_507 = vector.broadcast %gt3A_506 : i32 to vector<16xi32>
            %gt3A_508 = arith.cmpi sgt, %all_reduce_population_count3A, %gt3A_507 : vector<16xi32>
            %select_n3A_509 = arith.select %gt3A_508, %get3A_299, %broadcast_in_dim3A_3 : vector<16xi1>, vector<16xf32>
            %add3A_510 = arith.addf %select_n3A, %select_n3A_453 : vector<16xf32>
            %add3A_511 = arith.addf %select_n3A_457, %select_n3A_461 : vector<16xf32>
            %add3A_512 = arith.addf %select_n3A_465, %select_n3A_469 : vector<16xf32>
            %add3A_513 = arith.addf %select_n3A_473, %select_n3A_477 : vector<16xf32>
            %add3A_514 = arith.addf %select_n3A_481, %select_n3A_485 : vector<16xf32>
            %add3A_515 = arith.addf %select_n3A_489, %select_n3A_493 : vector<16xf32>
            %add3A_516 = arith.addf %select_n3A_497, %select_n3A_501 : vector<16xf32>
            %add3A_517 = arith.addf %select_n3A_505, %select_n3A_509 : vector<16xf32>
            %add3A_518 = arith.addf %add3A_510, %add3A_511 : vector<16xf32>
            %add3A_519 = arith.addf %add3A_512, %add3A_513 : vector<16xf32>
            %add3A_520 = arith.addf %add3A_514, %add3A_515 : vector<16xf32>
            %add3A_521 = arith.addf %add3A_516, %add3A_517 : vector<16xf32>
            %add3A_522 = arith.addf %add3A_518, %add3A_519 : vector<16xf32>
            %add3A_523 = arith.addf %add3A_520, %add3A_521 : vector<16xf32>
            %add3A_524 = arith.addf %add3A_522, %add3A_523 : vector<16xf32>
            %gt3A_525 = arith.constant 0 : i32
            %gt3A_526 = vector.broadcast %gt3A_525 : i32 to vector<16xi32>
            %gt3A_527 = arith.cmpi sgt, %all_reduce_population_count3A, %gt3A_526 : vector<16xi32>
            %select_n3A_528 = arith.select %gt3A_527, %get3A_304, %broadcast_in_dim3A_3 : vector<16xi1>, vector<16xf32>
            %gt3A_529 = arith.constant 1 : i32
            %gt3A_530 = vector.broadcast %gt3A_529 : i32 to vector<16xi32>
            %gt3A_531 = arith.cmpi sgt, %all_reduce_population_count3A, %gt3A_530 : vector<16xi32>
            %select_n3A_532 = arith.select %gt3A_531, %get3A_309, %broadcast_in_dim3A_3 : vector<16xi1>, vector<16xf32>
            %gt3A_533 = arith.constant 2 : i32
            %gt3A_534 = vector.broadcast %gt3A_533 : i32 to vector<16xi32>
            %gt3A_535 = arith.cmpi sgt, %all_reduce_population_count3A, %gt3A_534 : vector<16xi32>
            %select_n3A_536 = arith.select %gt3A_535, %get3A_314, %broadcast_in_dim3A_3 : vector<16xi1>, vector<16xf32>
            %gt3A_537 = arith.constant 3 : i32
            %gt3A_538 = vector.broadcast %gt3A_537 : i32 to vector<16xi32>
            %gt3A_539 = arith.cmpi sgt, %all_reduce_population_count3A, %gt3A_538 : vector<16xi32>
            %select_n3A_540 = arith.select %gt3A_539, %get3A_319, %broadcast_in_dim3A_3 : vector<16xi1>, vector<16xf32>
            %gt3A_541 = arith.constant 4 : i32
            %gt3A_542 = vector.broadcast %gt3A_541 : i32 to vector<16xi32>
            %gt3A_543 = arith.cmpi sgt, %all_reduce_population_count3A, %gt3A_542 : vector<16xi32>
            %select_n3A_544 = arith.select %gt3A_543, %get3A_324, %broadcast_in_dim3A_3 : vector<16xi1>, vector<16xf32>
            %gt3A_545 = arith.constant 5 : i32
            %gt3A_546 = vector.broadcast %gt3A_545 : i32 to vector<16xi32>
            %gt3A_547 = arith.cmpi sgt, %all_reduce_population_count3A, %gt3A_546 : vector<16xi32>
            %select_n3A_548 = arith.select %gt3A_547, %get3A_329, %broadcast_in_dim3A_3 : vector<16xi1>, vector<16xf32>
            %gt3A_549 = arith.constant 6 : i32
            %gt3A_550 = vector.broadcast %gt3A_549 : i32 to vector<16xi32>
            %gt3A_551 = arith.cmpi sgt, %all_reduce_population_count3A, %gt3A_550 : vector<16xi32>
            %select_n3A_552 = arith.select %gt3A_551, %get3A_334, %broadcast_in_dim3A_3 : vector<16xi1>, vector<16xf32>
            %gt3A_553 = arith.constant 7 : i32
            %gt3A_554 = vector.broadcast %gt3A_553 : i32 to vector<16xi32>
            %gt3A_555 = arith.cmpi sgt, %all_reduce_population_count3A, %gt3A_554 : vector<16xi32>
            %select_n3A_556 = arith.select %gt3A_555, %get3A_339, %broadcast_in_dim3A_3 : vector<16xi1>, vector<16xf32>
            %gt3A_557 = arith.constant 8 : i32
            %gt3A_558 = vector.broadcast %gt3A_557 : i32 to vector<16xi32>
            %gt3A_559 = arith.cmpi sgt, %all_reduce_population_count3A, %gt3A_558 : vector<16xi32>
            %select_n3A_560 = arith.select %gt3A_559, %get3A_344, %broadcast_in_dim3A_3 : vector<16xi1>, vector<16xf32>
            %gt3A_561 = arith.constant 9 : i32
            %gt3A_562 = vector.broadcast %gt3A_561 : i32 to vector<16xi32>
            %gt3A_563 = arith.cmpi sgt, %all_reduce_population_count3A, %gt3A_562 : vector<16xi32>
            %select_n3A_564 = arith.select %gt3A_563, %get3A_349, %broadcast_in_dim3A_3 : vector<16xi1>, vector<16xf32>
            %gt3A_565 = arith.constant 10 : i32
            %gt3A_566 = vector.broadcast %gt3A_565 : i32 to vector<16xi32>
            %gt3A_567 = arith.cmpi sgt, %all_reduce_population_count3A, %gt3A_566 : vector<16xi32>
            %select_n3A_568 = arith.select %gt3A_567, %get3A_354, %broadcast_in_dim3A_3 : vector<16xi1>, vector<16xf32>
            %gt3A_569 = arith.constant 11 : i32
            %gt3A_570 = vector.broadcast %gt3A_569 : i32 to vector<16xi32>
            %gt3A_571 = arith.cmpi sgt, %all_reduce_population_count3A, %gt3A_570 : vector<16xi32>
            %select_n3A_572 = arith.select %gt3A_571, %get3A_359, %broadcast_in_dim3A_3 : vector<16xi1>, vector<16xf32>
            %gt3A_573 = arith.constant 12 : i32
            %gt3A_574 = vector.broadcast %gt3A_573 : i32 to vector<16xi32>
            %gt3A_575 = arith.cmpi sgt, %all_reduce_population_count3A, %gt3A_574 : vector<16xi32>
            %select_n3A_576 = arith.select %gt3A_575, %get3A_364, %broadcast_in_dim3A_3 : vector<16xi1>, vector<16xf32>
            %gt3A_577 = arith.constant 13 : i32
            %gt3A_578 = vector.broadcast %gt3A_577 : i32 to vector<16xi32>
            %gt3A_579 = arith.cmpi sgt, %all_reduce_population_count3A, %gt3A_578 : vector<16xi32>
            %select_n3A_580 = arith.select %gt3A_579, %get3A_369, %broadcast_in_dim3A_3 : vector<16xi1>, vector<16xf32>
            %gt3A_581 = arith.constant 14 : i32
            %gt3A_582 = vector.broadcast %gt3A_581 : i32 to vector<16xi32>
            %gt3A_583 = arith.cmpi sgt, %all_reduce_population_count3A, %gt3A_582 : vector<16xi32>
            %select_n3A_584 = arith.select %gt3A_583, %get3A_374, %broadcast_in_dim3A_3 : vector<16xi1>, vector<16xf32>
            %gt3A_585 = arith.constant 15 : i32
            %gt3A_586 = vector.broadcast %gt3A_585 : i32 to vector<16xi32>
            %gt3A_587 = arith.cmpi sgt, %all_reduce_population_count3A, %gt3A_586 : vector<16xi32>
            %select_n3A_588 = arith.select %gt3A_587, %get3A_379, %broadcast_in_dim3A_3 : vector<16xi1>, vector<16xf32>
            %add3A_589 = arith.addf %select_n3A_528, %select_n3A_532 : vector<16xf32>
            %add3A_590 = arith.addf %select_n3A_536, %select_n3A_540 : vector<16xf32>
            %add3A_591 = arith.addf %select_n3A_544, %select_n3A_548 : vector<16xf32>
            %add3A_592 = arith.addf %select_n3A_552, %select_n3A_556 : vector<16xf32>
            %add3A_593 = arith.addf %select_n3A_560, %select_n3A_564 : vector<16xf32>
            %add3A_594 = arith.addf %select_n3A_568, %select_n3A_572 : vector<16xf32>
            %add3A_595 = arith.addf %select_n3A_576, %select_n3A_580 : vector<16xf32>
            %add3A_596 = arith.addf %select_n3A_584, %select_n3A_588 : vector<16xf32>
            %add3A_597 = arith.addf %add3A_589, %add3A_590 : vector<16xf32>
            %add3A_598 = arith.addf %add3A_591, %add3A_592 : vector<16xf32>
            %add3A_599 = arith.addf %add3A_593, %add3A_594 : vector<16xf32>
            %add3A_600 = arith.addf %add3A_595, %add3A_596 : vector<16xf32>
            %add3A_601 = arith.addf %add3A_597, %add3A_598 : vector<16xf32>
            %add3A_602 = arith.addf %add3A_599, %add3A_600 : vector<16xf32>
            %add3A_603 = arith.addf %add3A_601, %add3A_602 : vector<16xf32>
            tpu.vector_store_idx %arg5[%broadcast_in_dim3A_430, %iota3A], %add3A_524 {add = true} : memref<256x32xf32, #tpu.memory_space<vmem>>[vector<16xi32>, vector<16xi32>], vector<16xf32>,
            tpu.vector_store_idx %arg5[%broadcast_in_dim3A_430, %add3A_5], %add3A_603 {add = true} : memref<256x32xf32, #tpu.memory_space<vmem>>[vector<16xi32>, vector<16xi32>], vector<16xf32>,
            %sub3A = arith.subf %add3A_394, %add3A_524 : vector<16xf32>
            %sub3A_604 = arith.subf %add3A_409, %add3A_603 : vector<16xf32>
            scf.yield %sub3A, %sub3A_604 : vector<16xf32>, vector<16xf32>
          } else {
            %add3A_448 = vector.broadcast %mul3A_218 : i32 to vector<16xi32>
            %add3A_449 = arith.addi %iota3A, %add3A_448 : vector<16xi32>
            %gather3A = tpu.vector_load_idx %arg6[%add3A_449, %broadcast_in_dim3A_7] : memref<1024x32xf32, #tpu.memory_space<vmem>>[vector<16xi32>, vector<16xi32>], vector<16xf32>,
            tpu.vector_store_idx %arg5[%get3A_219, %broadcast_in_dim3A_7], %gather3A {add = true} : memref<256x32xf32, #tpu.memory_space<vmem>>[vector<16xi32>, vector<16xi32>], vector<16xf32>,
            %gather3A_450 = tpu.vector_load_idx %arg6[%add3A_449, %broadcast_in_dim3A_9] : memref<1024x32xf32, #tpu.memory_space<vmem>>[vector<16xi32>, vector<16xi32>], vector<16xf32>,
            tpu.vector_store_idx %arg5[%get3A_219, %broadcast_in_dim3A_9], %gather3A_450 {add = true} : memref<256x32xf32, #tpu.memory_space<vmem>>[vector<16xi32>, vector<16xi32>], vector<16xf32>,
            %gather3A_451 = tpu.vector_load_idx %arg6[%add3A_449, %broadcast_in_dim3A_11] : memref<1024x32xf32, #tpu.memory_space<vmem>>[vector<16xi32>, vector<16xi32>], vector<16xf32>,
            tpu.vector_store_idx %arg5[%get3A_219, %broadcast_in_dim3A_11], %gather3A_451 {add = true} : memref<256x32xf32, #tpu.memory_space<vmem>>[vector<16xi32>, vector<16xi32>], vector<16xf32>,
            %gather3A_452 = tpu.vector_load_idx %arg6[%add3A_449, %broadcast_in_dim3A_13] : memref<1024x32xf32, #tpu.memory_space<vmem>>[vector<16xi32>, vector<16xi32>], vector<16xf32>,
            tpu.vector_store_idx %arg5[%get3A_219, %broadcast_in_dim3A_13], %gather3A_452 {add = true} : memref<256x32xf32, #tpu.memory_space<vmem>>[vector<16xi32>, vector<16xi32>], vector<16xf32>,
            %gather3A_453 = tpu.vector_load_idx %arg6[%add3A_449, %broadcast_in_dim3A_15] : memref<1024x32xf32, #tpu.memory_space<vmem>>[vector<16xi32>, vector<16xi32>], vector<16xf32>,
            tpu.vector_store_idx %arg5[%get3A_219, %broadcast_in_dim3A_15], %gather3A_453 {add = true} : memref<256x32xf32, #tpu.memory_space<vmem>>[vector<16xi32>, vector<16xi32>], vector<16xf32>,
            %gather3A_454 = tpu.vector_load_idx %arg6[%add3A_449, %broadcast_in_dim3A_17] : memref<1024x32xf32, #tpu.memory_space<vmem>>[vector<16xi32>, vector<16xi32>], vector<16xf32>,
            tpu.vector_store_idx %arg5[%get3A_219, %broadcast_in_dim3A_17], %gather3A_454 {add = true} : memref<256x32xf32, #tpu.memory_space<vmem>>[vector<16xi32>, vector<16xi32>], vector<16xf32>,
            %gather3A_455 = tpu.vector_load_idx %arg6[%add3A_449, %broadcast_in_dim3A_19] : memref<1024x32xf32, #tpu.memory_space<vmem>>[vector<16xi32>, vector<16xi32>], vector<16xf32>,
            tpu.vector_store_idx %arg5[%get3A_219, %broadcast_in_dim3A_19], %gather3A_455 {add = true} : memref<256x32xf32, #tpu.memory_space<vmem>>[vector<16xi32>, vector<16xi32>], vector<16xf32>,
            %gather3A_456 = tpu.vector_load_idx %arg6[%add3A_449, %broadcast_in_dim3A_21] : memref<1024x32xf32, #tpu.memory_space<vmem>>[vector<16xi32>, vector<16xi32>], vector<16xf32>,
            tpu.vector_store_idx %arg5[%get3A_219, %broadcast_in_dim3A_21], %gather3A_456 {add = true} : memref<256x32xf32, #tpu.memory_space<vmem>>[vector<16xi32>, vector<16xi32>], vector<16xf32>,
            %gather3A_457 = tpu.vector_load_idx %arg6[%add3A_449, %broadcast_in_dim3A_23] : memref<1024x32xf32, #tpu.memory_space<vmem>>[vector<16xi32>, vector<16xi32>], vector<16xf32>,
            tpu.vector_store_idx %arg5[%get3A_219, %broadcast_in_dim3A_23], %gather3A_457 {add = true} : memref<256x32xf32, #tpu.memory_space<vmem>>[vector<16xi32>, vector<16xi32>], vector<16xf32>,
            %gather3A_458 = tpu.vector_load_idx %arg6[%add3A_449, %broadcast_in_dim3A_25] : memref<1024x32xf32, #tpu.memory_space<vmem>>[vector<16xi32>, vector<16xi32>], vector<16xf32>,
            tpu.vector_store_idx %arg5[%get3A_219, %broadcast_in_dim3A_25], %gather3A_458 {add = true} : memref<256x32xf32, #tpu.memory_space<vmem>>[vector<16xi32>, vector<16xi32>], vector<16xf32>,
            %gather3A_459 = tpu.vector_load_idx %arg6[%add3A_449, %broadcast_in_dim3A_27] : memref<1024x32xf32, #tpu.memory_space<vmem>>[vector<16xi32>, vector<16xi32>], vector<16xf32>,
            tpu.vector_store_idx %arg5[%get3A_219, %broadcast_in_dim3A_27], %gather3A_459 {add = true} : memref<256x32xf32, #tpu.memory_space<vmem>>[vector<16xi32>, vector<16xi32>], vector<16xf32>,
            %gather3A_460 = tpu.vector_load_idx %arg6[%add3A_449, %broadcast_in_dim3A_29] : memref<1024x32xf32, #tpu.memory_space<vmem>>[vector<16xi32>, vector<16xi32>], vector<16xf32>,
            tpu.vector_store_idx %arg5[%get3A_219, %broadcast_in_dim3A_29], %gather3A_460 {add = true} : memref<256x32xf32, #tpu.memory_space<vmem>>[vector<16xi32>, vector<16xi32>], vector<16xf32>,
            %gather3A_461 = tpu.vector_load_idx %arg6[%add3A_449, %broadcast_in_dim3A_31] : memref<1024x32xf32, #tpu.memory_space<vmem>>[vector<16xi32>, vector<16xi32>], vector<16xf32>,
            tpu.vector_store_idx %arg5[%get3A_219, %broadcast_in_dim3A_31], %gather3A_461 {add = true} : memref<256x32xf32, #tpu.memory_space<vmem>>[vector<16xi32>, vector<16xi32>], vector<16xf32>,
            %gather3A_462 = tpu.vector_load_idx %arg6[%add3A_449, %broadcast_in_dim3A_33] : memref<1024x32xf32, #tpu.memory_space<vmem>>[vector<16xi32>, vector<16xi32>], vector<16xf32>,
            tpu.vector_store_idx %arg5[%get3A_219, %broadcast_in_dim3A_33], %gather3A_462 {add = true} : memref<256x32xf32, #tpu.memory_space<vmem>>[vector<16xi32>, vector<16xi32>], vector<16xf32>,
            %gather3A_463 = tpu.vector_load_idx %arg6[%add3A_449, %broadcast_in_dim3A_35] : memref<1024x32xf32, #tpu.memory_space<vmem>>[vector<16xi32>, vector<16xi32>], vector<16xf32>,
            tpu.vector_store_idx %arg5[%get3A_219, %broadcast_in_dim3A_35], %gather3A_463 {add = true} : memref<256x32xf32, #tpu.memory_space<vmem>>[vector<16xi32>, vector<16xi32>], vector<16xf32>,
            %gather3A_464 = tpu.vector_load_idx %arg6[%add3A_449, %broadcast_in_dim3A_37] : memref<1024x32xf32, #tpu.memory_space<vmem>>[vector<16xi32>, vector<16xi32>], vector<16xf32>,
            tpu.vector_store_idx %arg5[%get3A_219, %broadcast_in_dim3A_37], %gather3A_464 {add = true} : memref<256x32xf32, #tpu.memory_space<vmem>>[vector<16xi32>, vector<16xi32>], vector<16xf32>,
            %gather3A_465 = tpu.vector_load_idx %arg6[%add3A_449, %broadcast_in_dim3A_39] : memref<1024x32xf32, #tpu.memory_space<vmem>>[vector<16xi32>, vector<16xi32>], vector<16xf32>,
            tpu.vector_store_idx %arg5[%get3A_219, %broadcast_in_dim3A_39], %gather3A_465 {add = true} : memref<256x32xf32, #tpu.memory_space<vmem>>[vector<16xi32>, vector<16xi32>], vector<16xf32>,
            %gather3A_466 = tpu.vector_load_idx %arg6[%add3A_449, %broadcast_in_dim3A_41] : memref<1024x32xf32, #tpu.memory_space<vmem>>[vector<16xi32>, vector<16xi32>], vector<16xf32>,
            tpu.vector_store_idx %arg5[%get3A_219, %broadcast_in_dim3A_41], %gather3A_466 {add = true} : memref<256x32xf32, #tpu.memory_space<vmem>>[vector<16xi32>, vector<16xi32>], vector<16xf32>,
            %gather3A_467 = tpu.vector_load_idx %arg6[%add3A_449, %broadcast_in_dim3A_43] : memref<1024x32xf32, #tpu.memory_space<vmem>>[vector<16xi32>, vector<16xi32>], vector<16xf32>,
            tpu.vector_store_idx %arg5[%get3A_219, %broadcast_in_dim3A_43], %gather3A_467 {add = true} : memref<256x32xf32, #tpu.memory_space<vmem>>[vector<16xi32>, vector<16xi32>], vector<16xf32>,
            %gather3A_468 = tpu.vector_load_idx %arg6[%add3A_449, %broadcast_in_dim3A_45] : memref<1024x32xf32, #tpu.memory_space<vmem>>[vector<16xi32>, vector<16xi32>], vector<16xf32>,
            tpu.vector_store_idx %arg5[%get3A_219, %broadcast_in_dim3A_45], %gather3A_468 {add = true} : memref<256x32xf32, #tpu.memory_space<vmem>>[vector<16xi32>, vector<16xi32>], vector<16xf32>,
            %gather3A_469 = tpu.vector_load_idx %arg6[%add3A_449, %broadcast_in_dim3A_47] : memref<1024x32xf32, #tpu.memory_space<vmem>>[vector<16xi32>, vector<16xi32>], vector<16xf32>,
            tpu.vector_store_idx %arg5[%get3A_219, %broadcast_in_dim3A_47], %gather3A_469 {add = true} : memref<256x32xf32, #tpu.memory_space<vmem>>[vector<16xi32>, vector<16xi32>], vector<16xf32>,
            %gather3A_470 = tpu.vector_load_idx %arg6[%add3A_449, %broadcast_in_dim3A_49] : memref<1024x32xf32, #tpu.memory_space<vmem>>[vector<16xi32>, vector<16xi32>], vector<16xf32>,
            tpu.vector_store_idx %arg5[%get3A_219, %broadcast_in_dim3A_49], %gather3A_470 {add = true} : memref<256x32xf32, #tpu.memory_space<vmem>>[vector<16xi32>, vector<16xi32>], vector<16xf32>,
            %gather3A_471 = tpu.vector_load_idx %arg6[%add3A_449, %broadcast_in_dim3A_51] : memref<1024x32xf32, #tpu.memory_space<vmem>>[vector<16xi32>, vector<16xi32>], vector<16xf32>,
            tpu.vector_store_idx %arg5[%get3A_219, %broadcast_in_dim3A_51], %gather3A_471 {add = true} : memref<256x32xf32, #tpu.memory_space<vmem>>[vector<16xi32>, vector<16xi32>], vector<16xf32>,
            %gather3A_472 = tpu.vector_load_idx %arg6[%add3A_449, %broadcast_in_dim3A_53] : memref<1024x32xf32, #tpu.memory_space<vmem>>[vector<16xi32>, vector<16xi32>], vector<16xf32>,
            tpu.vector_store_idx %arg5[%get3A_219, %broadcast_in_dim3A_53], %gather3A_472 {add = true} : memref<256x32xf32, #tpu.memory_space<vmem>>[vector<16xi32>, vector<16xi32>], vector<16xf32>,
            %gather3A_473 = tpu.vector_load_idx %arg6[%add3A_449, %broadcast_in_dim3A_55] : memref<1024x32xf32, #tpu.memory_space<vmem>>[vector<16xi32>, vector<16xi32>], vector<16xf32>,
            tpu.vector_store_idx %arg5[%get3A_219, %broadcast_in_dim3A_55], %gather3A_473 {add = true} : memref<256x32xf32, #tpu.memory_space<vmem>>[vector<16xi32>, vector<16xi32>], vector<16xf32>,
            %gather3A_474 = tpu.vector_load_idx %arg6[%add3A_449, %broadcast_in_dim3A_57] : memref<1024x32xf32, #tpu.memory_space<vmem>>[vector<16xi32>, vector<16xi32>], vector<16xf32>,
            tpu.vector_store_idx %arg5[%get3A_219, %broadcast_in_dim3A_57], %gather3A_474 {add = true} : memref<256x32xf32, #tpu.memory_space<vmem>>[vector<16xi32>, vector<16xi32>], vector<16xf32>,
            %gather3A_475 = tpu.vector_load_idx %arg6[%add3A_449, %broadcast_in_dim3A_59] : memref<1024x32xf32, #tpu.memory_space<vmem>>[vector<16xi32>, vector<16xi32>], vector<16xf32>,
            tpu.vector_store_idx %arg5[%get3A_219, %broadcast_in_dim3A_59], %gather3A_475 {add = true} : memref<256x32xf32, #tpu.memory_space<vmem>>[vector<16xi32>, vector<16xi32>], vector<16xf32>,
            %gather3A_476 = tpu.vector_load_idx %arg6[%add3A_449, %broadcast_in_dim3A_61] : memref<1024x32xf32, #tpu.memory_space<vmem>>[vector<16xi32>, vector<16xi32>], vector<16xf32>,
            tpu.vector_store_idx %arg5[%get3A_219, %broadcast_in_dim3A_61], %gather3A_476 {add = true} : memref<256x32xf32, #tpu.memory_space<vmem>>[vector<16xi32>, vector<16xi32>], vector<16xf32>,
            %gather3A_477 = tpu.vector_load_idx %arg6[%add3A_449, %broadcast_in_dim3A_63] : memref<1024x32xf32, #tpu.memory_space<vmem>>[vector<16xi32>, vector<16xi32>], vector<16xf32>,
            tpu.vector_store_idx %arg5[%get3A_219, %broadcast_in_dim3A_63], %gather3A_477 {add = true} : memref<256x32xf32, #tpu.memory_space<vmem>>[vector<16xi32>, vector<16xi32>], vector<16xf32>,
            %gather3A_478 = tpu.vector_load_idx %arg6[%add3A_449, %broadcast_in_dim3A_65] : memref<1024x32xf32, #tpu.memory_space<vmem>>[vector<16xi32>, vector<16xi32>], vector<16xf32>,
            tpu.vector_store_idx %arg5[%get3A_219, %broadcast_in_dim3A_65], %gather3A_478 {add = true} : memref<256x32xf32, #tpu.memory_space<vmem>>[vector<16xi32>, vector<16xi32>], vector<16xf32>,
            %gather3A_479 = tpu.vector_load_idx %arg6[%add3A_449, %broadcast_in_dim3A_67] : memref<1024x32xf32, #tpu.memory_space<vmem>>[vector<16xi32>, vector<16xi32>], vector<16xf32>,
            tpu.vector_store_idx %arg5[%get3A_219, %broadcast_in_dim3A_67], %gather3A_479 {add = true} : memref<256x32xf32, #tpu.memory_space<vmem>>[vector<16xi32>, vector<16xi32>], vector<16xf32>,
            %gather3A_480 = tpu.vector_load_idx %arg6[%add3A_449, %broadcast_in_dim3A_69] : memref<1024x32xf32, #tpu.memory_space<vmem>>[vector<16xi32>, vector<16xi32>], vector<16xf32>,
            tpu.vector_store_idx %arg5[%get3A_219, %broadcast_in_dim3A_69], %gather3A_480 {add = true} : memref<256x32xf32, #tpu.memory_space<vmem>>[vector<16xi32>, vector<16xi32>], vector<16xf32>,
            scf.yield %broadcast_in_dim3A_3, %broadcast_in_dim3A_3 : vector<16xf32>, vector<16xf32>
          }
          scf.yield %reduce_max3A_416, %cond3A_447#0, %cond3A_447#1 : i32, vector<16xf32>, vector<16xf32>
        }
        scf.yield %cond3A_429#0, %cond3A_429#1, %cond3A_429#2 : i32, vector<16xf32>, vector<16xf32>
      }
      %scan3A_189 = arith.constant 64 : i32
      %add3A_190 = arith.constant 5120 : i32
      %add3A_191 = arith.addi %add3A_121, %add3A_190 : i32
      %dma_wait3A_192 = arith.constant 0 : i32
      %dma_wait3A_193 = arith.constant 0 : i32
      %dma_wait3A_194 = tpu.memref_slice %arg13[%dma_wait3A_192, %dma_wait3A_193] : memref<1024x512xf32, #tpu.memory_space<vmem_shared>> -> memref<64x512xf32, #tpu.memory_space<vmem_shared>>
      %dma_wait3A_195 = arith.constant 0 : i32
      %dma_wait3A_196 = arith.constant 0 : i32
      %dma_wait3A_197 = tpu.memref_slice %arg2[%dma_wait3A_195, %dma_wait3A_196] : memref<50000x512xf32, #tpu.memory_space<hbm>> -> memref<64x512xf32, #tpu.memory_space<hbm>>
      tpu.wait_dma2 semaphore(%arg15 : memref<!tpu.dma_semaphore, #tpu.memory_space<semaphore_mem>>) src(%dma_wait3A_197 : memref<64x512xf32, #tpu.memory_space<hbm>>) dst(%dma_wait3A_194 : memref<64x512xf32, #tpu.memory_space<vmem_shared>>)
      %dma_wait3A_198 = arith.constant 0 : i32
      %dma_wait3A_199 = tpu.memref_slice %arg3[%dma_wait3A_198] : memref<50000xi32, #tpu.memory_space<hbm>> -> memref<1024xi32, #tpu.memory_space<hbm>>
      %dma_wait3A_200 = arith.constant 0 : i32
      %dma_wait3A_201 = tpu.memref_slice %arg3[%dma_wait3A_200] : memref<50000xi32, #tpu.memory_space<hbm>> -> memref<1024xi32, #tpu.memory_space<hbm>>
      tpu.wait_dma2 semaphore(%arg15 : memref<!tpu.dma_semaphore, #tpu.memory_space<semaphore_mem>>) src(%dma_wait3A_201 : memref<1024xi32, #tpu.memory_space<hbm>>) dst(%arg10 : memref<1024xi32, #tpu.memory_space<vmem>>)
      %barrier3A_202 = arith.constant 0 : index
      tpu.barrier barrier_id(%barrier3A_202)
      "tpu.region"() ({
        %run_scoped3A = tpu.sem_alloc : memref<!tpu.dma_semaphore, #tpu.memory_space<semaphore_mem>>
        %dma_start3A_213 = arith.constant 0 : i32
        %dma_start3A_214 = tpu.memref_slice %arg13[%dma_start3A_213, %mul3A_2] : memref<1024x512xf32, #tpu.memory_space<vmem_shared>> -> memref<1024x32xf32, #tpu.memory_space<vmem_shared>>
        %dma_start3A_215 = arith.constant 0 : i32
        %dma_start3A_216 = tpu.memref_slice %arg13[%dma_start3A_215, %mul3A_2] : memref<1024x512xf32, #tpu.memory_space<vmem_shared>> -> memref<1024x32xf32, #tpu.memory_space<vmem_shared>>
        tpu.enqueue_dma source(%dma_start3A_216 : memref<1024x32xf32, #tpu.memory_space<vmem_shared>>) target(%arg6 : memref<1024x32xf32, #tpu.memory_space<vmem>>) target_semaphore(%run_scoped3A : memref<!tpu.dma_semaphore, #tpu.memory_space<semaphore_mem>>)
        %dma_wait3A_217 = arith.constant 0 : i32
        %dma_wait3A_218 = tpu.memref_slice %arg13[%dma_wait3A_217, %mul3A_2] : memref<1024x512xf32, #tpu.memory_space<vmem_shared>> -> memref<1024x32xf32, #tpu.memory_space<vmem_shared>>
        %dma_wait3A_219 = arith.constant 0 : i32
        %dma_wait3A_220 = tpu.memref_slice %arg13[%dma_wait3A_219, %mul3A_2] : memref<1024x512xf32, #tpu.memory_space<vmem_shared>> -> memref<1024x32xf32, #tpu.memory_space<vmem_shared>>
        tpu.wait_dma2 semaphore(%run_scoped3A : memref<!tpu.dma_semaphore, #tpu.memory_space<semaphore_mem>>) src(%dma_wait3A_220 : memref<1024x32xf32, #tpu.memory_space<vmem_shared>>) dst(%arg6 : memref<1024x32xf32, #tpu.memory_space<vmem>>)
        tpu.yield
      }) : () -> ()
      %barrier3A_203 = arith.constant 0 : index
      tpu.barrier barrier_id(%barrier3A_203)
      %convert_element_type3A_204 = arith.extui %lt3A_122 : i1 to i32
      %cond3A_205 = arith.constant 0 : i32
      %cond3A_206 = arith.cmpi ne, %convert_element_type3A_204, %cond3A_205 : i32
      scf.if %cond3A_206 {
        %mul3A_213 = arith.constant 64 : i32
        %mul3A_214 = arith.muli %arg1, %mul3A_213 : i32
        %add3A_215 = arith.addi %add3A_191, %mul3A_214 : i32
        %mul3A_216 = arith.constant 64 : i32
        %mul3A_217 = arith.muli %arg1, %mul3A_216 : i32
        %dma_start3A_218 = arith.constant 0 : i32
        %dma_start3A_219 = tpu.memref_slice %arg13[%mul3A_217, %dma_start3A_218] : memref<1024x512xf32, #tpu.memory_space<vmem_shared>> -> memref<64x512xf32, #tpu.memory_space<vmem_shared>>
        %dma_start3A_220 = arith.constant 0 : i32
        %dma_start3A_221 = tpu.memref_slice %arg2[%add3A_215, %dma_start3A_220] : memref<50000x512xf32, #tpu.memory_space<hbm>> -> memref<64x512xf32, #tpu.memory_space<hbm>>
        tpu.enqueue_dma source(%dma_start3A_221 : memref<64x512xf32, #tpu.memory_space<hbm>>) target(%dma_start3A_219 : memref<64x512xf32, #tpu.memory_space<vmem_shared>>) target_semaphore(%arg15 : memref<!tpu.dma_semaphore, #tpu.memory_space<semaphore_mem>>)
        %dma_start3A_222 = tpu.memref_slice %arg3[%add3A_191] : memref<50000xi32, #tpu.memory_space<hbm>> -> memref<1024xi32, #tpu.memory_space<hbm>>
        %dma_start3A_223 = tpu.memref_slice %arg3[%add3A_191] : memref<50000xi32, #tpu.memory_space<hbm>> -> memref<1024xi32, #tpu.memory_space<hbm>>
        tpu.enqueue_dma source(%dma_start3A_223 : memref<1024xi32, #tpu.memory_space<hbm>>) target(%arg8 : memref<1024xi32, #tpu.memory_space<vmem>>) target_semaphore(%arg15 : memref<!tpu.dma_semaphore, #tpu.memory_space<semaphore_mem>>)
      } else {
      }
      %scan3A_207 = arith.constant 0 : i32
      %scan3A_208 = arith.constant 64 : i32
      %scan3A_209 = arith.addi %scan3A_207, %scan3A_208 : i32
      %scan3A_210 = arith.constant 1 : i32
      %scan3A_211:3 = scf.for %scan3A_213 = %scan3A_207 to %scan3A_209 step %scan3A_210 iter_args(%scan3A_214 = %scan3A_188#0, %scan3A_215 = %scan3A_188#1, %scan3A_216 = %scan3A_188#2) -> (i32, vector<16xf32>, vector<16xf32>)  : i32 {
        %mul3A_217 = arith.constant 16 : i32
        %mul3A_218 = arith.muli %scan3A_213, %mul3A_217 : i32
        %get3A = arith.index_cast %mul3A_218 : i32 to index
        %get3A_219 = tpu.vector_load %arg10[%get3A] {strides = array<i32>} : memref<1024xi32, #tpu.memory_space<vmem>>, vector<16xi32>,
        %add3A_220 = arith.constant 0 : i32
        %add3A_221 = arith.addi %mul3A_218, %add3A_220 : i32
        %get3A_222 = arith.index_cast %add3A_221 : i32 to index
        %get3A_223 = arith.constant 0 : index
        %get3A_224 = tpu.vector_load %arg6[%get3A_222, %get3A_223] {strides = array<i32>} : memref<1024x32xf32, #tpu.memory_space<vmem>>, vector<16xf32>,
        %add3A_225 = arith.constant 1 : i32
        %add3A_226 = arith.addi %mul3A_218, %add3A_225 : i32
        %get3A_227 = arith.index_cast %add3A_226 : i32 to index
        %get3A_228 = arith.constant 0 : index
        %get3A_229 = tpu.vector_load %arg6[%get3A_227, %get3A_228] {strides = array<i32>} : memref<1024x32xf32, #tpu.memory_space<vmem>>, vector<16xf32>,
        %add3A_230 = arith.constant 2 : i32
        %add3A_231 = arith.addi %mul3A_218, %add3A_230 : i32
        %get3A_232 = arith.index_cast %add3A_231 : i32 to index
        %get3A_233 = arith.constant 0 : index
        %get3A_234 = tpu.vector_load %arg6[%get3A_232, %get3A_233] {strides = array<i32>} : memref<1024x32xf32, #tpu.memory_space<vmem>>, vector<16xf32>,
        %add3A_235 = arith.constant 3 : i32
        %add3A_236 = arith.addi %mul3A_218, %add3A_235 : i32
        %get3A_237 = arith.index_cast %add3A_236 : i32 to index
        %get3A_238 = arith.constant 0 : index
        %get3A_239 = tpu.vector_load %arg6[%get3A_237, %get3A_238] {strides = array<i32>} : memref<1024x32xf32, #tpu.memory_space<vmem>>, vector<16xf32>,
        %add3A_240 = arith.constant 4 : i32
        %add3A_241 = arith.addi %mul3A_218, %add3A_240 : i32
        %get3A_242 = arith.index_cast %add3A_241 : i32 to index
        %get3A_243 = arith.constant 0 : index
        %get3A_244 = tpu.vector_load %arg6[%get3A_242, %get3A_243] {strides = array<i32>} : memref<1024x32xf32, #tpu.memory_space<vmem>>, vector<16xf32>,
        %add3A_245 = arith.constant 5 : i32
        %add3A_246 = arith.addi %mul3A_218, %add3A_245 : i32
        %get3A_247 = arith.index_cast %add3A_246 : i32 to index
        %get3A_248 = arith.constant 0 : index
        %get3A_249 = tpu.vector_load %arg6[%get3A_247, %get3A_248] {strides = array<i32>} : memref<1024x32xf32, #tpu.memory_space<vmem>>, vector<16xf32>,
        %add3A_250 = arith.constant 6 : i32
        %add3A_251 = arith.addi %mul3A_218, %add3A_250 : i32
        %get3A_252 = arith.index_cast %add3A_251 : i32 to index
        %get3A_253 = arith.constant 0 : index
        %get3A_254 = tpu.vector_load %arg6[%get3A_252, %get3A_253] {strides = array<i32>} : memref<1024x32xf32, #tpu.memory_space<vmem>>, vector<16xf32>,
        %add3A_255 = arith.constant 7 : i32
        %add3A_256 = arith.addi %mul3A_218, %add3A_255 : i32
        %get3A_257 = arith.index_cast %add3A_256 : i32 to index
        %get3A_258 = arith.constant 0 : index
        %get3A_259 = tpu.vector_load %arg6[%get3A_257, %get3A_258] {strides = array<i32>} : memref<1024x32xf32, #tpu.memory_space<vmem>>, vector<16xf32>,
        %add3A_260 = arith.constant 8 : i32
        %add3A_261 = arith.addi %mul3A_218, %add3A_260 : i32
        %get3A_262 = arith.index_cast %add3A_261 : i32 to index
        %get3A_263 = arith.constant 0 : index
        %get3A_264 = tpu.vector_load %arg6[%get3A_262, %get3A_263] {strides = array<i32>} : memref<1024x32xf32, #tpu.memory_space<vmem>>, vector<16xf32>,
        %add3A_265 = arith.constant 9 : i32
        %add3A_266 = arith.addi %mul3A_218, %add3A_265 : i32
        %get3A_267 = arith.index_cast %add3A_266 : i32 to index
        %get3A_268 = arith.constant 0 : index
        %get3A_269 = tpu.vector_load %arg6[%get3A_267, %get3A_268] {strides = array<i32>} : memref<1024x32xf32, #tpu.memory_space<vmem>>, vector<16xf32>,
        %add3A_270 = arith.constant 10 : i32
        %add3A_271 = arith.addi %mul3A_218, %add3A_270 : i32
        %get3A_272 = arith.index_cast %add3A_271 : i32 to index
        %get3A_273 = arith.constant 0 : index
        %get3A_274 = tpu.vector_load %arg6[%get3A_272, %get3A_273] {strides = array<i32>} : memref<1024x32xf32, #tpu.memory_space<vmem>>, vector<16xf32>,
        %add3A_275 = arith.constant 11 : i32
        %add3A_276 = arith.addi %mul3A_218, %add3A_275 : i32
        %get3A_277 = arith.index_cast %add3A_276 : i32 to index
        %get3A_278 = arith.constant 0 : index
        %get3A_279 = tpu.vector_load %arg6[%get3A_277, %get3A_278] {strides = array<i32>} : memref<1024x32xf32, #tpu.memory_space<vmem>>, vector<16xf32>,
        %add3A_280 = arith.constant 12 : i32
        %add3A_281 = arith.addi %mul3A_218, %add3A_280 : i32
        %get3A_282 = arith.index_cast %add3A_281 : i32 to index
        %get3A_283 = arith.constant 0 : index
        %get3A_284 = tpu.vector_load %arg6[%get3A_282, %get3A_283] {strides = array<i32>} : memref<1024x32xf32, #tpu.memory_space<vmem>>, vector<16xf32>,
        %add3A_285 = arith.constant 13 : i32
        %add3A_286 = arith.addi %mul3A_218, %add3A_285 : i32
        %get3A_287 = arith.index_cast %add3A_286 : i32 to index
        %get3A_288 = arith.constant 0 : index
        %get3A_289 = tpu.vector_load %arg6[%get3A_287, %get3A_288] {strides = array<i32>} : memref<1024x32xf32, #tpu.memory_space<vmem>>, vector<16xf32>,
        %add3A_290 = arith.constant 14 : i32
        %add3A_291 = arith.addi %mul3A_218, %add3A_290 : i32
        %get3A_292 = arith.index_cast %add3A_291 : i32 to index
        %get3A_293 = arith.constant 0 : index
        %get3A_294 = tpu.vector_load %arg6[%get3A_292, %get3A_293] {strides = array<i32>} : memref<1024x32xf32, #tpu.memory_space<vmem>>, vector<16xf32>,
        %add3A_295 = arith.constant 15 : i32
        %add3A_296 = arith.addi %mul3A_218, %add3A_295 : i32
        %get3A_297 = arith.index_cast %add3A_296 : i32 to index
        %get3A_298 = arith.constant 0 : index
        %get3A_299 = tpu.vector_load %arg6[%get3A_297, %get3A_298] {strides = array<i32>} : memref<1024x32xf32, #tpu.memory_space<vmem>>, vector<16xf32>,
        %add3A_300 = arith.constant 0 : i32
        %add3A_301 = arith.addi %mul3A_218, %add3A_300 : i32
        %get3A_302 = arith.index_cast %add3A_301 : i32 to index
        %get3A_303 = arith.constant 16 : index
        %get3A_304 = tpu.vector_load %arg6[%get3A_302, %get3A_303] {strides = array<i32>} : memref<1024x32xf32, #tpu.memory_space<vmem>>, vector<16xf32>,
        %add3A_305 = arith.constant 1 : i32
        %add3A_306 = arith.addi %mul3A_218, %add3A_305 : i32
        %get3A_307 = arith.index_cast %add3A_306 : i32 to index
        %get3A_308 = arith.constant 16 : index
        %get3A_309 = tpu.vector_load %arg6[%get3A_307, %get3A_308] {strides = array<i32>} : memref<1024x32xf32, #tpu.memory_space<vmem>>, vector<16xf32>,
        %add3A_310 = arith.constant 2 : i32
        %add3A_311 = arith.addi %mul3A_218, %add3A_310 : i32
        %get3A_312 = arith.index_cast %add3A_311 : i32 to index
        %get3A_313 = arith.constant 16 : index
        %get3A_314 = tpu.vector_load %arg6[%get3A_312, %get3A_313] {strides = array<i32>} : memref<1024x32xf32, #tpu.memory_space<vmem>>, vector<16xf32>,
        %add3A_315 = arith.constant 3 : i32
        %add3A_316 = arith.addi %mul3A_218, %add3A_315 : i32
        %get3A_317 = arith.index_cast %add3A_316 : i32 to index
        %get3A_318 = arith.constant 16 : index
        %get3A_319 = tpu.vector_load %arg6[%get3A_317, %get3A_318] {strides = array<i32>} : memref<1024x32xf32, #tpu.memory_space<vmem>>, vector<16xf32>,
        %add3A_320 = arith.constant 4 : i32
        %add3A_321 = arith.addi %mul3A_218, %add3A_320 : i32
        %get3A_322 = arith.index_cast %add3A_321 : i32 to index
        %get3A_323 = arith.constant 16 : index
        %get3A_324 = tpu.vector_load %arg6[%get3A_322, %get3A_323] {strides = array<i32>} : memref<1024x32xf32, #tpu.memory_space<vmem>>, vector<16xf32>,
        %add3A_325 = arith.constant 5 : i32
        %add3A_326 = arith.addi %mul3A_218, %add3A_325 : i32
        %get3A_327 = arith.index_cast %add3A_326 : i32 to index
        %get3A_328 = arith.constant 16 : index
        %get3A_329 = tpu.vector_load %arg6[%get3A_327, %get3A_328] {strides = array<i32>} : memref<1024x32xf32, #tpu.memory_space<vmem>>, vector<16xf32>,
        %add3A_330 = arith.constant 6 : i32
        %add3A_331 = arith.addi %mul3A_218, %add3A_330 : i32
        %get3A_332 = arith.index_cast %add3A_331 : i32 to index
        %get3A_333 = arith.constant 16 : index
        %get3A_334 = tpu.vector_load %arg6[%get3A_332, %get3A_333] {strides = array<i32>} : memref<1024x32xf32, #tpu.memory_space<vmem>>, vector<16xf32>,
        %add3A_335 = arith.constant 7 : i32
        %add3A_336 = arith.addi %mul3A_218, %add3A_335 : i32
        %get3A_337 = arith.index_cast %add3A_336 : i32 to index
        %get3A_338 = arith.constant 16 : index
        %get3A_339 = tpu.vector_load %arg6[%get3A_337, %get3A_338] {strides = array<i32>} : memref<1024x32xf32, #tpu.memory_space<vmem>>, vector<16xf32>,
        %add3A_340 = arith.constant 8 : i32
        %add3A_341 = arith.addi %mul3A_218, %add3A_340 : i32
        %get3A_342 = arith.index_cast %add3A_341 : i32 to index
        %get3A_343 = arith.constant 16 : index
        %get3A_344 = tpu.vector_load %arg6[%get3A_342, %get3A_343] {strides = array<i32>} : memref<1024x32xf32, #tpu.memory_space<vmem>>, vector<16xf32>,
        %add3A_345 = arith.constant 9 : i32
        %add3A_346 = arith.addi %mul3A_218, %add3A_345 : i32
        %get3A_347 = arith.index_cast %add3A_346 : i32 to index
        %get3A_348 = arith.constant 16 : index
        %get3A_349 = tpu.vector_load %arg6[%get3A_347, %get3A_348] {strides = array<i32>} : memref<1024x32xf32, #tpu.memory_space<vmem>>, vector<16xf32>,
        %add3A_350 = arith.constant 10 : i32
        %add3A_351 = arith.addi %mul3A_218, %add3A_350 : i32
        %get3A_352 = arith.index_cast %add3A_351 : i32 to index
        %get3A_353 = arith.constant 16 : index
        %get3A_354 = tpu.vector_load %arg6[%get3A_352, %get3A_353] {strides = array<i32>} : memref<1024x32xf32, #tpu.memory_space<vmem>>, vector<16xf32>,
        %add3A_355 = arith.constant 11 : i32
        %add3A_356 = arith.addi %mul3A_218, %add3A_355 : i32
        %get3A_357 = arith.index_cast %add3A_356 : i32 to index
        %get3A_358 = arith.constant 16 : index
        %get3A_359 = tpu.vector_load %arg6[%get3A_357, %get3A_358] {strides = array<i32>} : memref<1024x32xf32, #tpu.memory_space<vmem>>, vector<16xf32>,
        %add3A_360 = arith.constant 12 : i32
        %add3A_361 = arith.addi %mul3A_218, %add3A_360 : i32
        %get3A_362 = arith.index_cast %add3A_361 : i32 to index
        %get3A_363 = arith.constant 16 : index
        %get3A_364 = tpu.vector_load %arg6[%get3A_362, %get3A_363] {strides = array<i32>} : memref<1024x32xf32, #tpu.memory_space<vmem>>, vector<16xf32>,
        %add3A_365 = arith.constant 13 : i32
        %add3A_366 = arith.addi %mul3A_218, %add3A_365 : i32
        %get3A_367 = arith.index_cast %add3A_366 : i32 to index
        %get3A_368 = arith.constant 16 : index
        %get3A_369 = tpu.vector_load %arg6[%get3A_367, %get3A_368] {strides = array<i32>} : memref<1024x32xf32, #tpu.memory_space<vmem>>, vector<16xf32>,
        %add3A_370 = arith.constant 14 : i32
        %add3A_371 = arith.addi %mul3A_218, %add3A_370 : i32
        %get3A_372 = arith.index_cast %add3A_371 : i32 to index
        %get3A_373 = arith.constant 16 : index
        %get3A_374 = tpu.vector_load %arg6[%get3A_372, %get3A_373] {strides = array<i32>} : memref<1024x32xf32, #tpu.memory_space<vmem>>, vector<16xf32>,
        %add3A_375 = arith.constant 15 : i32
        %add3A_376 = arith.addi %mul3A_218, %add3A_375 : i32
        %get3A_377 = arith.index_cast %add3A_376 : i32 to index
        %get3A_378 = arith.constant 16 : index
        %get3A_379 = tpu.vector_load %arg6[%get3A_377, %get3A_378] {strides = array<i32>} : memref<1024x32xf32, #tpu.memory_space<vmem>>, vector<16xf32>,
        %add3A_380 = arith.addf %get3A_224, %get3A_229 : vector<16xf32>
        %add3A_381 = arith.addf %get3A_234, %get3A_239 : vector<16xf32>
        %add3A_382 = arith.addf %get3A_244, %get3A_249 : vector<16xf32>
        %add3A_383 = arith.addf %get3A_254, %get3A_259 : vector<16xf32>
        %add3A_384 = arith.addf %get3A_264, %get3A_269 : vector<16xf32>
        %add3A_385 = arith.addf %get3A_274, %get3A_279 : vector<16xf32>
        %add3A_386 = arith.addf %get3A_284, %get3A_289 : vector<16xf32>
        %add3A_387 = arith.addf %get3A_294, %get3A_299 : vector<16xf32>
        %add3A_388 = arith.addf %add3A_380, %add3A_381 : vector<16xf32>
        %add3A_389 = arith.addf %add3A_382, %add3A_383 : vector<16xf32>
        %add3A_390 = arith.addf %add3A_384, %add3A_385 : vector<16xf32>
        %add3A_391 = arith.addf %add3A_386, %add3A_387 : vector<16xf32>
        %add3A_392 = arith.addf %add3A_388, %add3A_389 : vector<16xf32>
        %add3A_393 = arith.addf %add3A_390, %add3A_391 : vector<16xf32>
        %add3A_394 = arith.addf %add3A_392, %add3A_393 : vector<16xf32>
        %add3A_395 = arith.addf %get3A_304, %get3A_309 : vector<16xf32>
        %add3A_396 = arith.addf %get3A_314, %get3A_319 : vector<16xf32>
        %add3A_397 = arith.addf %get3A_324, %get3A_329 : vector<16xf32>
        %add3A_398 = arith.addf %get3A_334, %get3A_339 : vector<16xf32>
        %add3A_399 = arith.addf %get3A_344, %get3A_349 : vector<16xf32>
        %add3A_400 = arith.addf %get3A_354, %get3A_359 : vector<16xf32>
        %add3A_401 = arith.addf %get3A_364, %get3A_369 : vector<16xf32>
        %add3A_402 = arith.addf %get3A_374, %get3A_379 : vector<16xf32>
        %add3A_403 = arith.addf %add3A_395, %add3A_396 : vector<16xf32>
        %add3A_404 = arith.addf %add3A_397, %add3A_398 : vector<16xf32>
        %add3A_405 = arith.addf %add3A_399, %add3A_400 : vector<16xf32>
        %add3A_406 = arith.addf %add3A_401, %add3A_402 : vector<16xf32>
        %add3A_407 = arith.addf %add3A_403, %add3A_404 : vector<16xf32>
        %add3A_408 = arith.addf %add3A_405, %add3A_406 : vector<16xf32>
        %add3A_409 = arith.addf %add3A_407, %add3A_408 : vector<16xf32>
        %reduce_max3A = arith.constant true
        %reduce_max3A_410 = vector.broadcast %reduce_max3A : i1 to vector<16xi1>
        %reduce_max3A_411 = arith.constant -2147483648 : i32
        %reduce_max3A_412 = vector.broadcast %reduce_max3A_411 : i32 to vector<16xi32>
        %reduce_max3A_413 = arith.xori %get3A_219, %reduce_max3A_412 : vector<16xi32>
        %reduce_max3A_414 = tpu.scan <max>, %reduce_max3A_413 masked %reduce_max3A_410 : vector<16xi32>, vector<16xi1> -> vector<16xi32>
        %reduce_max3A_415 = arith.xori %reduce_max3A_414, %reduce_max3A_412 : vector<16xi32>
        %reduce_max3A_416 = vector.extract %reduce_max3A_415[15] : i32 from vector<16xi32>
        %reduce_min3A = arith.constant true
        %reduce_min3A_417 = vector.broadcast %reduce_min3A : i1 to vector<16xi1>
        %reduce_min3A_418 = arith.constant -2147483648 : i32
        %reduce_min3A_419 = vector.broadcast %reduce_min3A_418 : i32 to vector<16xi32>
        %reduce_min3A_420 = arith.xori %get3A_219, %reduce_min3A_419 : vector<16xi32>
        %reduce_min3A_421 = tpu.scan <min>, %reduce_min3A_420 masked %reduce_min3A_417 : vector<16xi32>, vector<16xi1> -> vector<16xi32>
        %reduce_min3A_422 = arith.xori %reduce_min3A_421, %reduce_min3A_419 : vector<16xi32>
        %reduce_min3A_423 = vector.extract %reduce_min3A_422[15] : i32 from vector<16xi32>
        %broadcast_in_dim3A_424 = vector.broadcast %scan3A_214 : i32 to vector<16xi32>
        %eq3A_425 = arith.cmpi eq, %reduce_min3A_423, %reduce_max3A_416 : i32
        %convert_element_type3A_426 = arith.extui %eq3A_425 : i1 to i32
        %cond3A_427 = arith.constant 0 : i32
        %cond3A_428 = arith.cmpi ne, %convert_element_type3A_426, %cond3A_427 : i32
        %cond3A_429:3 = scf.if %cond3A_428 -> (i32, vector<16xf32>, vector<16xf32>) {
          %eq3A_430 = arith.cmpi eq, %scan3A_214, %reduce_min3A_423 : i32
          %convert_element_type3A_431 = arith.extui %eq3A_430 : i1 to i32
          %cond3A_432 = arith.constant 0 : i32
          %cond3A_433 = arith.cmpi ne, %convert_element_type3A_431, %cond3A_432 : i32
          %cond3A_434:3 = scf.if %cond3A_433 -> (i32, vector<16xf32>, vector<16xf32>) {
            %add3A_435 = arith.addf %scan3A_215, %add3A_394 : vector<16xf32>
            %add3A_436 = arith.addf %scan3A_216, %add3A_409 : vector<16xf32>
            scf.yield %scan3A_214, %add3A_435, %add3A_436 : i32, vector<16xf32>, vector<16xf32>
          } else {
            tpu.vector_store_idx %arg5[%broadcast_in_dim3A_424, %iota3A], %scan3A_215 {add = true} : memref<256x32xf32, #tpu.memory_space<vmem>>[vector<16xi32>, vector<16xi32>], vector<16xf32>,
            tpu.vector_store_idx %arg5[%broadcast_in_dim3A_424, %add3A_5], %scan3A_216 {add = true} : memref<256x32xf32, #tpu.memory_space<vmem>>[vector<16xi32>, vector<16xi32>], vector<16xf32>,
            scf.yield %reduce_max3A_416, %add3A_394, %add3A_409 : i32, vector<16xf32>, vector<16xf32>
          }
          scf.yield %cond3A_434#0, %cond3A_434#1, %cond3A_434#2 : i32, vector<16xf32>, vector<16xf32>
        } else {
          tpu.vector_store_idx %arg5[%broadcast_in_dim3A_424, %iota3A], %scan3A_215 {add = true} : memref<256x32xf32, #tpu.memory_space<vmem>>[vector<16xi32>, vector<16xi32>], vector<16xf32>,
          tpu.vector_store_idx %arg5[%broadcast_in_dim3A_424, %add3A_5], %scan3A_216 {add = true} : memref<256x32xf32, #tpu.memory_space<vmem>>[vector<16xi32>, vector<16xi32>], vector<16xf32>,
          %broadcast_in_dim3A_430 = vector.broadcast %reduce_min3A_423 : i32 to vector<16xi32>
          %broadcast_in_dim3A_431 = vector.broadcast %reduce_max3A_416 : i32 to vector<16xi32>
          %eq3A_432 = arith.cmpi eq, %get3A_219, %broadcast_in_dim3A_430 : vector<16xi32>
          %eq3A_433 = arith.cmpi eq, %get3A_219, %broadcast_in_dim3A_431 : vector<16xi32>
          %or3A = arith.ori %eq3A_432, %eq3A_433 : vector<16xi1>
          %reduce_and3A = arith.constant 1.000000e+00 : f32
          %reduce_and3A_434 = arith.constant 0.000000e+00 : f32
          %reduce_and3A_435 = vector.broadcast %reduce_and3A : f32 to vector<16xf32>
          %reduce_and3A_436 = vector.broadcast %reduce_and3A_434 : f32 to vector<16xf32>
          %reduce_and3A_437 = arith.select %or3A, %reduce_and3A_435, %reduce_and3A_436 : vector<16xi1>, vector<16xf32>
          %reduce_and3A_438 = arith.constant true
          %reduce_and3A_439 = vector.broadcast %reduce_and3A_438 : i1 to vector<16xi1>
          %reduce_and3A_440 = tpu.scan <min>, %reduce_and3A_437 masked %reduce_and3A_439 : vector<16xf32>, vector<16xi1> -> vector<16xf32>
          %reduce_and3A_441 = vector.extract %reduce_and3A_440[15] : f32 from vector<16xf32>
          %reduce_and3A_442 = arith.constant 0.000000e+00 : f32
          %reduce_and3A_443 = arith.cmpf ogt, %reduce_and3A_441, %reduce_and3A_442 : f32
          %all_reduce_population_count3A = tpu.all_reduce %eq3A_432 {dim = 0 : i64, kind = #tpu.reduction_kind<sum>} : vector<16xi1> -> vector<16xi32>
          %convert_element_type3A_444 = arith.extui %reduce_and3A_443 : i1 to i32
          %cond3A_445 = arith.constant 0 : i32
          %cond3A_446 = arith.cmpi ne, %convert_element_type3A_444, %cond3A_445 : i32
          %cond3A_447:2 = scf.if %cond3A_446 -> (vector<16xf32>, vector<16xf32>) {
            %gt3A = arith.constant 0 : i32
            %gt3A_448 = vector.broadcast %gt3A : i32 to vector<16xi32>
            %gt3A_449 = arith.cmpi sgt, %all_reduce_population_count3A, %gt3A_448 : vector<16xi32>
            %select_n3A = arith.select %gt3A_449, %get3A_224, %broadcast_in_dim3A_3 : vector<16xi1>, vector<16xf32>
            %gt3A_450 = arith.constant 1 : i32
            %gt3A_451 = vector.broadcast %gt3A_450 : i32 to vector<16xi32>
            %gt3A_452 = arith.cmpi sgt, %all_reduce_population_count3A, %gt3A_451 : vector<16xi32>
            %select_n3A_453 = arith.select %gt3A_452, %get3A_229, %broadcast_in_dim3A_3 : vector<16xi1>, vector<16xf32>
            %gt3A_454 = arith.constant 2 : i32
            %gt3A_455 = vector.broadcast %gt3A_454 : i32 to vector<16xi32>
            %gt3A_456 = arith.cmpi sgt, %all_reduce_population_count3A, %gt3A_455 : vector<16xi32>
            %select_n3A_457 = arith.select %gt3A_456, %get3A_234, %broadcast_in_dim3A_3 : vector<16xi1>, vector<16xf32>
            %gt3A_458 = arith.constant 3 : i32
            %gt3A_459 = vector.broadcast %gt3A_458 : i32 to vector<16xi32>
            %gt3A_460 = arith.cmpi sgt, %all_reduce_population_count3A, %gt3A_459 : vector<16xi32>
            %select_n3A_461 = arith.select %gt3A_460, %get3A_239, %broadcast_in_dim3A_3 : vector<16xi1>, vector<16xf32>
            %gt3A_462 = arith.constant 4 : i32
            %gt3A_463 = vector.broadcast %gt3A_462 : i32 to vector<16xi32>
            %gt3A_464 = arith.cmpi sgt, %all_reduce_population_count3A, %gt3A_463 : vector<16xi32>
            %select_n3A_465 = arith.select %gt3A_464, %get3A_244, %broadcast_in_dim3A_3 : vector<16xi1>, vector<16xf32>
            %gt3A_466 = arith.constant 5 : i32
            %gt3A_467 = vector.broadcast %gt3A_466 : i32 to vector<16xi32>
            %gt3A_468 = arith.cmpi sgt, %all_reduce_population_count3A, %gt3A_467 : vector<16xi32>
            %select_n3A_469 = arith.select %gt3A_468, %get3A_249, %broadcast_in_dim3A_3 : vector<16xi1>, vector<16xf32>
            %gt3A_470 = arith.constant 6 : i32
            %gt3A_471 = vector.broadcast %gt3A_470 : i32 to vector<16xi32>
            %gt3A_472 = arith.cmpi sgt, %all_reduce_population_count3A, %gt3A_471 : vector<16xi32>
            %select_n3A_473 = arith.select %gt3A_472, %get3A_254, %broadcast_in_dim3A_3 : vector<16xi1>, vector<16xf32>
            %gt3A_474 = arith.constant 7 : i32
            %gt3A_475 = vector.broadcast %gt3A_474 : i32 to vector<16xi32>
            %gt3A_476 = arith.cmpi sgt, %all_reduce_population_count3A, %gt3A_475 : vector<16xi32>
            %select_n3A_477 = arith.select %gt3A_476, %get3A_259, %broadcast_in_dim3A_3 : vector<16xi1>, vector<16xf32>
            %gt3A_478 = arith.constant 8 : i32
            %gt3A_479 = vector.broadcast %gt3A_478 : i32 to vector<16xi32>
            %gt3A_480 = arith.cmpi sgt, %all_reduce_population_count3A, %gt3A_479 : vector<16xi32>
            %select_n3A_481 = arith.select %gt3A_480, %get3A_264, %broadcast_in_dim3A_3 : vector<16xi1>, vector<16xf32>
            %gt3A_482 = arith.constant 9 : i32
            %gt3A_483 = vector.broadcast %gt3A_482 : i32 to vector<16xi32>
            %gt3A_484 = arith.cmpi sgt, %all_reduce_population_count3A, %gt3A_483 : vector<16xi32>
            %select_n3A_485 = arith.select %gt3A_484, %get3A_269, %broadcast_in_dim3A_3 : vector<16xi1>, vector<16xf32>
            %gt3A_486 = arith.constant 10 : i32
            %gt3A_487 = vector.broadcast %gt3A_486 : i32 to vector<16xi32>
            %gt3A_488 = arith.cmpi sgt, %all_reduce_population_count3A, %gt3A_487 : vector<16xi32>
            %select_n3A_489 = arith.select %gt3A_488, %get3A_274, %broadcast_in_dim3A_3 : vector<16xi1>, vector<16xf32>
            %gt3A_490 = arith.constant 11 : i32
            %gt3A_491 = vector.broadcast %gt3A_490 : i32 to vector<16xi32>
            %gt3A_492 = arith.cmpi sgt, %all_reduce_population_count3A, %gt3A_491 : vector<16xi32>
            %select_n3A_493 = arith.select %gt3A_492, %get3A_279, %broadcast_in_dim3A_3 : vector<16xi1>, vector<16xf32>
            %gt3A_494 = arith.constant 12 : i32
            %gt3A_495 = vector.broadcast %gt3A_494 : i32 to vector<16xi32>
            %gt3A_496 = arith.cmpi sgt, %all_reduce_population_count3A, %gt3A_495 : vector<16xi32>
            %select_n3A_497 = arith.select %gt3A_496, %get3A_284, %broadcast_in_dim3A_3 : vector<16xi1>, vector<16xf32>
            %gt3A_498 = arith.constant 13 : i32
            %gt3A_499 = vector.broadcast %gt3A_498 : i32 to vector<16xi32>
            %gt3A_500 = arith.cmpi sgt, %all_reduce_population_count3A, %gt3A_499 : vector<16xi32>
            %select_n3A_501 = arith.select %gt3A_500, %get3A_289, %broadcast_in_dim3A_3 : vector<16xi1>, vector<16xf32>
            %gt3A_502 = arith.constant 14 : i32
            %gt3A_503 = vector.broadcast %gt3A_502 : i32 to vector<16xi32>
            %gt3A_504 = arith.cmpi sgt, %all_reduce_population_count3A, %gt3A_503 : vector<16xi32>
            %select_n3A_505 = arith.select %gt3A_504, %get3A_294, %broadcast_in_dim3A_3 : vector<16xi1>, vector<16xf32>
            %gt3A_506 = arith.constant 15 : i32
            %gt3A_507 = vector.broadcast %gt3A_506 : i32 to vector<16xi32>
            %gt3A_508 = arith.cmpi sgt, %all_reduce_population_count3A, %gt3A_507 : vector<16xi32>
            %select_n3A_509 = arith.select %gt3A_508, %get3A_299, %broadcast_in_dim3A_3 : vector<16xi1>, vector<16xf32>
            %add3A_510 = arith.addf %select_n3A, %select_n3A_453 : vector<16xf32>
            %add3A_511 = arith.addf %select_n3A_457, %select_n3A_461 : vector<16xf32>
            %add3A_512 = arith.addf %select_n3A_465, %select_n3A_469 : vector<16xf32>
            %add3A_513 = arith.addf %select_n3A_473, %select_n3A_477 : vector<16xf32>
            %add3A_514 = arith.addf %select_n3A_481, %select_n3A_485 : vector<16xf32>
            %add3A_515 = arith.addf %select_n3A_489, %select_n3A_493 : vector<16xf32>
            %add3A_516 = arith.addf %select_n3A_497, %select_n3A_501 : vector<16xf32>
            %add3A_517 = arith.addf %select_n3A_505, %select_n3A_509 : vector<16xf32>
            %add3A_518 = arith.addf %add3A_510, %add3A_511 : vector<16xf32>
            %add3A_519 = arith.addf %add3A_512, %add3A_513 : vector<16xf32>
            %add3A_520 = arith.addf %add3A_514, %add3A_515 : vector<16xf32>
            %add3A_521 = arith.addf %add3A_516, %add3A_517 : vector<16xf32>
            %add3A_522 = arith.addf %add3A_518, %add3A_519 : vector<16xf32>
            %add3A_523 = arith.addf %add3A_520, %add3A_521 : vector<16xf32>
            %add3A_524 = arith.addf %add3A_522, %add3A_523 : vector<16xf32>
            %gt3A_525 = arith.constant 0 : i32
            %gt3A_526 = vector.broadcast %gt3A_525 : i32 to vector<16xi32>
            %gt3A_527 = arith.cmpi sgt, %all_reduce_population_count3A, %gt3A_526 : vector<16xi32>
            %select_n3A_528 = arith.select %gt3A_527, %get3A_304, %broadcast_in_dim3A_3 : vector<16xi1>, vector<16xf32>
            %gt3A_529 = arith.constant 1 : i32
            %gt3A_530 = vector.broadcast %gt3A_529 : i32 to vector<16xi32>
            %gt3A_531 = arith.cmpi sgt, %all_reduce_population_count3A, %gt3A_530 : vector<16xi32>
            %select_n3A_532 = arith.select %gt3A_531, %get3A_309, %broadcast_in_dim3A_3 : vector<16xi1>, vector<16xf32>
            %gt3A_533 = arith.constant 2 : i32
            %gt3A_534 = vector.broadcast %gt3A_533 : i32 to vector<16xi32>
            %gt3A_535 = arith.cmpi sgt, %all_reduce_population_count3A, %gt3A_534 : vector<16xi32>
            %select_n3A_536 = arith.select %gt3A_535, %get3A_314, %broadcast_in_dim3A_3 : vector<16xi1>, vector<16xf32>
            %gt3A_537 = arith.constant 3 : i32
            %gt3A_538 = vector.broadcast %gt3A_537 : i32 to vector<16xi32>
            %gt3A_539 = arith.cmpi sgt, %all_reduce_population_count3A, %gt3A_538 : vector<16xi32>
            %select_n3A_540 = arith.select %gt3A_539, %get3A_319, %broadcast_in_dim3A_3 : vector<16xi1>, vector<16xf32>
            %gt3A_541 = arith.constant 4 : i32
            %gt3A_542 = vector.broadcast %gt3A_541 : i32 to vector<16xi32>
            %gt3A_543 = arith.cmpi sgt, %all_reduce_population_count3A, %gt3A_542 : vector<16xi32>
            %select_n3A_544 = arith.select %gt3A_543, %get3A_324, %broadcast_in_dim3A_3 : vector<16xi1>, vector<16xf32>
            %gt3A_545 = arith.constant 5 : i32
            %gt3A_546 = vector.broadcast %gt3A_545 : i32 to vector<16xi32>
            %gt3A_547 = arith.cmpi sgt, %all_reduce_population_count3A, %gt3A_546 : vector<16xi32>
            %select_n3A_548 = arith.select %gt3A_547, %get3A_329, %broadcast_in_dim3A_3 : vector<16xi1>, vector<16xf32>
            %gt3A_549 = arith.constant 6 : i32
            %gt3A_550 = vector.broadcast %gt3A_549 : i32 to vector<16xi32>
            %gt3A_551 = arith.cmpi sgt, %all_reduce_population_count3A, %gt3A_550 : vector<16xi32>
            %select_n3A_552 = arith.select %gt3A_551, %get3A_334, %broadcast_in_dim3A_3 : vector<16xi1>, vector<16xf32>
            %gt3A_553 = arith.constant 7 : i32
            %gt3A_554 = vector.broadcast %gt3A_553 : i32 to vector<16xi32>
            %gt3A_555 = arith.cmpi sgt, %all_reduce_population_count3A, %gt3A_554 : vector<16xi32>
            %select_n3A_556 = arith.select %gt3A_555, %get3A_339, %broadcast_in_dim3A_3 : vector<16xi1>, vector<16xf32>
            %gt3A_557 = arith.constant 8 : i32
            %gt3A_558 = vector.broadcast %gt3A_557 : i32 to vector<16xi32>
            %gt3A_559 = arith.cmpi sgt, %all_reduce_population_count3A, %gt3A_558 : vector<16xi32>
            %select_n3A_560 = arith.select %gt3A_559, %get3A_344, %broadcast_in_dim3A_3 : vector<16xi1>, vector<16xf32>
            %gt3A_561 = arith.constant 9 : i32
            %gt3A_562 = vector.broadcast %gt3A_561 : i32 to vector<16xi32>
            %gt3A_563 = arith.cmpi sgt, %all_reduce_population_count3A, %gt3A_562 : vector<16xi32>
            %select_n3A_564 = arith.select %gt3A_563, %get3A_349, %broadcast_in_dim3A_3 : vector<16xi1>, vector<16xf32>
            %gt3A_565 = arith.constant 10 : i32
            %gt3A_566 = vector.broadcast %gt3A_565 : i32 to vector<16xi32>
            %gt3A_567 = arith.cmpi sgt, %all_reduce_population_count3A, %gt3A_566 : vector<16xi32>
            %select_n3A_568 = arith.select %gt3A_567, %get3A_354, %broadcast_in_dim3A_3 : vector<16xi1>, vector<16xf32>
            %gt3A_569 = arith.constant 11 : i32
            %gt3A_570 = vector.broadcast %gt3A_569 : i32 to vector<16xi32>
            %gt3A_571 = arith.cmpi sgt, %all_reduce_population_count3A, %gt3A_570 : vector<16xi32>
            %select_n3A_572 = arith.select %gt3A_571, %get3A_359, %broadcast_in_dim3A_3 : vector<16xi1>, vector<16xf32>
            %gt3A_573 = arith.constant 12 : i32
            %gt3A_574 = vector.broadcast %gt3A_573 : i32 to vector<16xi32>
            %gt3A_575 = arith.cmpi sgt, %all_reduce_population_count3A, %gt3A_574 : vector<16xi32>
            %select_n3A_576 = arith.select %gt3A_575, %get3A_364, %broadcast_in_dim3A_3 : vector<16xi1>, vector<16xf32>
            %gt3A_577 = arith.constant 13 : i32
            %gt3A_578 = vector.broadcast %gt3A_577 : i32 to vector<16xi32>
            %gt3A_579 = arith.cmpi sgt, %all_reduce_population_count3A, %gt3A_578 : vector<16xi32>
            %select_n3A_580 = arith.select %gt3A_579, %get3A_369, %broadcast_in_dim3A_3 : vector<16xi1>, vector<16xf32>
            %gt3A_581 = arith.constant 14 : i32
            %gt3A_582 = vector.broadcast %gt3A_581 : i32 to vector<16xi32>
            %gt3A_583 = arith.cmpi sgt, %all_reduce_population_count3A, %gt3A_582 : vector<16xi32>
            %select_n3A_584 = arith.select %gt3A_583, %get3A_374, %broadcast_in_dim3A_3 : vector<16xi1>, vector<16xf32>
            %gt3A_585 = arith.constant 15 : i32
            %gt3A_586 = vector.broadcast %gt3A_585 : i32 to vector<16xi32>
            %gt3A_587 = arith.cmpi sgt, %all_reduce_population_count3A, %gt3A_586 : vector<16xi32>
            %select_n3A_588 = arith.select %gt3A_587, %get3A_379, %broadcast_in_dim3A_3 : vector<16xi1>, vector<16xf32>
            %add3A_589 = arith.addf %select_n3A_528, %select_n3A_532 : vector<16xf32>
            %add3A_590 = arith.addf %select_n3A_536, %select_n3A_540 : vector<16xf32>
            %add3A_591 = arith.addf %select_n3A_544, %select_n3A_548 : vector<16xf32>
            %add3A_592 = arith.addf %select_n3A_552, %select_n3A_556 : vector<16xf32>
            %add3A_593 = arith.addf %select_n3A_560, %select_n3A_564 : vector<16xf32>
            %add3A_594 = arith.addf %select_n3A_568, %select_n3A_572 : vector<16xf32>
            %add3A_595 = arith.addf %select_n3A_576, %select_n3A_580 : vector<16xf32>
            %add3A_596 = arith.addf %select_n3A_584, %select_n3A_588 : vector<16xf32>
            %add3A_597 = arith.addf %add3A_589, %add3A_590 : vector<16xf32>
            %add3A_598 = arith.addf %add3A_591, %add3A_592 : vector<16xf32>
            %add3A_599 = arith.addf %add3A_593, %add3A_594 : vector<16xf32>
            %add3A_600 = arith.addf %add3A_595, %add3A_596 : vector<16xf32>
            %add3A_601 = arith.addf %add3A_597, %add3A_598 : vector<16xf32>
            %add3A_602 = arith.addf %add3A_599, %add3A_600 : vector<16xf32>
            %add3A_603 = arith.addf %add3A_601, %add3A_602 : vector<16xf32>
            tpu.vector_store_idx %arg5[%broadcast_in_dim3A_430, %iota3A], %add3A_524 {add = true} : memref<256x32xf32, #tpu.memory_space<vmem>>[vector<16xi32>, vector<16xi32>], vector<16xf32>,
            tpu.vector_store_idx %arg5[%broadcast_in_dim3A_430, %add3A_5], %add3A_603 {add = true} : memref<256x32xf32, #tpu.memory_space<vmem>>[vector<16xi32>, vector<16xi32>], vector<16xf32>,
            %sub3A = arith.subf %add3A_394, %add3A_524 : vector<16xf32>
            %sub3A_604 = arith.subf %add3A_409, %add3A_603 : vector<16xf32>
            scf.yield %sub3A, %sub3A_604 : vector<16xf32>, vector<16xf32>
          } else {
            %add3A_448 = vector.broadcast %mul3A_218 : i32 to vector<16xi32>
            %add3A_449 = arith.addi %iota3A, %add3A_448 : vector<16xi32>
            %gather3A = tpu.vector_load_idx %arg6[%add3A_449, %broadcast_in_dim3A_7] : memref<1024x32xf32, #tpu.memory_space<vmem>>[vector<16xi32>, vector<16xi32>], vector<16xf32>,
            tpu.vector_store_idx %arg5[%get3A_219, %broadcast_in_dim3A_7], %gather3A {add = true} : memref<256x32xf32, #tpu.memory_space<vmem>>[vector<16xi32>, vector<16xi32>], vector<16xf32>,
            %gather3A_450 = tpu.vector_load_idx %arg6[%add3A_449, %broadcast_in_dim3A_9] : memref<1024x32xf32, #tpu.memory_space<vmem>>[vector<16xi32>, vector<16xi32>], vector<16xf32>,
            tpu.vector_store_idx %arg5[%get3A_219, %broadcast_in_dim3A_9], %gather3A_450 {add = true} : memref<256x32xf32, #tpu.memory_space<vmem>>[vector<16xi32>, vector<16xi32>], vector<16xf32>,
            %gather3A_451 = tpu.vector_load_idx %arg6[%add3A_449, %broadcast_in_dim3A_11] : memref<1024x32xf32, #tpu.memory_space<vmem>>[vector<16xi32>, vector<16xi32>], vector<16xf32>,
            tpu.vector_store_idx %arg5[%get3A_219, %broadcast_in_dim3A_11], %gather3A_451 {add = true} : memref<256x32xf32, #tpu.memory_space<vmem>>[vector<16xi32>, vector<16xi32>], vector<16xf32>,
            %gather3A_452 = tpu.vector_load_idx %arg6[%add3A_449, %broadcast_in_dim3A_13] : memref<1024x32xf32, #tpu.memory_space<vmem>>[vector<16xi32>, vector<16xi32>], vector<16xf32>,
            tpu.vector_store_idx %arg5[%get3A_219, %broadcast_in_dim3A_13], %gather3A_452 {add = true} : memref<256x32xf32, #tpu.memory_space<vmem>>[vector<16xi32>, vector<16xi32>], vector<16xf32>,
            %gather3A_453 = tpu.vector_load_idx %arg6[%add3A_449, %broadcast_in_dim3A_15] : memref<1024x32xf32, #tpu.memory_space<vmem>>[vector<16xi32>, vector<16xi32>], vector<16xf32>,
            tpu.vector_store_idx %arg5[%get3A_219, %broadcast_in_dim3A_15], %gather3A_453 {add = true} : memref<256x32xf32, #tpu.memory_space<vmem>>[vector<16xi32>, vector<16xi32>], vector<16xf32>,
            %gather3A_454 = tpu.vector_load_idx %arg6[%add3A_449, %broadcast_in_dim3A_17] : memref<1024x32xf32, #tpu.memory_space<vmem>>[vector<16xi32>, vector<16xi32>], vector<16xf32>,
            tpu.vector_store_idx %arg5[%get3A_219, %broadcast_in_dim3A_17], %gather3A_454 {add = true} : memref<256x32xf32, #tpu.memory_space<vmem>>[vector<16xi32>, vector<16xi32>], vector<16xf32>,
            %gather3A_455 = tpu.vector_load_idx %arg6[%add3A_449, %broadcast_in_dim3A_19] : memref<1024x32xf32, #tpu.memory_space<vmem>>[vector<16xi32>, vector<16xi32>], vector<16xf32>,
            tpu.vector_store_idx %arg5[%get3A_219, %broadcast_in_dim3A_19], %gather3A_455 {add = true} : memref<256x32xf32, #tpu.memory_space<vmem>>[vector<16xi32>, vector<16xi32>], vector<16xf32>,
            %gather3A_456 = tpu.vector_load_idx %arg6[%add3A_449, %broadcast_in_dim3A_21] : memref<1024x32xf32, #tpu.memory_space<vmem>>[vector<16xi32>, vector<16xi32>], vector<16xf32>,
            tpu.vector_store_idx %arg5[%get3A_219, %broadcast_in_dim3A_21], %gather3A_456 {add = true} : memref<256x32xf32, #tpu.memory_space<vmem>>[vector<16xi32>, vector<16xi32>], vector<16xf32>,
            %gather3A_457 = tpu.vector_load_idx %arg6[%add3A_449, %broadcast_in_dim3A_23] : memref<1024x32xf32, #tpu.memory_space<vmem>>[vector<16xi32>, vector<16xi32>], vector<16xf32>,
            tpu.vector_store_idx %arg5[%get3A_219, %broadcast_in_dim3A_23], %gather3A_457 {add = true} : memref<256x32xf32, #tpu.memory_space<vmem>>[vector<16xi32>, vector<16xi32>], vector<16xf32>,
            %gather3A_458 = tpu.vector_load_idx %arg6[%add3A_449, %broadcast_in_dim3A_25] : memref<1024x32xf32, #tpu.memory_space<vmem>>[vector<16xi32>, vector<16xi32>], vector<16xf32>,
            tpu.vector_store_idx %arg5[%get3A_219, %broadcast_in_dim3A_25], %gather3A_458 {add = true} : memref<256x32xf32, #tpu.memory_space<vmem>>[vector<16xi32>, vector<16xi32>], vector<16xf32>,
            %gather3A_459 = tpu.vector_load_idx %arg6[%add3A_449, %broadcast_in_dim3A_27] : memref<1024x32xf32, #tpu.memory_space<vmem>>[vector<16xi32>, vector<16xi32>], vector<16xf32>,
            tpu.vector_store_idx %arg5[%get3A_219, %broadcast_in_dim3A_27], %gather3A_459 {add = true} : memref<256x32xf32, #tpu.memory_space<vmem>>[vector<16xi32>, vector<16xi32>], vector<16xf32>,
            %gather3A_460 = tpu.vector_load_idx %arg6[%add3A_449, %broadcast_in_dim3A_29] : memref<1024x32xf32, #tpu.memory_space<vmem>>[vector<16xi32>, vector<16xi32>], vector<16xf32>,
            tpu.vector_store_idx %arg5[%get3A_219, %broadcast_in_dim3A_29], %gather3A_460 {add = true} : memref<256x32xf32, #tpu.memory_space<vmem>>[vector<16xi32>, vector<16xi32>], vector<16xf32>,
            %gather3A_461 = tpu.vector_load_idx %arg6[%add3A_449, %broadcast_in_dim3A_31] : memref<1024x32xf32, #tpu.memory_space<vmem>>[vector<16xi32>, vector<16xi32>], vector<16xf32>,
            tpu.vector_store_idx %arg5[%get3A_219, %broadcast_in_dim3A_31], %gather3A_461 {add = true} : memref<256x32xf32, #tpu.memory_space<vmem>>[vector<16xi32>, vector<16xi32>], vector<16xf32>,
            %gather3A_462 = tpu.vector_load_idx %arg6[%add3A_449, %broadcast_in_dim3A_33] : memref<1024x32xf32, #tpu.memory_space<vmem>>[vector<16xi32>, vector<16xi32>], vector<16xf32>,
            tpu.vector_store_idx %arg5[%get3A_219, %broadcast_in_dim3A_33], %gather3A_462 {add = true} : memref<256x32xf32, #tpu.memory_space<vmem>>[vector<16xi32>, vector<16xi32>], vector<16xf32>,
            %gather3A_463 = tpu.vector_load_idx %arg6[%add3A_449, %broadcast_in_dim3A_35] : memref<1024x32xf32, #tpu.memory_space<vmem>>[vector<16xi32>, vector<16xi32>], vector<16xf32>,
            tpu.vector_store_idx %arg5[%get3A_219, %broadcast_in_dim3A_35], %gather3A_463 {add = true} : memref<256x32xf32, #tpu.memory_space<vmem>>[vector<16xi32>, vector<16xi32>], vector<16xf32>,
            %gather3A_464 = tpu.vector_load_idx %arg6[%add3A_449, %broadcast_in_dim3A_37] : memref<1024x32xf32, #tpu.memory_space<vmem>>[vector<16xi32>, vector<16xi32>], vector<16xf32>,
            tpu.vector_store_idx %arg5[%get3A_219, %broadcast_in_dim3A_37], %gather3A_464 {add = true} : memref<256x32xf32, #tpu.memory_space<vmem>>[vector<16xi32>, vector<16xi32>], vector<16xf32>,
            %gather3A_465 = tpu.vector_load_idx %arg6[%add3A_449, %broadcast_in_dim3A_39] : memref<1024x32xf32, #tpu.memory_space<vmem>>[vector<16xi32>, vector<16xi32>], vector<16xf32>,
            tpu.vector_store_idx %arg5[%get3A_219, %broadcast_in_dim3A_39], %gather3A_465 {add = true} : memref<256x32xf32, #tpu.memory_space<vmem>>[vector<16xi32>, vector<16xi32>], vector<16xf32>,
            %gather3A_466 = tpu.vector_load_idx %arg6[%add3A_449, %broadcast_in_dim3A_41] : memref<1024x32xf32, #tpu.memory_space<vmem>>[vector<16xi32>, vector<16xi32>], vector<16xf32>,
            tpu.vector_store_idx %arg5[%get3A_219, %broadcast_in_dim3A_41], %gather3A_466 {add = true} : memref<256x32xf32, #tpu.memory_space<vmem>>[vector<16xi32>, vector<16xi32>], vector<16xf32>,
            %gather3A_467 = tpu.vector_load_idx %arg6[%add3A_449, %broadcast_in_dim3A_43] : memref<1024x32xf32, #tpu.memory_space<vmem>>[vector<16xi32>, vector<16xi32>], vector<16xf32>,
            tpu.vector_store_idx %arg5[%get3A_219, %broadcast_in_dim3A_43], %gather3A_467 {add = true} : memref<256x32xf32, #tpu.memory_space<vmem>>[vector<16xi32>, vector<16xi32>], vector<16xf32>,
            %gather3A_468 = tpu.vector_load_idx %arg6[%add3A_449, %broadcast_in_dim3A_45] : memref<1024x32xf32, #tpu.memory_space<vmem>>[vector<16xi32>, vector<16xi32>], vector<16xf32>,
            tpu.vector_store_idx %arg5[%get3A_219, %broadcast_in_dim3A_45], %gather3A_468 {add = true} : memref<256x32xf32, #tpu.memory_space<vmem>>[vector<16xi32>, vector<16xi32>], vector<16xf32>,
            %gather3A_469 = tpu.vector_load_idx %arg6[%add3A_449, %broadcast_in_dim3A_47] : memref<1024x32xf32, #tpu.memory_space<vmem>>[vector<16xi32>, vector<16xi32>], vector<16xf32>,
            tpu.vector_store_idx %arg5[%get3A_219, %broadcast_in_dim3A_47], %gather3A_469 {add = true} : memref<256x32xf32, #tpu.memory_space<vmem>>[vector<16xi32>, vector<16xi32>], vector<16xf32>,
            %gather3A_470 = tpu.vector_load_idx %arg6[%add3A_449, %broadcast_in_dim3A_49] : memref<1024x32xf32, #tpu.memory_space<vmem>>[vector<16xi32>, vector<16xi32>], vector<16xf32>,
            tpu.vector_store_idx %arg5[%get3A_219, %broadcast_in_dim3A_49], %gather3A_470 {add = true} : memref<256x32xf32, #tpu.memory_space<vmem>>[vector<16xi32>, vector<16xi32>], vector<16xf32>,
            %gather3A_471 = tpu.vector_load_idx %arg6[%add3A_449, %broadcast_in_dim3A_51] : memref<1024x32xf32, #tpu.memory_space<vmem>>[vector<16xi32>, vector<16xi32>], vector<16xf32>,
            tpu.vector_store_idx %arg5[%get3A_219, %broadcast_in_dim3A_51], %gather3A_471 {add = true} : memref<256x32xf32, #tpu.memory_space<vmem>>[vector<16xi32>, vector<16xi32>], vector<16xf32>,
            %gather3A_472 = tpu.vector_load_idx %arg6[%add3A_449, %broadcast_in_dim3A_53] : memref<1024x32xf32, #tpu.memory_space<vmem>>[vector<16xi32>, vector<16xi32>], vector<16xf32>,
            tpu.vector_store_idx %arg5[%get3A_219, %broadcast_in_dim3A_53], %gather3A_472 {add = true} : memref<256x32xf32, #tpu.memory_space<vmem>>[vector<16xi32>, vector<16xi32>], vector<16xf32>,
            %gather3A_473 = tpu.vector_load_idx %arg6[%add3A_449, %broadcast_in_dim3A_55] : memref<1024x32xf32, #tpu.memory_space<vmem>>[vector<16xi32>, vector<16xi32>], vector<16xf32>,
            tpu.vector_store_idx %arg5[%get3A_219, %broadcast_in_dim3A_55], %gather3A_473 {add = true} : memref<256x32xf32, #tpu.memory_space<vmem>>[vector<16xi32>, vector<16xi32>], vector<16xf32>,
            %gather3A_474 = tpu.vector_load_idx %arg6[%add3A_449, %broadcast_in_dim3A_57] : memref<1024x32xf32, #tpu.memory_space<vmem>>[vector<16xi32>, vector<16xi32>], vector<16xf32>,
            tpu.vector_store_idx %arg5[%get3A_219, %broadcast_in_dim3A_57], %gather3A_474 {add = true} : memref<256x32xf32, #tpu.memory_space<vmem>>[vector<16xi32>, vector<16xi32>], vector<16xf32>,
            %gather3A_475 = tpu.vector_load_idx %arg6[%add3A_449, %broadcast_in_dim3A_59] : memref<1024x32xf32, #tpu.memory_space<vmem>>[vector<16xi32>, vector<16xi32>], vector<16xf32>,
            tpu.vector_store_idx %arg5[%get3A_219, %broadcast_in_dim3A_59], %gather3A_475 {add = true} : memref<256x32xf32, #tpu.memory_space<vmem>>[vector<16xi32>, vector<16xi32>], vector<16xf32>,
            %gather3A_476 = tpu.vector_load_idx %arg6[%add3A_449, %broadcast_in_dim3A_61] : memref<1024x32xf32, #tpu.memory_space<vmem>>[vector<16xi32>, vector<16xi32>], vector<16xf32>,
            tpu.vector_store_idx %arg5[%get3A_219, %broadcast_in_dim3A_61], %gather3A_476 {add = true} : memref<256x32xf32, #tpu.memory_space<vmem>>[vector<16xi32>, vector<16xi32>], vector<16xf32>,
            %gather3A_477 = tpu.vector_load_idx %arg6[%add3A_449, %broadcast_in_dim3A_63] : memref<1024x32xf32, #tpu.memory_space<vmem>>[vector<16xi32>, vector<16xi32>], vector<16xf32>,
            tpu.vector_store_idx %arg5[%get3A_219, %broadcast_in_dim3A_63], %gather3A_477 {add = true} : memref<256x32xf32, #tpu.memory_space<vmem>>[vector<16xi32>, vector<16xi32>], vector<16xf32>,
            %gather3A_478 = tpu.vector_load_idx %arg6[%add3A_449, %broadcast_in_dim3A_65] : memref<1024x32xf32, #tpu.memory_space<vmem>>[vector<16xi32>, vector<16xi32>], vector<16xf32>,
            tpu.vector_store_idx %arg5[%get3A_219, %broadcast_in_dim3A_65], %gather3A_478 {add = true} : memref<256x32xf32, #tpu.memory_space<vmem>>[vector<16xi32>, vector<16xi32>], vector<16xf32>,
            %gather3A_479 = tpu.vector_load_idx %arg6[%add3A_449, %broadcast_in_dim3A_67] : memref<1024x32xf32, #tpu.memory_space<vmem>>[vector<16xi32>, vector<16xi32>], vector<16xf32>,
            tpu.vector_store_idx %arg5[%get3A_219, %broadcast_in_dim3A_67], %gather3A_479 {add = true} : memref<256x32xf32, #tpu.memory_space<vmem>>[vector<16xi32>, vector<16xi32>], vector<16xf32>,
            %gather3A_480 = tpu.vector_load_idx %arg6[%add3A_449, %broadcast_in_dim3A_69] : memref<1024x32xf32, #tpu.memory_space<vmem>>[vector<16xi32>, vector<16xi32>], vector<16xf32>,
            tpu.vector_store_idx %arg5[%get3A_219, %broadcast_in_dim3A_69], %gather3A_480 {add = true} : memref<256x32xf32, #tpu.memory_space<vmem>>[vector<16xi32>, vector<16xi32>], vector<16xf32>,
            scf.yield %broadcast_in_dim3A_3, %broadcast_in_dim3A_3 : vector<16xf32>, vector<16xf32>
          }
          scf.yield %reduce_max3A_416, %cond3A_447#0, %cond3A_447#1 : i32, vector<16xf32>, vector<16xf32>
        }
        scf.yield %cond3A_429#0, %cond3A_429#1, %cond3A_429#2 : i32, vector<16xf32>, vector<16xf32>
      }
      %scan3A_212 = arith.constant 64 : i32
      scf.yield %scan3A_211#0, %scan3A_211#1, %scan3A_211#2 : i32, vector<16xf32>, vector<16xf32>
    }
    %scan3A_106 = arith.constant 6 : i32
    %eq3A = arith.constant 0 : i32
    %eq3A_107 = arith.cmpi eq, %arg0, %eq3A : i32
    %convert_element_type3A = arith.extui %eq3A_107 : i1 to i32
    %cond3A = arith.constant 0 : i32
    %cond3A_108 = arith.cmpi ne, %convert_element_type3A, %cond3A : i32
    %cond3A_109:3 = scf.if %cond3A_108 -> (i32, vector<16xf32>, vector<16xf32>) {
      %mul3A_113 = arith.constant 26 : i32
      %mul3A_114 = arith.muli %arg1, %mul3A_113 : i32
      %add3A_115 = arith.constant 24576 : i32
      %add3A_116 = arith.addi %add3A_115, %mul3A_114 : i32
      %mul3A_117 = arith.constant 26 : i32
      %mul3A_118 = arith.muli %arg1, %mul3A_117 : i32
      %dma_start3A_119 = arith.constant 0 : i32
      %dma_start3A_120 = tpu.memref_slice %arg12[%mul3A_118, %dma_start3A_119] : memref<1024x512xf32, #tpu.memory_space<vmem_shared>> -> memref<26x512xf32, #tpu.memory_space<vmem_shared>>
      %dma_start3A_121 = arith.constant 0 : i32
      %dma_start3A_122 = tpu.memref_slice %arg2[%add3A_116, %dma_start3A_121] : memref<50000x512xf32, #tpu.memory_space<hbm>> -> memref<26x512xf32, #tpu.memory_space<hbm>>
      tpu.enqueue_dma source(%dma_start3A_122 : memref<26x512xf32, #tpu.memory_space<hbm>>) target(%dma_start3A_120 : memref<26x512xf32, #tpu.memory_space<vmem_shared>>) target_semaphore(%arg14 : memref<!tpu.dma_semaphore, #tpu.memory_space<semaphore_mem>>)
      %dma_start3A_123 = arith.constant 0 : i32
      %dma_start3A_124 = tpu.memref_slice %arg11[%dma_start3A_123] : memref<432xi32, #tpu.memory_space<vmem>> -> memref<416xi32, #tpu.memory_space<vmem>>
      %dma_start3A_125 = arith.constant 24576 : i32
      %dma_start3A_126 = tpu.memref_slice %arg3[%dma_start3A_125] : memref<50000xi32, #tpu.memory_space<hbm>> -> memref<416xi32, #tpu.memory_space<hbm>>
      %dma_start3A_127 = arith.constant 0 : i32
      %dma_start3A_128 = tpu.memref_slice %arg11[%dma_start3A_127] : memref<432xi32, #tpu.memory_space<vmem>> -> memref<416xi32, #tpu.memory_space<vmem>>
      %dma_start3A_129 = arith.constant 24576 : i32
      %dma_start3A_130 = tpu.memref_slice %arg3[%dma_start3A_129] : memref<50000xi32, #tpu.memory_space<hbm>> -> memref<416xi32, #tpu.memory_space<hbm>>
      tpu.enqueue_dma source(%dma_start3A_130 : memref<416xi32, #tpu.memory_space<hbm>>) target(%dma_start3A_128 : memref<416xi32, #tpu.memory_space<vmem>>) target_semaphore(%arg14 : memref<!tpu.dma_semaphore, #tpu.memory_space<semaphore_mem>>)
      %dma_wait3A = arith.constant 0 : i32
      %dma_wait3A_131 = arith.constant 0 : i32
      %dma_wait3A_132 = tpu.memref_slice %arg12[%dma_wait3A, %dma_wait3A_131] : memref<1024x512xf32, #tpu.memory_space<vmem_shared>> -> memref<26x512xf32, #tpu.memory_space<vmem_shared>>
      %dma_wait3A_133 = arith.constant 0 : i32
      %dma_wait3A_134 = arith.constant 0 : i32
      %dma_wait3A_135 = tpu.memref_slice %arg2[%dma_wait3A_133, %dma_wait3A_134] : memref<50000x512xf32, #tpu.memory_space<hbm>> -> memref<26x512xf32, #tpu.memory_space<hbm>>
      tpu.wait_dma2 semaphore(%arg14 : memref<!tpu.dma_semaphore, #tpu.memory_space<semaphore_mem>>) src(%dma_wait3A_135 : memref<26x512xf32, #tpu.memory_space<hbm>>) dst(%dma_wait3A_132 : memref<26x512xf32, #tpu.memory_space<vmem_shared>>)
      %dma_wait3A_136 = arith.constant 0 : i32
      %dma_wait3A_137 = tpu.memref_slice %arg11[%dma_wait3A_136] : memref<432xi32, #tpu.memory_space<vmem>> -> memref<416xi32, #tpu.memory_space<vmem>>
      %dma_wait3A_138 = arith.constant 0 : i32
      %dma_wait3A_139 = tpu.memref_slice %arg3[%dma_wait3A_138] : memref<50000xi32, #tpu.memory_space<hbm>> -> memref<416xi32, #tpu.memory_space<hbm>>
      %dma_wait3A_140 = arith.constant 0 : i32
      %dma_wait3A_141 = tpu.memref_slice %arg11[%dma_wait3A_140] : memref<432xi32, #tpu.memory_space<vmem>> -> memref<416xi32, #tpu.memory_space<vmem>>
      %dma_wait3A_142 = arith.constant 0 : i32
      %dma_wait3A_143 = tpu.memref_slice %arg3[%dma_wait3A_142] : memref<50000xi32, #tpu.memory_space<hbm>> -> memref<416xi32, #tpu.memory_space<hbm>>
      tpu.wait_dma2 semaphore(%arg14 : memref<!tpu.dma_semaphore, #tpu.memory_space<semaphore_mem>>) src(%dma_wait3A_143 : memref<416xi32, #tpu.memory_space<hbm>>) dst(%dma_wait3A_141 : memref<416xi32, #tpu.memory_space<vmem>>)
      %barrier3A = arith.constant 0 : index
      tpu.barrier barrier_id(%barrier3A)
      "tpu.region"() ({
        %run_scoped3A = tpu.sem_alloc : memref<!tpu.dma_semaphore, #tpu.memory_space<semaphore_mem>>
        %dma_start3A_150 = arith.constant 0 : i32
        %dma_start3A_151 = arith.constant 0 : i32
        %dma_start3A_152 = tpu.memref_slice %arg6[%dma_start3A_150, %dma_start3A_151] : memref<1024x32xf32, #tpu.memory_space<vmem>> -> memref<416x32xf32, #tpu.memory_space<vmem>>
        %dma_start3A_153 = arith.constant 0 : i32
        %dma_start3A_154 = tpu.memref_slice %arg12[%dma_start3A_153, %mul3A_2] : memref<1024x512xf32, #tpu.memory_space<vmem_shared>> -> memref<416x32xf32, #tpu.memory_space<vmem_shared>>
        %dma_start3A_155 = arith.constant 0 : i32
        %dma_start3A_156 = arith.constant 0 : i32
        %dma_start3A_157 = tpu.memref_slice %arg6[%dma_start3A_155, %dma_start3A_156] : memref<1024x32xf32, #tpu.memory_space<vmem>> -> memref<416x32xf32, #tpu.memory_space<vmem>>
        %dma_start3A_158 = arith.constant 0 : i32
        %dma_start3A_159 = tpu.memref_slice %arg12[%dma_start3A_158, %mul3A_2] : memref<1024x512xf32, #tpu.memory_space<vmem_shared>> -> memref<416x32xf32, #tpu.memory_space<vmem_shared>>
        tpu.enqueue_dma source(%dma_start3A_159 : memref<416x32xf32, #tpu.memory_space<vmem_shared>>) target(%dma_start3A_157 : memref<416x32xf32, #tpu.memory_space<vmem>>) target_semaphore(%run_scoped3A : memref<!tpu.dma_semaphore, #tpu.memory_space<semaphore_mem>>)
        %dma_wait3A_160 = arith.constant 0 : i32
        %dma_wait3A_161 = arith.constant 0 : i32
        %dma_wait3A_162 = tpu.memref_slice %arg6[%dma_wait3A_160, %dma_wait3A_161] : memref<1024x32xf32, #tpu.memory_space<vmem>> -> memref<416x32xf32, #tpu.memory_space<vmem>>
        %dma_wait3A_163 = arith.constant 0 : i32
        %dma_wait3A_164 = tpu.memref_slice %arg12[%dma_wait3A_163, %mul3A_2] : memref<1024x512xf32, #tpu.memory_space<vmem_shared>> -> memref<416x32xf32, #tpu.memory_space<vmem_shared>>
        %dma_wait3A_165 = arith.constant 0 : i32
        %dma_wait3A_166 = arith.constant 0 : i32
        %dma_wait3A_167 = tpu.memref_slice %arg6[%dma_wait3A_165, %dma_wait3A_166] : memref<1024x32xf32, #tpu.memory_space<vmem>> -> memref<416x32xf32, #tpu.memory_space<vmem>>
        %dma_wait3A_168 = arith.constant 0 : i32
        %dma_wait3A_169 = tpu.memref_slice %arg12[%dma_wait3A_168, %mul3A_2] : memref<1024x512xf32, #tpu.memory_space<vmem_shared>> -> memref<416x32xf32, #tpu.memory_space<vmem_shared>>
        tpu.wait_dma2 semaphore(%run_scoped3A : memref<!tpu.dma_semaphore, #tpu.memory_space<semaphore_mem>>) src(%dma_wait3A_169 : memref<416x32xf32, #tpu.memory_space<vmem_shared>>) dst(%dma_wait3A_167 : memref<416x32xf32, #tpu.memory_space<vmem>>)
        tpu.yield
      }) : () -> ()
      %scan3A_144 = arith.constant 0 : i32
      %scan3A_145 = arith.constant 26 : i32
      %scan3A_146 = arith.addi %scan3A_144, %scan3A_145 : i32
      %scan3A_147 = arith.constant 1 : i32
      %scan3A_148:3 = scf.for %scan3A_150 = %scan3A_144 to %scan3A_146 step %scan3A_147 iter_args(%scan3A_151 = %scan3A_105#0, %scan3A_152 = %scan3A_105#1, %scan3A_153 = %scan3A_105#2) -> (i32, vector<16xf32>, vector<16xf32>)  : i32 {
        %mul3A_154 = arith.constant 16 : i32
        %mul3A_155 = arith.muli %scan3A_150, %mul3A_154 : i32
        %get3A = arith.index_cast %mul3A_155 : i32 to index
        %get3A_156 = tpu.vector_load %arg11[%get3A] {strides = array<i32>} : memref<432xi32, #tpu.memory_space<vmem>>, vector<16xi32>,
        %add3A_157 = arith.constant 0 : i32
        %add3A_158 = arith.addi %mul3A_155, %add3A_157 : i32
        %get3A_159 = arith.index_cast %add3A_158 : i32 to index
        %get3A_160 = arith.constant 0 : index
        %get3A_161 = tpu.vector_load %arg6[%get3A_159, %get3A_160] {strides = array<i32>} : memref<1024x32xf32, #tpu.memory_space<vmem>>, vector<16xf32>,
        %add3A_162 = arith.constant 1 : i32
        %add3A_163 = arith.addi %mul3A_155, %add3A_162 : i32
        %get3A_164 = arith.index_cast %add3A_163 : i32 to index
        %get3A_165 = arith.constant 0 : index
        %get3A_166 = tpu.vector_load %arg6[%get3A_164, %get3A_165] {strides = array<i32>} : memref<1024x32xf32, #tpu.memory_space<vmem>>, vector<16xf32>,
        %add3A_167 = arith.constant 2 : i32
        %add3A_168 = arith.addi %mul3A_155, %add3A_167 : i32
        %get3A_169 = arith.index_cast %add3A_168 : i32 to index
        %get3A_170 = arith.constant 0 : index
        %get3A_171 = tpu.vector_load %arg6[%get3A_169, %get3A_170] {strides = array<i32>} : memref<1024x32xf32, #tpu.memory_space<vmem>>, vector<16xf32>,
        %add3A_172 = arith.constant 3 : i32
        %add3A_173 = arith.addi %mul3A_155, %add3A_172 : i32
        %get3A_174 = arith.index_cast %add3A_173 : i32 to index
        %get3A_175 = arith.constant 0 : index
        %get3A_176 = tpu.vector_load %arg6[%get3A_174, %get3A_175] {strides = array<i32>} : memref<1024x32xf32, #tpu.memory_space<vmem>>, vector<16xf32>,
        %add3A_177 = arith.constant 4 : i32
        %add3A_178 = arith.addi %mul3A_155, %add3A_177 : i32
        %get3A_179 = arith.index_cast %add3A_178 : i32 to index
        %get3A_180 = arith.constant 0 : index
        %get3A_181 = tpu.vector_load %arg6[%get3A_179, %get3A_180] {strides = array<i32>} : memref<1024x32xf32, #tpu.memory_space<vmem>>, vector<16xf32>,
        %add3A_182 = arith.constant 5 : i32
        %add3A_183 = arith.addi %mul3A_155, %add3A_182 : i32
        %get3A_184 = arith.index_cast %add3A_183 : i32 to index
        %get3A_185 = arith.constant 0 : index
        %get3A_186 = tpu.vector_load %arg6[%get3A_184, %get3A_185] {strides = array<i32>} : memref<1024x32xf32, #tpu.memory_space<vmem>>, vector<16xf32>,
        %add3A_187 = arith.constant 6 : i32
        %add3A_188 = arith.addi %mul3A_155, %add3A_187 : i32
        %get3A_189 = arith.index_cast %add3A_188 : i32 to index
        %get3A_190 = arith.constant 0 : index
        %get3A_191 = tpu.vector_load %arg6[%get3A_189, %get3A_190] {strides = array<i32>} : memref<1024x32xf32, #tpu.memory_space<vmem>>, vector<16xf32>,
        %add3A_192 = arith.constant 7 : i32
        %add3A_193 = arith.addi %mul3A_155, %add3A_192 : i32
        %get3A_194 = arith.index_cast %add3A_193 : i32 to index
        %get3A_195 = arith.constant 0 : index
        %get3A_196 = tpu.vector_load %arg6[%get3A_194, %get3A_195] {strides = array<i32>} : memref<1024x32xf32, #tpu.memory_space<vmem>>, vector<16xf32>,
        %add3A_197 = arith.constant 8 : i32
        %add3A_198 = arith.addi %mul3A_155, %add3A_197 : i32
        %get3A_199 = arith.index_cast %add3A_198 : i32 to index
        %get3A_200 = arith.constant 0 : index
        %get3A_201 = tpu.vector_load %arg6[%get3A_199, %get3A_200] {strides = array<i32>} : memref<1024x32xf32, #tpu.memory_space<vmem>>, vector<16xf32>,
        %add3A_202 = arith.constant 9 : i32
        %add3A_203 = arith.addi %mul3A_155, %add3A_202 : i32
        %get3A_204 = arith.index_cast %add3A_203 : i32 to index
        %get3A_205 = arith.constant 0 : index
        %get3A_206 = tpu.vector_load %arg6[%get3A_204, %get3A_205] {strides = array<i32>} : memref<1024x32xf32, #tpu.memory_space<vmem>>, vector<16xf32>,
        %add3A_207 = arith.constant 10 : i32
        %add3A_208 = arith.addi %mul3A_155, %add3A_207 : i32
        %get3A_209 = arith.index_cast %add3A_208 : i32 to index
        %get3A_210 = arith.constant 0 : index
        %get3A_211 = tpu.vector_load %arg6[%get3A_209, %get3A_210] {strides = array<i32>} : memref<1024x32xf32, #tpu.memory_space<vmem>>, vector<16xf32>,
        %add3A_212 = arith.constant 11 : i32
        %add3A_213 = arith.addi %mul3A_155, %add3A_212 : i32
        %get3A_214 = arith.index_cast %add3A_213 : i32 to index
        %get3A_215 = arith.constant 0 : index
        %get3A_216 = tpu.vector_load %arg6[%get3A_214, %get3A_215] {strides = array<i32>} : memref<1024x32xf32, #tpu.memory_space<vmem>>, vector<16xf32>,
        %add3A_217 = arith.constant 12 : i32
        %add3A_218 = arith.addi %mul3A_155, %add3A_217 : i32
        %get3A_219 = arith.index_cast %add3A_218 : i32 to index
        %get3A_220 = arith.constant 0 : index
        %get3A_221 = tpu.vector_load %arg6[%get3A_219, %get3A_220] {strides = array<i32>} : memref<1024x32xf32, #tpu.memory_space<vmem>>, vector<16xf32>,
        %add3A_222 = arith.constant 13 : i32
        %add3A_223 = arith.addi %mul3A_155, %add3A_222 : i32
        %get3A_224 = arith.index_cast %add3A_223 : i32 to index
        %get3A_225 = arith.constant 0 : index
        %get3A_226 = tpu.vector_load %arg6[%get3A_224, %get3A_225] {strides = array<i32>} : memref<1024x32xf32, #tpu.memory_space<vmem>>, vector<16xf32>,
        %add3A_227 = arith.constant 14 : i32
        %add3A_228 = arith.addi %mul3A_155, %add3A_227 : i32
        %get3A_229 = arith.index_cast %add3A_228 : i32 to index
        %get3A_230 = arith.constant 0 : index
        %get3A_231 = tpu.vector_load %arg6[%get3A_229, %get3A_230] {strides = array<i32>} : memref<1024x32xf32, #tpu.memory_space<vmem>>, vector<16xf32>,
        %add3A_232 = arith.constant 15 : i32
        %add3A_233 = arith.addi %mul3A_155, %add3A_232 : i32
        %get3A_234 = arith.index_cast %add3A_233 : i32 to index
        %get3A_235 = arith.constant 0 : index
        %get3A_236 = tpu.vector_load %arg6[%get3A_234, %get3A_235] {strides = array<i32>} : memref<1024x32xf32, #tpu.memory_space<vmem>>, vector<16xf32>,
        %add3A_237 = arith.constant 0 : i32
        %add3A_238 = arith.addi %mul3A_155, %add3A_237 : i32
        %get3A_239 = arith.index_cast %add3A_238 : i32 to index
        %get3A_240 = arith.constant 16 : index
        %get3A_241 = tpu.vector_load %arg6[%get3A_239, %get3A_240] {strides = array<i32>} : memref<1024x32xf32, #tpu.memory_space<vmem>>, vector<16xf32>,
        %add3A_242 = arith.constant 1 : i32
        %add3A_243 = arith.addi %mul3A_155, %add3A_242 : i32
        %get3A_244 = arith.index_cast %add3A_243 : i32 to index
        %get3A_245 = arith.constant 16 : index
        %get3A_246 = tpu.vector_load %arg6[%get3A_244, %get3A_245] {strides = array<i32>} : memref<1024x32xf32, #tpu.memory_space<vmem>>, vector<16xf32>,
        %add3A_247 = arith.constant 2 : i32
        %add3A_248 = arith.addi %mul3A_155, %add3A_247 : i32
        %get3A_249 = arith.index_cast %add3A_248 : i32 to index
        %get3A_250 = arith.constant 16 : index
        %get3A_251 = tpu.vector_load %arg6[%get3A_249, %get3A_250] {strides = array<i32>} : memref<1024x32xf32, #tpu.memory_space<vmem>>, vector<16xf32>,
        %add3A_252 = arith.constant 3 : i32
        %add3A_253 = arith.addi %mul3A_155, %add3A_252 : i32
        %get3A_254 = arith.index_cast %add3A_253 : i32 to index
        %get3A_255 = arith.constant 16 : index
        %get3A_256 = tpu.vector_load %arg6[%get3A_254, %get3A_255] {strides = array<i32>} : memref<1024x32xf32, #tpu.memory_space<vmem>>, vector<16xf32>,
        %add3A_257 = arith.constant 4 : i32
        %add3A_258 = arith.addi %mul3A_155, %add3A_257 : i32
        %get3A_259 = arith.index_cast %add3A_258 : i32 to index
        %get3A_260 = arith.constant 16 : index
        %get3A_261 = tpu.vector_load %arg6[%get3A_259, %get3A_260] {strides = array<i32>} : memref<1024x32xf32, #tpu.memory_space<vmem>>, vector<16xf32>,
        %add3A_262 = arith.constant 5 : i32
        %add3A_263 = arith.addi %mul3A_155, %add3A_262 : i32
        %get3A_264 = arith.index_cast %add3A_263 : i32 to index
        %get3A_265 = arith.constant 16 : index
        %get3A_266 = tpu.vector_load %arg6[%get3A_264, %get3A_265] {strides = array<i32>} : memref<1024x32xf32, #tpu.memory_space<vmem>>, vector<16xf32>,
        %add3A_267 = arith.constant 6 : i32
        %add3A_268 = arith.addi %mul3A_155, %add3A_267 : i32
        %get3A_269 = arith.index_cast %add3A_268 : i32 to index
        %get3A_270 = arith.constant 16 : index
        %get3A_271 = tpu.vector_load %arg6[%get3A_269, %get3A_270] {strides = array<i32>} : memref<1024x32xf32, #tpu.memory_space<vmem>>, vector<16xf32>,
        %add3A_272 = arith.constant 7 : i32
        %add3A_273 = arith.addi %mul3A_155, %add3A_272 : i32
        %get3A_274 = arith.index_cast %add3A_273 : i32 to index
        %get3A_275 = arith.constant 16 : index
        %get3A_276 = tpu.vector_load %arg6[%get3A_274, %get3A_275] {strides = array<i32>} : memref<1024x32xf32, #tpu.memory_space<vmem>>, vector<16xf32>,
        %add3A_277 = arith.constant 8 : i32
        %add3A_278 = arith.addi %mul3A_155, %add3A_277 : i32
        %get3A_279 = arith.index_cast %add3A_278 : i32 to index
        %get3A_280 = arith.constant 16 : index
        %get3A_281 = tpu.vector_load %arg6[%get3A_279, %get3A_280] {strides = array<i32>} : memref<1024x32xf32, #tpu.memory_space<vmem>>, vector<16xf32>,
        %add3A_282 = arith.constant 9 : i32
        %add3A_283 = arith.addi %mul3A_155, %add3A_282 : i32
        %get3A_284 = arith.index_cast %add3A_283 : i32 to index
        %get3A_285 = arith.constant 16 : index
        %get3A_286 = tpu.vector_load %arg6[%get3A_284, %get3A_285] {strides = array<i32>} : memref<1024x32xf32, #tpu.memory_space<vmem>>, vector<16xf32>,
        %add3A_287 = arith.constant 10 : i32
        %add3A_288 = arith.addi %mul3A_155, %add3A_287 : i32
        %get3A_289 = arith.index_cast %add3A_288 : i32 to index
        %get3A_290 = arith.constant 16 : index
        %get3A_291 = tpu.vector_load %arg6[%get3A_289, %get3A_290] {strides = array<i32>} : memref<1024x32xf32, #tpu.memory_space<vmem>>, vector<16xf32>,
        %add3A_292 = arith.constant 11 : i32
        %add3A_293 = arith.addi %mul3A_155, %add3A_292 : i32
        %get3A_294 = arith.index_cast %add3A_293 : i32 to index
        %get3A_295 = arith.constant 16 : index
        %get3A_296 = tpu.vector_load %arg6[%get3A_294, %get3A_295] {strides = array<i32>} : memref<1024x32xf32, #tpu.memory_space<vmem>>, vector<16xf32>,
        %add3A_297 = arith.constant 12 : i32
        %add3A_298 = arith.addi %mul3A_155, %add3A_297 : i32
        %get3A_299 = arith.index_cast %add3A_298 : i32 to index
        %get3A_300 = arith.constant 16 : index
        %get3A_301 = tpu.vector_load %arg6[%get3A_299, %get3A_300] {strides = array<i32>} : memref<1024x32xf32, #tpu.memory_space<vmem>>, vector<16xf32>,
        %add3A_302 = arith.constant 13 : i32
        %add3A_303 = arith.addi %mul3A_155, %add3A_302 : i32
        %get3A_304 = arith.index_cast %add3A_303 : i32 to index
        %get3A_305 = arith.constant 16 : index
        %get3A_306 = tpu.vector_load %arg6[%get3A_304, %get3A_305] {strides = array<i32>} : memref<1024x32xf32, #tpu.memory_space<vmem>>, vector<16xf32>,
        %add3A_307 = arith.constant 14 : i32
        %add3A_308 = arith.addi %mul3A_155, %add3A_307 : i32
        %get3A_309 = arith.index_cast %add3A_308 : i32 to index
        %get3A_310 = arith.constant 16 : index
        %get3A_311 = tpu.vector_load %arg6[%get3A_309, %get3A_310] {strides = array<i32>} : memref<1024x32xf32, #tpu.memory_space<vmem>>, vector<16xf32>,
        %add3A_312 = arith.constant 15 : i32
        %add3A_313 = arith.addi %mul3A_155, %add3A_312 : i32
        %get3A_314 = arith.index_cast %add3A_313 : i32 to index
        %get3A_315 = arith.constant 16 : index
        %get3A_316 = tpu.vector_load %arg6[%get3A_314, %get3A_315] {strides = array<i32>} : memref<1024x32xf32, #tpu.memory_space<vmem>>, vector<16xf32>,
        %add3A_317 = arith.addf %get3A_161, %get3A_166 : vector<16xf32>
        %add3A_318 = arith.addf %get3A_171, %get3A_176 : vector<16xf32>
        %add3A_319 = arith.addf %get3A_181, %get3A_186 : vector<16xf32>
        %add3A_320 = arith.addf %get3A_191, %get3A_196 : vector<16xf32>
        %add3A_321 = arith.addf %get3A_201, %get3A_206 : vector<16xf32>
        %add3A_322 = arith.addf %get3A_211, %get3A_216 : vector<16xf32>
        %add3A_323 = arith.addf %get3A_221, %get3A_226 : vector<16xf32>
        %add3A_324 = arith.addf %get3A_231, %get3A_236 : vector<16xf32>
        %add3A_325 = arith.addf %add3A_317, %add3A_318 : vector<16xf32>
        %add3A_326 = arith.addf %add3A_319, %add3A_320 : vector<16xf32>
        %add3A_327 = arith.addf %add3A_321, %add3A_322 : vector<16xf32>
        %add3A_328 = arith.addf %add3A_323, %add3A_324 : vector<16xf32>
        %add3A_329 = arith.addf %add3A_325, %add3A_326 : vector<16xf32>
        %add3A_330 = arith.addf %add3A_327, %add3A_328 : vector<16xf32>
        %add3A_331 = arith.addf %add3A_329, %add3A_330 : vector<16xf32>
        %add3A_332 = arith.addf %get3A_241, %get3A_246 : vector<16xf32>
        %add3A_333 = arith.addf %get3A_251, %get3A_256 : vector<16xf32>
        %add3A_334 = arith.addf %get3A_261, %get3A_266 : vector<16xf32>
        %add3A_335 = arith.addf %get3A_271, %get3A_276 : vector<16xf32>
        %add3A_336 = arith.addf %get3A_281, %get3A_286 : vector<16xf32>
        %add3A_337 = arith.addf %get3A_291, %get3A_296 : vector<16xf32>
        %add3A_338 = arith.addf %get3A_301, %get3A_306 : vector<16xf32>
        %add3A_339 = arith.addf %get3A_311, %get3A_316 : vector<16xf32>
        %add3A_340 = arith.addf %add3A_332, %add3A_333 : vector<16xf32>
        %add3A_341 = arith.addf %add3A_334, %add3A_335 : vector<16xf32>
        %add3A_342 = arith.addf %add3A_336, %add3A_337 : vector<16xf32>
        %add3A_343 = arith.addf %add3A_338, %add3A_339 : vector<16xf32>
        %add3A_344 = arith.addf %add3A_340, %add3A_341 : vector<16xf32>
        %add3A_345 = arith.addf %add3A_342, %add3A_343 : vector<16xf32>
        %add3A_346 = arith.addf %add3A_344, %add3A_345 : vector<16xf32>
        %reduce_max3A = arith.constant true
        %reduce_max3A_347 = vector.broadcast %reduce_max3A : i1 to vector<16xi1>
        %reduce_max3A_348 = arith.constant -2147483648 : i32
        %reduce_max3A_349 = vector.broadcast %reduce_max3A_348 : i32 to vector<16xi32>
        %reduce_max3A_350 = arith.xori %get3A_156, %reduce_max3A_349 : vector<16xi32>
        %reduce_max3A_351 = tpu.scan <max>, %reduce_max3A_350 masked %reduce_max3A_347 : vector<16xi32>, vector<16xi1> -> vector<16xi32>
        %reduce_max3A_352 = arith.xori %reduce_max3A_351, %reduce_max3A_349 : vector<16xi32>
        %reduce_max3A_353 = vector.extract %reduce_max3A_352[15] : i32 from vector<16xi32>
        %reduce_min3A = arith.constant true
        %reduce_min3A_354 = vector.broadcast %reduce_min3A : i1 to vector<16xi1>
        %reduce_min3A_355 = arith.constant -2147483648 : i32
        %reduce_min3A_356 = vector.broadcast %reduce_min3A_355 : i32 to vector<16xi32>
        %reduce_min3A_357 = arith.xori %get3A_156, %reduce_min3A_356 : vector<16xi32>
        %reduce_min3A_358 = tpu.scan <min>, %reduce_min3A_357 masked %reduce_min3A_354 : vector<16xi32>, vector<16xi1> -> vector<16xi32>
        %reduce_min3A_359 = arith.xori %reduce_min3A_358, %reduce_min3A_356 : vector<16xi32>
        %reduce_min3A_360 = vector.extract %reduce_min3A_359[15] : i32 from vector<16xi32>
        %broadcast_in_dim3A_361 = vector.broadcast %scan3A_151 : i32 to vector<16xi32>
        %eq3A_362 = arith.cmpi eq, %reduce_min3A_360, %reduce_max3A_353 : i32
        %convert_element_type3A_363 = arith.extui %eq3A_362 : i1 to i32
        %cond3A_364 = arith.constant 0 : i32
        %cond3A_365 = arith.cmpi ne, %convert_element_type3A_363, %cond3A_364 : i32
        %cond3A_366:3 = scf.if %cond3A_365 -> (i32, vector<16xf32>, vector<16xf32>) {
          %eq3A_367 = arith.cmpi eq, %scan3A_151, %reduce_min3A_360 : i32
          %convert_element_type3A_368 = arith.extui %eq3A_367 : i1 to i32
          %cond3A_369 = arith.constant 0 : i32
          %cond3A_370 = arith.cmpi ne, %convert_element_type3A_368, %cond3A_369 : i32
          %cond3A_371:3 = scf.if %cond3A_370 -> (i32, vector<16xf32>, vector<16xf32>) {
            %add3A_372 = arith.addf %scan3A_152, %add3A_331 : vector<16xf32>
            %add3A_373 = arith.addf %scan3A_153, %add3A_346 : vector<16xf32>
            scf.yield %scan3A_151, %add3A_372, %add3A_373 : i32, vector<16xf32>, vector<16xf32>
          } else {
            tpu.vector_store_idx %arg5[%broadcast_in_dim3A_361, %iota3A], %scan3A_152 {add = true} : memref<256x32xf32, #tpu.memory_space<vmem>>[vector<16xi32>, vector<16xi32>], vector<16xf32>,
            tpu.vector_store_idx %arg5[%broadcast_in_dim3A_361, %add3A_5], %scan3A_153 {add = true} : memref<256x32xf32, #tpu.memory_space<vmem>>[vector<16xi32>, vector<16xi32>], vector<16xf32>,
            scf.yield %reduce_max3A_353, %add3A_331, %add3A_346 : i32, vector<16xf32>, vector<16xf32>
          }
          scf.yield %cond3A_371#0, %cond3A_371#1, %cond3A_371#2 : i32, vector<16xf32>, vector<16xf32>
        } else {
          tpu.vector_store_idx %arg5[%broadcast_in_dim3A_361, %iota3A], %scan3A_152 {add = true} : memref<256x32xf32, #tpu.memory_space<vmem>>[vector<16xi32>, vector<16xi32>], vector<16xf32>,
          tpu.vector_store_idx %arg5[%broadcast_in_dim3A_361, %add3A_5], %scan3A_153 {add = true} : memref<256x32xf32, #tpu.memory_space<vmem>>[vector<16xi32>, vector<16xi32>], vector<16xf32>,
          %broadcast_in_dim3A_367 = vector.broadcast %reduce_min3A_360 : i32 to vector<16xi32>
          %broadcast_in_dim3A_368 = vector.broadcast %reduce_max3A_353 : i32 to vector<16xi32>
          %eq3A_369 = arith.cmpi eq, %get3A_156, %broadcast_in_dim3A_367 : vector<16xi32>
          %eq3A_370 = arith.cmpi eq, %get3A_156, %broadcast_in_dim3A_368 : vector<16xi32>
          %or3A = arith.ori %eq3A_369, %eq3A_370 : vector<16xi1>
          %reduce_and3A = arith.constant 1.000000e+00 : f32
          %reduce_and3A_371 = arith.constant 0.000000e+00 : f32
          %reduce_and3A_372 = vector.broadcast %reduce_and3A : f32 to vector<16xf32>
          %reduce_and3A_373 = vector.broadcast %reduce_and3A_371 : f32 to vector<16xf32>
          %reduce_and3A_374 = arith.select %or3A, %reduce_and3A_372, %reduce_and3A_373 : vector<16xi1>, vector<16xf32>
          %reduce_and3A_375 = arith.constant true
          %reduce_and3A_376 = vector.broadcast %reduce_and3A_375 : i1 to vector<16xi1>
          %reduce_and3A_377 = tpu.scan <min>, %reduce_and3A_374 masked %reduce_and3A_376 : vector<16xf32>, vector<16xi1> -> vector<16xf32>
          %reduce_and3A_378 = vector.extract %reduce_and3A_377[15] : f32 from vector<16xf32>
          %reduce_and3A_379 = arith.constant 0.000000e+00 : f32
          %reduce_and3A_380 = arith.cmpf ogt, %reduce_and3A_378, %reduce_and3A_379 : f32
          %all_reduce_population_count3A = tpu.all_reduce %eq3A_369 {dim = 0 : i64, kind = #tpu.reduction_kind<sum>} : vector<16xi1> -> vector<16xi32>
          %convert_element_type3A_381 = arith.extui %reduce_and3A_380 : i1 to i32
          %cond3A_382 = arith.constant 0 : i32
          %cond3A_383 = arith.cmpi ne, %convert_element_type3A_381, %cond3A_382 : i32
          %cond3A_384:2 = scf.if %cond3A_383 -> (vector<16xf32>, vector<16xf32>) {
            %gt3A = arith.constant 0 : i32
            %gt3A_385 = vector.broadcast %gt3A : i32 to vector<16xi32>
            %gt3A_386 = arith.cmpi sgt, %all_reduce_population_count3A, %gt3A_385 : vector<16xi32>
            %select_n3A = arith.select %gt3A_386, %get3A_161, %broadcast_in_dim3A_3 : vector<16xi1>, vector<16xf32>
            %gt3A_387 = arith.constant 1 : i32
            %gt3A_388 = vector.broadcast %gt3A_387 : i32 to vector<16xi32>
            %gt3A_389 = arith.cmpi sgt, %all_reduce_population_count3A, %gt3A_388 : vector<16xi32>
            %select_n3A_390 = arith.select %gt3A_389, %get3A_166, %broadcast_in_dim3A_3 : vector<16xi1>, vector<16xf32>
            %gt3A_391 = arith.constant 2 : i32
            %gt3A_392 = vector.broadcast %gt3A_391 : i32 to vector<16xi32>
            %gt3A_393 = arith.cmpi sgt, %all_reduce_population_count3A, %gt3A_392 : vector<16xi32>
            %select_n3A_394 = arith.select %gt3A_393, %get3A_171, %broadcast_in_dim3A_3 : vector<16xi1>, vector<16xf32>
            %gt3A_395 = arith.constant 3 : i32
            %gt3A_396 = vector.broadcast %gt3A_395 : i32 to vector<16xi32>
            %gt3A_397 = arith.cmpi sgt, %all_reduce_population_count3A, %gt3A_396 : vector<16xi32>
            %select_n3A_398 = arith.select %gt3A_397, %get3A_176, %broadcast_in_dim3A_3 : vector<16xi1>, vector<16xf32>
            %gt3A_399 = arith.constant 4 : i32
            %gt3A_400 = vector.broadcast %gt3A_399 : i32 to vector<16xi32>
            %gt3A_401 = arith.cmpi sgt, %all_reduce_population_count3A, %gt3A_400 : vector<16xi32>
            %select_n3A_402 = arith.select %gt3A_401, %get3A_181, %broadcast_in_dim3A_3 : vector<16xi1>, vector<16xf32>
            %gt3A_403 = arith.constant 5 : i32
            %gt3A_404 = vector.broadcast %gt3A_403 : i32 to vector<16xi32>
            %gt3A_405 = arith.cmpi sgt, %all_reduce_population_count3A, %gt3A_404 : vector<16xi32>
            %select_n3A_406 = arith.select %gt3A_405, %get3A_186, %broadcast_in_dim3A_3 : vector<16xi1>, vector<16xf32>
            %gt3A_407 = arith.constant 6 : i32
            %gt3A_408 = vector.broadcast %gt3A_407 : i32 to vector<16xi32>
            %gt3A_409 = arith.cmpi sgt, %all_reduce_population_count3A, %gt3A_408 : vector<16xi32>
            %select_n3A_410 = arith.select %gt3A_409, %get3A_191, %broadcast_in_dim3A_3 : vector<16xi1>, vector<16xf32>
            %gt3A_411 = arith.constant 7 : i32
            %gt3A_412 = vector.broadcast %gt3A_411 : i32 to vector<16xi32>
            %gt3A_413 = arith.cmpi sgt, %all_reduce_population_count3A, %gt3A_412 : vector<16xi32>
            %select_n3A_414 = arith.select %gt3A_413, %get3A_196, %broadcast_in_dim3A_3 : vector<16xi1>, vector<16xf32>
            %gt3A_415 = arith.constant 8 : i32
            %gt3A_416 = vector.broadcast %gt3A_415 : i32 to vector<16xi32>
            %gt3A_417 = arith.cmpi sgt, %all_reduce_population_count3A, %gt3A_416 : vector<16xi32>
            %select_n3A_418 = arith.select %gt3A_417, %get3A_201, %broadcast_in_dim3A_3 : vector<16xi1>, vector<16xf32>
            %gt3A_419 = arith.constant 9 : i32
            %gt3A_420 = vector.broadcast %gt3A_419 : i32 to vector<16xi32>
            %gt3A_421 = arith.cmpi sgt, %all_reduce_population_count3A, %gt3A_420 : vector<16xi32>
            %select_n3A_422 = arith.select %gt3A_421, %get3A_206, %broadcast_in_dim3A_3 : vector<16xi1>, vector<16xf32>
            %gt3A_423 = arith.constant 10 : i32
            %gt3A_424 = vector.broadcast %gt3A_423 : i32 to vector<16xi32>
            %gt3A_425 = arith.cmpi sgt, %all_reduce_population_count3A, %gt3A_424 : vector<16xi32>
            %select_n3A_426 = arith.select %gt3A_425, %get3A_211, %broadcast_in_dim3A_3 : vector<16xi1>, vector<16xf32>
            %gt3A_427 = arith.constant 11 : i32
            %gt3A_428 = vector.broadcast %gt3A_427 : i32 to vector<16xi32>
            %gt3A_429 = arith.cmpi sgt, %all_reduce_population_count3A, %gt3A_428 : vector<16xi32>
            %select_n3A_430 = arith.select %gt3A_429, %get3A_216, %broadcast_in_dim3A_3 : vector<16xi1>, vector<16xf32>
            %gt3A_431 = arith.constant 12 : i32
            %gt3A_432 = vector.broadcast %gt3A_431 : i32 to vector<16xi32>
            %gt3A_433 = arith.cmpi sgt, %all_reduce_population_count3A, %gt3A_432 : vector<16xi32>
            %select_n3A_434 = arith.select %gt3A_433, %get3A_221, %broadcast_in_dim3A_3 : vector<16xi1>, vector<16xf32>
            %gt3A_435 = arith.constant 13 : i32
            %gt3A_436 = vector.broadcast %gt3A_435 : i32 to vector<16xi32>
            %gt3A_437 = arith.cmpi sgt, %all_reduce_population_count3A, %gt3A_436 : vector<16xi32>
            %select_n3A_438 = arith.select %gt3A_437, %get3A_226, %broadcast_in_dim3A_3 : vector<16xi1>, vector<16xf32>
            %gt3A_439 = arith.constant 14 : i32
            %gt3A_440 = vector.broadcast %gt3A_439 : i32 to vector<16xi32>
            %gt3A_441 = arith.cmpi sgt, %all_reduce_population_count3A, %gt3A_440 : vector<16xi32>
            %select_n3A_442 = arith.select %gt3A_441, %get3A_231, %broadcast_in_dim3A_3 : vector<16xi1>, vector<16xf32>
            %gt3A_443 = arith.constant 15 : i32
            %gt3A_444 = vector.broadcast %gt3A_443 : i32 to vector<16xi32>
            %gt3A_445 = arith.cmpi sgt, %all_reduce_population_count3A, %gt3A_444 : vector<16xi32>
            %select_n3A_446 = arith.select %gt3A_445, %get3A_236, %broadcast_in_dim3A_3 : vector<16xi1>, vector<16xf32>
            %add3A_447 = arith.addf %select_n3A, %select_n3A_390 : vector<16xf32>
            %add3A_448 = arith.addf %select_n3A_394, %select_n3A_398 : vector<16xf32>
            %add3A_449 = arith.addf %select_n3A_402, %select_n3A_406 : vector<16xf32>
            %add3A_450 = arith.addf %select_n3A_410, %select_n3A_414 : vector<16xf32>
            %add3A_451 = arith.addf %select_n3A_418, %select_n3A_422 : vector<16xf32>
            %add3A_452 = arith.addf %select_n3A_426, %select_n3A_430 : vector<16xf32>
            %add3A_453 = arith.addf %select_n3A_434, %select_n3A_438 : vector<16xf32>
            %add3A_454 = arith.addf %select_n3A_442, %select_n3A_446 : vector<16xf32>
            %add3A_455 = arith.addf %add3A_447, %add3A_448 : vector<16xf32>
            %add3A_456 = arith.addf %add3A_449, %add3A_450 : vector<16xf32>
            %add3A_457 = arith.addf %add3A_451, %add3A_452 : vector<16xf32>
            %add3A_458 = arith.addf %add3A_453, %add3A_454 : vector<16xf32>
            %add3A_459 = arith.addf %add3A_455, %add3A_456 : vector<16xf32>
            %add3A_460 = arith.addf %add3A_457, %add3A_458 : vector<16xf32>
            %add3A_461 = arith.addf %add3A_459, %add3A_460 : vector<16xf32>
            %gt3A_462 = arith.constant 0 : i32
            %gt3A_463 = vector.broadcast %gt3A_462 : i32 to vector<16xi32>
            %gt3A_464 = arith.cmpi sgt, %all_reduce_population_count3A, %gt3A_463 : vector<16xi32>
            %select_n3A_465 = arith.select %gt3A_464, %get3A_241, %broadcast_in_dim3A_3 : vector<16xi1>, vector<16xf32>
            %gt3A_466 = arith.constant 1 : i32
            %gt3A_467 = vector.broadcast %gt3A_466 : i32 to vector<16xi32>
            %gt3A_468 = arith.cmpi sgt, %all_reduce_population_count3A, %gt3A_467 : vector<16xi32>
            %select_n3A_469 = arith.select %gt3A_468, %get3A_246, %broadcast_in_dim3A_3 : vector<16xi1>, vector<16xf32>
            %gt3A_470 = arith.constant 2 : i32
            %gt3A_471 = vector.broadcast %gt3A_470 : i32 to vector<16xi32>
            %gt3A_472 = arith.cmpi sgt, %all_reduce_population_count3A, %gt3A_471 : vector<16xi32>
            %select_n3A_473 = arith.select %gt3A_472, %get3A_251, %broadcast_in_dim3A_3 : vector<16xi1>, vector<16xf32>
            %gt3A_474 = arith.constant 3 : i32
            %gt3A_475 = vector.broadcast %gt3A_474 : i32 to vector<16xi32>
            %gt3A_476 = arith.cmpi sgt, %all_reduce_population_count3A, %gt3A_475 : vector<16xi32>
            %select_n3A_477 = arith.select %gt3A_476, %get3A_256, %broadcast_in_dim3A_3 : vector<16xi1>, vector<16xf32>
            %gt3A_478 = arith.constant 4 : i32
            %gt3A_479 = vector.broadcast %gt3A_478 : i32 to vector<16xi32>
            %gt3A_480 = arith.cmpi sgt, %all_reduce_population_count3A, %gt3A_479 : vector<16xi32>
            %select_n3A_481 = arith.select %gt3A_480, %get3A_261, %broadcast_in_dim3A_3 : vector<16xi1>, vector<16xf32>
            %gt3A_482 = arith.constant 5 : i32
            %gt3A_483 = vector.broadcast %gt3A_482 : i32 to vector<16xi32>
            %gt3A_484 = arith.cmpi sgt, %all_reduce_population_count3A, %gt3A_483 : vector<16xi32>
            %select_n3A_485 = arith.select %gt3A_484, %get3A_266, %broadcast_in_dim3A_3 : vector<16xi1>, vector<16xf32>
            %gt3A_486 = arith.constant 6 : i32
            %gt3A_487 = vector.broadcast %gt3A_486 : i32 to vector<16xi32>
            %gt3A_488 = arith.cmpi sgt, %all_reduce_population_count3A, %gt3A_487 : vector<16xi32>
            %select_n3A_489 = arith.select %gt3A_488, %get3A_271, %broadcast_in_dim3A_3 : vector<16xi1>, vector<16xf32>
            %gt3A_490 = arith.constant 7 : i32
            %gt3A_491 = vector.broadcast %gt3A_490 : i32 to vector<16xi32>
            %gt3A_492 = arith.cmpi sgt, %all_reduce_population_count3A, %gt3A_491 : vector<16xi32>
            %select_n3A_493 = arith.select %gt3A_492, %get3A_276, %broadcast_in_dim3A_3 : vector<16xi1>, vector<16xf32>
            %gt3A_494 = arith.constant 8 : i32
            %gt3A_495 = vector.broadcast %gt3A_494 : i32 to vector<16xi32>
            %gt3A_496 = arith.cmpi sgt, %all_reduce_population_count3A, %gt3A_495 : vector<16xi32>
            %select_n3A_497 = arith.select %gt3A_496, %get3A_281, %broadcast_in_dim3A_3 : vector<16xi1>, vector<16xf32>
            %gt3A_498 = arith.constant 9 : i32
            %gt3A_499 = vector.broadcast %gt3A_498 : i32 to vector<16xi32>
            %gt3A_500 = arith.cmpi sgt, %all_reduce_population_count3A, %gt3A_499 : vector<16xi32>
            %select_n3A_501 = arith.select %gt3A_500, %get3A_286, %broadcast_in_dim3A_3 : vector<16xi1>, vector<16xf32>
            %gt3A_502 = arith.constant 10 : i32
            %gt3A_503 = vector.broadcast %gt3A_502 : i32 to vector<16xi32>
            %gt3A_504 = arith.cmpi sgt, %all_reduce_population_count3A, %gt3A_503 : vector<16xi32>
            %select_n3A_505 = arith.select %gt3A_504, %get3A_291, %broadcast_in_dim3A_3 : vector<16xi1>, vector<16xf32>
            %gt3A_506 = arith.constant 11 : i32
            %gt3A_507 = vector.broadcast %gt3A_506 : i32 to vector<16xi32>
            %gt3A_508 = arith.cmpi sgt, %all_reduce_population_count3A, %gt3A_507 : vector<16xi32>
            %select_n3A_509 = arith.select %gt3A_508, %get3A_296, %broadcast_in_dim3A_3 : vector<16xi1>, vector<16xf32>
            %gt3A_510 = arith.constant 12 : i32
            %gt3A_511 = vector.broadcast %gt3A_510 : i32 to vector<16xi32>
            %gt3A_512 = arith.cmpi sgt, %all_reduce_population_count3A, %gt3A_511 : vector<16xi32>
            %select_n3A_513 = arith.select %gt3A_512, %get3A_301, %broadcast_in_dim3A_3 : vector<16xi1>, vector<16xf32>
            %gt3A_514 = arith.constant 13 : i32
            %gt3A_515 = vector.broadcast %gt3A_514 : i32 to vector<16xi32>
            %gt3A_516 = arith.cmpi sgt, %all_reduce_population_count3A, %gt3A_515 : vector<16xi32>
            %select_n3A_517 = arith.select %gt3A_516, %get3A_306, %broadcast_in_dim3A_3 : vector<16xi1>, vector<16xf32>
            %gt3A_518 = arith.constant 14 : i32
            %gt3A_519 = vector.broadcast %gt3A_518 : i32 to vector<16xi32>
            %gt3A_520 = arith.cmpi sgt, %all_reduce_population_count3A, %gt3A_519 : vector<16xi32>
            %select_n3A_521 = arith.select %gt3A_520, %get3A_311, %broadcast_in_dim3A_3 : vector<16xi1>, vector<16xf32>
            %gt3A_522 = arith.constant 15 : i32
            %gt3A_523 = vector.broadcast %gt3A_522 : i32 to vector<16xi32>
            %gt3A_524 = arith.cmpi sgt, %all_reduce_population_count3A, %gt3A_523 : vector<16xi32>
            %select_n3A_525 = arith.select %gt3A_524, %get3A_316, %broadcast_in_dim3A_3 : vector<16xi1>, vector<16xf32>
            %add3A_526 = arith.addf %select_n3A_465, %select_n3A_469 : vector<16xf32>
            %add3A_527 = arith.addf %select_n3A_473, %select_n3A_477 : vector<16xf32>
            %add3A_528 = arith.addf %select_n3A_481, %select_n3A_485 : vector<16xf32>
            %add3A_529 = arith.addf %select_n3A_489, %select_n3A_493 : vector<16xf32>
            %add3A_530 = arith.addf %select_n3A_497, %select_n3A_501 : vector<16xf32>
            %add3A_531 = arith.addf %select_n3A_505, %select_n3A_509 : vector<16xf32>
            %add3A_532 = arith.addf %select_n3A_513, %select_n3A_517 : vector<16xf32>
            %add3A_533 = arith.addf %select_n3A_521, %select_n3A_525 : vector<16xf32>
            %add3A_534 = arith.addf %add3A_526, %add3A_527 : vector<16xf32>
            %add3A_535 = arith.addf %add3A_528, %add3A_529 : vector<16xf32>
            %add3A_536 = arith.addf %add3A_530, %add3A_531 : vector<16xf32>
            %add3A_537 = arith.addf %add3A_532, %add3A_533 : vector<16xf32>
            %add3A_538 = arith.addf %add3A_534, %add3A_535 : vector<16xf32>
            %add3A_539 = arith.addf %add3A_536, %add3A_537 : vector<16xf32>
            %add3A_540 = arith.addf %add3A_538, %add3A_539 : vector<16xf32>
            tpu.vector_store_idx %arg5[%broadcast_in_dim3A_367, %iota3A], %add3A_461 {add = true} : memref<256x32xf32, #tpu.memory_space<vmem>>[vector<16xi32>, vector<16xi32>], vector<16xf32>,
            tpu.vector_store_idx %arg5[%broadcast_in_dim3A_367, %add3A_5], %add3A_540 {add = true} : memref<256x32xf32, #tpu.memory_space<vmem>>[vector<16xi32>, vector<16xi32>], vector<16xf32>,
            %sub3A = arith.subf %add3A_331, %add3A_461 : vector<16xf32>
            %sub3A_541 = arith.subf %add3A_346, %add3A_540 : vector<16xf32>
            scf.yield %sub3A, %sub3A_541 : vector<16xf32>, vector<16xf32>
          } else {
            %add3A_385 = vector.broadcast %mul3A_155 : i32 to vector<16xi32>
            %add3A_386 = arith.addi %iota3A, %add3A_385 : vector<16xi32>
            %gather3A = tpu.vector_load_idx %arg6[%add3A_386, %broadcast_in_dim3A_7] : memref<1024x32xf32, #tpu.memory_space<vmem>>[vector<16xi32>, vector<16xi32>], vector<16xf32>,
            tpu.vector_store_idx %arg5[%get3A_156, %broadcast_in_dim3A_7], %gather3A {add = true} : memref<256x32xf32, #tpu.memory_space<vmem>>[vector<16xi32>, vector<16xi32>], vector<16xf32>,
            %gather3A_387 = tpu.vector_load_idx %arg6[%add3A_386, %broadcast_in_dim3A_9] : memref<1024x32xf32, #tpu.memory_space<vmem>>[vector<16xi32>, vector<16xi32>], vector<16xf32>,
            tpu.vector_store_idx %arg5[%get3A_156, %broadcast_in_dim3A_9], %gather3A_387 {add = true} : memref<256x32xf32, #tpu.memory_space<vmem>>[vector<16xi32>, vector<16xi32>], vector<16xf32>,
            %gather3A_388 = tpu.vector_load_idx %arg6[%add3A_386, %broadcast_in_dim3A_11] : memref<1024x32xf32, #tpu.memory_space<vmem>>[vector<16xi32>, vector<16xi32>], vector<16xf32>,
            tpu.vector_store_idx %arg5[%get3A_156, %broadcast_in_dim3A_11], %gather3A_388 {add = true} : memref<256x32xf32, #tpu.memory_space<vmem>>[vector<16xi32>, vector<16xi32>], vector<16xf32>,
            %gather3A_389 = tpu.vector_load_idx %arg6[%add3A_386, %broadcast_in_dim3A_13] : memref<1024x32xf32, #tpu.memory_space<vmem>>[vector<16xi32>, vector<16xi32>], vector<16xf32>,
            tpu.vector_store_idx %arg5[%get3A_156, %broadcast_in_dim3A_13], %gather3A_389 {add = true} : memref<256x32xf32, #tpu.memory_space<vmem>>[vector<16xi32>, vector<16xi32>], vector<16xf32>,
            %gather3A_390 = tpu.vector_load_idx %arg6[%add3A_386, %broadcast_in_dim3A_15] : memref<1024x32xf32, #tpu.memory_space<vmem>>[vector<16xi32>, vector<16xi32>], vector<16xf32>,
            tpu.vector_store_idx %arg5[%get3A_156, %broadcast_in_dim3A_15], %gather3A_390 {add = true} : memref<256x32xf32, #tpu.memory_space<vmem>>[vector<16xi32>, vector<16xi32>], vector<16xf32>,
            %gather3A_391 = tpu.vector_load_idx %arg6[%add3A_386, %broadcast_in_dim3A_17] : memref<1024x32xf32, #tpu.memory_space<vmem>>[vector<16xi32>, vector<16xi32>], vector<16xf32>,
            tpu.vector_store_idx %arg5[%get3A_156, %broadcast_in_dim3A_17], %gather3A_391 {add = true} : memref<256x32xf32, #tpu.memory_space<vmem>>[vector<16xi32>, vector<16xi32>], vector<16xf32>,
            %gather3A_392 = tpu.vector_load_idx %arg6[%add3A_386, %broadcast_in_dim3A_19] : memref<1024x32xf32, #tpu.memory_space<vmem>>[vector<16xi32>, vector<16xi32>], vector<16xf32>,
            tpu.vector_store_idx %arg5[%get3A_156, %broadcast_in_dim3A_19], %gather3A_392 {add = true} : memref<256x32xf32, #tpu.memory_space<vmem>>[vector<16xi32>, vector<16xi32>], vector<16xf32>,
            %gather3A_393 = tpu.vector_load_idx %arg6[%add3A_386, %broadcast_in_dim3A_21] : memref<1024x32xf32, #tpu.memory_space<vmem>>[vector<16xi32>, vector<16xi32>], vector<16xf32>,
            tpu.vector_store_idx %arg5[%get3A_156, %broadcast_in_dim3A_21], %gather3A_393 {add = true} : memref<256x32xf32, #tpu.memory_space<vmem>>[vector<16xi32>, vector<16xi32>], vector<16xf32>,
            %gather3A_394 = tpu.vector_load_idx %arg6[%add3A_386, %broadcast_in_dim3A_23] : memref<1024x32xf32, #tpu.memory_space<vmem>>[vector<16xi32>, vector<16xi32>], vector<16xf32>,
            tpu.vector_store_idx %arg5[%get3A_156, %broadcast_in_dim3A_23], %gather3A_394 {add = true} : memref<256x32xf32, #tpu.memory_space<vmem>>[vector<16xi32>, vector<16xi32>], vector<16xf32>,
            %gather3A_395 = tpu.vector_load_idx %arg6[%add3A_386, %broadcast_in_dim3A_25] : memref<1024x32xf32, #tpu.memory_space<vmem>>[vector<16xi32>, vector<16xi32>], vector<16xf32>,
            tpu.vector_store_idx %arg5[%get3A_156, %broadcast_in_dim3A_25], %gather3A_395 {add = true} : memref<256x32xf32, #tpu.memory_space<vmem>>[vector<16xi32>, vector<16xi32>], vector<16xf32>,
            %gather3A_396 = tpu.vector_load_idx %arg6[%add3A_386, %broadcast_in_dim3A_27] : memref<1024x32xf32, #tpu.memory_space<vmem>>[vector<16xi32>, vector<16xi32>], vector<16xf32>,
            tpu.vector_store_idx %arg5[%get3A_156, %broadcast_in_dim3A_27], %gather3A_396 {add = true} : memref<256x32xf32, #tpu.memory_space<vmem>>[vector<16xi32>, vector<16xi32>], vector<16xf32>,
            %gather3A_397 = tpu.vector_load_idx %arg6[%add3A_386, %broadcast_in_dim3A_29] : memref<1024x32xf32, #tpu.memory_space<vmem>>[vector<16xi32>, vector<16xi32>], vector<16xf32>,
            tpu.vector_store_idx %arg5[%get3A_156, %broadcast_in_dim3A_29], %gather3A_397 {add = true} : memref<256x32xf32, #tpu.memory_space<vmem>>[vector<16xi32>, vector<16xi32>], vector<16xf32>,
            %gather3A_398 = tpu.vector_load_idx %arg6[%add3A_386, %broadcast_in_dim3A_31] : memref<1024x32xf32, #tpu.memory_space<vmem>>[vector<16xi32>, vector<16xi32>], vector<16xf32>,
            tpu.vector_store_idx %arg5[%get3A_156, %broadcast_in_dim3A_31], %gather3A_398 {add = true} : memref<256x32xf32, #tpu.memory_space<vmem>>[vector<16xi32>, vector<16xi32>], vector<16xf32>,
            %gather3A_399 = tpu.vector_load_idx %arg6[%add3A_386, %broadcast_in_dim3A_33] : memref<1024x32xf32, #tpu.memory_space<vmem>>[vector<16xi32>, vector<16xi32>], vector<16xf32>,
            tpu.vector_store_idx %arg5[%get3A_156, %broadcast_in_dim3A_33], %gather3A_399 {add = true} : memref<256x32xf32, #tpu.memory_space<vmem>>[vector<16xi32>, vector<16xi32>], vector<16xf32>,
            %gather3A_400 = tpu.vector_load_idx %arg6[%add3A_386, %broadcast_in_dim3A_35] : memref<1024x32xf32, #tpu.memory_space<vmem>>[vector<16xi32>, vector<16xi32>], vector<16xf32>,
            tpu.vector_store_idx %arg5[%get3A_156, %broadcast_in_dim3A_35], %gather3A_400 {add = true} : memref<256x32xf32, #tpu.memory_space<vmem>>[vector<16xi32>, vector<16xi32>], vector<16xf32>,
            %gather3A_401 = tpu.vector_load_idx %arg6[%add3A_386, %broadcast_in_dim3A_37] : memref<1024x32xf32, #tpu.memory_space<vmem>>[vector<16xi32>, vector<16xi32>], vector<16xf32>,
            tpu.vector_store_idx %arg5[%get3A_156, %broadcast_in_dim3A_37], %gather3A_401 {add = true} : memref<256x32xf32, #tpu.memory_space<vmem>>[vector<16xi32>, vector<16xi32>], vector<16xf32>,
            %gather3A_402 = tpu.vector_load_idx %arg6[%add3A_386, %broadcast_in_dim3A_39] : memref<1024x32xf32, #tpu.memory_space<vmem>>[vector<16xi32>, vector<16xi32>], vector<16xf32>,
            tpu.vector_store_idx %arg5[%get3A_156, %broadcast_in_dim3A_39], %gather3A_402 {add = true} : memref<256x32xf32, #tpu.memory_space<vmem>>[vector<16xi32>, vector<16xi32>], vector<16xf32>,
            %gather3A_403 = tpu.vector_load_idx %arg6[%add3A_386, %broadcast_in_dim3A_41] : memref<1024x32xf32, #tpu.memory_space<vmem>>[vector<16xi32>, vector<16xi32>], vector<16xf32>,
            tpu.vector_store_idx %arg5[%get3A_156, %broadcast_in_dim3A_41], %gather3A_403 {add = true} : memref<256x32xf32, #tpu.memory_space<vmem>>[vector<16xi32>, vector<16xi32>], vector<16xf32>,
            %gather3A_404 = tpu.vector_load_idx %arg6[%add3A_386, %broadcast_in_dim3A_43] : memref<1024x32xf32, #tpu.memory_space<vmem>>[vector<16xi32>, vector<16xi32>], vector<16xf32>,
            tpu.vector_store_idx %arg5[%get3A_156, %broadcast_in_dim3A_43], %gather3A_404 {add = true} : memref<256x32xf32, #tpu.memory_space<vmem>>[vector<16xi32>, vector<16xi32>], vector<16xf32>,
            %gather3A_405 = tpu.vector_load_idx %arg6[%add3A_386, %broadcast_in_dim3A_45] : memref<1024x32xf32, #tpu.memory_space<vmem>>[vector<16xi32>, vector<16xi32>], vector<16xf32>,
            tpu.vector_store_idx %arg5[%get3A_156, %broadcast_in_dim3A_45], %gather3A_405 {add = true} : memref<256x32xf32, #tpu.memory_space<vmem>>[vector<16xi32>, vector<16xi32>], vector<16xf32>,
            %gather3A_406 = tpu.vector_load_idx %arg6[%add3A_386, %broadcast_in_dim3A_47] : memref<1024x32xf32, #tpu.memory_space<vmem>>[vector<16xi32>, vector<16xi32>], vector<16xf32>,
            tpu.vector_store_idx %arg5[%get3A_156, %broadcast_in_dim3A_47], %gather3A_406 {add = true} : memref<256x32xf32, #tpu.memory_space<vmem>>[vector<16xi32>, vector<16xi32>], vector<16xf32>,
            %gather3A_407 = tpu.vector_load_idx %arg6[%add3A_386, %broadcast_in_dim3A_49] : memref<1024x32xf32, #tpu.memory_space<vmem>>[vector<16xi32>, vector<16xi32>], vector<16xf32>,
            tpu.vector_store_idx %arg5[%get3A_156, %broadcast_in_dim3A_49], %gather3A_407 {add = true} : memref<256x32xf32, #tpu.memory_space<vmem>>[vector<16xi32>, vector<16xi32>], vector<16xf32>,
            %gather3A_408 = tpu.vector_load_idx %arg6[%add3A_386, %broadcast_in_dim3A_51] : memref<1024x32xf32, #tpu.memory_space<vmem>>[vector<16xi32>, vector<16xi32>], vector<16xf32>,
            tpu.vector_store_idx %arg5[%get3A_156, %broadcast_in_dim3A_51], %gather3A_408 {add = true} : memref<256x32xf32, #tpu.memory_space<vmem>>[vector<16xi32>, vector<16xi32>], vector<16xf32>,
            %gather3A_409 = tpu.vector_load_idx %arg6[%add3A_386, %broadcast_in_dim3A_53] : memref<1024x32xf32, #tpu.memory_space<vmem>>[vector<16xi32>, vector<16xi32>], vector<16xf32>,
            tpu.vector_store_idx %arg5[%get3A_156, %broadcast_in_dim3A_53], %gather3A_409 {add = true} : memref<256x32xf32, #tpu.memory_space<vmem>>[vector<16xi32>, vector<16xi32>], vector<16xf32>,
            %gather3A_410 = tpu.vector_load_idx %arg6[%add3A_386, %broadcast_in_dim3A_55] : memref<1024x32xf32, #tpu.memory_space<vmem>>[vector<16xi32>, vector<16xi32>], vector<16xf32>,
            tpu.vector_store_idx %arg5[%get3A_156, %broadcast_in_dim3A_55], %gather3A_410 {add = true} : memref<256x32xf32, #tpu.memory_space<vmem>>[vector<16xi32>, vector<16xi32>], vector<16xf32>,
            %gather3A_411 = tpu.vector_load_idx %arg6[%add3A_386, %broadcast_in_dim3A_57] : memref<1024x32xf32, #tpu.memory_space<vmem>>[vector<16xi32>, vector<16xi32>], vector<16xf32>,
            tpu.vector_store_idx %arg5[%get3A_156, %broadcast_in_dim3A_57], %gather3A_411 {add = true} : memref<256x32xf32, #tpu.memory_space<vmem>>[vector<16xi32>, vector<16xi32>], vector<16xf32>,
            %gather3A_412 = tpu.vector_load_idx %arg6[%add3A_386, %broadcast_in_dim3A_59] : memref<1024x32xf32, #tpu.memory_space<vmem>>[vector<16xi32>, vector<16xi32>], vector<16xf32>,
            tpu.vector_store_idx %arg5[%get3A_156, %broadcast_in_dim3A_59], %gather3A_412 {add = true} : memref<256x32xf32, #tpu.memory_space<vmem>>[vector<16xi32>, vector<16xi32>], vector<16xf32>,
            %gather3A_413 = tpu.vector_load_idx %arg6[%add3A_386, %broadcast_in_dim3A_61] : memref<1024x32xf32, #tpu.memory_space<vmem>>[vector<16xi32>, vector<16xi32>], vector<16xf32>,
            tpu.vector_store_idx %arg5[%get3A_156, %broadcast_in_dim3A_61], %gather3A_413 {add = true} : memref<256x32xf32, #tpu.memory_space<vmem>>[vector<16xi32>, vector<16xi32>], vector<16xf32>,
            %gather3A_414 = tpu.vector_load_idx %arg6[%add3A_386, %broadcast_in_dim3A_63] : memref<1024x32xf32, #tpu.memory_space<vmem>>[vector<16xi32>, vector<16xi32>], vector<16xf32>,
            tpu.vector_store_idx %arg5[%get3A_156, %broadcast_in_dim3A_63], %gather3A_414 {add = true} : memref<256x32xf32, #tpu.memory_space<vmem>>[vector<16xi32>, vector<16xi32>], vector<16xf32>,
            %gather3A_415 = tpu.vector_load_idx %arg6[%add3A_386, %broadcast_in_dim3A_65] : memref<1024x32xf32, #tpu.memory_space<vmem>>[vector<16xi32>, vector<16xi32>], vector<16xf32>,
            tpu.vector_store_idx %arg5[%get3A_156, %broadcast_in_dim3A_65], %gather3A_415 {add = true} : memref<256x32xf32, #tpu.memory_space<vmem>>[vector<16xi32>, vector<16xi32>], vector<16xf32>,
            %gather3A_416 = tpu.vector_load_idx %arg6[%add3A_386, %broadcast_in_dim3A_67] : memref<1024x32xf32, #tpu.memory_space<vmem>>[vector<16xi32>, vector<16xi32>], vector<16xf32>,
            tpu.vector_store_idx %arg5[%get3A_156, %broadcast_in_dim3A_67], %gather3A_416 {add = true} : memref<256x32xf32, #tpu.memory_space<vmem>>[vector<16xi32>, vector<16xi32>], vector<16xf32>,
            %gather3A_417 = tpu.vector_load_idx %arg6[%add3A_386, %broadcast_in_dim3A_69] : memref<1024x32xf32, #tpu.memory_space<vmem>>[vector<16xi32>, vector<16xi32>], vector<16xf32>,
            tpu.vector_store_idx %arg5[%get3A_156, %broadcast_in_dim3A_69], %gather3A_417 {add = true} : memref<256x32xf32, #tpu.memory_space<vmem>>[vector<16xi32>, vector<16xi32>], vector<16xf32>,
            scf.yield %broadcast_in_dim3A_3, %broadcast_in_dim3A_3 : vector<16xf32>, vector<16xf32>
          }
          scf.yield %reduce_max3A_353, %cond3A_384#0, %cond3A_384#1 : i32, vector<16xf32>, vector<16xf32>
        }
        scf.yield %cond3A_366#0, %cond3A_366#1, %cond3A_366#2 : i32, vector<16xf32>, vector<16xf32>
      }
      %scan3A_149 = arith.constant 26 : i32
      scf.yield %scan3A_148#0, %scan3A_148#1, %scan3A_148#2 : i32, vector<16xf32>, vector<16xf32>
    } else {
      %mul3A_113 = arith.constant 27 : i32
      %mul3A_114 = arith.muli %arg1, %mul3A_113 : i32
      %add3A_115 = arith.constant 49568 : i32
      %add3A_116 = arith.addi %add3A_115, %mul3A_114 : i32
      %mul3A_117 = arith.constant 27 : i32
      %mul3A_118 = arith.muli %arg1, %mul3A_117 : i32
      %dma_start3A_119 = arith.constant 0 : i32
      %dma_start3A_120 = tpu.memref_slice %arg12[%mul3A_118, %dma_start3A_119] : memref<1024x512xf32, #tpu.memory_space<vmem_shared>> -> memref<27x512xf32, #tpu.memory_space<vmem_shared>>
      %dma_start3A_121 = arith.constant 0 : i32
      %dma_start3A_122 = tpu.memref_slice %arg2[%add3A_116, %dma_start3A_121] : memref<50000x512xf32, #tpu.memory_space<hbm>> -> memref<27x512xf32, #tpu.memory_space<hbm>>
      tpu.enqueue_dma source(%dma_start3A_122 : memref<27x512xf32, #tpu.memory_space<hbm>>) target(%dma_start3A_120 : memref<27x512xf32, #tpu.memory_space<vmem_shared>>) target_semaphore(%arg14 : memref<!tpu.dma_semaphore, #tpu.memory_space<semaphore_mem>>)
      %dma_start3A_123 = arith.constant 0 : i32
      %dma_start3A_124 = tpu.memref_slice %arg11[%dma_start3A_123] : memref<432xi32, #tpu.memory_space<vmem>> -> memref<432xi32, #tpu.memory_space<vmem>>
      %dma_start3A_125 = arith.constant 49568 : i32
      %dma_start3A_126 = tpu.memref_slice %arg3[%dma_start3A_125] : memref<50000xi32, #tpu.memory_space<hbm>> -> memref<432xi32, #tpu.memory_space<hbm>>
      %dma_start3A_127 = arith.constant 0 : i32
      %dma_start3A_128 = tpu.memref_slice %arg11[%dma_start3A_127] : memref<432xi32, #tpu.memory_space<vmem>> -> memref<432xi32, #tpu.memory_space<vmem>>
      %dma_start3A_129 = arith.constant 49568 : i32
      %dma_start3A_130 = tpu.memref_slice %arg3[%dma_start3A_129] : memref<50000xi32, #tpu.memory_space<hbm>> -> memref<432xi32, #tpu.memory_space<hbm>>
      tpu.enqueue_dma source(%dma_start3A_130 : memref<432xi32, #tpu.memory_space<hbm>>) target(%dma_start3A_128 : memref<432xi32, #tpu.memory_space<vmem>>) target_semaphore(%arg14 : memref<!tpu.dma_semaphore, #tpu.memory_space<semaphore_mem>>)
      %dma_wait3A = arith.constant 0 : i32
      %dma_wait3A_131 = arith.constant 0 : i32
      %dma_wait3A_132 = tpu.memref_slice %arg12[%dma_wait3A, %dma_wait3A_131] : memref<1024x512xf32, #tpu.memory_space<vmem_shared>> -> memref<27x512xf32, #tpu.memory_space<vmem_shared>>
      %dma_wait3A_133 = arith.constant 0 : i32
      %dma_wait3A_134 = arith.constant 0 : i32
      %dma_wait3A_135 = tpu.memref_slice %arg2[%dma_wait3A_133, %dma_wait3A_134] : memref<50000x512xf32, #tpu.memory_space<hbm>> -> memref<27x512xf32, #tpu.memory_space<hbm>>
      tpu.wait_dma2 semaphore(%arg14 : memref<!tpu.dma_semaphore, #tpu.memory_space<semaphore_mem>>) src(%dma_wait3A_135 : memref<27x512xf32, #tpu.memory_space<hbm>>) dst(%dma_wait3A_132 : memref<27x512xf32, #tpu.memory_space<vmem_shared>>)
      %dma_wait3A_136 = arith.constant 0 : i32
      %dma_wait3A_137 = tpu.memref_slice %arg11[%dma_wait3A_136] : memref<432xi32, #tpu.memory_space<vmem>> -> memref<432xi32, #tpu.memory_space<vmem>>
      %dma_wait3A_138 = arith.constant 0 : i32
      %dma_wait3A_139 = tpu.memref_slice %arg3[%dma_wait3A_138] : memref<50000xi32, #tpu.memory_space<hbm>> -> memref<432xi32, #tpu.memory_space<hbm>>
      %dma_wait3A_140 = arith.constant 0 : i32
      %dma_wait3A_141 = tpu.memref_slice %arg11[%dma_wait3A_140] : memref<432xi32, #tpu.memory_space<vmem>> -> memref<432xi32, #tpu.memory_space<vmem>>
      %dma_wait3A_142 = arith.constant 0 : i32
      %dma_wait3A_143 = tpu.memref_slice %arg3[%dma_wait3A_142] : memref<50000xi32, #tpu.memory_space<hbm>> -> memref<432xi32, #tpu.memory_space<hbm>>
      tpu.wait_dma2 semaphore(%arg14 : memref<!tpu.dma_semaphore, #tpu.memory_space<semaphore_mem>>) src(%dma_wait3A_143 : memref<432xi32, #tpu.memory_space<hbm>>) dst(%dma_wait3A_141 : memref<432xi32, #tpu.memory_space<vmem>>)
      %barrier3A = arith.constant 0 : index
      tpu.barrier barrier_id(%barrier3A)
      "tpu.region"() ({
        %run_scoped3A = tpu.sem_alloc : memref<!tpu.dma_semaphore, #tpu.memory_space<semaphore_mem>>
        %dma_start3A_150 = arith.constant 0 : i32
        %dma_start3A_151 = arith.constant 0 : i32
        %dma_start3A_152 = tpu.memref_slice %arg6[%dma_start3A_150, %dma_start3A_151] : memref<1024x32xf32, #tpu.memory_space<vmem>> -> memref<432x32xf32, #tpu.memory_space<vmem>>
        %dma_start3A_153 = arith.constant 0 : i32
        %dma_start3A_154 = tpu.memref_slice %arg12[%dma_start3A_153, %mul3A_2] : memref<1024x512xf32, #tpu.memory_space<vmem_shared>> -> memref<432x32xf32, #tpu.memory_space<vmem_shared>>
        %dma_start3A_155 = arith.constant 0 : i32
        %dma_start3A_156 = arith.constant 0 : i32
        %dma_start3A_157 = tpu.memref_slice %arg6[%dma_start3A_155, %dma_start3A_156] : memref<1024x32xf32, #tpu.memory_space<vmem>> -> memref<432x32xf32, #tpu.memory_space<vmem>>
        %dma_start3A_158 = arith.constant 0 : i32
        %dma_start3A_159 = tpu.memref_slice %arg12[%dma_start3A_158, %mul3A_2] : memref<1024x512xf32, #tpu.memory_space<vmem_shared>> -> memref<432x32xf32, #tpu.memory_space<vmem_shared>>
        tpu.enqueue_dma source(%dma_start3A_159 : memref<432x32xf32, #tpu.memory_space<vmem_shared>>) target(%dma_start3A_157 : memref<432x32xf32, #tpu.memory_space<vmem>>) target_semaphore(%run_scoped3A : memref<!tpu.dma_semaphore, #tpu.memory_space<semaphore_mem>>)
        %dma_wait3A_160 = arith.constant 0 : i32
        %dma_wait3A_161 = arith.constant 0 : i32
        %dma_wait3A_162 = tpu.memref_slice %arg6[%dma_wait3A_160, %dma_wait3A_161] : memref<1024x32xf32, #tpu.memory_space<vmem>> -> memref<432x32xf32, #tpu.memory_space<vmem>>
        %dma_wait3A_163 = arith.constant 0 : i32
        %dma_wait3A_164 = tpu.memref_slice %arg12[%dma_wait3A_163, %mul3A_2] : memref<1024x512xf32, #tpu.memory_space<vmem_shared>> -> memref<432x32xf32, #tpu.memory_space<vmem_shared>>
        %dma_wait3A_165 = arith.constant 0 : i32
        %dma_wait3A_166 = arith.constant 0 : i32
        %dma_wait3A_167 = tpu.memref_slice %arg6[%dma_wait3A_165, %dma_wait3A_166] : memref<1024x32xf32, #tpu.memory_space<vmem>> -> memref<432x32xf32, #tpu.memory_space<vmem>>
        %dma_wait3A_168 = arith.constant 0 : i32
        %dma_wait3A_169 = tpu.memref_slice %arg12[%dma_wait3A_168, %mul3A_2] : memref<1024x512xf32, #tpu.memory_space<vmem_shared>> -> memref<432x32xf32, #tpu.memory_space<vmem_shared>>
        tpu.wait_dma2 semaphore(%run_scoped3A : memref<!tpu.dma_semaphore, #tpu.memory_space<semaphore_mem>>) src(%dma_wait3A_169 : memref<432x32xf32, #tpu.memory_space<vmem_shared>>) dst(%dma_wait3A_167 : memref<432x32xf32, #tpu.memory_space<vmem>>)
        tpu.yield
      }) : () -> ()
      %scan3A_144 = arith.constant 0 : i32
      %scan3A_145 = arith.constant 27 : i32
      %scan3A_146 = arith.addi %scan3A_144, %scan3A_145 : i32
      %scan3A_147 = arith.constant 1 : i32
      %scan3A_148:3 = scf.for %scan3A_150 = %scan3A_144 to %scan3A_146 step %scan3A_147 iter_args(%scan3A_151 = %scan3A_105#0, %scan3A_152 = %scan3A_105#1, %scan3A_153 = %scan3A_105#2) -> (i32, vector<16xf32>, vector<16xf32>)  : i32 {
        %mul3A_154 = arith.constant 16 : i32
        %mul3A_155 = arith.muli %scan3A_150, %mul3A_154 : i32
        %get3A = arith.index_cast %mul3A_155 : i32 to index
        %get3A_156 = tpu.vector_load %arg11[%get3A] {strides = array<i32>} : memref<432xi32, #tpu.memory_space<vmem>>, vector<16xi32>,
        %add3A_157 = arith.constant 0 : i32
        %add3A_158 = arith.addi %mul3A_155, %add3A_157 : i32
        %get3A_159 = arith.index_cast %add3A_158 : i32 to index
        %get3A_160 = arith.constant 0 : index
        %get3A_161 = tpu.vector_load %arg6[%get3A_159, %get3A_160] {strides = array<i32>} : memref<1024x32xf32, #tpu.memory_space<vmem>>, vector<16xf32>,
        %add3A_162 = arith.constant 1 : i32
        %add3A_163 = arith.addi %mul3A_155, %add3A_162 : i32
        %get3A_164 = arith.index_cast %add3A_163 : i32 to index
        %get3A_165 = arith.constant 0 : index
        %get3A_166 = tpu.vector_load %arg6[%get3A_164, %get3A_165] {strides = array<i32>} : memref<1024x32xf32, #tpu.memory_space<vmem>>, vector<16xf32>,
        %add3A_167 = arith.constant 2 : i32
        %add3A_168 = arith.addi %mul3A_155, %add3A_167 : i32
        %get3A_169 = arith.index_cast %add3A_168 : i32 to index
        %get3A_170 = arith.constant 0 : index
        %get3A_171 = tpu.vector_load %arg6[%get3A_169, %get3A_170] {strides = array<i32>} : memref<1024x32xf32, #tpu.memory_space<vmem>>, vector<16xf32>,
        %add3A_172 = arith.constant 3 : i32
        %add3A_173 = arith.addi %mul3A_155, %add3A_172 : i32
        %get3A_174 = arith.index_cast %add3A_173 : i32 to index
        %get3A_175 = arith.constant 0 : index
        %get3A_176 = tpu.vector_load %arg6[%get3A_174, %get3A_175] {strides = array<i32>} : memref<1024x32xf32, #tpu.memory_space<vmem>>, vector<16xf32>,
        %add3A_177 = arith.constant 4 : i32
        %add3A_178 = arith.addi %mul3A_155, %add3A_177 : i32
        %get3A_179 = arith.index_cast %add3A_178 : i32 to index
        %get3A_180 = arith.constant 0 : index
        %get3A_181 = tpu.vector_load %arg6[%get3A_179, %get3A_180] {strides = array<i32>} : memref<1024x32xf32, #tpu.memory_space<vmem>>, vector<16xf32>,
        %add3A_182 = arith.constant 5 : i32
        %add3A_183 = arith.addi %mul3A_155, %add3A_182 : i32
        %get3A_184 = arith.index_cast %add3A_183 : i32 to index
        %get3A_185 = arith.constant 0 : index
        %get3A_186 = tpu.vector_load %arg6[%get3A_184, %get3A_185] {strides = array<i32>} : memref<1024x32xf32, #tpu.memory_space<vmem>>, vector<16xf32>,
        %add3A_187 = arith.constant 6 : i32
        %add3A_188 = arith.addi %mul3A_155, %add3A_187 : i32
        %get3A_189 = arith.index_cast %add3A_188 : i32 to index
        %get3A_190 = arith.constant 0 : index
        %get3A_191 = tpu.vector_load %arg6[%get3A_189, %get3A_190] {strides = array<i32>} : memref<1024x32xf32, #tpu.memory_space<vmem>>, vector<16xf32>,
        %add3A_192 = arith.constant 7 : i32
        %add3A_193 = arith.addi %mul3A_155, %add3A_192 : i32
        %get3A_194 = arith.index_cast %add3A_193 : i32 to index
        %get3A_195 = arith.constant 0 : index
        %get3A_196 = tpu.vector_load %arg6[%get3A_194, %get3A_195] {strides = array<i32>} : memref<1024x32xf32, #tpu.memory_space<vmem>>, vector<16xf32>,
        %add3A_197 = arith.constant 8 : i32
        %add3A_198 = arith.addi %mul3A_155, %add3A_197 : i32
        %get3A_199 = arith.index_cast %add3A_198 : i32 to index
        %get3A_200 = arith.constant 0 : index
        %get3A_201 = tpu.vector_load %arg6[%get3A_199, %get3A_200] {strides = array<i32>} : memref<1024x32xf32, #tpu.memory_space<vmem>>, vector<16xf32>,
        %add3A_202 = arith.constant 9 : i32
        %add3A_203 = arith.addi %mul3A_155, %add3A_202 : i32
        %get3A_204 = arith.index_cast %add3A_203 : i32 to index
        %get3A_205 = arith.constant 0 : index
        %get3A_206 = tpu.vector_load %arg6[%get3A_204, %get3A_205] {strides = array<i32>} : memref<1024x32xf32, #tpu.memory_space<vmem>>, vector<16xf32>,
        %add3A_207 = arith.constant 10 : i32
        %add3A_208 = arith.addi %mul3A_155, %add3A_207 : i32
        %get3A_209 = arith.index_cast %add3A_208 : i32 to index
        %get3A_210 = arith.constant 0 : index
        %get3A_211 = tpu.vector_load %arg6[%get3A_209, %get3A_210] {strides = array<i32>} : memref<1024x32xf32, #tpu.memory_space<vmem>>, vector<16xf32>,
        %add3A_212 = arith.constant 11 : i32
        %add3A_213 = arith.addi %mul3A_155, %add3A_212 : i32
        %get3A_214 = arith.index_cast %add3A_213 : i32 to index
        %get3A_215 = arith.constant 0 : index
        %get3A_216 = tpu.vector_load %arg6[%get3A_214, %get3A_215] {strides = array<i32>} : memref<1024x32xf32, #tpu.memory_space<vmem>>, vector<16xf32>,
        %add3A_217 = arith.constant 12 : i32
        %add3A_218 = arith.addi %mul3A_155, %add3A_217 : i32
        %get3A_219 = arith.index_cast %add3A_218 : i32 to index
        %get3A_220 = arith.constant 0 : index
        %get3A_221 = tpu.vector_load %arg6[%get3A_219, %get3A_220] {strides = array<i32>} : memref<1024x32xf32, #tpu.memory_space<vmem>>, vector<16xf32>,
        %add3A_222 = arith.constant 13 : i32
        %add3A_223 = arith.addi %mul3A_155, %add3A_222 : i32
        %get3A_224 = arith.index_cast %add3A_223 : i32 to index
        %get3A_225 = arith.constant 0 : index
        %get3A_226 = tpu.vector_load %arg6[%get3A_224, %get3A_225] {strides = array<i32>} : memref<1024x32xf32, #tpu.memory_space<vmem>>, vector<16xf32>,
        %add3A_227 = arith.constant 14 : i32
        %add3A_228 = arith.addi %mul3A_155, %add3A_227 : i32
        %get3A_229 = arith.index_cast %add3A_228 : i32 to index
        %get3A_230 = arith.constant 0 : index
        %get3A_231 = tpu.vector_load %arg6[%get3A_229, %get3A_230] {strides = array<i32>} : memref<1024x32xf32, #tpu.memory_space<vmem>>, vector<16xf32>,
        %add3A_232 = arith.constant 15 : i32
        %add3A_233 = arith.addi %mul3A_155, %add3A_232 : i32
        %get3A_234 = arith.index_cast %add3A_233 : i32 to index
        %get3A_235 = arith.constant 0 : index
        %get3A_236 = tpu.vector_load %arg6[%get3A_234, %get3A_235] {strides = array<i32>} : memref<1024x32xf32, #tpu.memory_space<vmem>>, vector<16xf32>,
        %add3A_237 = arith.constant 0 : i32
        %add3A_238 = arith.addi %mul3A_155, %add3A_237 : i32
        %get3A_239 = arith.index_cast %add3A_238 : i32 to index
        %get3A_240 = arith.constant 16 : index
        %get3A_241 = tpu.vector_load %arg6[%get3A_239, %get3A_240] {strides = array<i32>} : memref<1024x32xf32, #tpu.memory_space<vmem>>, vector<16xf32>,
        %add3A_242 = arith.constant 1 : i32
        %add3A_243 = arith.addi %mul3A_155, %add3A_242 : i32
        %get3A_244 = arith.index_cast %add3A_243 : i32 to index
        %get3A_245 = arith.constant 16 : index
        %get3A_246 = tpu.vector_load %arg6[%get3A_244, %get3A_245] {strides = array<i32>} : memref<1024x32xf32, #tpu.memory_space<vmem>>, vector<16xf32>,
        %add3A_247 = arith.constant 2 : i32
        %add3A_248 = arith.addi %mul3A_155, %add3A_247 : i32
        %get3A_249 = arith.index_cast %add3A_248 : i32 to index
        %get3A_250 = arith.constant 16 : index
        %get3A_251 = tpu.vector_load %arg6[%get3A_249, %get3A_250] {strides = array<i32>} : memref<1024x32xf32, #tpu.memory_space<vmem>>, vector<16xf32>,
        %add3A_252 = arith.constant 3 : i32
        %add3A_253 = arith.addi %mul3A_155, %add3A_252 : i32
        %get3A_254 = arith.index_cast %add3A_253 : i32 to index
        %get3A_255 = arith.constant 16 : index
        %get3A_256 = tpu.vector_load %arg6[%get3A_254, %get3A_255] {strides = array<i32>} : memref<1024x32xf32, #tpu.memory_space<vmem>>, vector<16xf32>,
        %add3A_257 = arith.constant 4 : i32
        %add3A_258 = arith.addi %mul3A_155, %add3A_257 : i32
        %get3A_259 = arith.index_cast %add3A_258 : i32 to index
        %get3A_260 = arith.constant 16 : index
        %get3A_261 = tpu.vector_load %arg6[%get3A_259, %get3A_260] {strides = array<i32>} : memref<1024x32xf32, #tpu.memory_space<vmem>>, vector<16xf32>,
        %add3A_262 = arith.constant 5 : i32
        %add3A_263 = arith.addi %mul3A_155, %add3A_262 : i32
        %get3A_264 = arith.index_cast %add3A_263 : i32 to index
        %get3A_265 = arith.constant 16 : index
        %get3A_266 = tpu.vector_load %arg6[%get3A_264, %get3A_265] {strides = array<i32>} : memref<1024x32xf32, #tpu.memory_space<vmem>>, vector<16xf32>,
        %add3A_267 = arith.constant 6 : i32
        %add3A_268 = arith.addi %mul3A_155, %add3A_267 : i32
        %get3A_269 = arith.index_cast %add3A_268 : i32 to index
        %get3A_270 = arith.constant 16 : index
        %get3A_271 = tpu.vector_load %arg6[%get3A_269, %get3A_270] {strides = array<i32>} : memref<1024x32xf32, #tpu.memory_space<vmem>>, vector<16xf32>,
        %add3A_272 = arith.constant 7 : i32
        %add3A_273 = arith.addi %mul3A_155, %add3A_272 : i32
        %get3A_274 = arith.index_cast %add3A_273 : i32 to index
        %get3A_275 = arith.constant 16 : index
        %get3A_276 = tpu.vector_load %arg6[%get3A_274, %get3A_275] {strides = array<i32>} : memref<1024x32xf32, #tpu.memory_space<vmem>>, vector<16xf32>,
        %add3A_277 = arith.constant 8 : i32
        %add3A_278 = arith.addi %mul3A_155, %add3A_277 : i32
        %get3A_279 = arith.index_cast %add3A_278 : i32 to index
        %get3A_280 = arith.constant 16 : index
        %get3A_281 = tpu.vector_load %arg6[%get3A_279, %get3A_280] {strides = array<i32>} : memref<1024x32xf32, #tpu.memory_space<vmem>>, vector<16xf32>,
        %add3A_282 = arith.constant 9 : i32
        %add3A_283 = arith.addi %mul3A_155, %add3A_282 : i32
        %get3A_284 = arith.index_cast %add3A_283 : i32 to index
        %get3A_285 = arith.constant 16 : index
        %get3A_286 = tpu.vector_load %arg6[%get3A_284, %get3A_285] {strides = array<i32>} : memref<1024x32xf32, #tpu.memory_space<vmem>>, vector<16xf32>,
        %add3A_287 = arith.constant 10 : i32
        %add3A_288 = arith.addi %mul3A_155, %add3A_287 : i32
        %get3A_289 = arith.index_cast %add3A_288 : i32 to index
        %get3A_290 = arith.constant 16 : index
        %get3A_291 = tpu.vector_load %arg6[%get3A_289, %get3A_290] {strides = array<i32>} : memref<1024x32xf32, #tpu.memory_space<vmem>>, vector<16xf32>,
        %add3A_292 = arith.constant 11 : i32
        %add3A_293 = arith.addi %mul3A_155, %add3A_292 : i32
        %get3A_294 = arith.index_cast %add3A_293 : i32 to index
        %get3A_295 = arith.constant 16 : index
        %get3A_296 = tpu.vector_load %arg6[%get3A_294, %get3A_295] {strides = array<i32>} : memref<1024x32xf32, #tpu.memory_space<vmem>>, vector<16xf32>,
        %add3A_297 = arith.constant 12 : i32
        %add3A_298 = arith.addi %mul3A_155, %add3A_297 : i32
        %get3A_299 = arith.index_cast %add3A_298 : i32 to index
        %get3A_300 = arith.constant 16 : index
        %get3A_301 = tpu.vector_load %arg6[%get3A_299, %get3A_300] {strides = array<i32>} : memref<1024x32xf32, #tpu.memory_space<vmem>>, vector<16xf32>,
        %add3A_302 = arith.constant 13 : i32
        %add3A_303 = arith.addi %mul3A_155, %add3A_302 : i32
        %get3A_304 = arith.index_cast %add3A_303 : i32 to index
        %get3A_305 = arith.constant 16 : index
        %get3A_306 = tpu.vector_load %arg6[%get3A_304, %get3A_305] {strides = array<i32>} : memref<1024x32xf32, #tpu.memory_space<vmem>>, vector<16xf32>,
        %add3A_307 = arith.constant 14 : i32
        %add3A_308 = arith.addi %mul3A_155, %add3A_307 : i32
        %get3A_309 = arith.index_cast %add3A_308 : i32 to index
        %get3A_310 = arith.constant 16 : index
        %get3A_311 = tpu.vector_load %arg6[%get3A_309, %get3A_310] {strides = array<i32>} : memref<1024x32xf32, #tpu.memory_space<vmem>>, vector<16xf32>,
        %add3A_312 = arith.constant 15 : i32
        %add3A_313 = arith.addi %mul3A_155, %add3A_312 : i32
        %get3A_314 = arith.index_cast %add3A_313 : i32 to index
        %get3A_315 = arith.constant 16 : index
        %get3A_316 = tpu.vector_load %arg6[%get3A_314, %get3A_315] {strides = array<i32>} : memref<1024x32xf32, #tpu.memory_space<vmem>>, vector<16xf32>,
        %add3A_317 = arith.addf %get3A_161, %get3A_166 : vector<16xf32>
        %add3A_318 = arith.addf %get3A_171, %get3A_176 : vector<16xf32>
        %add3A_319 = arith.addf %get3A_181, %get3A_186 : vector<16xf32>
        %add3A_320 = arith.addf %get3A_191, %get3A_196 : vector<16xf32>
        %add3A_321 = arith.addf %get3A_201, %get3A_206 : vector<16xf32>
        %add3A_322 = arith.addf %get3A_211, %get3A_216 : vector<16xf32>
        %add3A_323 = arith.addf %get3A_221, %get3A_226 : vector<16xf32>
        %add3A_324 = arith.addf %get3A_231, %get3A_236 : vector<16xf32>
        %add3A_325 = arith.addf %add3A_317, %add3A_318 : vector<16xf32>
        %add3A_326 = arith.addf %add3A_319, %add3A_320 : vector<16xf32>
        %add3A_327 = arith.addf %add3A_321, %add3A_322 : vector<16xf32>
        %add3A_328 = arith.addf %add3A_323, %add3A_324 : vector<16xf32>
        %add3A_329 = arith.addf %add3A_325, %add3A_326 : vector<16xf32>
        %add3A_330 = arith.addf %add3A_327, %add3A_328 : vector<16xf32>
        %add3A_331 = arith.addf %add3A_329, %add3A_330 : vector<16xf32>
        %add3A_332 = arith.addf %get3A_241, %get3A_246 : vector<16xf32>
        %add3A_333 = arith.addf %get3A_251, %get3A_256 : vector<16xf32>
        %add3A_334 = arith.addf %get3A_261, %get3A_266 : vector<16xf32>
        %add3A_335 = arith.addf %get3A_271, %get3A_276 : vector<16xf32>
        %add3A_336 = arith.addf %get3A_281, %get3A_286 : vector<16xf32>
        %add3A_337 = arith.addf %get3A_291, %get3A_296 : vector<16xf32>
        %add3A_338 = arith.addf %get3A_301, %get3A_306 : vector<16xf32>
        %add3A_339 = arith.addf %get3A_311, %get3A_316 : vector<16xf32>
        %add3A_340 = arith.addf %add3A_332, %add3A_333 : vector<16xf32>
        %add3A_341 = arith.addf %add3A_334, %add3A_335 : vector<16xf32>
        %add3A_342 = arith.addf %add3A_336, %add3A_337 : vector<16xf32>
        %add3A_343 = arith.addf %add3A_338, %add3A_339 : vector<16xf32>
        %add3A_344 = arith.addf %add3A_340, %add3A_341 : vector<16xf32>
        %add3A_345 = arith.addf %add3A_342, %add3A_343 : vector<16xf32>
        %add3A_346 = arith.addf %add3A_344, %add3A_345 : vector<16xf32>
        %reduce_max3A = arith.constant true
        %reduce_max3A_347 = vector.broadcast %reduce_max3A : i1 to vector<16xi1>
        %reduce_max3A_348 = arith.constant -2147483648 : i32
        %reduce_max3A_349 = vector.broadcast %reduce_max3A_348 : i32 to vector<16xi32>
        %reduce_max3A_350 = arith.xori %get3A_156, %reduce_max3A_349 : vector<16xi32>
        %reduce_max3A_351 = tpu.scan <max>, %reduce_max3A_350 masked %reduce_max3A_347 : vector<16xi32>, vector<16xi1> -> vector<16xi32>
        %reduce_max3A_352 = arith.xori %reduce_max3A_351, %reduce_max3A_349 : vector<16xi32>
        %reduce_max3A_353 = vector.extract %reduce_max3A_352[15] : i32 from vector<16xi32>
        %reduce_min3A = arith.constant true
        %reduce_min3A_354 = vector.broadcast %reduce_min3A : i1 to vector<16xi1>
        %reduce_min3A_355 = arith.constant -2147483648 : i32
        %reduce_min3A_356 = vector.broadcast %reduce_min3A_355 : i32 to vector<16xi32>
        %reduce_min3A_357 = arith.xori %get3A_156, %reduce_min3A_356 : vector<16xi32>
        %reduce_min3A_358 = tpu.scan <min>, %reduce_min3A_357 masked %reduce_min3A_354 : vector<16xi32>, vector<16xi1> -> vector<16xi32>
        %reduce_min3A_359 = arith.xori %reduce_min3A_358, %reduce_min3A_356 : vector<16xi32>
        %reduce_min3A_360 = vector.extract %reduce_min3A_359[15] : i32 from vector<16xi32>
        %broadcast_in_dim3A_361 = vector.broadcast %scan3A_151 : i32 to vector<16xi32>
        %eq3A_362 = arith.cmpi eq, %reduce_min3A_360, %reduce_max3A_353 : i32
        %convert_element_type3A_363 = arith.extui %eq3A_362 : i1 to i32
        %cond3A_364 = arith.constant 0 : i32
        %cond3A_365 = arith.cmpi ne, %convert_element_type3A_363, %cond3A_364 : i32
        %cond3A_366:3 = scf.if %cond3A_365 -> (i32, vector<16xf32>, vector<16xf32>) {
          %eq3A_367 = arith.cmpi eq, %scan3A_151, %reduce_min3A_360 : i32
          %convert_element_type3A_368 = arith.extui %eq3A_367 : i1 to i32
          %cond3A_369 = arith.constant 0 : i32
          %cond3A_370 = arith.cmpi ne, %convert_element_type3A_368, %cond3A_369 : i32
          %cond3A_371:3 = scf.if %cond3A_370 -> (i32, vector<16xf32>, vector<16xf32>) {
            %add3A_372 = arith.addf %scan3A_152, %add3A_331 : vector<16xf32>
            %add3A_373 = arith.addf %scan3A_153, %add3A_346 : vector<16xf32>
            scf.yield %scan3A_151, %add3A_372, %add3A_373 : i32, vector<16xf32>, vector<16xf32>
          } else {
            tpu.vector_store_idx %arg5[%broadcast_in_dim3A_361, %iota3A], %scan3A_152 {add = true} : memref<256x32xf32, #tpu.memory_space<vmem>>[vector<16xi32>, vector<16xi32>], vector<16xf32>,
            tpu.vector_store_idx %arg5[%broadcast_in_dim3A_361, %add3A_5], %scan3A_153 {add = true} : memref<256x32xf32, #tpu.memory_space<vmem>>[vector<16xi32>, vector<16xi32>], vector<16xf32>,
            scf.yield %reduce_max3A_353, %add3A_331, %add3A_346 : i32, vector<16xf32>, vector<16xf32>
          }
          scf.yield %cond3A_371#0, %cond3A_371#1, %cond3A_371#2 : i32, vector<16xf32>, vector<16xf32>
        } else {
          tpu.vector_store_idx %arg5[%broadcast_in_dim3A_361, %iota3A], %scan3A_152 {add = true} : memref<256x32xf32, #tpu.memory_space<vmem>>[vector<16xi32>, vector<16xi32>], vector<16xf32>,
          tpu.vector_store_idx %arg5[%broadcast_in_dim3A_361, %add3A_5], %scan3A_153 {add = true} : memref<256x32xf32, #tpu.memory_space<vmem>>[vector<16xi32>, vector<16xi32>], vector<16xf32>,
          %broadcast_in_dim3A_367 = vector.broadcast %reduce_min3A_360 : i32 to vector<16xi32>
          %broadcast_in_dim3A_368 = vector.broadcast %reduce_max3A_353 : i32 to vector<16xi32>
          %eq3A_369 = arith.cmpi eq, %get3A_156, %broadcast_in_dim3A_367 : vector<16xi32>
          %eq3A_370 = arith.cmpi eq, %get3A_156, %broadcast_in_dim3A_368 : vector<16xi32>
          %or3A = arith.ori %eq3A_369, %eq3A_370 : vector<16xi1>
          %reduce_and3A = arith.constant 1.000000e+00 : f32
          %reduce_and3A_371 = arith.constant 0.000000e+00 : f32
          %reduce_and3A_372 = vector.broadcast %reduce_and3A : f32 to vector<16xf32>
          %reduce_and3A_373 = vector.broadcast %reduce_and3A_371 : f32 to vector<16xf32>
          %reduce_and3A_374 = arith.select %or3A, %reduce_and3A_372, %reduce_and3A_373 : vector<16xi1>, vector<16xf32>
          %reduce_and3A_375 = arith.constant true
          %reduce_and3A_376 = vector.broadcast %reduce_and3A_375 : i1 to vector<16xi1>
          %reduce_and3A_377 = tpu.scan <min>, %reduce_and3A_374 masked %reduce_and3A_376 : vector<16xf32>, vector<16xi1> -> vector<16xf32>
          %reduce_and3A_378 = vector.extract %reduce_and3A_377[15] : f32 from vector<16xf32>
          %reduce_and3A_379 = arith.constant 0.000000e+00 : f32
          %reduce_and3A_380 = arith.cmpf ogt, %reduce_and3A_378, %reduce_and3A_379 : f32
          %all_reduce_population_count3A = tpu.all_reduce %eq3A_369 {dim = 0 : i64, kind = #tpu.reduction_kind<sum>} : vector<16xi1> -> vector<16xi32>
          %convert_element_type3A_381 = arith.extui %reduce_and3A_380 : i1 to i32
          %cond3A_382 = arith.constant 0 : i32
          %cond3A_383 = arith.cmpi ne, %convert_element_type3A_381, %cond3A_382 : i32
          %cond3A_384:2 = scf.if %cond3A_383 -> (vector<16xf32>, vector<16xf32>) {
            %gt3A = arith.constant 0 : i32
            %gt3A_385 = vector.broadcast %gt3A : i32 to vector<16xi32>
            %gt3A_386 = arith.cmpi sgt, %all_reduce_population_count3A, %gt3A_385 : vector<16xi32>
            %select_n3A = arith.select %gt3A_386, %get3A_161, %broadcast_in_dim3A_3 : vector<16xi1>, vector<16xf32>
            %gt3A_387 = arith.constant 1 : i32
            %gt3A_388 = vector.broadcast %gt3A_387 : i32 to vector<16xi32>
            %gt3A_389 = arith.cmpi sgt, %all_reduce_population_count3A, %gt3A_388 : vector<16xi32>
            %select_n3A_390 = arith.select %gt3A_389, %get3A_166, %broadcast_in_dim3A_3 : vector<16xi1>, vector<16xf32>
            %gt3A_391 = arith.constant 2 : i32
            %gt3A_392 = vector.broadcast %gt3A_391 : i32 to vector<16xi32>
            %gt3A_393 = arith.cmpi sgt, %all_reduce_population_count3A, %gt3A_392 : vector<16xi32>
            %select_n3A_394 = arith.select %gt3A_393, %get3A_171, %broadcast_in_dim3A_3 : vector<16xi1>, vector<16xf32>
            %gt3A_395 = arith.constant 3 : i32
            %gt3A_396 = vector.broadcast %gt3A_395 : i32 to vector<16xi32>
            %gt3A_397 = arith.cmpi sgt, %all_reduce_population_count3A, %gt3A_396 : vector<16xi32>
            %select_n3A_398 = arith.select %gt3A_397, %get3A_176, %broadcast_in_dim3A_3 : vector<16xi1>, vector<16xf32>
            %gt3A_399 = arith.constant 4 : i32
            %gt3A_400 = vector.broadcast %gt3A_399 : i32 to vector<16xi32>
            %gt3A_401 = arith.cmpi sgt, %all_reduce_population_count3A, %gt3A_400 : vector<16xi32>
            %select_n3A_402 = arith.select %gt3A_401, %get3A_181, %broadcast_in_dim3A_3 : vector<16xi1>, vector<16xf32>
            %gt3A_403 = arith.constant 5 : i32
            %gt3A_404 = vector.broadcast %gt3A_403 : i32 to vector<16xi32>
            %gt3A_405 = arith.cmpi sgt, %all_reduce_population_count3A, %gt3A_404 : vector<16xi32>
            %select_n3A_406 = arith.select %gt3A_405, %get3A_186, %broadcast_in_dim3A_3 : vector<16xi1>, vector<16xf32>
            %gt3A_407 = arith.constant 6 : i32
            %gt3A_408 = vector.broadcast %gt3A_407 : i32 to vector<16xi32>
            %gt3A_409 = arith.cmpi sgt, %all_reduce_population_count3A, %gt3A_408 : vector<16xi32>
            %select_n3A_410 = arith.select %gt3A_409, %get3A_191, %broadcast_in_dim3A_3 : vector<16xi1>, vector<16xf32>
            %gt3A_411 = arith.constant 7 : i32
            %gt3A_412 = vector.broadcast %gt3A_411 : i32 to vector<16xi32>
            %gt3A_413 = arith.cmpi sgt, %all_reduce_population_count3A, %gt3A_412 : vector<16xi32>
            %select_n3A_414 = arith.select %gt3A_413, %get3A_196, %broadcast_in_dim3A_3 : vector<16xi1>, vector<16xf32>
            %gt3A_415 = arith.constant 8 : i32
            %gt3A_416 = vector.broadcast %gt3A_415 : i32 to vector<16xi32>
            %gt3A_417 = arith.cmpi sgt, %all_reduce_population_count3A, %gt3A_416 : vector<16xi32>
            %select_n3A_418 = arith.select %gt3A_417, %get3A_201, %broadcast_in_dim3A_3 : vector<16xi1>, vector<16xf32>
            %gt3A_419 = arith.constant 9 : i32
            %gt3A_420 = vector.broadcast %gt3A_419 : i32 to vector<16xi32>
            %gt3A_421 = arith.cmpi sgt, %all_reduce_population_count3A, %gt3A_420 : vector<16xi32>
            %select_n3A_422 = arith.select %gt3A_421, %get3A_206, %broadcast_in_dim3A_3 : vector<16xi1>, vector<16xf32>
            %gt3A_423 = arith.constant 10 : i32
            %gt3A_424 = vector.broadcast %gt3A_423 : i32 to vector<16xi32>
            %gt3A_425 = arith.cmpi sgt, %all_reduce_population_count3A, %gt3A_424 : vector<16xi32>
            %select_n3A_426 = arith.select %gt3A_425, %get3A_211, %broadcast_in_dim3A_3 : vector<16xi1>, vector<16xf32>
            %gt3A_427 = arith.constant 11 : i32
            %gt3A_428 = vector.broadcast %gt3A_427 : i32 to vector<16xi32>
            %gt3A_429 = arith.cmpi sgt, %all_reduce_population_count3A, %gt3A_428 : vector<16xi32>
            %select_n3A_430 = arith.select %gt3A_429, %get3A_216, %broadcast_in_dim3A_3 : vector<16xi1>, vector<16xf32>
            %gt3A_431 = arith.constant 12 : i32
            %gt3A_432 = vector.broadcast %gt3A_431 : i32 to vector<16xi32>
            %gt3A_433 = arith.cmpi sgt, %all_reduce_population_count3A, %gt3A_432 : vector<16xi32>
            %select_n3A_434 = arith.select %gt3A_433, %get3A_221, %broadcast_in_dim3A_3 : vector<16xi1>, vector<16xf32>
            %gt3A_435 = arith.constant 13 : i32
            %gt3A_436 = vector.broadcast %gt3A_435 : i32 to vector<16xi32>
            %gt3A_437 = arith.cmpi sgt, %all_reduce_population_count3A, %gt3A_436 : vector<16xi32>
            %select_n3A_438 = arith.select %gt3A_437, %get3A_226, %broadcast_in_dim3A_3 : vector<16xi1>, vector<16xf32>
            %gt3A_439 = arith.constant 14 : i32
            %gt3A_440 = vector.broadcast %gt3A_439 : i32 to vector<16xi32>
            %gt3A_441 = arith.cmpi sgt, %all_reduce_population_count3A, %gt3A_440 : vector<16xi32>
            %select_n3A_442 = arith.select %gt3A_441, %get3A_231, %broadcast_in_dim3A_3 : vector<16xi1>, vector<16xf32>
            %gt3A_443 = arith.constant 15 : i32
            %gt3A_444 = vector.broadcast %gt3A_443 : i32 to vector<16xi32>
            %gt3A_445 = arith.cmpi sgt, %all_reduce_population_count3A, %gt3A_444 : vector<16xi32>
            %select_n3A_446 = arith.select %gt3A_445, %get3A_236, %broadcast_in_dim3A_3 : vector<16xi1>, vector<16xf32>
            %add3A_447 = arith.addf %select_n3A, %select_n3A_390 : vector<16xf32>
            %add3A_448 = arith.addf %select_n3A_394, %select_n3A_398 : vector<16xf32>
            %add3A_449 = arith.addf %select_n3A_402, %select_n3A_406 : vector<16xf32>
            %add3A_450 = arith.addf %select_n3A_410, %select_n3A_414 : vector<16xf32>
            %add3A_451 = arith.addf %select_n3A_418, %select_n3A_422 : vector<16xf32>
            %add3A_452 = arith.addf %select_n3A_426, %select_n3A_430 : vector<16xf32>
            %add3A_453 = arith.addf %select_n3A_434, %select_n3A_438 : vector<16xf32>
            %add3A_454 = arith.addf %select_n3A_442, %select_n3A_446 : vector<16xf32>
            %add3A_455 = arith.addf %add3A_447, %add3A_448 : vector<16xf32>
            %add3A_456 = arith.addf %add3A_449, %add3A_450 : vector<16xf32>
            %add3A_457 = arith.addf %add3A_451, %add3A_452 : vector<16xf32>
            %add3A_458 = arith.addf %add3A_453, %add3A_454 : vector<16xf32>
            %add3A_459 = arith.addf %add3A_455, %add3A_456 : vector<16xf32>
            %add3A_460 = arith.addf %add3A_457, %add3A_458 : vector<16xf32>
            %add3A_461 = arith.addf %add3A_459, %add3A_460 : vector<16xf32>
            %gt3A_462 = arith.constant 0 : i32
            %gt3A_463 = vector.broadcast %gt3A_462 : i32 to vector<16xi32>
            %gt3A_464 = arith.cmpi sgt, %all_reduce_population_count3A, %gt3A_463 : vector<16xi32>
            %select_n3A_465 = arith.select %gt3A_464, %get3A_241, %broadcast_in_dim3A_3 : vector<16xi1>, vector<16xf32>
            %gt3A_466 = arith.constant 1 : i32
            %gt3A_467 = vector.broadcast %gt3A_466 : i32 to vector<16xi32>
            %gt3A_468 = arith.cmpi sgt, %all_reduce_population_count3A, %gt3A_467 : vector<16xi32>
            %select_n3A_469 = arith.select %gt3A_468, %get3A_246, %broadcast_in_dim3A_3 : vector<16xi1>, vector<16xf32>
            %gt3A_470 = arith.constant 2 : i32
            %gt3A_471 = vector.broadcast %gt3A_470 : i32 to vector<16xi32>
            %gt3A_472 = arith.cmpi sgt, %all_reduce_population_count3A, %gt3A_471 : vector<16xi32>
            %select_n3A_473 = arith.select %gt3A_472, %get3A_251, %broadcast_in_dim3A_3 : vector<16xi1>, vector<16xf32>
            %gt3A_474 = arith.constant 3 : i32
            %gt3A_475 = vector.broadcast %gt3A_474 : i32 to vector<16xi32>
            %gt3A_476 = arith.cmpi sgt, %all_reduce_population_count3A, %gt3A_475 : vector<16xi32>
            %select_n3A_477 = arith.select %gt3A_476, %get3A_256, %broadcast_in_dim3A_3 : vector<16xi1>, vector<16xf32>
            %gt3A_478 = arith.constant 4 : i32
            %gt3A_479 = vector.broadcast %gt3A_478 : i32 to vector<16xi32>
            %gt3A_480 = arith.cmpi sgt, %all_reduce_population_count3A, %gt3A_479 : vector<16xi32>
            %select_n3A_481 = arith.select %gt3A_480, %get3A_261, %broadcast_in_dim3A_3 : vector<16xi1>, vector<16xf32>
            %gt3A_482 = arith.constant 5 : i32
            %gt3A_483 = vector.broadcast %gt3A_482 : i32 to vector<16xi32>
            %gt3A_484 = arith.cmpi sgt, %all_reduce_population_count3A, %gt3A_483 : vector<16xi32>
            %select_n3A_485 = arith.select %gt3A_484, %get3A_266, %broadcast_in_dim3A_3 : vector<16xi1>, vector<16xf32>
            %gt3A_486 = arith.constant 6 : i32
            %gt3A_487 = vector.broadcast %gt3A_486 : i32 to vector<16xi32>
            %gt3A_488 = arith.cmpi sgt, %all_reduce_population_count3A, %gt3A_487 : vector<16xi32>
            %select_n3A_489 = arith.select %gt3A_488, %get3A_271, %broadcast_in_dim3A_3 : vector<16xi1>, vector<16xf32>
            %gt3A_490 = arith.constant 7 : i32
            %gt3A_491 = vector.broadcast %gt3A_490 : i32 to vector<16xi32>
            %gt3A_492 = arith.cmpi sgt, %all_reduce_population_count3A, %gt3A_491 : vector<16xi32>
            %select_n3A_493 = arith.select %gt3A_492, %get3A_276, %broadcast_in_dim3A_3 : vector<16xi1>, vector<16xf32>
            %gt3A_494 = arith.constant 8 : i32
            %gt3A_495 = vector.broadcast %gt3A_494 : i32 to vector<16xi32>
            %gt3A_496 = arith.cmpi sgt, %all_reduce_population_count3A, %gt3A_495 : vector<16xi32>
            %select_n3A_497 = arith.select %gt3A_496, %get3A_281, %broadcast_in_dim3A_3 : vector<16xi1>, vector<16xf32>
            %gt3A_498 = arith.constant 9 : i32
            %gt3A_499 = vector.broadcast %gt3A_498 : i32 to vector<16xi32>
            %gt3A_500 = arith.cmpi sgt, %all_reduce_population_count3A, %gt3A_499 : vector<16xi32>
            %select_n3A_501 = arith.select %gt3A_500, %get3A_286, %broadcast_in_dim3A_3 : vector<16xi1>, vector<16xf32>
            %gt3A_502 = arith.constant 10 : i32
            %gt3A_503 = vector.broadcast %gt3A_502 : i32 to vector<16xi32>
            %gt3A_504 = arith.cmpi sgt, %all_reduce_population_count3A, %gt3A_503 : vector<16xi32>
            %select_n3A_505 = arith.select %gt3A_504, %get3A_291, %broadcast_in_dim3A_3 : vector<16xi1>, vector<16xf32>
            %gt3A_506 = arith.constant 11 : i32
            %gt3A_507 = vector.broadcast %gt3A_506 : i32 to vector<16xi32>
            %gt3A_508 = arith.cmpi sgt, %all_reduce_population_count3A, %gt3A_507 : vector<16xi32>
            %select_n3A_509 = arith.select %gt3A_508, %get3A_296, %broadcast_in_dim3A_3 : vector<16xi1>, vector<16xf32>
            %gt3A_510 = arith.constant 12 : i32
            %gt3A_511 = vector.broadcast %gt3A_510 : i32 to vector<16xi32>
            %gt3A_512 = arith.cmpi sgt, %all_reduce_population_count3A, %gt3A_511 : vector<16xi32>
            %select_n3A_513 = arith.select %gt3A_512, %get3A_301, %broadcast_in_dim3A_3 : vector<16xi1>, vector<16xf32>
            %gt3A_514 = arith.constant 13 : i32
            %gt3A_515 = vector.broadcast %gt3A_514 : i32 to vector<16xi32>
            %gt3A_516 = arith.cmpi sgt, %all_reduce_population_count3A, %gt3A_515 : vector<16xi32>
            %select_n3A_517 = arith.select %gt3A_516, %get3A_306, %broadcast_in_dim3A_3 : vector<16xi1>, vector<16xf32>
            %gt3A_518 = arith.constant 14 : i32
            %gt3A_519 = vector.broadcast %gt3A_518 : i32 to vector<16xi32>
            %gt3A_520 = arith.cmpi sgt, %all_reduce_population_count3A, %gt3A_519 : vector<16xi32>
            %select_n3A_521 = arith.select %gt3A_520, %get3A_311, %broadcast_in_dim3A_3 : vector<16xi1>, vector<16xf32>
            %gt3A_522 = arith.constant 15 : i32
            %gt3A_523 = vector.broadcast %gt3A_522 : i32 to vector<16xi32>
            %gt3A_524 = arith.cmpi sgt, %all_reduce_population_count3A, %gt3A_523 : vector<16xi32>
            %select_n3A_525 = arith.select %gt3A_524, %get3A_316, %broadcast_in_dim3A_3 : vector<16xi1>, vector<16xf32>
            %add3A_526 = arith.addf %select_n3A_465, %select_n3A_469 : vector<16xf32>
            %add3A_527 = arith.addf %select_n3A_473, %select_n3A_477 : vector<16xf32>
            %add3A_528 = arith.addf %select_n3A_481, %select_n3A_485 : vector<16xf32>
            %add3A_529 = arith.addf %select_n3A_489, %select_n3A_493 : vector<16xf32>
            %add3A_530 = arith.addf %select_n3A_497, %select_n3A_501 : vector<16xf32>
            %add3A_531 = arith.addf %select_n3A_505, %select_n3A_509 : vector<16xf32>
            %add3A_532 = arith.addf %select_n3A_513, %select_n3A_517 : vector<16xf32>
            %add3A_533 = arith.addf %select_n3A_521, %select_n3A_525 : vector<16xf32>
            %add3A_534 = arith.addf %add3A_526, %add3A_527 : vector<16xf32>
            %add3A_535 = arith.addf %add3A_528, %add3A_529 : vector<16xf32>
            %add3A_536 = arith.addf %add3A_530, %add3A_531 : vector<16xf32>
            %add3A_537 = arith.addf %add3A_532, %add3A_533 : vector<16xf32>
            %add3A_538 = arith.addf %add3A_534, %add3A_535 : vector<16xf32>
            %add3A_539 = arith.addf %add3A_536, %add3A_537 : vector<16xf32>
            %add3A_540 = arith.addf %add3A_538, %add3A_539 : vector<16xf32>
            tpu.vector_store_idx %arg5[%broadcast_in_dim3A_367, %iota3A], %add3A_461 {add = true} : memref<256x32xf32, #tpu.memory_space<vmem>>[vector<16xi32>, vector<16xi32>], vector<16xf32>,
            tpu.vector_store_idx %arg5[%broadcast_in_dim3A_367, %add3A_5], %add3A_540 {add = true} : memref<256x32xf32, #tpu.memory_space<vmem>>[vector<16xi32>, vector<16xi32>], vector<16xf32>,
            %sub3A = arith.subf %add3A_331, %add3A_461 : vector<16xf32>
            %sub3A_541 = arith.subf %add3A_346, %add3A_540 : vector<16xf32>
            scf.yield %sub3A, %sub3A_541 : vector<16xf32>, vector<16xf32>
          } else {
            %add3A_385 = vector.broadcast %mul3A_155 : i32 to vector<16xi32>
            %add3A_386 = arith.addi %iota3A, %add3A_385 : vector<16xi32>
            %gather3A = tpu.vector_load_idx %arg6[%add3A_386, %broadcast_in_dim3A_7] : memref<1024x32xf32, #tpu.memory_space<vmem>>[vector<16xi32>, vector<16xi32>], vector<16xf32>,
            tpu.vector_store_idx %arg5[%get3A_156, %broadcast_in_dim3A_7], %gather3A {add = true} : memref<256x32xf32, #tpu.memory_space<vmem>>[vector<16xi32>, vector<16xi32>], vector<16xf32>,
            %gather3A_387 = tpu.vector_load_idx %arg6[%add3A_386, %broadcast_in_dim3A_9] : memref<1024x32xf32, #tpu.memory_space<vmem>>[vector<16xi32>, vector<16xi32>], vector<16xf32>,
            tpu.vector_store_idx %arg5[%get3A_156, %broadcast_in_dim3A_9], %gather3A_387 {add = true} : memref<256x32xf32, #tpu.memory_space<vmem>>[vector<16xi32>, vector<16xi32>], vector<16xf32>,
            %gather3A_388 = tpu.vector_load_idx %arg6[%add3A_386, %broadcast_in_dim3A_11] : memref<1024x32xf32, #tpu.memory_space<vmem>>[vector<16xi32>, vector<16xi32>], vector<16xf32>,
            tpu.vector_store_idx %arg5[%get3A_156, %broadcast_in_dim3A_11], %gather3A_388 {add = true} : memref<256x32xf32, #tpu.memory_space<vmem>>[vector<16xi32>, vector<16xi32>], vector<16xf32>,
            %gather3A_389 = tpu.vector_load_idx %arg6[%add3A_386, %broadcast_in_dim3A_13] : memref<1024x32xf32, #tpu.memory_space<vmem>>[vector<16xi32>, vector<16xi32>], vector<16xf32>,
            tpu.vector_store_idx %arg5[%get3A_156, %broadcast_in_dim3A_13], %gather3A_389 {add = true} : memref<256x32xf32, #tpu.memory_space<vmem>>[vector<16xi32>, vector<16xi32>], vector<16xf32>,
            %gather3A_390 = tpu.vector_load_idx %arg6[%add3A_386, %broadcast_in_dim3A_15] : memref<1024x32xf32, #tpu.memory_space<vmem>>[vector<16xi32>, vector<16xi32>], vector<16xf32>,
            tpu.vector_store_idx %arg5[%get3A_156, %broadcast_in_dim3A_15], %gather3A_390 {add = true} : memref<256x32xf32, #tpu.memory_space<vmem>>[vector<16xi32>, vector<16xi32>], vector<16xf32>,
            %gather3A_391 = tpu.vector_load_idx %arg6[%add3A_386, %broadcast_in_dim3A_17] : memref<1024x32xf32, #tpu.memory_space<vmem>>[vector<16xi32>, vector<16xi32>], vector<16xf32>,
            tpu.vector_store_idx %arg5[%get3A_156, %broadcast_in_dim3A_17], %gather3A_391 {add = true} : memref<256x32xf32, #tpu.memory_space<vmem>>[vector<16xi32>, vector<16xi32>], vector<16xf32>,
            %gather3A_392 = tpu.vector_load_idx %arg6[%add3A_386, %broadcast_in_dim3A_19] : memref<1024x32xf32, #tpu.memory_space<vmem>>[vector<16xi32>, vector<16xi32>], vector<16xf32>,
            tpu.vector_store_idx %arg5[%get3A_156, %broadcast_in_dim3A_19], %gather3A_392 {add = true} : memref<256x32xf32, #tpu.memory_space<vmem>>[vector<16xi32>, vector<16xi32>], vector<16xf32>,
            %gather3A_393 = tpu.vector_load_idx %arg6[%add3A_386, %broadcast_in_dim3A_21] : memref<1024x32xf32, #tpu.memory_space<vmem>>[vector<16xi32>, vector<16xi32>], vector<16xf32>,
            tpu.vector_store_idx %arg5[%get3A_156, %broadcast_in_dim3A_21], %gather3A_393 {add = true} : memref<256x32xf32, #tpu.memory_space<vmem>>[vector<16xi32>, vector<16xi32>], vector<16xf32>,
            %gather3A_394 = tpu.vector_load_idx %arg6[%add3A_386, %broadcast_in_dim3A_23] : memref<1024x32xf32, #tpu.memory_space<vmem>>[vector<16xi32>, vector<16xi32>], vector<16xf32>,
            tpu.vector_store_idx %arg5[%get3A_156, %broadcast_in_dim3A_23], %gather3A_394 {add = true} : memref<256x32xf32, #tpu.memory_space<vmem>>[vector<16xi32>, vector<16xi32>], vector<16xf32>,
            %gather3A_395 = tpu.vector_load_idx %arg6[%add3A_386, %broadcast_in_dim3A_25] : memref<1024x32xf32, #tpu.memory_space<vmem>>[vector<16xi32>, vector<16xi32>], vector<16xf32>,
            tpu.vector_store_idx %arg5[%get3A_156, %broadcast_in_dim3A_25], %gather3A_395 {add = true} : memref<256x32xf32, #tpu.memory_space<vmem>>[vector<16xi32>, vector<16xi32>], vector<16xf32>,
            %gather3A_396 = tpu.vector_load_idx %arg6[%add3A_386, %broadcast_in_dim3A_27] : memref<1024x32xf32, #tpu.memory_space<vmem>>[vector<16xi32>, vector<16xi32>], vector<16xf32>,
            tpu.vector_store_idx %arg5[%get3A_156, %broadcast_in_dim3A_27], %gather3A_396 {add = true} : memref<256x32xf32, #tpu.memory_space<vmem>>[vector<16xi32>, vector<16xi32>], vector<16xf32>,
            %gather3A_397 = tpu.vector_load_idx %arg6[%add3A_386, %broadcast_in_dim3A_29] : memref<1024x32xf32, #tpu.memory_space<vmem>>[vector<16xi32>, vector<16xi32>], vector<16xf32>,
            tpu.vector_store_idx %arg5[%get3A_156, %broadcast_in_dim3A_29], %gather3A_397 {add = true} : memref<256x32xf32, #tpu.memory_space<vmem>>[vector<16xi32>, vector<16xi32>], vector<16xf32>,
            %gather3A_398 = tpu.vector_load_idx %arg6[%add3A_386, %broadcast_in_dim3A_31] : memref<1024x32xf32, #tpu.memory_space<vmem>>[vector<16xi32>, vector<16xi32>], vector<16xf32>,
            tpu.vector_store_idx %arg5[%get3A_156, %broadcast_in_dim3A_31], %gather3A_398 {add = true} : memref<256x32xf32, #tpu.memory_space<vmem>>[vector<16xi32>, vector<16xi32>], vector<16xf32>,
            %gather3A_399 = tpu.vector_load_idx %arg6[%add3A_386, %broadcast_in_dim3A_33] : memref<1024x32xf32, #tpu.memory_space<vmem>>[vector<16xi32>, vector<16xi32>], vector<16xf32>,
            tpu.vector_store_idx %arg5[%get3A_156, %broadcast_in_dim3A_33], %gather3A_399 {add = true} : memref<256x32xf32, #tpu.memory_space<vmem>>[vector<16xi32>, vector<16xi32>], vector<16xf32>,
            %gather3A_400 = tpu.vector_load_idx %arg6[%add3A_386, %broadcast_in_dim3A_35] : memref<1024x32xf32, #tpu.memory_space<vmem>>[vector<16xi32>, vector<16xi32>], vector<16xf32>,
            tpu.vector_store_idx %arg5[%get3A_156, %broadcast_in_dim3A_35], %gather3A_400 {add = true} : memref<256x32xf32, #tpu.memory_space<vmem>>[vector<16xi32>, vector<16xi32>], vector<16xf32>,
            %gather3A_401 = tpu.vector_load_idx %arg6[%add3A_386, %broadcast_in_dim3A_37] : memref<1024x32xf32, #tpu.memory_space<vmem>>[vector<16xi32>, vector<16xi32>], vector<16xf32>,
            tpu.vector_store_idx %arg5[%get3A_156, %broadcast_in_dim3A_37], %gather3A_401 {add = true} : memref<256x32xf32, #tpu.memory_space<vmem>>[vector<16xi32>, vector<16xi32>], vector<16xf32>,
            %gather3A_402 = tpu.vector_load_idx %arg6[%add3A_386, %broadcast_in_dim3A_39] : memref<1024x32xf32, #tpu.memory_space<vmem>>[vector<16xi32>, vector<16xi32>], vector<16xf32>,
            tpu.vector_store_idx %arg5[%get3A_156, %broadcast_in_dim3A_39], %gather3A_402 {add = true} : memref<256x32xf32, #tpu.memory_space<vmem>>[vector<16xi32>, vector<16xi32>], vector<16xf32>,
            %gather3A_403 = tpu.vector_load_idx %arg6[%add3A_386, %broadcast_in_dim3A_41] : memref<1024x32xf32, #tpu.memory_space<vmem>>[vector<16xi32>, vector<16xi32>], vector<16xf32>,
            tpu.vector_store_idx %arg5[%get3A_156, %broadcast_in_dim3A_41], %gather3A_403 {add = true} : memref<256x32xf32, #tpu.memory_space<vmem>>[vector<16xi32>, vector<16xi32>], vector<16xf32>,
            %gather3A_404 = tpu.vector_load_idx %arg6[%add3A_386, %broadcast_in_dim3A_43] : memref<1024x32xf32, #tpu.memory_space<vmem>>[vector<16xi32>, vector<16xi32>], vector<16xf32>,
            tpu.vector_store_idx %arg5[%get3A_156, %broadcast_in_dim3A_43], %gather3A_404 {add = true} : memref<256x32xf32, #tpu.memory_space<vmem>>[vector<16xi32>, vector<16xi32>], vector<16xf32>,
            %gather3A_405 = tpu.vector_load_idx %arg6[%add3A_386, %broadcast_in_dim3A_45] : memref<1024x32xf32, #tpu.memory_space<vmem>>[vector<16xi32>, vector<16xi32>], vector<16xf32>,
            tpu.vector_store_idx %arg5[%get3A_156, %broadcast_in_dim3A_45], %gather3A_405 {add = true} : memref<256x32xf32, #tpu.memory_space<vmem>>[vector<16xi32>, vector<16xi32>], vector<16xf32>,
            %gather3A_406 = tpu.vector_load_idx %arg6[%add3A_386, %broadcast_in_dim3A_47] : memref<1024x32xf32, #tpu.memory_space<vmem>>[vector<16xi32>, vector<16xi32>], vector<16xf32>,
            tpu.vector_store_idx %arg5[%get3A_156, %broadcast_in_dim3A_47], %gather3A_406 {add = true} : memref<256x32xf32, #tpu.memory_space<vmem>>[vector<16xi32>, vector<16xi32>], vector<16xf32>,
            %gather3A_407 = tpu.vector_load_idx %arg6[%add3A_386, %broadcast_in_dim3A_49] : memref<1024x32xf32, #tpu.memory_space<vmem>>[vector<16xi32>, vector<16xi32>], vector<16xf32>,
            tpu.vector_store_idx %arg5[%get3A_156, %broadcast_in_dim3A_49], %gather3A_407 {add = true} : memref<256x32xf32, #tpu.memory_space<vmem>>[vector<16xi32>, vector<16xi32>], vector<16xf32>,
            %gather3A_408 = tpu.vector_load_idx %arg6[%add3A_386, %broadcast_in_dim3A_51] : memref<1024x32xf32, #tpu.memory_space<vmem>>[vector<16xi32>, vector<16xi32>], vector<16xf32>,
            tpu.vector_store_idx %arg5[%get3A_156, %broadcast_in_dim3A_51], %gather3A_408 {add = true} : memref<256x32xf32, #tpu.memory_space<vmem>>[vector<16xi32>, vector<16xi32>], vector<16xf32>,
            %gather3A_409 = tpu.vector_load_idx %arg6[%add3A_386, %broadcast_in_dim3A_53] : memref<1024x32xf32, #tpu.memory_space<vmem>>[vector<16xi32>, vector<16xi32>], vector<16xf32>,
            tpu.vector_store_idx %arg5[%get3A_156, %broadcast_in_dim3A_53], %gather3A_409 {add = true} : memref<256x32xf32, #tpu.memory_space<vmem>>[vector<16xi32>, vector<16xi32>], vector<16xf32>,
            %gather3A_410 = tpu.vector_load_idx %arg6[%add3A_386, %broadcast_in_dim3A_55] : memref<1024x32xf32, #tpu.memory_space<vmem>>[vector<16xi32>, vector<16xi32>], vector<16xf32>,
            tpu.vector_store_idx %arg5[%get3A_156, %broadcast_in_dim3A_55], %gather3A_410 {add = true} : memref<256x32xf32, #tpu.memory_space<vmem>>[vector<16xi32>, vector<16xi32>], vector<16xf32>,
            %gather3A_411 = tpu.vector_load_idx %arg6[%add3A_386, %broadcast_in_dim3A_57] : memref<1024x32xf32, #tpu.memory_space<vmem>>[vector<16xi32>, vector<16xi32>], vector<16xf32>,
            tpu.vector_store_idx %arg5[%get3A_156, %broadcast_in_dim3A_57], %gather3A_411 {add = true} : memref<256x32xf32, #tpu.memory_space<vmem>>[vector<16xi32>, vector<16xi32>], vector<16xf32>,
            %gather3A_412 = tpu.vector_load_idx %arg6[%add3A_386, %broadcast_in_dim3A_59] : memref<1024x32xf32, #tpu.memory_space<vmem>>[vector<16xi32>, vector<16xi32>], vector<16xf32>,
            tpu.vector_store_idx %arg5[%get3A_156, %broadcast_in_dim3A_59], %gather3A_412 {add = true} : memref<256x32xf32, #tpu.memory_space<vmem>>[vector<16xi32>, vector<16xi32>], vector<16xf32>,
            %gather3A_413 = tpu.vector_load_idx %arg6[%add3A_386, %broadcast_in_dim3A_61] : memref<1024x32xf32, #tpu.memory_space<vmem>>[vector<16xi32>, vector<16xi32>], vector<16xf32>,
            tpu.vector_store_idx %arg5[%get3A_156, %broadcast_in_dim3A_61], %gather3A_413 {add = true} : memref<256x32xf32, #tpu.memory_space<vmem>>[vector<16xi32>, vector<16xi32>], vector<16xf32>,
            %gather3A_414 = tpu.vector_load_idx %arg6[%add3A_386, %broadcast_in_dim3A_63] : memref<1024x32xf32, #tpu.memory_space<vmem>>[vector<16xi32>, vector<16xi32>], vector<16xf32>,
            tpu.vector_store_idx %arg5[%get3A_156, %broadcast_in_dim3A_63], %gather3A_414 {add = true} : memref<256x32xf32, #tpu.memory_space<vmem>>[vector<16xi32>, vector<16xi32>], vector<16xf32>,
            %gather3A_415 = tpu.vector_load_idx %arg6[%add3A_386, %broadcast_in_dim3A_65] : memref<1024x32xf32, #tpu.memory_space<vmem>>[vector<16xi32>, vector<16xi32>], vector<16xf32>,
            tpu.vector_store_idx %arg5[%get3A_156, %broadcast_in_dim3A_65], %gather3A_415 {add = true} : memref<256x32xf32, #tpu.memory_space<vmem>>[vector<16xi32>, vector<16xi32>], vector<16xf32>,
            %gather3A_416 = tpu.vector_load_idx %arg6[%add3A_386, %broadcast_in_dim3A_67] : memref<1024x32xf32, #tpu.memory_space<vmem>>[vector<16xi32>, vector<16xi32>], vector<16xf32>,
            tpu.vector_store_idx %arg5[%get3A_156, %broadcast_in_dim3A_67], %gather3A_416 {add = true} : memref<256x32xf32, #tpu.memory_space<vmem>>[vector<16xi32>, vector<16xi32>], vector<16xf32>,
            %gather3A_417 = tpu.vector_load_idx %arg6[%add3A_386, %broadcast_in_dim3A_69] : memref<1024x32xf32, #tpu.memory_space<vmem>>[vector<16xi32>, vector<16xi32>], vector<16xf32>,
            tpu.vector_store_idx %arg5[%get3A_156, %broadcast_in_dim3A_69], %gather3A_417 {add = true} : memref<256x32xf32, #tpu.memory_space<vmem>>[vector<16xi32>, vector<16xi32>], vector<16xf32>,
            scf.yield %broadcast_in_dim3A_3, %broadcast_in_dim3A_3 : vector<16xf32>, vector<16xf32>
          }
          scf.yield %reduce_max3A_353, %cond3A_384#0, %cond3A_384#1 : i32, vector<16xf32>, vector<16xf32>
        }
        scf.yield %cond3A_366#0, %cond3A_366#1, %cond3A_366#2 : i32, vector<16xf32>, vector<16xf32>
      }
      %scan3A_149 = arith.constant 27 : i32
      scf.yield %scan3A_148#0, %scan3A_148#1, %scan3A_148#2 : i32, vector<16xf32>, vector<16xf32>
    }
    %broadcast_in_dim3A_110 = vector.broadcast %cond3A_109#0 : i32 to vector<16xi32>
    tpu.vector_store_idx %arg5[%broadcast_in_dim3A_110, %iota3A], %cond3A_109#1 {add = true} : memref<256x32xf32, #tpu.memory_space<vmem>>[vector<16xi32>, vector<16xi32>], vector<16xf32>,
    tpu.vector_store_idx %arg5[%broadcast_in_dim3A_110, %add3A_5], %cond3A_109#2 {add = true} : memref<256x32xf32, #tpu.memory_space<vmem>>[vector<16xi32>, vector<16xi32>], vector<16xf32>,
    %mul3A_111 = arith.constant 256 : i32
    %mul3A_112 = arith.muli %arg0, %mul3A_111 : i32
    "tpu.region"() ({
      %run_scoped3A = tpu.sem_alloc : memref<!tpu.dma_semaphore, #tpu.memory_space<semaphore_mem>>
      %dma_start3A_113 = tpu.memref_slice %arg4[%mul3A_112, %mul3A_2] : memref<512x512xf32, #tpu.memory_space<hbm>> -> memref<256x32xf32, #tpu.memory_space<hbm>>
      %dma_start3A_114 = tpu.memref_slice %arg4[%mul3A_112, %mul3A_2] : memref<512x512xf32, #tpu.memory_space<hbm>> -> memref<256x32xf32, #tpu.memory_space<hbm>>
      tpu.enqueue_dma source(%arg5 : memref<256x32xf32, #tpu.memory_space<vmem>>) target(%dma_start3A_114 : memref<256x32xf32, #tpu.memory_space<hbm>>) target_semaphore(%run_scoped3A : memref<!tpu.dma_semaphore, #tpu.memory_space<semaphore_mem>>)
      %dma_wait3A = tpu.memref_slice %arg4[%mul3A_112, %mul3A_2] : memref<512x512xf32, #tpu.memory_space<hbm>> -> memref<256x32xf32, #tpu.memory_space<hbm>>
      %dma_wait3A_115 = tpu.memref_slice %arg4[%mul3A_112, %mul3A_2] : memref<512x512xf32, #tpu.memory_space<hbm>> -> memref<256x32xf32, #tpu.memory_space<hbm>>
      tpu.wait_dma2 semaphore(%run_scoped3A : memref<!tpu.dma_semaphore, #tpu.memory_space<semaphore_mem>>) src(%arg5 : memref<256x32xf32, #tpu.memory_space<vmem>>) dst(%dma_wait3A_115 : memref<256x32xf32, #tpu.memory_space<hbm>>)
      tpu.yield
    }) : () -> ()
    return
  }
}

module attributes {stable_mosaic.version = 14 : i64} {
  func.func @body(%arg0: memref<512x512xf32, #tpu.memory_space<vmem>>, %arg1: memref<256x512xf32, #tpu.memory_space<vmem>>) attributes {dimension_semantics = [], scalar_prefetch = 0 : i64, scratch_operands = 0 : i64, tpu.core_type = #tpu.core_type<tc>} {
    %get3A = arith.constant 0 : index
    %get3A_0 = arith.constant 0 : index
    %get3A_1 = vector.load %arg0[%get3A, %get3A_0] : memref<512x512xf32, #tpu.memory_space<vmem>>, vector<256x512xf32>
    %get3A_2 = arith.constant 256 : index
    %get3A_3 = arith.constant 0 : index
    %get3A_4 = vector.load %arg0[%get3A_2, %get3A_3] : memref<512x512xf32, #tpu.memory_space<vmem>>, vector<256x512xf32>
    %add3A = arith.addf %get3A_1, %get3A_4 : vector<256x512xf32>
    %swap3A = arith.constant 0 : index
    %swap3A_5 = arith.constant 0 : index
    %swap3A_6 = vector.load %arg1[%swap3A, %swap3A_5] : memref<256x512xf32, #tpu.memory_space<vmem>>, vector<256x512xf32>
    tpu.vector_store %arg1[%swap3A, %swap3A_5], %add3A {strides = array<i32>} : memref<256x512xf32, #tpu.memory_space<vmem>>, vector<256x512xf32>,
    return
  }
}

</mosaic_0001>

<sc_bundles>
// kernel: kernel.4.cloned.1.call-start
scs
__scs_entry_jumppad:
0x0: {  	(pc) =	sbr.rel $0x88, $3  }
0x1: {  	(tag) =	ssettag $0x0;
	lr =	simm.s32 $0x1  }
0x2: {  	[smem:$0x3F9F] =	sst lr;
	_ =	strace $0xD0000000  }
0x3: {  	_ = 	snop  }
0x4: {  	_ = 	snop  }
0x5: {  	_ = 	snop  }
0x6: {  	_ = 	snop  }
0x7: {  	_ = 	snop  }
__scs_overlays_trampoline_lowered:
0x8: {  	[smem:$0x3FAE] =	sst s0  }
0x9: {  	[smem:$0x3FAF] =	sst s1  }
0xa: {  	[smem:$0x3FB0] =	sst s2  }
0xb: {  	[smem:$0x3FB1] =	sst s3  }
0xc: {  	[smem:$0x3FB2] =	sst s4  }
0xd: {  	[smem:$0x3FB3] =	sst s5  }
0xe: {  	[smem:$0x3FB4] =	sst s6  }
0xf: {  	[smem:$0x3FB5] =	sst s7  }
0x10: {  	[smem:$0x3FB6] =	sst s8  }
0x11: {  	[smem:$0x3FB7] =	sst s9;
	s0 =	simm.s32 @!p0 $0x0  }
0x12: {  	s1 =	sld [smem:$0x3F9D];
	s0 =	simm.s32 @p0 $0x1  }
0x13: {  	[smem:$0x3FB8] =	sst s0;
	s0 =	simm.s32 @!p1 $0x0  }
0x14: {  	s2 =	sld [smem:$0x3F9C];
	s0 =	simm.s32 @p1 $0x1  }
0x15: {  	[smem:$0x3FB9] =	sst s0;
	s0 =	simm.s32 @!p2 $0x0  }
0x16: {  	s3 =	sld [smem:$0x3FDB];
	s0 =	simm.s32 @p2 $0x1  }
0x17: {  	s4 =	simm.s32 $0x1BF5;
	[smem:$0x3FBB] =	sst s0  }
0x18: {  	s0 =	sld [smem:$0x3F9E];
	_ =	swait.ge [sflag:s4], $0x0  }
0x19: {  	s7 =	sld [smem:$0x3F9F]  }
0x1a: {  	s8 =	sadd.s32 $0xFFFFE003, lr  }
0x1b: {  	s9 =	sadd.s32 $0xFFFFFEF7, lr;
	s5 =	simm.s32 $0xFFFFFFFF;
	p2 =	slt.u32 s8, $0xFFFFF086  }
0x1c: {  	p1 =	slt.u32 s9, $0xF7A;
	s5 =	simm.s32 @!p2 $0x0  }
0x1d: {  	s5 =	simm.s32 @p1 $0x1;
	p0 =	seq.s32 s7, s2  }
0x1e: {  	s7 =	smul.u32 @!p0 $0xF7A, s2;
	p2 =	seq.s32 @!p0 s5, $0x0  }
0x1f: {  	s9 =	smul.u32 $0xF7A, s1;
	s8 =	simm.s32 @!p0 $0x1BF5;
	p2 =	por !p2, p0  }
0x20: {  	[sflag:s8] =	ssyncset.s32 @!p0 $0xFFFFF086;
	s6 =	sadd.s32 @!p0 s3, s7;
	s7 =	simm.s32 @!p0 $0x108  }
0x21: {  	s3 =	sadd.s32 s3, s9;
	s6 =	sadd.s32 @!p0 $0x88, s6;
	s7 =	simm.s32 @p2 $0x1082  }
0x22: {  	[simem:s7], [sflag:s8] =	dma.local @!p0 [hbm:s6], $0xF7A  }
0x23: {  	s9 =	sor.u32 $0xD0000000, s2;
	s6 =	simm.s32 $0x108;
	_ =	swait.ge @!p0 [sflag:s8], $0x0  }
0x24: {  	s3 =	sadd.s32 $0x88, s3;
	s6 =	simm.s32 @!p1 $0x1082;
	[sflag:s4] =	ssyncset.s32 $0xFFFFF086  }
0x25: {  	[simem:s6], [sflag:s4] =	dma.local [hbm:s3], $0xF7A  }
0x26: {  	[smem:$0x3F9F] =	sst s1;
	(tag) =	ssettag s2;
	_ =	strace s9  }
0x27: {  	s1 =	sld [smem:$0x3FAF]  }
0x28: {  	s2 =	sld [smem:$0x3FB0]  }
0x29: {  	s4 =	sld [smem:$0x3FB2]  }
0x2a: {  	p0 =	seq.s32 s5, $0x0;
	s5 =	sld [smem:$0x3FB3]  }
0x2b: {  	s6 =	sld [smem:$0x3FB4]  }
0x2c: {  	s7 =	sld [smem:$0x3FB5]  }
0x2d: {  	s3 =	simm.s32 $0x108;
	s8 =	sld [smem:$0x3FB6]  }
0x2e: {  	s3 =	simm.s32 @!p0 $0x1082;
	s9 =	sld [smem:$0x3FB7]  }
0x2f: {  	lr =	sadd.s32 s0, s3;
	s0 =	sld [smem:$0x3FAE]  }
0x30: {  	s3 =	sld [smem:$0x3FB1]  }
0x31: {  	[smem:$0x3FBA] =	sst s10  }
0x32: {  	s10 =	sld [smem:$0x3FB8];
	_ =	sdelay $0x3  }
0x33: {  	p0 =	seq.s32 s10, $0x1;
	s10 =	sld [smem:$0x3FBA];
	_ =	sdelay $0x3  }
0x34: {  	[smem:$0x3FBA] =	sst s10  }
0x35: {  	s10 =	sld [smem:$0x3FB9];
	_ =	sdelay $0x3  }
0x36: {  	p1 =	seq.s32 s10, $0x1;
	s10 =	sld [smem:$0x3FBA];
	_ =	sdelay $0x3  }
0x37: {  	[smem:$0x3FBA] =	sst s10  }
0x38: {  	s10 =	sld [smem:$0x3FBB]  }
0x39: {  	_ = 	snop;
	(pc) =	sbr.ind lr, $3  }
0x3a: {  	_ = 	snop  }
0x3b: {  	_ = 	snop  }
0x3c: {  	p2 =	seq.s32 s10, $0x1;
	s10 =	sld [smem:$0x3FBA]  }
0x3d: {  	_ =	shalt  }
0x3e: {  	_ =	shalt  }
0x3f: {  	_ =	shalt  }
0x40: {  	_ =	shalt  }
0x41: {  	_ =	shalt  }
0x42: {  	_ =	shalt  }
0x43: {  	_ =	shalt  }
0x44: {  	_ =	shalt  }
0x45: {  	_ =	shalt  }
0x46: {  	_ =	shalt  }
0x47: {  	_ =	shalt  }
0x48: {  	_ =	shalt  }
0x49: {  	_ =	shalt  }
0x4a: {  	_ =	shalt  }
0x4b: {  	_ =	shalt  }
0x4c: {  	_ =	shalt  }
0x4d: {  	_ =	shalt  }
0x4e: {  	_ =	shalt  }
0x4f: {  	_ =	shalt  }
0x50: {  	_ =	shalt  }
0x51: {  	_ =	shalt  }
0x52: {  	_ =	shalt  }
0x53: {  	_ =	shalt  }
0x54: {  	_ =	shalt  }
0x55: {  	_ =	shalt  }
0x56: {  	_ =	shalt  }
0x57: {  	_ =	shalt  }
0x58: {  	_ =	shalt  }
0x59: {  	_ =	shalt  }
0x5a: {  	_ =	shalt  }
0x5b: {  	_ =	shalt  }
0x5c: {  	_ =	shalt  }
0x5d: {  	_ =	shalt  }
0x5e: {  	_ =	shalt  }
0x5f: {  	_ =	shalt  }
0x60: {  	_ =	shalt  }
0x61: {  	_ =	shalt  }
0x62: {  	_ =	shalt  }
0x63: {  	_ =	shalt  }
0x64: {  	_ =	shalt  }
0x65: {  	_ =	shalt  }
0x66: {  	_ =	shalt  }
0x67: {  	_ =	shalt  }
0x68: {  	_ =	shalt  }
0x69: {  	_ =	shalt  }
0x6a: {  	_ =	shalt  }
0x6b: {  	_ =	shalt  }
0x6c: {  	_ =	shalt  }
0x6d: {  	_ =	shalt  }
0x6e: {  	_ =	shalt  }
0x6f: {  	_ =	shalt  }
0x70: {  	_ =	shalt  }
0x71: {  	_ =	shalt  }
0x72: {  	_ =	shalt  }
0x73: {  	_ =	shalt  }
0x74: {  	_ =	shalt  }
0x75: {  	_ =	shalt  }
0x76: {  	_ =	shalt  }
0x77: {  	_ =	shalt  }
0x78: {  	_ =	shalt  }
0x79: {  	_ =	shalt  }
0x7a: {  	_ =	shalt  }
0x7b: {  	_ =	shalt  }
0x7c: {  	_ =	shalt  }
0x7d: {  	_ =	shalt  }
0x7e: {  	_ =	shalt  }
0x7f: {  	_ =	shalt  }
0x80: {  	_ =	shalt  }
0x81: {  	_ =	shalt  }
0x82: {  	_ =	shalt  }
0x83: {  	_ =	shalt  }
0x84: {  	_ =	shalt  }
0x85: {  	_ =	shalt  }
0x86: {  	_ =	shalt  }
0x87: {  	_ =	shalt  }
.Lfunc_end0:
.L_simem_size_0:
called_computation.1_lowered:
.L_overlay_start_0:
0x88: {  	s2 =	sld [smem:$0x3FD9]  }
0x89: {  	s3 =	sld [smem:$0x3FFE];
	_ =	sdelay $0x1  }
0x8a: {  	s1 =	srdreg.scid  }
0x8b: {  	s0 =	sand.u32 $0x1, s1  }
0x8c: {  	s17 =	sshll.u32 s0, $0xA;
	s2 =	sadd.s32 s3, s2  }
0x8d: {  	s2 =	sadd.s32 s2, s17  }
0x8e: {  	[smem:$0x3FC6] =	sst s2  }
0x8f: {  	_ = 	snop  }
0x90: {  	s2 =	sld [smem:$0x3FC8];
	(tm) =	ssettm $0x1  }
0x91: {  	s18 =	sld [smem:$0x3FFB];
	_ =	sdelay $0x3  }
0x92: {  	_ =	strace s18  }
0x93: {  	s3 =	sld [smem:$0x3FFC];
	_ =	sdelay $0x3  }
0x94: {  	_ =	strace s3  }
0x95: {  	s3 =	sld [smem:$0x3FFD];
	_ =	sdelay $0x3  }
0x96: {  	_ =	strace s3  }
0x97: {  	_ =	strace $0x8FFFFFFF  }
0x98: {  	s19 =	sld [smem:$0x3FDB];
	_ =	sdelay $0x1  }
0x99: {  	s4 =	simm.s32 $_scs_section_size  }
0x9a: {  	s5 =	simm.s32 $_size__tile_overlayer_lowered;
	s6 =	simm.s32 $_tile_overlayer_lowered  }
0x9b: {  	s22 =	simm.s32 $0x1BFF;
	s21 =	sshll.u32 s6, $0x1;
	s3 =	sadd.s32 s4, s19  }
0x9c: {  	s7 =	simm.s32 $0x0;
	s20 =	sshll.u32 s5, $0x1;
	s5 =	sadd.s32 s21, s3  }
0x9d: {  	[timem:s7], [sflag:s22] =	dma.local [hbm:s5], s20  }
0x9e: {  	_ =	swait.ge [sflag:s22], s20  }
0x9f: {  	s4 =	ssub.s32 $0x0, s20;
	[sflag:s22] =	ssyncset.done $0x0  }
0xa0: {  	[sflag:s22] =	ssyncadd.s32 s4;
	_ =	sdelay $0x1  }
0xa1: {  	s23 =	simm.s32 $0x1B8B  }
0xa2: {  	_ =	swait.ge [sflag:s23], $0x1  }
0xa3: {  	[sflag:s23] =	ssyncset.done $0x0  }
0xa4: {  	s25 =	simm.s32 $0x1B8E;
	s24 =	sld [smem:$0x3FFE];
	[sflag:s23] =	ssyncadd.s32 $0xFFFFFFFF  }
0xa5: {  	s26 =	simm.s32 $execute0_lowered;
	[smem:$0x3FD2] =	sst s25  }
0xa6: {  	s5 =	sshll.u32 s26, $0x1;
	_ =	strace $0x80000049;
	[dreg:$0x1] =	wrdreg $0xFFFFFFFF  }
0xa7: {  	s28 =	simm.s32 $_size_execute0_lowered;
	s3 =	sadd.s32 s3, s5;
	[dreg:$0x0] =	wrdreg $0x0  }
0xa8: {  	s5 =	sshll.u32 s28, $0x1;
	[dreg:$0x2] =	wrdreg s3  }
0xa9: {  	[dreg:$0x3] =	wrdreg s5  }
0xaa: {  	[dreg:$0x4] =	wrdreg $0xC0  }
0xab: {  	_ =	task [dreg:s7], $0x5FFFF  }
0xac: {  	[dreg:$0x1] =	wrdreg $0xFFFFFFFF  }
0xad: {  	[dreg:$0x0] =	wrdreg $0x60  }
0xae: {  	[dreg:$0x2] =	wrdreg s24  }
0xaf: {  	[dreg:$0x3] =	wrdreg s2  }
0xb0: {  	[dreg:$0x4] =	wrdreg $0xB1B00  }
0xb1: {  	[dreg:$0x5] =	wrdreg $0x131B00  }
0xb2: {  	[dreg:$0x6] =	wrdreg $0x9  }
0xb3: {  	_ =	task.clear_ibuf [dreg:s7], $0x7FFFF;
	_ =	strace $0x90000049  }
0xb4: {  	s29 =	simm.s32 $0x9;
	_ =	strace $0x8000004B  }
0xb5: {  	_ =	swait.ge [sflag:s29], $0x1  }
0xb6: {  	[sflag:s29] =	ssyncadd.s32 $0xFFFFFFFF  }
0xb7: {  	_ =	strace $0x9000004B  }
0xb8: {  	_ =	sfence  }
0xb9: {  	s30 =	sld [smem:$0x0];
	_ =	sdelay $0x2  }
0xba: {  	s31 =	sshll.u32 s1, $0xD;
	s1 =	sshrl.u32 s1, $0x2  }
0xbb: {  	s3 =	sand.u32 $0x4000, s31;
	s1 =	sadd.s32 s1, s30  }
0xbc: {  	s0 =	sor.u32 s3, s0;
	s1 =	sshll.u32 s1, $0x11  }
0xbd: {  	s0 =	sor.u32 s1, s0  }
0xbe: {  	s0 =	sadd.s32 $0x8F2B, s0  }
0xbf: {  	[sflag:s0] =	ssyncadd.remote.s32 $0x1  }
0xc0: {  	_ =	sfence.sel $0xFFFF  }
0xc1: {  	[dreg:$0x0] =	wrdreg $0xFFFFFFFF;
	(pc) =	sbr.abs _section_cstart, $3  }
0xc2: {  	[dreg:$0x1] =	wrdreg $0xFFFFFFFF  }
0xc3: {  	_ =	task.clear_ibuf [dreg:s7], $0x2FFFF;
	_ =	strace $0x9FFFFFFF  }
0xc4: {  	(tm) =	ssettm $0x7FFFFFFF  }
0xc5: {  	_ =	shalt  }
tec
execute0_lowered:
.L_overlay_start_1:
0x0: {  	(tag) =	ssettag $0x1  }
0x1: {  	s0 =	rddreg [dreg:$0x0]  }
0x2: {  	s1 =	rddreg [dreg:$0x1]  }
0x3: {  	s2 =	rddreg [dreg:$0x2]  }
0x4: {  	s8 =	rddreg [dreg:$0x3];
	s3 =	simm.s32 $0x0  }
0x5: {  	s4 =	srdreg.scid;
	s18 =	stileid.u32;
	s28 =	simm.s32 $0x20  }
0x6: {  	s29 =	simm.s32 $0x200;
	s30 =	simm.s32 $0x2000;
	s31 =	simm.s32 $0x3  }
0x7: {  	[smem:$0x7FF] =	sst s3;
	s10 =	sand.u32 $0x1, s4;
	s24 =	smul.u32 $0x3600, s18  }
0x8: {  	s12 =	sshll.u32 s18, $0x5;
	s4 =	sadd.s32 $0x800, s0;
	s17 =	smul.u32 $0xD800, s18  }
0x9: {  	s14 =	sshll.u32 s18, $0xF;
	s26 =	smul.u32 $0xD000, s18;
	_ =	strace $0x8000004A  }
0xa: {  	s5 =	sshll.u32 s10, $0x11;
	s9 =	ssub.s32 $0x2, s10;
	p0 =	sne.s32 s10, $0x0  }
0xb: {  	s6 =	sor.u32 s12, s5;
	s5 =	smul.u32 $0x61A0, s10;
	s19 =	sshrl.u32 s9, $0x1  }
0xc: {  	s25 =	sshrl.u32 s24, $0x3;
	s17 =	sshrl.u32 s17, $0x2;
	s7 =	sshrl.u32 s6, $0x3  }
0xd: {  	s6 =	sshll.u32 s18, $0x6;
	s13 =	ssub.s32 s9, s19;
	s19 =	smul.u32 $0x680, s18  }
0xe: {  	s0 =	sadd.s32 s7, s0;
	s11 =	sadd.s32 s6, s5;
	s7 =	sadd.s32 s14, s2  }
0xf: {  	s15 =	sadd.s32 $0x400, s5;
	s21 =	sshrl.u32 s5, $0x3;
	s24 =	smax.u32 s13, $0x1  }
0x10: {  	s20 =	sshll.u32 s11, $0x6;
	s16 =	sadd.s32 s6, s15;
	s11 =	sadd.s32 s1, s21  }
0x11: {  	s23 =	sshrl.u32 s15, $0x3;
	s15 =	sadd.s32 s12, s8;
	s21 =	sadd.s32 $0x1834, s1  }
0x12: {  	s0 =	sadd.s32 $0x30DC00, s0;
	[dreg:$0xe] =	wrdreg s24;
	s9 =	sadd.s32 s4, s20  }
0x13: {  	[dreg:$0x6] =	wrdreg s11;
	s11 =	sadd.s32 s14, s8;
	s22 =	sshll.u32 s16, $0x6  }
0x14: {  	s8 =	sadd.s32 s4, s25;
	s16 =	sadd.s32 s17, s2;
	[dreg:$0xa] =	wrdreg s21  }
0x15: {  	s20 =	sshrl.u32 s26, $0x2;
	[dreg:$0xd] =	wrdreg s0;
	s0 =	simm.s32 $0xA800  }
0x16: {  	[dreg:$0x5] =	wrdreg s9;
	s9 =	sor.u32 $0x1C01, s6;
	s14 =	sadd.s32 s4, s22  }
0x17: {  	s8 =	sadd.s32 $0x306800, s8;
	s22 =	sadd.s32 s19, s4;
	[dreg:$0x7] =	wrdreg s14  }
0x18: {  	s26 =	sshrl.u32 s16, $0x3;
	s14 =	sadd.s32 s1, s23;
	[dreg:$0x9] =	wrdreg s8  }
.Ltmp0:
0x19: {  	s8 =	sadd.s32 $0x180000, s22;
	[dreg:$0x10] =	wrdreg s26;
	(pc) =	sbr.rel .LBB2_1-.Ltmp0, $4  }
0x1a: {  	s23 =	sadd.s32 $0xC00, s1;
	s26 =	simm.s32 $0x1;
	[dreg:$0x8] =	wrdreg s14  }
0x1b: {  	s14 =	sadd.s32 s12, s2;
	s2 =	sadd.s32 s20, s2;
	[dreg:$0xb] =	wrdreg s8  }
0x1c: {  	s22 =	simm.s32 $0xAC00;
	[dreg:$0xc] =	wrdreg s23;
	s25 =	sshrl.u32 s2, $0x3  }
0x1d: {  	v0 =	vimm.f32 $0.0e+00;
	v1 =	vlaneseq.u32;
	s23 =	simm.s32 $0x0;
	s2 =	simm.s32 $0x2;
	[dreg:$0xf] =	wrdreg s25  }
.LBB2_48:
0x1e: {  	s8 =	sshll.u32 s16, $0x5  }
0x1f: {  	v5 =	vor.u32 $0x10, v1;
	v4 =	vor.u32 s8, v1  }
0x20: {  	v5 =	vor.u32 s8, v5;
	_ =	sdelay $0x3  }
0x21: {  	[tilespmem:v4+s3+$0x0] =	vst.idx.add.f32.msk $0xffff, v2  }
0x22: {  	s24 =	rddreg [dreg:$0xd];
	[tilespmem:v5+s3+$0x0] =	vst.idx.add.f32.msk $0xffff, v3  }
0x23: {  	[hbm4b:s24+s28] =	stream.strided.scatter [tilespmem:s3], [sflag:$0x3], $0x2000, s29, s28, $0x38;
	[tilespmem:$0x1B1B0] =	vst v63  }
0x24: {  	_ =	swait.ge [sflag:s31], $0x2000  }
0x25: {  	s23 =	sadd.s32 $0x1, s23;
	s25 =	rddreg [dreg:$0xe]  }
0x26: {  	p1 =	sne.s32 s23, s25  }
.Ltmp1:
0x27: {  	_ = 	snop;
	(pc) =	sbr.rel @!p1 .LBB2_49-.Ltmp1, $3  }
0x28: {  	_ =	sdelay $0x1  }
0x29: {  	[sflag:s31] =	ssyncset.done $0x0  }
0x2a: {  	[sflag:s31] =	ssyncadd.s32 $0xFFFFE000  }
.LBB2_1:
0x2b: {  	s8 =	simm.s32 $0x80;
	s10 =	simm.s32 $0x0  }
.LBB2_2:
0x2c: {  	p1 =	sne.s32 s8, $0x7F80;
	[tilespmem:s10+$0x0] =	vst v0;
	s12 =	smov.u32 s8;
	s8 =	sadd.s32 $0x80, s8  }
.Ltmp2:
0x2d: {  	[tilespmem:s10+$0x10] =	vst v0;
	(pc) =	sbr.rel @p1 .LBB2_2-.Ltmp2, $2  }
0x2e: {  	_ =	sdelay $0x2  }
0x2f: {  	s10 =	sshra.s32 s12, $0x2  }
0x30: {  	[tilespmem:s10+$0x0] =	vst v0  }
0x31: {  	[tilespmem:s10+$0x10] =	vst v0;
	s16 =	sshrl.u32 s7, $0x3;
	s8 =	rddreg [dreg:$0x5];
	s17 =	simm.s32 $0x0  }
0x32: {  	[spmem:s16], [sflag:s9] =	dma.local [hbm:s8], $0x1000  }
0x33: {  	s21 =	simm.s32 $0xA000;
	s18 =	sor.u32 $0x1C02, s6;
	s8 =	rddreg [dreg:$0x6]  }
0x34: {  	[tilespmem:s21], [sflag:$0x1] =	stream.linear.gather [hbm4b:s8+s17], $0x400, $0x38;
	[tilespmem:$0x1B1B0] =	vst v63  }
.Ltmp3:
0x35: {  	s19 =	sshrl.u32 s11, $0x3;
	s24 =	rddreg [dreg:$0x7];
	(pc) =	sbr.rel .LBB2_4-.Ltmp3, $4  }
0x36: {  	[spmem:s19], [sflag:s18] =	dma.local [hbm:s24], $0x1000  }
0x37: {  	s25 =	simm.s32 $0xA400;
	s8 =	rddreg [dreg:$0x8]  }
0x38: {  	[tilespmem:s25], [sflag:$0x2] =	stream.linear.gather [hbm4b:s8+s17], $0x400, $0x38;
	[tilespmem:$0x1B1B0] =	vst v63  }
0x39: {  	v3 =	vimm.f32 $0.0e+00;
	v2 =	vimm.f32 $0.0e+00;
	s24 =	simm.s32 $0x0;
	s8 =	simm.s32 $0x0  }
.LBB2_32:
0x3a: {  	s24 =	sadd.s32 $0x1, s24  }
0x3b: {  	p1 =	sne.s32 s24, $0x6  }
.Ltmp4:
0x3c: {  	_ = 	snop;
	(pc) =	sbr.rel @!p1 .LBB2_33-.Ltmp4, $1  }
0x3d: {  	_ =	sdelay $0x3  }
.LBB2_4:
0x3e: {  	_ =	swait.ge [sflag:s26], $0x1000  }
0x3f: {  	[sflag:s26] =	ssyncset.done $0x0  }
0x40: {  	[sflag:s26] =	ssyncadd.s32 $0xFFFFF000  }
0x41: {  	_ =	swait.ge [sflag:s26], $0x400  }
0x42: {  	s10 =	sshll.u32 s24, $0xC;
	[sflag:s26] =	ssyncset.done $0x0  }
0x43: {  	s25 =	sadd.s32 s5, s10;
	[sflag:s26] =	ssyncadd.s32 $0xFFFFFC00  }
0x44: {  	s10 =	sadd.s32 $0x800, s25;
	[bflag:$0x0] =	sbarrier.arrive $0xFFFF  }
0x45: {  	[tilespmem:s30], [sflag:$0x3] =	stream.strided.gather [spmem:s14], $0x8000, s29, s28, $0x38;
	[tilespmem:$0x1B1B0] =	vst v63  }
0x46: {  	s12 =	sadd.s32 s6, s10;
	_ =	swait.ge [sflag:s31], $0x8000  }
0x47: {  	s10 =	sshrl.u32 s10, $0x3;
	s12 =	sshll.u32 s12, $0x6;
	[sflag:s31] =	ssyncset.done $0x0  }
.Ltmp5:
0x48: {  	s12 =	sand.u32 $0x1FFFF800, s12;
	[sflag:s31] =	ssyncadd.s32 $0xFFFF8000;
	(pc) =	sbr.rel .LBB2_5-.Ltmp5, $4  }
0x49: {  	s10 =	sadd.s32 s1, s10;
	s12 =	sadd.s32 s4, s12;
	[bflag:$0x0] =	sbarrier.arrive $0xFFFF  }
0x4a: {  	[spmem:s16], [sflag:s9] =	dma.local [hbm:s12], $0x1000  }
0x4b: {  	[tilespmem:s0], [sflag:$0x1] =	stream.linear.gather [hbm4b:s10+s17], $0x400, $0x38;
	[tilespmem:$0x1B1B0] =	vst v63  }
0x4c: {  	s13 =	simm.s32 $0x0;
	s12 =	simm.s32 $0x2100;
	s10 =	simm.s32 $0xA000  }
.LBB2_6:
0x4d: {  	p1 =	sne.s32 s8, s21  }
0x4e: {  	v5 =	vshll.u32 @p1 v39, $0x5;
	v7 =	vlaneseq.u32 @p1  }
0x4f: {  	v8 =	vor.u32 @p1 v7, v5  }
0x50: {  	v7 =	vor.u32 @p1 $0x10, v7  }
0x51: {  	v5 =	vor.u32 @p1 v7, v5;
	_ =	sdelay $0x1  }
0x52: {  	s21 =	simm.s32 @p1 $0x0  }
0x53: {  	v7 =	vadd.f32 @!p1 v4, v3;
	[tilespmem:v8+s21+$0x0] =	vst.idx.add.f32.msk @p1 $0xffff, v2;
	v2 =	vadd.f32 @!p1 v6, v2;
	_ =	sdelay $0x1  }
0x54: {  	s8 =	smov.u32 @p1 s20;
	[tilespmem:v5+s21+$0x0] =	vst.idx.add.f32.msk @p1 $0xffff, v3;
	v3 =	vpsel p1, v4, v7;
	v2 =	vpsel p1, v6, v2  }
.LBB2_10:
0x55: {  	s13 =	sadd.s32 $0x10, s13  }
0x56: {  	p1 =	sne.s32 s13, $0x400  }
.Ltmp6:
0x57: {  	_ = 	snop;
	(pc) =	sbr.rel @!p1 .LBB2_11-.Ltmp6, $2  }
0x58: {  	_ =	sdelay $0x2  }
0x59: {  	s10 =	sadd.s32 $0x10, s10;
	s12 =	sadd.s32 $0x200, s12  }
.LBB2_5:
0x5a: {  	v33 =	vld [tilespmem:s10+$0x0]  }
0x5b: {  	v36 =	vld [tilespmem:s12+$0xFFFFFF40]  }
0x5c: {  	v34 =	vld [tilespmem:s12+$0xFFFFFF60]  }
0x5d: {  	v35 =	vld [tilespmem:s12+$0xFFFFFF80]  }
0x5e: {  	v32 =	vld [tilespmem:s12+$0xFFFFFFA0]  }
0x5f: {  	v30 =	vld [tilespmem:s12+$0xFFFFFFC0]  }
0x60: {  	v31 =	vld [tilespmem:s12+$0xFFFFFFE0]  }
0x61: {  	v29 =	vld [tilespmem:s12+$0x0]  }
0x62: {  	v27 =	vld [tilespmem:s12+$0x20]  }
0x63: {  	v28 =	vld [tilespmem:s12+$0x40]  }
0x64: {  	v26 =	vld [tilespmem:s12+$0x60]  }
0x65: {  	v24 =	vld [tilespmem:s12+$0x80]  }
0x66: {  	v25 =	vld [tilespmem:s12+$0xA0]  }
0x67: {  	v23 =	vld [tilespmem:s12+$0xC0];
	v4 =	vxor.u32 $0x80000000, v33  }
0x68: {  	v18 =	vld [tilespmem:s12+$0xE0];
	(xrf0) =	vmax.scan.msk.u32 $0xffff, v4  }
0x69: {  	v5 =	vld [tilespmem:s12+$0xFFFFFF10];
	(xrf0) =	vmin.scan.msk.u32 $0xffff, v4  }
0x6a: {  	v7 =	vld [tilespmem:s12+$0xFFFFFF30]  }
0x6b: {  	v8 =	vld [tilespmem:s12+$0xFFFFFF50]  }
0x6c: {  	v9 =	vld [tilespmem:s12+$0xFFFFFF70]  }
0x6d: {  	v10 =	vld [tilespmem:s12+$0xFFFFFF90]  }
0x6e: {  	v11 =	vld [tilespmem:s12+$0xFFFFFFB0];
	v4, _, _ =	vpop (xrf0)  }
0x6f: {  	v12 =	vld [tilespmem:s12+$0xFFFFFFD0];
	(v2sf) =	vpush v4, $0xF;
	v4, _, _ =	vpop (xrf0)  }
0x70: {  	v13 =	vld [tilespmem:s12+$0xFFFFFFF0];
	(v2sf) =	vpush v4, $0xF  }
0x71: {  	v14 =	vld [tilespmem:s12+$0x10]  }
0x72: {  	v15 =	vld [tilespmem:s12+$0x30]  }
0x73: {  	v16 =	vld [tilespmem:s12+$0x50]  }
0x74: {  	v17 =	vld [tilespmem:s12+$0x70]  }
0x75: {  	v19 =	vld [tilespmem:s12+$0x90]  }
0x76: {  	v20 =	vld [tilespmem:s12+$0xB0];
	v6 =	vadd.f32 v34, v36;
	v39 =	vadd.f32 v32, v35  }
0x77: {  	v21 =	vld [tilespmem:s12+$0xD0];
	v40 =	vadd.f32 v31, v30;
	v41 =	vadd.f32 v27, v29  }
0x78: {  	v22 =	vld [tilespmem:s12+$0xF0];
	v42 =	vadd.f32 v26, v28;
	v43 =	vadd.f32 v25, v24  }
0x79: {  	v37 =	vld [tilespmem:s12+$0xFFFFFF00];
	v44 =	vadd.f32 v18, v23;
	v55 =	vadd.f32 v7, v5  }
0x7a: {  	v38 =	vld [tilespmem:s12+$0xFFFFFF20];
	v56 =	vadd.f32 v9, v8;
	v57 =	vadd.f32 v11, v10  }
0x7b: {  	v58 =	vadd.f32 v13, v12;
	v45 =	vadd.f32 v15, v14  }
0x7c: {  	v46 =	vadd.f32 v17, v16;
	v47 =	vadd.f32 v20, v19  }
0x7d: {  	v48 =	vadd.f32 v22, v21;
	v53 =	vadd.f32 v42, v41  }
0x7e: {  	v54 =	vadd.f32 v44, v43;
	v41 =	vadd.f32 v56, v55;
	s20 =	spop (v2sf)  }
0x7f: {  	v59 =	vadd.f32 v58, v57;
	v4 =	vadd.f32 v38, v37;
	s21 =	spop (v2sf)  }
0x80: {  	v60 =	vadd.f32 v46, v45;
	v61 =	vadd.f32 v48, v47;
	p1 =	sne.s32 s21, s20  }
.Ltmp7:
0x81: {  	v4 =	vadd.f32 v6, v4;
	v6 =	vadd.f32 v40, v39;
	(pc) =	sbr.rel @!p1 .LBB2_6-.Ltmp7, $3  }
0x82: {  	v62 =	vadd.f32 v59, v41;
	v63 =	vadd.f32 v61, v60  }
0x83: {  	v4 =	vadd.f32 v6, v4;
	v6 =	vadd.f32 v54, v53;
	_ =	sdelay $0x1  }
0x84: {  	v39 =	vmov s8;
	v6 =	vadd.f32 v6, v4;
	v4 =	vadd.f32 v63, v62;
	s20 =	sxor.u32 $0x80000000, s20;
	s21 =	sxor.u32 $0x80000000, s21  }
0x85: {  	vm0 =	veq.s32 v33, s21;
	vm1 =	veq.s32 v33, s20  }
0x86: {  	vm1 =	vmor vm0, vm1  }
0x87: {  	v40 =	vsel vm1, $0x3F800000, v0  }
0x88: {  	(xrf0) =	vmin.scan.msk.f32 $0xffff, v40;
	_ =	sdelay $0x5  }
0x89: {  	v40, _, _ =	vpop (xrf0)  }
0x8a: {  	(v2sf) =	vpush v40, $0xF;
	_ =	sdelay $0xd  }
0x8b: {  	v63 =	vshll.u32 v39, $0x5  }
0x8c: {  	v39 =	vor.u32 $0x10, v1;
	v41 =	vor.u32 v1, v63;
	s8 =	spop (v2sf)  }
0x8d: {  	v40 =	vor.u32 v39, v63;
	p1 =	sgt.f32 s8, $0.0e+00  }
.Ltmp8:
0x8e: {  	_ = 	snop;
	(pc) =	sbr.rel @!p1 .LBB2_9-.Ltmp8, $3  }
0x8f: {  	_ =	sdelay $0x1  }
0x90: {  	[tilespmem:v41+s3+$0x0] =	vst.idx.add.f32.msk $0xffff, v2  }
0x91: {  	[tilespmem:v40+s3+$0x0] =	vst.idx.add.f32.msk $0xffff, v3  }
0x92: {  	v2 =	vmpcnt.ones.xlane vm0;
	_ =	sdelay $0x1  }
0x93: {  	vm0 =	vgt.s32 v2, $0x0;
	vm1 =	vgt.s32 v2, $0x1  }
0x94: {  	vm2 =	vgt.s32 v2, $0x2;
	vm3 =	vgt.s32 v2, $0x3;
	vm4 =	vgt.s32 v2, $0x4  }
0x95: {  	vm5 =	vgt.s32 v2, $0x5;
	vm6 =	vgt.s32 v2, $0x6;
	vm7 =	vgt.s32 v2, $0x7  }
0x96: {  	vm8 =	vgt.s32 v2, $0x8;
	vm9 =	vgt.s32 v2, $0x9;
	vm10 =	vgt.s32 v2, $0xA  }
0x97: {  	vm11 =	vgt.s32 v2, $0xB;
	vm12 =	vgt.s32 v2, $0xC;
	vm13 =	vgt.s32 v2, $0xD  }
0x98: {  	vm14 =	vgt.s32 v2, $0xE;
	vm15 =	vgt.s32 v2, $0xF;
	v3 =	vnsel vm0, $0x0, v37  }
0x99: {  	v33 =	vnsel vm1, $0x0, v38;
	v36 =	vnsel vm2, $0x0, v36;
	v34 =	vnsel vm3, $0x0, v34  }
0x9a: {  	v35 =	vnsel vm4, $0x0, v35;
	v32 =	vnsel vm5, $0x0, v32;
	v30 =	vnsel vm6, $0x0, v30  }
0x9b: {  	v31 =	vnsel vm7, $0x0, v31;
	v29 =	vnsel vm8, $0x0, v29;
	v27 =	vnsel vm9, $0x0, v27  }
0x9c: {  	v28 =	vnsel vm10, $0x0, v28;
	v26 =	vnsel vm11, $0x0, v26;
	v24 =	vnsel vm12, $0x0, v24  }
0x9d: {  	v25 =	vnsel vm13, $0x0, v25;
	v23 =	vnsel vm14, $0x0, v23;
	v18 =	vnsel vm15, $0x0, v18  }
0x9e: {  	v5 =	vnsel vm0, $0x0, v5;
	v7 =	vnsel vm1, $0x0, v7;
	v8 =	vnsel vm2, $0x0, v8  }
0x9f: {  	v9 =	vnsel vm3, $0x0, v9;
	v10 =	vnsel vm4, $0x0, v10;
	v11 =	vnsel vm5, $0x0, v11  }
0xa0: {  	v12 =	vnsel vm6, $0x0, v12;
	v13 =	vnsel vm7, $0x0, v13;
	v14 =	vnsel vm8, $0x0, v14  }
0xa1: {  	v15 =	vnsel vm9, $0x0, v15;
	v3 =	vadd.f32 v33, v3;
	v48 =	vadd.f32 v34, v36  }
0xa2: {  	v16 =	vnsel vm10, $0x0, v16;
	v2 =	vadd.f32 v32, v35;
	v30 =	vadd.f32 v31, v30  }
0xa3: {  	v17 =	vnsel vm11, $0x0, v17;
	v27 =	vadd.f32 v27, v29;
	v26 =	vadd.f32 v26, v28  }
0xa4: {  	v19 =	vnsel vm12, $0x0, v19;
	v24 =	vadd.f32 v25, v24;
	v18 =	vadd.f32 v18, v23  }
0xa5: {  	v20 =	vnsel vm13, $0x0, v20;
	v5 =	vadd.f32 v7, v5;
	v50 =	vadd.f32 v9, v8  }
0xa6: {  	v51 =	vnsel vm14, $0x0, v21;
	v52 =	vadd.f32 v11, v10;
	v53 =	vadd.f32 v13, v12  }
0xa7: {  	v54 =	vnsel vm15, $0x0, v22;
	v55 =	vadd.f32 v15, v14;
	v56 =	vadd.f32 v17, v16  }
0xa8: {  	v58 =	vadd.f32 v20, v19;
	v8 =	vadd.f32 v54, v51  }
0xa9: {  	v3 =	vadd.f32 v48, v3;
	v2 =	vadd.f32 v30, v2  }
0xaa: {  	v57 =	vmov s21;
	v49 =	vadd.f32 v26, v27;
	v18 =	vadd.f32 v18, v24  }
0xab: {  	v60 =	vshll.u32 v57, $0x5;
	v5 =	vadd.f32 v50, v5;
	v59 =	vadd.f32 v53, v52  }
0xac: {  	v62 =	vor.u32 v1, v60;
	v61 =	vadd.f32 v56, v55;
	v8 =	vadd.f32 v8, v58  }
0xad: {  	v9 =	vor.u32 v39, v60;
	v2 =	vadd.f32 v2, v3;
	v3 =	vadd.f32 v18, v49  }
.Ltmp9:
0xae: {  	v5 =	vadd.f32 v59, v5;
	v63 =	vadd.f32 v8, v61;
	(pc) =	sbr.rel .LBB2_10-.Ltmp9, $4  }
0xaf: {  	v2 =	vadd.f32 v3, v2  }
0xb0: {  	v3 =	vadd.f32 v63, v5  }
0xb1: {  	[tilespmem:v62+s3+$0x0] =	vst.idx.add.f32.msk $0xffff, v2  }
0xb2: {  	s8 =	smov.u32 s20;
	v2 =	vsub.f32 v6, v2;
	[tilespmem:v9+s3+$0x0] =	vst.idx.add.f32.msk $0xffff, v3;
	v3 =	vsub.f32 v4, v3  }
.LBB2_9:
0xb3: {  	v2 =	vmov s13;
	v3 =	vmul.u32 $0x20, v1  }
0xb4: {  	v2 =	vshll.u32 v2, $0x5  }
0xb5: {  	v2 =	vor.u32 v3, v2;
	_ =	sdelay $0x4  }
0xb6: {  	v4 =	vshll.u32 v33, $0x5;
	v3 =	vld.idx.msk [tilespmem:v2+s30+$0x0], $0xffff  }
0xb7: {  	v5 =	vor.u32 $0x1, v2;
	_ =	sdelay $0x3  }
0xb8: {  	[tilespmem:v4+s3+$0x0] =	vst.idx.add.f32.msk $0xffff, v3  }
0xb9: {  	v3 =	vld.idx.msk [tilespmem:v5+s30+$0x0], $0xffff;
	v5 =	vor.u32 $0x1, v4  }
0xba: {  	v6 =	vor.u32 $0x2, v2;
	_ =	sdelay $0x3  }
0xbb: {  	[tilespmem:v5+s3+$0x0] =	vst.idx.add.f32.msk $0xffff, v3  }
0xbc: {  	v5 =	vor.u32 $0x2, v4;
	v3 =	vld.idx.msk [tilespmem:v6+s30+$0x0], $0xffff  }
0xbd: {  	v36 =	vor.u32 $0x3, v2;
	_ =	sdelay $0x3  }
0xbe: {  	[tilespmem:v5+s3+$0x0] =	vst.idx.add.f32.msk $0xffff, v3  }
0xbf: {  	v5 =	vor.u32 $0x3, v4;
	v3 =	vld.idx.msk [tilespmem:v36+s30+$0x0], $0xffff  }
0xc0: {  	v37 =	vor.u32 $0x4, v2;
	_ =	sdelay $0x3  }
0xc1: {  	[tilespmem:v5+s3+$0x0] =	vst.idx.add.f32.msk $0xffff, v3  }
0xc2: {  	v5 =	vor.u32 $0x4, v4;
	v3 =	vld.idx.msk [tilespmem:v37+s30+$0x0], $0xffff  }
0xc3: {  	v38 =	vor.u32 $0x5, v2;
	_ =	sdelay $0x3  }
0xc4: {  	[tilespmem:v5+s3+$0x0] =	vst.idx.add.f32.msk $0xffff, v3  }
0xc5: {  	v5 =	vor.u32 $0x5, v4;
	v3 =	vld.idx.msk [tilespmem:v38+s30+$0x0], $0xffff  }
0xc6: {  	v39 =	vor.u32 $0x6, v2;
	_ =	sdelay $0x3  }
0xc7: {  	[tilespmem:v5+s3+$0x0] =	vst.idx.add.f32.msk $0xffff, v3  }
0xc8: {  	v5 =	vor.u32 $0x6, v4;
	v3 =	vld.idx.msk [tilespmem:v39+s30+$0x0], $0xffff  }
0xc9: {  	v40 =	vor.u32 $0x7, v2;
	_ =	sdelay $0x3  }
0xca: {  	[tilespmem:v5+s3+$0x0] =	vst.idx.add.f32.msk $0xffff, v3  }
0xcb: {  	v5 =	vor.u32 $0x7, v4;
	v3 =	vld.idx.msk [tilespmem:v40+s30+$0x0], $0xffff  }
0xcc: {  	v41 =	vor.u32 $0x8, v2;
	_ =	sdelay $0x3  }
0xcd: {  	[tilespmem:v5+s3+$0x0] =	vst.idx.add.f32.msk $0xffff, v3  }
0xce: {  	v5 =	vor.u32 $0x8, v4;
	v3 =	vld.idx.msk [tilespmem:v41+s30+$0x0], $0xffff  }
0xcf: {  	v42 =	vor.u32 $0x9, v2;
	_ =	sdelay $0x3  }
0xd0: {  	[tilespmem:v5+s3+$0x0] =	vst.idx.add.f32.msk $0xffff, v3  }
0xd1: {  	v5 =	vor.u32 $0x9, v4;
	v3 =	vld.idx.msk [tilespmem:v42+s30+$0x0], $0xffff  }
0xd2: {  	v43 =	vor.u32 $0xA, v2;
	_ =	sdelay $0x3  }
0xd3: {  	[tilespmem:v5+s3+$0x0] =	vst.idx.add.f32.msk $0xffff, v3  }
0xd4: {  	v5 =	vor.u32 $0xA, v4;
	v3 =	vld.idx.msk [tilespmem:v43+s30+$0x0], $0xffff  }
0xd5: {  	v44 =	vor.u32 $0xB, v2;
	_ =	sdelay $0x3  }
0xd6: {  	[tilespmem:v5+s3+$0x0] =	vst.idx.add.f32.msk $0xffff, v3  }
0xd7: {  	v5 =	vor.u32 $0xB, v4;
	v3 =	vld.idx.msk [tilespmem:v44+s30+$0x0], $0xffff  }
0xd8: {  	v45 =	vor.u32 $0xC, v2;
	_ =	sdelay $0x3  }
0xd9: {  	[tilespmem:v5+s3+$0x0] =	vst.idx.add.f32.msk $0xffff, v3  }
0xda: {  	v5 =	vor.u32 $0xC, v4;
	v3 =	vld.idx.msk [tilespmem:v45+s30+$0x0], $0xffff  }
0xdb: {  	v46 =	vor.u32 $0xD, v2;
	_ =	sdelay $0x3  }
0xdc: {  	[tilespmem:v5+s3+$0x0] =	vst.idx.add.f32.msk $0xffff, v3  }
0xdd: {  	v5 =	vor.u32 $0xD, v4;
	v3 =	vld.idx.msk [tilespmem:v46+s30+$0x0], $0xffff  }
0xde: {  	v47 =	vor.u32 $0xE, v2;
	_ =	sdelay $0x3  }
0xdf: {  	[tilespmem:v5+s3+$0x0] =	vst.idx.add.f32.msk $0xffff, v3  }
0xe0: {  	v5 =	vor.u32 $0xE, v4;
	v3 =	vld.idx.msk [tilespmem:v47+s30+$0x0], $0xffff  }
0xe1: {  	v48 =	vor.u32 $0xF, v2;
	_ =	sdelay $0x3  }
0xe2: {  	[tilespmem:v5+s3+$0x0] =	vst.idx.add.f32.msk $0xffff, v3  }
0xe3: {  	v5 =	vor.u32 $0xF, v4;
	v3 =	vld.idx.msk [tilespmem:v48+s30+$0x0], $0xffff  }
0xe4: {  	v49 =	vor.u32 $0x10, v2;
	_ =	sdelay $0x3  }
0xe5: {  	[tilespmem:v5+s3+$0x0] =	vst.idx.add.f32.msk $0xffff, v3  }
0xe6: {  	v5 =	vor.u32 $0x10, v4;
	v3 =	vld.idx.msk [tilespmem:v49+s30+$0x0], $0xffff  }
0xe7: {  	v50 =	vor.u32 $0x11, v2;
	_ =	sdelay $0x3  }
0xe8: {  	[tilespmem:v5+s3+$0x0] =	vst.idx.add.f32.msk $0xffff, v3  }
0xe9: {  	v5 =	vor.u32 $0x11, v4;
	v3 =	vld.idx.msk [tilespmem:v50+s30+$0x0], $0xffff  }
0xea: {  	v51 =	vor.u32 $0x12, v2;
	_ =	sdelay $0x3  }
0xeb: {  	[tilespmem:v5+s3+$0x0] =	vst.idx.add.f32.msk $0xffff, v3  }
0xec: {  	v5 =	vor.u32 $0x12, v4;
	v3 =	vld.idx.msk [tilespmem:v51+s30+$0x0], $0xffff  }
0xed: {  	v52 =	vor.u32 $0x13, v2;
	_ =	sdelay $0x3  }
0xee: {  	[tilespmem:v5+s3+$0x0] =	vst.idx.add.f32.msk $0xffff, v3  }
0xef: {  	v5 =	vor.u32 $0x13, v4;
	v3 =	vld.idx.msk [tilespmem:v52+s30+$0x0], $0xffff  }
0xf0: {  	v53 =	vor.u32 $0x14, v2;
	_ =	sdelay $0x3  }
0xf1: {  	[tilespmem:v5+s3+$0x0] =	vst.idx.add.f32.msk $0xffff, v3  }
0xf2: {  	v5 =	vor.u32 $0x14, v4;
	v3 =	vld.idx.msk [tilespmem:v53+s30+$0x0], $0xffff  }
0xf3: {  	v54 =	vor.u32 $0x15, v2;
	_ =	sdelay $0x3  }
0xf4: {  	[tilespmem:v5+s3+$0x0] =	vst.idx.add.f32.msk $0xffff, v3  }
0xf5: {  	v5 =	vor.u32 $0x15, v4;
	v3 =	vld.idx.msk [tilespmem:v54+s30+$0x0], $0xffff  }
0xf6: {  	v55 =	vor.u32 $0x16, v2;
	_ =	sdelay $0x3  }
0xf7: {  	[tilespmem:v5+s3+$0x0] =	vst.idx.add.f32.msk $0xffff, v3  }
0xf8: {  	v5 =	vor.u32 $0x16, v4;
	v3 =	vld.idx.msk [tilespmem:v55+s30+$0x0], $0xffff  }
0xf9: {  	v56 =	vor.u32 $0x17, v2;
	_ =	sdelay $0x3  }
0xfa: {  	[tilespmem:v5+s3+$0x0] =	vst.idx.add.f32.msk $0xffff, v3  }
0xfb: {  	v5 =	vor.u32 $0x17, v4;
	v3 =	vld.idx.msk [tilespmem:v56+s30+$0x0], $0xffff  }
0xfc: {  	v57 =	vor.u32 $0x18, v2;
	_ =	sdelay $0x3  }
0xfd: {  	[tilespmem:v5+s3+$0x0] =	vst.idx.add.f32.msk $0xffff, v3  }
0xfe: {  	v5 =	vor.u32 $0x18, v4;
	v3 =	vld.idx.msk [tilespmem:v57+s30+$0x0], $0xffff  }
0xff: {  	v58 =	vor.u32 $0x19, v2;
	_ =	sdelay $0x3  }
0x100: {  	[tilespmem:v5+s3+$0x0] =	vst.idx.add.f32.msk $0xffff, v3  }
0x101: {  	v5 =	vor.u32 $0x19, v4;
	v3 =	vld.idx.msk [tilespmem:v58+s30+$0x0], $0xffff  }
0x102: {  	v59 =	vor.u32 $0x1A, v2;
	_ =	sdelay $0x3  }
0x103: {  	[tilespmem:v5+s3+$0x0] =	vst.idx.add.f32.msk $0xffff, v3  }
0x104: {  	v5 =	vor.u32 $0x1A, v4;
	v3 =	vld.idx.msk [tilespmem:v59+s30+$0x0], $0xffff  }
0x105: {  	v60 =	vor.u32 $0x1B, v2;
	_ =	sdelay $0x3  }
0x106: {  	[tilespmem:v5+s3+$0x0] =	vst.idx.add.f32.msk $0xffff, v3  }
0x107: {  	v5 =	vor.u32 $0x1B, v4;
	v3 =	vld.idx.msk [tilespmem:v60+s30+$0x0], $0xffff  }
0x108: {  	v61 =	vor.u32 $0x1C, v2;
	_ =	sdelay $0x3  }
0x109: {  	[tilespmem:v5+s3+$0x0] =	vst.idx.add.f32.msk $0xffff, v3  }
0x10a: {  	v5 =	vor.u32 $0x1C, v4;
	v3 =	vld.idx.msk [tilespmem:v61+s30+$0x0], $0xffff  }
0x10b: {  	v62 =	vor.u32 $0x1D, v2;
	_ =	sdelay $0x3  }
0x10c: {  	[tilespmem:v5+s3+$0x0] =	vst.idx.add.f32.msk $0xffff, v3  }
0x10d: {  	v5 =	vor.u32 $0x1D, v4;
	v3 =	vld.idx.msk [tilespmem:v62+s30+$0x0], $0xffff  }
0x10e: {  	v63 =	vor.u32 $0x1E, v2;
	_ =	sdelay $0x3  }
0x10f: {  	[tilespmem:v5+s3+$0x0] =	vst.idx.add.f32.msk $0xffff, v3  }
0x110: {  	v5 =	vor.u32 $0x1E, v4;
	v3 =	vld.idx.msk [tilespmem:v63+s30+$0x0], $0xffff  }
0x111: {  	v2 =	vor.u32 $0x1F, v2;
	_ =	sdelay $0x3  }
0x112: {  	[tilespmem:v5+s3+$0x0] =	vst.idx.add.f32.msk $0xffff, v3  }
0x113: {  	v3 =	vor.u32 $0x1F, v4;
	v2 =	vld.idx.msk [tilespmem:v2+s30+$0x0], $0xffff  }
.Ltmp10:
0x114: {  	_ = 	snop;
	(pc) =	sbr.rel .LBB2_10-.Ltmp10, $2  }
0x115: {  	_ =	sdelay $0x2  }
0x116: {  	s8 =	smov.u32 s20;
	[tilespmem:v3+s3+$0x0] =	vst.idx.add.f32.msk $0xffff, v2;
	v2 =	vimm.f32 $0.0e+00;
	v3 =	vimm.f32 $0.0e+00  }
.LBB2_11:
0x117: {  	_ =	swait.ge [sflag:s2], $0x1000  }
0x118: {  	[sflag:s2] =	ssyncset.done $0x0  }
0x119: {  	[sflag:s2] =	ssyncadd.s32 $0xFFFFF000  }
0x11a: {  	_ =	swait.ge [sflag:s2], $0x400  }
0x11b: {  	[sflag:s2] =	ssyncset.done $0x0  }
0x11c: {  	[sflag:s2] =	ssyncadd.s32 $0xFFFFFC00  }
0x11d: {  	s10 =	sadd.s32 $0xC00, s25;
	[bflag:$0x0] =	sbarrier.arrive $0xFFFF  }
0x11e: {  	[tilespmem:s30], [sflag:$0x3] =	stream.strided.gather [spmem:s15], $0x8000, s29, s28, $0x38;
	[tilespmem:$0x1B1B0] =	vst v63  }
0x11f: {  	s12 =	sadd.s32 s6, s10;
	_ =	swait.ge [sflag:s31], $0x8000  }
0x120: {  	s13 =	simm.s32 $0x2100;
	s12 =	sshll.u32 s12, $0x6;
	[sflag:s31] =	ssyncset.done $0x0  }
.Ltmp11:
0x121: {  	s12 =	sand.u32 $0x1FFFF800, s12;
	[sflag:s31] =	ssyncadd.s32 $0xFFFF8000;
	(pc) =	sbr.rel .LBB2_12-.Ltmp11, $4  }
0x122: {  	s10 =	sshrl.u32 s10, $0x3;
	s12 =	sadd.s32 s4, s12;
	[bflag:$0x0] =	sbarrier.arrive $0xFFFF  }
0x123: {  	[spmem:s19], [sflag:s18] =	dma.local [hbm:s12], $0x1000  }
0x124: {  	s21 =	sadd.s32 s1, s10;
	s10 =	simm.s32 $0x0;
	s12 =	simm.s32 $0xA400  }
0x125: {  	[tilespmem:s22], [sflag:$0x2] =	stream.linear.gather [hbm4b:s21+s10], $0x400, $0x38;
	[tilespmem:$0x1B1B0] =	vst v63  }
.LBB2_13:
0x126: {  	p1 =	sne.s32 s8, s21  }
0x127: {  	v5 =	vshll.u32 @p1 v39, $0x5;
	v7 =	vlaneseq.u32 @p1  }
0x128: {  	v8 =	vor.u32 @p1 v7, v5  }
0x129: {  	v7 =	vor.u32 @p1 $0x10, v7  }
0x12a: {  	v5 =	vor.u32 @p1 v7, v5;
	_ =	sdelay $0x1  }
0x12b: {  	s21 =	simm.s32 @p1 $0x0  }
0x12c: {  	v7 =	vadd.f32 @!p1 v4, v3;
	[tilespmem:v8+s21+$0x0] =	vst.idx.add.f32.msk @p1 $0xffff, v2;
	v2 =	vadd.f32 @!p1 v6, v2;
	_ =	sdelay $0x1  }
0x12d: {  	s8 =	smov.u32 @p1 s20;
	[tilespmem:v5+s21+$0x0] =	vst.idx.add.f32.msk @p1 $0xffff, v3;
	v3 =	vpsel p1, v4, v7;
	v2 =	vpsel p1, v6, v2  }
.LBB2_17:
0x12e: {  	s10 =	sadd.s32 $0x10, s10  }
0x12f: {  	p1 =	sne.s32 s10, $0x400  }
.Ltmp12:
0x130: {  	_ = 	snop;
	(pc) =	sbr.rel @!p1 .LBB2_18-.Ltmp12, $2  }
0x131: {  	_ =	sdelay $0x2  }
0x132: {  	s12 =	sadd.s32 $0x10, s12;
	s13 =	sadd.s32 $0x200, s13  }
.LBB2_12:
0x133: {  	v33 =	vld [tilespmem:s12+$0x0]  }
0x134: {  	v36 =	vld [tilespmem:s13+$0xFFFFFF40]  }
0x135: {  	v34 =	vld [tilespmem:s13+$0xFFFFFF60]  }
0x136: {  	v35 =	vld [tilespmem:s13+$0xFFFFFF80]  }
0x137: {  	v32 =	vld [tilespmem:s13+$0xFFFFFFA0]  }
0x138: {  	v30 =	vld [tilespmem:s13+$0xFFFFFFC0]  }
0x139: {  	v31 =	vld [tilespmem:s13+$0xFFFFFFE0]  }
0x13a: {  	v29 =	vld [tilespmem:s13+$0x0]  }
0x13b: {  	v27 =	vld [tilespmem:s13+$0x20]  }
0x13c: {  	v28 =	vld [tilespmem:s13+$0x40]  }
0x13d: {  	v26 =	vld [tilespmem:s13+$0x60]  }
0x13e: {  	v24 =	vld [tilespmem:s13+$0x80]  }
0x13f: {  	v25 =	vld [tilespmem:s13+$0xA0]  }
0x140: {  	v23 =	vld [tilespmem:s13+$0xC0];
	v4 =	vxor.u32 $0x80000000, v33  }
0x141: {  	v18 =	vld [tilespmem:s13+$0xE0];
	(xrf0) =	vmax.scan.msk.u32 $0xffff, v4  }
0x142: {  	v5 =	vld [tilespmem:s13+$0xFFFFFF10];
	(xrf0) =	vmin.scan.msk.u32 $0xffff, v4  }
0x143: {  	v7 =	vld [tilespmem:s13+$0xFFFFFF30]  }
0x144: {  	v8 =	vld [tilespmem:s13+$0xFFFFFF50]  }
0x145: {  	v9 =	vld [tilespmem:s13+$0xFFFFFF70]  }
0x146: {  	v10 =	vld [tilespmem:s13+$0xFFFFFF90]  }
0x147: {  	v11 =	vld [tilespmem:s13+$0xFFFFFFB0];
	v4, _, _ =	vpop (xrf0)  }
0x148: {  	v12 =	vld [tilespmem:s13+$0xFFFFFFD0];
	(v2sf) =	vpush v4, $0xF;
	v4, _, _ =	vpop (xrf0)  }
0x149: {  	v13 =	vld [tilespmem:s13+$0xFFFFFFF0];
	(v2sf) =	vpush v4, $0xF  }
0x14a: {  	v14 =	vld [tilespmem:s13+$0x10]  }
0x14b: {  	v15 =	vld [tilespmem:s13+$0x30]  }
0x14c: {  	v16 =	vld [tilespmem:s13+$0x50]  }
0x14d: {  	v17 =	vld [tilespmem:s13+$0x70]  }
0x14e: {  	v19 =	vld [tilespmem:s13+$0x90]  }
0x14f: {  	v20 =	vld [tilespmem:s13+$0xB0];
	v6 =	vadd.f32 v34, v36;
	v39 =	vadd.f32 v32, v35  }
0x150: {  	v21 =	vld [tilespmem:s13+$0xD0];
	v40 =	vadd.f32 v31, v30;
	v41 =	vadd.f32 v27, v29  }
0x151: {  	v22 =	vld [tilespmem:s13+$0xF0];
	v42 =	vadd.f32 v26, v28;
	v43 =	vadd.f32 v25, v24  }
0x152: {  	v37 =	vld [tilespmem:s13+$0xFFFFFF00];
	v44 =	vadd.f32 v18, v23;
	v55 =	vadd.f32 v7, v5  }
0x153: {  	v38 =	vld [tilespmem:s13+$0xFFFFFF20];
	v56 =	vadd.f32 v9, v8;
	v57 =	vadd.f32 v11, v10  }
0x154: {  	v58 =	vadd.f32 v13, v12;
	v45 =	vadd.f32 v15, v14  }
0x155: {  	v46 =	vadd.f32 v17, v16;
	v47 =	vadd.f32 v20, v19  }
0x156: {  	v48 =	vadd.f32 v22, v21;
	v53 =	vadd.f32 v42, v41  }
0x157: {  	v54 =	vadd.f32 v44, v43;
	v41 =	vadd.f32 v56, v55;
	s20 =	spop (v2sf)  }
0x158: {  	v59 =	vadd.f32 v58, v57;
	v4 =	vadd.f32 v38, v37;
	s21 =	spop (v2sf)  }
0x159: {  	v60 =	vadd.f32 v46, v45;
	v61 =	vadd.f32 v48, v47;
	p1 =	sne.s32 s21, s20  }
.Ltmp13:
0x15a: {  	v4 =	vadd.f32 v6, v4;
	v6 =	vadd.f32 v40, v39;
	(pc) =	sbr.rel @!p1 .LBB2_13-.Ltmp13, $3  }
0x15b: {  	v62 =	vadd.f32 v59, v41;
	v63 =	vadd.f32 v61, v60  }
0x15c: {  	v4 =	vadd.f32 v6, v4;
	v6 =	vadd.f32 v54, v53;
	_ =	sdelay $0x1  }
0x15d: {  	v39 =	vmov s8;
	v6 =	vadd.f32 v6, v4;
	v4 =	vadd.f32 v63, v62;
	s20 =	sxor.u32 $0x80000000, s20;
	s21 =	sxor.u32 $0x80000000, s21  }
0x15e: {  	vm0 =	veq.s32 v33, s21;
	vm1 =	veq.s32 v33, s20  }
0x15f: {  	vm1 =	vmor vm0, vm1  }
0x160: {  	v40 =	vsel vm1, $0x3F800000, v0  }
0x161: {  	(xrf0) =	vmin.scan.msk.f32 $0xffff, v40;
	_ =	sdelay $0x5  }
0x162: {  	v40, _, _ =	vpop (xrf0)  }
0x163: {  	(v2sf) =	vpush v40, $0xF;
	_ =	sdelay $0xd  }
0x164: {  	v63 =	vshll.u32 v39, $0x5  }
0x165: {  	v39 =	vor.u32 $0x10, v1;
	v41 =	vor.u32 v1, v63;
	s8 =	spop (v2sf)  }
0x166: {  	v40 =	vor.u32 v39, v63;
	p1 =	sgt.f32 s8, $0.0e+00  }
.Ltmp14:
0x167: {  	_ = 	snop;
	(pc) =	sbr.rel @!p1 .LBB2_16-.Ltmp14, $3  }
0x168: {  	_ =	sdelay $0x1  }
0x169: {  	[tilespmem:v41+s3+$0x0] =	vst.idx.add.f32.msk $0xffff, v2  }
0x16a: {  	[tilespmem:v40+s3+$0x0] =	vst.idx.add.f32.msk $0xffff, v3  }
0x16b: {  	v2 =	vmpcnt.ones.xlane vm0;
	_ =	sdelay $0x1  }
0x16c: {  	vm0 =	vgt.s32 v2, $0x0;
	vm1 =	vgt.s32 v2, $0x1  }
0x16d: {  	vm2 =	vgt.s32 v2, $0x2;
	vm3 =	vgt.s32 v2, $0x3;
	vm4 =	vgt.s32 v2, $0x4  }
0x16e: {  	vm5 =	vgt.s32 v2, $0x5;
	vm6 =	vgt.s32 v2, $0x6;
	vm7 =	vgt.s32 v2, $0x7  }
0x16f: {  	vm8 =	vgt.s32 v2, $0x8;
	vm9 =	vgt.s32 v2, $0x9;
	vm10 =	vgt.s32 v2, $0xA  }
0x170: {  	vm11 =	vgt.s32 v2, $0xB;
	vm12 =	vgt.s32 v2, $0xC;
	vm13 =	vgt.s32 v2, $0xD  }
0x171: {  	vm14 =	vgt.s32 v2, $0xE;
	vm15 =	vgt.s32 v2, $0xF;
	v3 =	vnsel vm0, $0x0, v37  }
0x172: {  	v33 =	vnsel vm1, $0x0, v38;
	v36 =	vnsel vm2, $0x0, v36;
	v34 =	vnsel vm3, $0x0, v34  }
0x173: {  	v35 =	vnsel vm4, $0x0, v35;
	v32 =	vnsel vm5, $0x0, v32;
	v30 =	vnsel vm6, $0x0, v30  }
0x174: {  	v31 =	vnsel vm7, $0x0, v31;
	v29 =	vnsel vm8, $0x0, v29;
	v27 =	vnsel vm9, $0x0, v27  }
0x175: {  	v28 =	vnsel vm10, $0x0, v28;
	v26 =	vnsel vm11, $0x0, v26;
	v24 =	vnsel vm12, $0x0, v24  }
0x176: {  	v25 =	vnsel vm13, $0x0, v25;
	v23 =	vnsel vm14, $0x0, v23;
	v18 =	vnsel vm15, $0x0, v18  }
0x177: {  	v5 =	vnsel vm0, $0x0, v5;
	v7 =	vnsel vm1, $0x0, v7;
	v8 =	vnsel vm2, $0x0, v8  }
0x178: {  	v9 =	vnsel vm3, $0x0, v9;
	v10 =	vnsel vm4, $0x0, v10;
	v11 =	vnsel vm5, $0x0, v11  }
0x179: {  	v12 =	vnsel vm6, $0x0, v12;
	v13 =	vnsel vm7, $0x0, v13;
	v14 =	vnsel vm8, $0x0, v14  }
0x17a: {  	v15 =	vnsel vm9, $0x0, v15;
	v3 =	vadd.f32 v33, v3;
	v48 =	vadd.f32 v34, v36  }
0x17b: {  	v16 =	vnsel vm10, $0x0, v16;
	v2 =	vadd.f32 v32, v35;
	v30 =	vadd.f32 v31, v30  }
0x17c: {  	v17 =	vnsel vm11, $0x0, v17;
	v27 =	vadd.f32 v27, v29;
	v26 =	vadd.f32 v26, v28  }
0x17d: {  	v19 =	vnsel vm12, $0x0, v19;
	v24 =	vadd.f32 v25, v24;
	v18 =	vadd.f32 v18, v23  }
0x17e: {  	v20 =	vnsel vm13, $0x0, v20;
	v5 =	vadd.f32 v7, v5;
	v50 =	vadd.f32 v9, v8  }
0x17f: {  	v51 =	vnsel vm14, $0x0, v21;
	v52 =	vadd.f32 v11, v10;
	v53 =	vadd.f32 v13, v12  }
0x180: {  	v54 =	vnsel vm15, $0x0, v22;
	v55 =	vadd.f32 v15, v14;
	v56 =	vadd.f32 v17, v16  }
0x181: {  	v58 =	vadd.f32 v20, v19;
	v8 =	vadd.f32 v54, v51  }
0x182: {  	v3 =	vadd.f32 v48, v3;
	v2 =	vadd.f32 v30, v2  }
0x183: {  	v57 =	vmov s21;
	v49 =	vadd.f32 v26, v27;
	v18 =	vadd.f32 v18, v24  }
0x184: {  	v60 =	vshll.u32 v57, $0x5;
	v5 =	vadd.f32 v50, v5;
	v59 =	vadd.f32 v53, v52  }
0x185: {  	v62 =	vor.u32 v1, v60;
	v61 =	vadd.f32 v56, v55;
	v8 =	vadd.f32 v8, v58  }
0x186: {  	v9 =	vor.u32 v39, v60;
	v2 =	vadd.f32 v2, v3;
	v3 =	vadd.f32 v18, v49  }
.Ltmp15:
0x187: {  	v5 =	vadd.f32 v59, v5;
	v63 =	vadd.f32 v8, v61;
	(pc) =	sbr.rel .LBB2_17-.Ltmp15, $4  }
0x188: {  	v2 =	vadd.f32 v3, v2  }
0x189: {  	v3 =	vadd.f32 v63, v5  }
0x18a: {  	[tilespmem:v62+s3+$0x0] =	vst.idx.add.f32.msk $0xffff, v2  }
0x18b: {  	s8 =	smov.u32 s20;
	v2 =	vsub.f32 v6, v2;
	[tilespmem:v9+s3+$0x0] =	vst.idx.add.f32.msk $0xffff, v3;
	v3 =	vsub.f32 v4, v3  }
.LBB2_16:
0x18c: {  	v2 =	vmov s10;
	v3 =	vmul.u32 $0x20, v1  }
0x18d: {  	v2 =	vshll.u32 v2, $0x5  }
0x18e: {  	v2 =	vor.u32 v3, v2;
	_ =	sdelay $0x4  }
0x18f: {  	v4 =	vshll.u32 v33, $0x5;
	v3 =	vld.idx.msk [tilespmem:v2+s30+$0x0], $0xffff  }
0x190: {  	v5 =	vor.u32 $0x1, v2;
	_ =	sdelay $0x3  }
0x191: {  	[tilespmem:v4+s3+$0x0] =	vst.idx.add.f32.msk $0xffff, v3  }
0x192: {  	v3 =	vld.idx.msk [tilespmem:v5+s30+$0x0], $0xffff;
	v5 =	vor.u32 $0x1, v4  }
0x193: {  	v6 =	vor.u32 $0x2, v2;
	_ =	sdelay $0x3  }
0x194: {  	[tilespmem:v5+s3+$0x0] =	vst.idx.add.f32.msk $0xffff, v3  }
0x195: {  	v5 =	vor.u32 $0x2, v4;
	v3 =	vld.idx.msk [tilespmem:v6+s30+$0x0], $0xffff  }
0x196: {  	v36 =	vor.u32 $0x3, v2;
	_ =	sdelay $0x3  }
0x197: {  	[tilespmem:v5+s3+$0x0] =	vst.idx.add.f32.msk $0xffff, v3  }
0x198: {  	v5 =	vor.u32 $0x3, v4;
	v3 =	vld.idx.msk [tilespmem:v36+s30+$0x0], $0xffff  }
0x199: {  	v37 =	vor.u32 $0x4, v2;
	_ =	sdelay $0x3  }
0x19a: {  	[tilespmem:v5+s3+$0x0] =	vst.idx.add.f32.msk $0xffff, v3  }
0x19b: {  	v5 =	vor.u32 $0x4, v4;
	v3 =	vld.idx.msk [tilespmem:v37+s30+$0x0], $0xffff  }
0x19c: {  	v38 =	vor.u32 $0x5, v2;
	_ =	sdelay $0x3  }
0x19d: {  	[tilespmem:v5+s3+$0x0] =	vst.idx.add.f32.msk $0xffff, v3  }
0x19e: {  	v5 =	vor.u32 $0x5, v4;
	v3 =	vld.idx.msk [tilespmem:v38+s30+$0x0], $0xffff  }
0x19f: {  	v39 =	vor.u32 $0x6, v2;
	_ =	sdelay $0x3  }
0x1a0: {  	[tilespmem:v5+s3+$0x0] =	vst.idx.add.f32.msk $0xffff, v3  }
0x1a1: {  	v5 =	vor.u32 $0x6, v4;
	v3 =	vld.idx.msk [tilespmem:v39+s30+$0x0], $0xffff  }
0x1a2: {  	v40 =	vor.u32 $0x7, v2;
	_ =	sdelay $0x3  }
0x1a3: {  	[tilespmem:v5+s3+$0x0] =	vst.idx.add.f32.msk $0xffff, v3  }
0x1a4: {  	v5 =	vor.u32 $0x7, v4;
	v3 =	vld.idx.msk [tilespmem:v40+s30+$0x0], $0xffff  }
0x1a5: {  	v41 =	vor.u32 $0x8, v2;
	_ =	sdelay $0x3  }
0x1a6: {  	[tilespmem:v5+s3+$0x0] =	vst.idx.add.f32.msk $0xffff, v3  }
0x1a7: {  	v5 =	vor.u32 $0x8, v4;
	v3 =	vld.idx.msk [tilespmem:v41+s30+$0x0], $0xffff  }
0x1a8: {  	v42 =	vor.u32 $0x9, v2;
	_ =	sdelay $0x3  }
0x1a9: {  	[tilespmem:v5+s3+$0x0] =	vst.idx.add.f32.msk $0xffff, v3  }
0x1aa: {  	v5 =	vor.u32 $0x9, v4;
	v3 =	vld.idx.msk [tilespmem:v42+s30+$0x0], $0xffff  }
0x1ab: {  	v43 =	vor.u32 $0xA, v2;
	_ =	sdelay $0x3  }
0x1ac: {  	[tilespmem:v5+s3+$0x0] =	vst.idx.add.f32.msk $0xffff, v3  }
0x1ad: {  	v5 =	vor.u32 $0xA, v4;
	v3 =	vld.idx.msk [tilespmem:v43+s30+$0x0], $0xffff  }
0x1ae: {  	v44 =	vor.u32 $0xB, v2;
	_ =	sdelay $0x3  }
0x1af: {  	[tilespmem:v5+s3+$0x0] =	vst.idx.add.f32.msk $0xffff, v3  }
0x1b0: {  	v5 =	vor.u32 $0xB, v4;
	v3 =	vld.idx.msk [tilespmem:v44+s30+$0x0], $0xffff  }
0x1b1: {  	v45 =	vor.u32 $0xC, v2;
	_ =	sdelay $0x3  }
0x1b2: {  	[tilespmem:v5+s3+$0x0] =	vst.idx.add.f32.msk $0xffff, v3  }
0x1b3: {  	v5 =	vor.u32 $0xC, v4;
	v3 =	vld.idx.msk [tilespmem:v45+s30+$0x0], $0xffff  }
0x1b4: {  	v46 =	vor.u32 $0xD, v2;
	_ =	sdelay $0x3  }
0x1b5: {  	[tilespmem:v5+s3+$0x0] =	vst.idx.add.f32.msk $0xffff, v3  }
0x1b6: {  	v5 =	vor.u32 $0xD, v4;
	v3 =	vld.idx.msk [tilespmem:v46+s30+$0x0], $0xffff  }
0x1b7: {  	v47 =	vor.u32 $0xE, v2;
	_ =	sdelay $0x3  }
0x1b8: {  	[tilespmem:v5+s3+$0x0] =	vst.idx.add.f32.msk $0xffff, v3  }
0x1b9: {  	v5 =	vor.u32 $0xE, v4;
	v3 =	vld.idx.msk [tilespmem:v47+s30+$0x0], $0xffff  }
0x1ba: {  	v48 =	vor.u32 $0xF, v2;
	_ =	sdelay $0x3  }
0x1bb: {  	[tilespmem:v5+s3+$0x0] =	vst.idx.add.f32.msk $0xffff, v3  }
0x1bc: {  	v5 =	vor.u32 $0xF, v4;
	v3 =	vld.idx.msk [tilespmem:v48+s30+$0x0], $0xffff  }
0x1bd: {  	v49 =	vor.u32 $0x10, v2;
	_ =	sdelay $0x3  }
0x1be: {  	[tilespmem:v5+s3+$0x0] =	vst.idx.add.f32.msk $0xffff, v3  }
0x1bf: {  	v5 =	vor.u32 $0x10, v4;
	v3 =	vld.idx.msk [tilespmem:v49+s30+$0x0], $0xffff  }
0x1c0: {  	v50 =	vor.u32 $0x11, v2;
	_ =	sdelay $0x3  }
0x1c1: {  	[tilespmem:v5+s3+$0x0] =	vst.idx.add.f32.msk $0xffff, v3  }
0x1c2: {  	v5 =	vor.u32 $0x11, v4;
	v3 =	vld.idx.msk [tilespmem:v50+s30+$0x0], $0xffff  }
0x1c3: {  	v51 =	vor.u32 $0x12, v2;
	_ =	sdelay $0x3  }
0x1c4: {  	[tilespmem:v5+s3+$0x0] =	vst.idx.add.f32.msk $0xffff, v3  }
0x1c5: {  	v5 =	vor.u32 $0x12, v4;
	v3 =	vld.idx.msk [tilespmem:v51+s30+$0x0], $0xffff  }
0x1c6: {  	v52 =	vor.u32 $0x13, v2;
	_ =	sdelay $0x3  }
0x1c7: {  	[tilespmem:v5+s3+$0x0] =	vst.idx.add.f32.msk $0xffff, v3  }
0x1c8: {  	v5 =	vor.u32 $0x13, v4;
	v3 =	vld.idx.msk [tilespmem:v52+s30+$0x0], $0xffff  }
0x1c9: {  	v53 =	vor.u32 $0x14, v2;
	_ =	sdelay $0x3  }
0x1ca: {  	[tilespmem:v5+s3+$0x0] =	vst.idx.add.f32.msk $0xffff, v3  }
0x1cb: {  	v5 =	vor.u32 $0x14, v4;
	v3 =	vld.idx.msk [tilespmem:v53+s30+$0x0], $0xffff  }
0x1cc: {  	v54 =	vor.u32 $0x15, v2;
	_ =	sdelay $0x3  }
0x1cd: {  	[tilespmem:v5+s3+$0x0] =	vst.idx.add.f32.msk $0xffff, v3  }
0x1ce: {  	v5 =	vor.u32 $0x15, v4;
	v3 =	vld.idx.msk [tilespmem:v54+s30+$0x0], $0xffff  }
0x1cf: {  	v55 =	vor.u32 $0x16, v2;
	_ =	sdelay $0x3  }
0x1d0: {  	[tilespmem:v5+s3+$0x0] =	vst.idx.add.f32.msk $0xffff, v3  }
0x1d1: {  	v5 =	vor.u32 $0x16, v4;
	v3 =	vld.idx.msk [tilespmem:v55+s30+$0x0], $0xffff  }
0x1d2: {  	v56 =	vor.u32 $0x17, v2;
	_ =	sdelay $0x3  }
0x1d3: {  	[tilespmem:v5+s3+$0x0] =	vst.idx.add.f32.msk $0xffff, v3  }
0x1d4: {  	v5 =	vor.u32 $0x17, v4;
	v3 =	vld.idx.msk [tilespmem:v56+s30+$0x0], $0xffff  }
0x1d5: {  	v57 =	vor.u32 $0x18, v2;
	_ =	sdelay $0x3  }
0x1d6: {  	[tilespmem:v5+s3+$0x0] =	vst.idx.add.f32.msk $0xffff, v3  }
0x1d7: {  	v5 =	vor.u32 $0x18, v4;
	v3 =	vld.idx.msk [tilespmem:v57+s30+$0x0], $0xffff  }
0x1d8: {  	v58 =	vor.u32 $0x19, v2;
	_ =	sdelay $0x3  }
0x1d9: {  	[tilespmem:v5+s3+$0x0] =	vst.idx.add.f32.msk $0xffff, v3  }
0x1da: {  	v5 =	vor.u32 $0x19, v4;
	v3 =	vld.idx.msk [tilespmem:v58+s30+$0x0], $0xffff  }
0x1db: {  	v59 =	vor.u32 $0x1A, v2;
	_ =	sdelay $0x3  }
0x1dc: {  	[tilespmem:v5+s3+$0x0] =	vst.idx.add.f32.msk $0xffff, v3  }
0x1dd: {  	v5 =	vor.u32 $0x1A, v4;
	v3 =	vld.idx.msk [tilespmem:v59+s30+$0x0], $0xffff  }
0x1de: {  	v60 =	vor.u32 $0x1B, v2;
	_ =	sdelay $0x3  }
0x1df: {  	[tilespmem:v5+s3+$0x0] =	vst.idx.add.f32.msk $0xffff, v3  }
0x1e0: {  	v5 =	vor.u32 $0x1B, v4;
	v3 =	vld.idx.msk [tilespmem:v60+s30+$0x0], $0xffff  }
0x1e1: {  	v61 =	vor.u32 $0x1C, v2;
	_ =	sdelay $0x3  }
0x1e2: {  	[tilespmem:v5+s3+$0x0] =	vst.idx.add.f32.msk $0xffff, v3  }
0x1e3: {  	v5 =	vor.u32 $0x1C, v4;
	v3 =	vld.idx.msk [tilespmem:v61+s30+$0x0], $0xffff  }
0x1e4: {  	v62 =	vor.u32 $0x1D, v2;
	_ =	sdelay $0x3  }
0x1e5: {  	[tilespmem:v5+s3+$0x0] =	vst.idx.add.f32.msk $0xffff, v3  }
0x1e6: {  	v5 =	vor.u32 $0x1D, v4;
	v3 =	vld.idx.msk [tilespmem:v62+s30+$0x0], $0xffff  }
0x1e7: {  	v63 =	vor.u32 $0x1E, v2;
	_ =	sdelay $0x3  }
0x1e8: {  	[tilespmem:v5+s3+$0x0] =	vst.idx.add.f32.msk $0xffff, v3  }
0x1e9: {  	v5 =	vor.u32 $0x1E, v4;
	v3 =	vld.idx.msk [tilespmem:v63+s30+$0x0], $0xffff  }
0x1ea: {  	v2 =	vor.u32 $0x1F, v2;
	_ =	sdelay $0x3  }
0x1eb: {  	[tilespmem:v5+s3+$0x0] =	vst.idx.add.f32.msk $0xffff, v3  }
0x1ec: {  	v3 =	vor.u32 $0x1F, v4;
	v2 =	vld.idx.msk [tilespmem:v2+s30+$0x0], $0xffff  }
.Ltmp16:
0x1ed: {  	_ = 	snop;
	(pc) =	sbr.rel .LBB2_17-.Ltmp16, $2  }
0x1ee: {  	_ =	sdelay $0x2  }
0x1ef: {  	s8 =	smov.u32 s20;
	[tilespmem:v3+s3+$0x0] =	vst.idx.add.f32.msk $0xffff, v2;
	v2 =	vimm.f32 $0.0e+00;
	v3 =	vimm.f32 $0.0e+00  }
.LBB2_18:
0x1f0: {  	_ =	swait.ge [sflag:s26], $0x1000  }
0x1f1: {  	[sflag:s26] =	ssyncset.done $0x0  }
0x1f2: {  	[sflag:s26] =	ssyncadd.s32 $0xFFFFF000  }
0x1f3: {  	_ =	swait.ge [sflag:s26], $0x400  }
0x1f4: {  	[sflag:s26] =	ssyncset.done $0x0  }
0x1f5: {  	p1 =	seq.s32 s24, $0x5;
	[sflag:s26] =	ssyncadd.s32 $0xFFFFFC00  }
0x1f6: {  	s10 =	sadd.s32 @!p1 $0x1000, s25;
	[bflag:$0x0] =	sbarrier.arrive $0xFFFF  }
0x1f7: {  	[tilespmem:s30], [sflag:$0x3] =	stream.strided.gather [spmem:s14], $0x8000, s29, s28, $0x38;
	[tilespmem:$0x1B1B0] =	vst v63  }
0x1f8: {  	s12 =	sadd.s32 @!p1 s6, s10;
	_ =	swait.ge [sflag:s31], $0x8000  }
0x1f9: {  	s13 =	sshrl.u32 @!p1 s7, $0x3;
	s12 =	sshll.u32 @!p1 s12, $0x6;
	[sflag:s31] =	ssyncset.done $0x0  }
0x1fa: {  	s10 =	sshrl.u32 @!p1 s10, $0x3;
	s12 =	sand.u32 @!p1 $0x1FFFF800, s12;
	[sflag:s31] =	ssyncadd.s32 $0xFFFF8000  }
.Ltmp17:
0x1fb: {  	s12 =	sadd.s32 @!p1 s4, s12;
	[bflag:$0x0] =	sbarrier.arrive $0xFFFF;
	(pc) =	sbr.rel .LBB2_19-.Ltmp17, $4  }
0x1fc: {  	[spmem:s13], [sflag:s9] =	dma.local @!p1 [hbm:s12], $0x1000  }
0x1fd: {  	s10 =	sadd.s32 @!p1 s1, s10;
	s12 =	simm.s32 @!p1 $0x0;
	s13 =	simm.s32 @!p1 $0xA000  }
0x1fe: {  	[tilespmem:s13], [sflag:$0x1] =	stream.linear.gather @!p1 [hbm4b:s10+s12], $0x400, $0x38;
	[tilespmem:$0x1B1B0] =	vst v63  }
0x1ff: {  	s10 =	simm.s32 $0x0;
	s12 =	simm.s32 $0xA800;
	s13 =	simm.s32 $0x2100  }
.LBB2_20:
0x200: {  	p2 =	sne.s32 s8, s21  }
0x201: {  	v5 =	vshll.u32 @p2 v39, $0x5;
	v7 =	vlaneseq.u32 @p2  }
0x202: {  	v8 =	vor.u32 @p2 v7, v5  }
0x203: {  	v7 =	vor.u32 @p2 $0x10, v7  }
0x204: {  	v5 =	vor.u32 @p2 v7, v5;
	_ =	sdelay $0x1  }
0x205: {  	s21 =	simm.s32 @p2 $0x0  }
0x206: {  	v7 =	vadd.f32 @!p2 v4, v3;
	[tilespmem:v8+s21+$0x0] =	vst.idx.add.f32.msk @p2 $0xffff, v2;
	v2 =	vadd.f32 @!p2 v6, v2;
	_ =	sdelay $0x1  }
0x207: {  	s8 =	smov.u32 @p2 s20;
	[tilespmem:v5+s21+$0x0] =	vst.idx.add.f32.msk @p2 $0xffff, v3;
	v3 =	vpsel p2, v4, v7;
	v2 =	vpsel p2, v6, v2  }
.LBB2_24:
0x208: {  	s10 =	sadd.s32 $0x10, s10  }
0x209: {  	p2 =	sne.s32 s10, $0x400  }
.Ltmp18:
0x20a: {  	_ = 	snop;
	(pc) =	sbr.rel @!p2 .LBB2_25-.Ltmp18, $2  }
0x20b: {  	_ =	sdelay $0x2  }
0x20c: {  	s12 =	sadd.s32 $0x10, s12;
	s13 =	sadd.s32 $0x200, s13  }
.LBB2_19:
0x20d: {  	v33 =	vld [tilespmem:s12+$0x0]  }
0x20e: {  	v36 =	vld [tilespmem:s13+$0xFFFFFF40]  }
0x20f: {  	v34 =	vld [tilespmem:s13+$0xFFFFFF60]  }
0x210: {  	v35 =	vld [tilespmem:s13+$0xFFFFFF80]  }
0x211: {  	v32 =	vld [tilespmem:s13+$0xFFFFFFA0]  }
0x212: {  	v30 =	vld [tilespmem:s13+$0xFFFFFFC0]  }
0x213: {  	v31 =	vld [tilespmem:s13+$0xFFFFFFE0]  }
0x214: {  	v29 =	vld [tilespmem:s13+$0x0]  }
0x215: {  	v27 =	vld [tilespmem:s13+$0x20]  }
0x216: {  	v28 =	vld [tilespmem:s13+$0x40]  }
0x217: {  	v26 =	vld [tilespmem:s13+$0x60]  }
0x218: {  	v24 =	vld [tilespmem:s13+$0x80]  }
0x219: {  	v25 =	vld [tilespmem:s13+$0xA0]  }
0x21a: {  	v23 =	vld [tilespmem:s13+$0xC0];
	v4 =	vxor.u32 $0x80000000, v33  }
0x21b: {  	v18 =	vld [tilespmem:s13+$0xE0];
	(xrf0) =	vmax.scan.msk.u32 $0xffff, v4  }
0x21c: {  	v5 =	vld [tilespmem:s13+$0xFFFFFF10];
	(xrf0) =	vmin.scan.msk.u32 $0xffff, v4  }
0x21d: {  	v7 =	vld [tilespmem:s13+$0xFFFFFF30]  }
0x21e: {  	v8 =	vld [tilespmem:s13+$0xFFFFFF50]  }
0x21f: {  	v9 =	vld [tilespmem:s13+$0xFFFFFF70]  }
0x220: {  	v10 =	vld [tilespmem:s13+$0xFFFFFF90]  }
0x221: {  	v11 =	vld [tilespmem:s13+$0xFFFFFFB0];
	v4, _, _ =	vpop (xrf0)  }
0x222: {  	v12 =	vld [tilespmem:s13+$0xFFFFFFD0];
	(v2sf) =	vpush v4, $0xF;
	v4, _, _ =	vpop (xrf0)  }
0x223: {  	v13 =	vld [tilespmem:s13+$0xFFFFFFF0];
	(v2sf) =	vpush v4, $0xF  }
0x224: {  	v14 =	vld [tilespmem:s13+$0x10]  }
0x225: {  	v15 =	vld [tilespmem:s13+$0x30]  }
0x226: {  	v16 =	vld [tilespmem:s13+$0x50]  }
0x227: {  	v17 =	vld [tilespmem:s13+$0x70]  }
0x228: {  	v19 =	vld [tilespmem:s13+$0x90]  }
0x229: {  	v20 =	vld [tilespmem:s13+$0xB0];
	v6 =	vadd.f32 v34, v36;
	v39 =	vadd.f32 v32, v35  }
0x22a: {  	v21 =	vld [tilespmem:s13+$0xD0];
	v40 =	vadd.f32 v31, v30;
	v41 =	vadd.f32 v27, v29  }
0x22b: {  	v22 =	vld [tilespmem:s13+$0xF0];
	v42 =	vadd.f32 v26, v28;
	v43 =	vadd.f32 v25, v24  }
0x22c: {  	v37 =	vld [tilespmem:s13+$0xFFFFFF00];
	v44 =	vadd.f32 v18, v23;
	v55 =	vadd.f32 v7, v5  }
0x22d: {  	v38 =	vld [tilespmem:s13+$0xFFFFFF20];
	v56 =	vadd.f32 v9, v8;
	v57 =	vadd.f32 v11, v10  }
0x22e: {  	v58 =	vadd.f32 v13, v12;
	v45 =	vadd.f32 v15, v14  }
0x22f: {  	v46 =	vadd.f32 v17, v16;
	v47 =	vadd.f32 v20, v19  }
0x230: {  	v48 =	vadd.f32 v22, v21;
	v53 =	vadd.f32 v42, v41  }
0x231: {  	v54 =	vadd.f32 v44, v43;
	v41 =	vadd.f32 v56, v55;
	s20 =	spop (v2sf)  }
0x232: {  	v59 =	vadd.f32 v58, v57;
	v4 =	vadd.f32 v38, v37;
	s21 =	spop (v2sf)  }
0x233: {  	v60 =	vadd.f32 v46, v45;
	v61 =	vadd.f32 v48, v47;
	p2 =	sne.s32 s21, s20  }
.Ltmp19:
0x234: {  	v4 =	vadd.f32 v6, v4;
	v6 =	vadd.f32 v40, v39;
	(pc) =	sbr.rel @!p2 .LBB2_20-.Ltmp19, $3  }
0x235: {  	v62 =	vadd.f32 v59, v41;
	v63 =	vadd.f32 v61, v60  }
0x236: {  	v4 =	vadd.f32 v6, v4;
	v6 =	vadd.f32 v54, v53;
	_ =	sdelay $0x1  }
0x237: {  	v39 =	vmov s8;
	v6 =	vadd.f32 v6, v4;
	v4 =	vadd.f32 v63, v62;
	s20 =	sxor.u32 $0x80000000, s20;
	s21 =	sxor.u32 $0x80000000, s21  }
0x238: {  	vm0 =	veq.s32 v33, s21;
	vm1 =	veq.s32 v33, s20  }
0x239: {  	vm1 =	vmor vm0, vm1  }
0x23a: {  	v40 =	vsel vm1, $0x3F800000, v0  }
0x23b: {  	(xrf0) =	vmin.scan.msk.f32 $0xffff, v40;
	_ =	sdelay $0x5  }
0x23c: {  	v40, _, _ =	vpop (xrf0)  }
0x23d: {  	(v2sf) =	vpush v40, $0xF;
	_ =	sdelay $0xd  }
0x23e: {  	v63 =	vshll.u32 v39, $0x5  }
0x23f: {  	v39 =	vor.u32 $0x10, v1;
	v41 =	vor.u32 v1, v63;
	s8 =	spop (v2sf)  }
0x240: {  	v40 =	vor.u32 v39, v63;
	p2 =	sgt.f32 s8, $0.0e+00  }
.Ltmp20:
0x241: {  	_ = 	snop;
	(pc) =	sbr.rel @!p2 .LBB2_23-.Ltmp20, $3  }
0x242: {  	_ =	sdelay $0x1  }
0x243: {  	[tilespmem:v41+s3+$0x0] =	vst.idx.add.f32.msk $0xffff, v2  }
0x244: {  	[tilespmem:v40+s3+$0x0] =	vst.idx.add.f32.msk $0xffff, v3  }
0x245: {  	v2 =	vmpcnt.ones.xlane vm0;
	_ =	sdelay $0x1  }
0x246: {  	vm0 =	vgt.s32 v2, $0x0;
	vm1 =	vgt.s32 v2, $0x1  }
0x247: {  	vm2 =	vgt.s32 v2, $0x2;
	vm3 =	vgt.s32 v2, $0x3;
	vm4 =	vgt.s32 v2, $0x4  }
0x248: {  	vm5 =	vgt.s32 v2, $0x5;
	vm6 =	vgt.s32 v2, $0x6;
	vm7 =	vgt.s32 v2, $0x7  }
0x249: {  	vm8 =	vgt.s32 v2, $0x8;
	vm9 =	vgt.s32 v2, $0x9;
	vm10 =	vgt.s32 v2, $0xA  }
0x24a: {  	vm11 =	vgt.s32 v2, $0xB;
	vm12 =	vgt.s32 v2, $0xC;
	vm13 =	vgt.s32 v2, $0xD  }
0x24b: {  	vm14 =	vgt.s32 v2, $0xE;
	vm15 =	vgt.s32 v2, $0xF;
	v3 =	vnsel vm0, $0x0, v37  }
0x24c: {  	v33 =	vnsel vm1, $0x0, v38;
	v36 =	vnsel vm2, $0x0, v36;
	v34 =	vnsel vm3, $0x0, v34  }
0x24d: {  	v35 =	vnsel vm4, $0x0, v35;
	v32 =	vnsel vm5, $0x0, v32;
	v30 =	vnsel vm6, $0x0, v30  }
0x24e: {  	v31 =	vnsel vm7, $0x0, v31;
	v29 =	vnsel vm8, $0x0, v29;
	v27 =	vnsel vm9, $0x0, v27  }
0x24f: {  	v28 =	vnsel vm10, $0x0, v28;
	v26 =	vnsel vm11, $0x0, v26;
	v24 =	vnsel vm12, $0x0, v24  }
0x250: {  	v25 =	vnsel vm13, $0x0, v25;
	v23 =	vnsel vm14, $0x0, v23;
	v18 =	vnsel vm15, $0x0, v18  }
0x251: {  	v5 =	vnsel vm0, $0x0, v5;
	v7 =	vnsel vm1, $0x0, v7;
	v8 =	vnsel vm2, $0x0, v8  }
0x252: {  	v9 =	vnsel vm3, $0x0, v9;
	v10 =	vnsel vm4, $0x0, v10;
	v11 =	vnsel vm5, $0x0, v11  }
0x253: {  	v12 =	vnsel vm6, $0x0, v12;
	v13 =	vnsel vm7, $0x0, v13;
	v14 =	vnsel vm8, $0x0, v14  }
0x254: {  	v15 =	vnsel vm9, $0x0, v15;
	v3 =	vadd.f32 v33, v3;
	v48 =	vadd.f32 v34, v36  }
0x255: {  	v16 =	vnsel vm10, $0x0, v16;
	v2 =	vadd.f32 v32, v35;
	v30 =	vadd.f32 v31, v30  }
0x256: {  	v17 =	vnsel vm11, $0x0, v17;
	v27 =	vadd.f32 v27, v29;
	v26 =	vadd.f32 v26, v28  }
0x257: {  	v19 =	vnsel vm12, $0x0, v19;
	v24 =	vadd.f32 v25, v24;
	v18 =	vadd.f32 v18, v23  }
0x258: {  	v20 =	vnsel vm13, $0x0, v20;
	v5 =	vadd.f32 v7, v5;
	v50 =	vadd.f32 v9, v8  }
0x259: {  	v51 =	vnsel vm14, $0x0, v21;
	v52 =	vadd.f32 v11, v10;
	v53 =	vadd.f32 v13, v12  }
0x25a: {  	v54 =	vnsel vm15, $0x0, v22;
	v55 =	vadd.f32 v15, v14;
	v56 =	vadd.f32 v17, v16  }
0x25b: {  	v58 =	vadd.f32 v20, v19;
	v8 =	vadd.f32 v54, v51  }
0x25c: {  	v3 =	vadd.f32 v48, v3;
	v2 =	vadd.f32 v30, v2  }
0x25d: {  	v57 =	vmov s21;
	v49 =	vadd.f32 v26, v27;
	v18 =	vadd.f32 v18, v24  }
0x25e: {  	v60 =	vshll.u32 v57, $0x5;
	v5 =	vadd.f32 v50, v5;
	v59 =	vadd.f32 v53, v52  }
0x25f: {  	v62 =	vor.u32 v1, v60;
	v61 =	vadd.f32 v56, v55;
	v8 =	vadd.f32 v8, v58  }
0x260: {  	v9 =	vor.u32 v39, v60;
	v2 =	vadd.f32 v2, v3;
	v3 =	vadd.f32 v18, v49  }
.Ltmp21:
0x261: {  	v5 =	vadd.f32 v59, v5;
	v63 =	vadd.f32 v8, v61;
	(pc) =	sbr.rel .LBB2_24-.Ltmp21, $4  }
0x262: {  	v2 =	vadd.f32 v3, v2  }
0x263: {  	v3 =	vadd.f32 v63, v5  }
0x264: {  	[tilespmem:v62+s3+$0x0] =	vst.idx.add.f32.msk $0xffff, v2  }
0x265: {  	s8 =	smov.u32 s20;
	v2 =	vsub.f32 v6, v2;
	[tilespmem:v9+s3+$0x0] =	vst.idx.add.f32.msk $0xffff, v3;
	v3 =	vsub.f32 v4, v3  }
.LBB2_23:
0x266: {  	v2 =	vmov s10;
	v3 =	vmul.u32 $0x20, v1  }
0x267: {  	v2 =	vshll.u32 v2, $0x5  }
0x268: {  	v2 =	vor.u32 v3, v2;
	_ =	sdelay $0x4  }
0x269: {  	v4 =	vshll.u32 v33, $0x5;
	v3 =	vld.idx.msk [tilespmem:v2+s30+$0x0], $0xffff  }
0x26a: {  	v5 =	vor.u32 $0x1, v2;
	_ =	sdelay $0x3  }
0x26b: {  	[tilespmem:v4+s3+$0x0] =	vst.idx.add.f32.msk $0xffff, v3  }
0x26c: {  	v3 =	vld.idx.msk [tilespmem:v5+s30+$0x0], $0xffff;
	v5 =	vor.u32 $0x1, v4  }
0x26d: {  	v6 =	vor.u32 $0x2, v2;
	_ =	sdelay $0x3  }
0x26e: {  	[tilespmem:v5+s3+$0x0] =	vst.idx.add.f32.msk $0xffff, v3  }
0x26f: {  	v5 =	vor.u32 $0x2, v4;
	v3 =	vld.idx.msk [tilespmem:v6+s30+$0x0], $0xffff  }
0x270: {  	v36 =	vor.u32 $0x3, v2;
	_ =	sdelay $0x3  }
0x271: {  	[tilespmem:v5+s3+$0x0] =	vst.idx.add.f32.msk $0xffff, v3  }
0x272: {  	v5 =	vor.u32 $0x3, v4;
	v3 =	vld.idx.msk [tilespmem:v36+s30+$0x0], $0xffff  }
0x273: {  	v37 =	vor.u32 $0x4, v2;
	_ =	sdelay $0x3  }
0x274: {  	[tilespmem:v5+s3+$0x0] =	vst.idx.add.f32.msk $0xffff, v3  }
0x275: {  	v5 =	vor.u32 $0x4, v4;
	v3 =	vld.idx.msk [tilespmem:v37+s30+$0x0], $0xffff  }
0x276: {  	v38 =	vor.u32 $0x5, v2;
	_ =	sdelay $0x3  }
0x277: {  	[tilespmem:v5+s3+$0x0] =	vst.idx.add.f32.msk $0xffff, v3  }
0x278: {  	v5 =	vor.u32 $0x5, v4;
	v3 =	vld.idx.msk [tilespmem:v38+s30+$0x0], $0xffff  }
0x279: {  	v39 =	vor.u32 $0x6, v2;
	_ =	sdelay $0x3  }
0x27a: {  	[tilespmem:v5+s3+$0x0] =	vst.idx.add.f32.msk $0xffff, v3  }
0x27b: {  	v5 =	vor.u32 $0x6, v4;
	v3 =	vld.idx.msk [tilespmem:v39+s30+$0x0], $0xffff  }
0x27c: {  	v40 =	vor.u32 $0x7, v2;
	_ =	sdelay $0x3  }
0x27d: {  	[tilespmem:v5+s3+$0x0] =	vst.idx.add.f32.msk $0xffff, v3  }
0x27e: {  	v5 =	vor.u32 $0x7, v4;
	v3 =	vld.idx.msk [tilespmem:v40+s30+$0x0], $0xffff  }
0x27f: {  	v41 =	vor.u32 $0x8, v2;
	_ =	sdelay $0x3  }
0x280: {  	[tilespmem:v5+s3+$0x0] =	vst.idx.add.f32.msk $0xffff, v3  }
0x281: {  	v5 =	vor.u32 $0x8, v4;
	v3 =	vld.idx.msk [tilespmem:v41+s30+$0x0], $0xffff  }
0x282: {  	v42 =	vor.u32 $0x9, v2;
	_ =	sdelay $0x3  }
0x283: {  	[tilespmem:v5+s3+$0x0] =	vst.idx.add.f32.msk $0xffff, v3  }
0x284: {  	v5 =	vor.u32 $0x9, v4;
	v3 =	vld.idx.msk [tilespmem:v42+s30+$0x0], $0xffff  }
0x285: {  	v43 =	vor.u32 $0xA, v2;
	_ =	sdelay $0x3  }
0x286: {  	[tilespmem:v5+s3+$0x0] =	vst.idx.add.f32.msk $0xffff, v3  }
0x287: {  	v5 =	vor.u32 $0xA, v4;
	v3 =	vld.idx.msk [tilespmem:v43+s30+$0x0], $0xffff  }
0x288: {  	v44 =	vor.u32 $0xB, v2;
	_ =	sdelay $0x3  }
0x289: {  	[tilespmem:v5+s3+$0x0] =	vst.idx.add.f32.msk $0xffff, v3  }
0x28a: {  	v5 =	vor.u32 $0xB, v4;
	v3 =	vld.idx.msk [tilespmem:v44+s30+$0x0], $0xffff  }
0x28b: {  	v45 =	vor.u32 $0xC, v2;
	_ =	sdelay $0x3  }
0x28c: {  	[tilespmem:v5+s3+$0x0] =	vst.idx.add.f32.msk $0xffff, v3  }
0x28d: {  	v5 =	vor.u32 $0xC, v4;
	v3 =	vld.idx.msk [tilespmem:v45+s30+$0x0], $0xffff  }
0x28e: {  	v46 =	vor.u32 $0xD, v2;
	_ =	sdelay $0x3  }
0x28f: {  	[tilespmem:v5+s3+$0x0] =	vst.idx.add.f32.msk $0xffff, v3  }
0x290: {  	v5 =	vor.u32 $0xD, v4;
	v3 =	vld.idx.msk [tilespmem:v46+s30+$0x0], $0xffff  }
0x291: {  	v47 =	vor.u32 $0xE, v2;
	_ =	sdelay $0x3  }
0x292: {  	[tilespmem:v5+s3+$0x0] =	vst.idx.add.f32.msk $0xffff, v3  }
0x293: {  	v5 =	vor.u32 $0xE, v4;
	v3 =	vld.idx.msk [tilespmem:v47+s30+$0x0], $0xffff  }
0x294: {  	v48 =	vor.u32 $0xF, v2;
	_ =	sdelay $0x3  }
0x295: {  	[tilespmem:v5+s3+$0x0] =	vst.idx.add.f32.msk $0xffff, v3  }
0x296: {  	v5 =	vor.u32 $0xF, v4;
	v3 =	vld.idx.msk [tilespmem:v48+s30+$0x0], $0xffff  }
0x297: {  	v49 =	vor.u32 $0x10, v2;
	_ =	sdelay $0x3  }
0x298: {  	[tilespmem:v5+s3+$0x0] =	vst.idx.add.f32.msk $0xffff, v3  }
0x299: {  	v5 =	vor.u32 $0x10, v4;
	v3 =	vld.idx.msk [tilespmem:v49+s30+$0x0], $0xffff  }
0x29a: {  	v50 =	vor.u32 $0x11, v2;
	_ =	sdelay $0x3  }
0x29b: {  	[tilespmem:v5+s3+$0x0] =	vst.idx.add.f32.msk $0xffff, v3  }
0x29c: {  	v5 =	vor.u32 $0x11, v4;
	v3 =	vld.idx.msk [tilespmem:v50+s30+$0x0], $0xffff  }
0x29d: {  	v51 =	vor.u32 $0x12, v2;
	_ =	sdelay $0x3  }
0x29e: {  	[tilespmem:v5+s3+$0x0] =	vst.idx.add.f32.msk $0xffff, v3  }
0x29f: {  	v5 =	vor.u32 $0x12, v4;
	v3 =	vld.idx.msk [tilespmem:v51+s30+$0x0], $0xffff  }
0x2a0: {  	v52 =	vor.u32 $0x13, v2;
	_ =	sdelay $0x3  }
0x2a1: {  	[tilespmem:v5+s3+$0x0] =	vst.idx.add.f32.msk $0xffff, v3  }
0x2a2: {  	v5 =	vor.u32 $0x13, v4;
	v3 =	vld.idx.msk [tilespmem:v52+s30+$0x0], $0xffff  }
0x2a3: {  	v53 =	vor.u32 $0x14, v2;
	_ =	sdelay $0x3  }
0x2a4: {  	[tilespmem:v5+s3+$0x0] =	vst.idx.add.f32.msk $0xffff, v3  }
0x2a5: {  	v5 =	vor.u32 $0x14, v4;
	v3 =	vld.idx.msk [tilespmem:v53+s30+$0x0], $0xffff  }
0x2a6: {  	v54 =	vor.u32 $0x15, v2;
	_ =	sdelay $0x3  }
0x2a7: {  	[tilespmem:v5+s3+$0x0] =	vst.idx.add.f32.msk $0xffff, v3  }
0x2a8: {  	v5 =	vor.u32 $0x15, v4;
	v3 =	vld.idx.msk [tilespmem:v54+s30+$0x0], $0xffff  }
0x2a9: {  	v55 =	vor.u32 $0x16, v2;
	_ =	sdelay $0x3  }
0x2aa: {  	[tilespmem:v5+s3+$0x0] =	vst.idx.add.f32.msk $0xffff, v3  }
0x2ab: {  	v5 =	vor.u32 $0x16, v4;
	v3 =	vld.idx.msk [tilespmem:v55+s30+$0x0], $0xffff  }
0x2ac: {  	v56 =	vor.u32 $0x17, v2;
	_ =	sdelay $0x3  }
0x2ad: {  	[tilespmem:v5+s3+$0x0] =	vst.idx.add.f32.msk $0xffff, v3  }
0x2ae: {  	v5 =	vor.u32 $0x17, v4;
	v3 =	vld.idx.msk [tilespmem:v56+s30+$0x0], $0xffff  }
0x2af: {  	v57 =	vor.u32 $0x18, v2;
	_ =	sdelay $0x3  }
0x2b0: {  	[tilespmem:v5+s3+$0x0] =	vst.idx.add.f32.msk $0xffff, v3  }
0x2b1: {  	v5 =	vor.u32 $0x18, v4;
	v3 =	vld.idx.msk [tilespmem:v57+s30+$0x0], $0xffff  }
0x2b2: {  	v58 =	vor.u32 $0x19, v2;
	_ =	sdelay $0x3  }
0x2b3: {  	[tilespmem:v5+s3+$0x0] =	vst.idx.add.f32.msk $0xffff, v3  }
0x2b4: {  	v5 =	vor.u32 $0x19, v4;
	v3 =	vld.idx.msk [tilespmem:v58+s30+$0x0], $0xffff  }
0x2b5: {  	v59 =	vor.u32 $0x1A, v2;
	_ =	sdelay $0x3  }
0x2b6: {  	[tilespmem:v5+s3+$0x0] =	vst.idx.add.f32.msk $0xffff, v3  }
0x2b7: {  	v5 =	vor.u32 $0x1A, v4;
	v3 =	vld.idx.msk [tilespmem:v59+s30+$0x0], $0xffff  }
0x2b8: {  	v60 =	vor.u32 $0x1B, v2;
	_ =	sdelay $0x3  }
0x2b9: {  	[tilespmem:v5+s3+$0x0] =	vst.idx.add.f32.msk $0xffff, v3  }
0x2ba: {  	v5 =	vor.u32 $0x1B, v4;
	v3 =	vld.idx.msk [tilespmem:v60+s30+$0x0], $0xffff  }
0x2bb: {  	v61 =	vor.u32 $0x1C, v2;
	_ =	sdelay $0x3  }
0x2bc: {  	[tilespmem:v5+s3+$0x0] =	vst.idx.add.f32.msk $0xffff, v3  }
0x2bd: {  	v5 =	vor.u32 $0x1C, v4;
	v3 =	vld.idx.msk [tilespmem:v61+s30+$0x0], $0xffff  }
0x2be: {  	v62 =	vor.u32 $0x1D, v2;
	_ =	sdelay $0x3  }
0x2bf: {  	[tilespmem:v5+s3+$0x0] =	vst.idx.add.f32.msk $0xffff, v3  }
0x2c0: {  	v5 =	vor.u32 $0x1D, v4;
	v3 =	vld.idx.msk [tilespmem:v62+s30+$0x0], $0xffff  }
0x2c1: {  	v63 =	vor.u32 $0x1E, v2;
	_ =	sdelay $0x3  }
0x2c2: {  	[tilespmem:v5+s3+$0x0] =	vst.idx.add.f32.msk $0xffff, v3  }
0x2c3: {  	v5 =	vor.u32 $0x1E, v4;
	v3 =	vld.idx.msk [tilespmem:v63+s30+$0x0], $0xffff  }
0x2c4: {  	v2 =	vor.u32 $0x1F, v2;
	_ =	sdelay $0x3  }
0x2c5: {  	[tilespmem:v5+s3+$0x0] =	vst.idx.add.f32.msk $0xffff, v3  }
0x2c6: {  	v3 =	vor.u32 $0x1F, v4;
	v2 =	vld.idx.msk [tilespmem:v2+s30+$0x0], $0xffff  }
.Ltmp22:
0x2c7: {  	_ = 	snop;
	(pc) =	sbr.rel .LBB2_24-.Ltmp22, $2  }
0x2c8: {  	_ =	sdelay $0x2  }
0x2c9: {  	s8 =	smov.u32 s20;
	[tilespmem:v3+s3+$0x0] =	vst.idx.add.f32.msk $0xffff, v2;
	v2 =	vimm.f32 $0.0e+00;
	v3 =	vimm.f32 $0.0e+00  }
.LBB2_25:
0x2ca: {  	_ =	swait.ge [sflag:s2], $0x1000  }
0x2cb: {  	[sflag:s2] =	ssyncset.done $0x0  }
0x2cc: {  	[sflag:s2] =	ssyncadd.s32 $0xFFFFF000  }
0x2cd: {  	_ =	swait.ge [sflag:s2], $0x400  }
0x2ce: {  	[sflag:s2] =	ssyncset.done $0x0  }
0x2cf: {  	[sflag:s2] =	ssyncadd.s32 $0xFFFFFC00  }
0x2d0: {  	s10 =	sadd.s32 @!p1 $0x1400, s25;
	[bflag:$0x0] =	sbarrier.arrive $0xFFFF  }
0x2d1: {  	[tilespmem:s30], [sflag:$0x3] =	stream.strided.gather [spmem:s15], $0x8000, s29, s28, $0x38;
	[tilespmem:$0x1B1B0] =	vst v63  }
0x2d2: {  	s12 =	sadd.s32 @!p1 s6, s10;
	_ =	swait.ge [sflag:s31], $0x8000  }
0x2d3: {  	s13 =	sshrl.u32 @!p1 s11, $0x3;
	s12 =	sshll.u32 @!p1 s12, $0x6;
	[sflag:s31] =	ssyncset.done $0x0  }
0x2d4: {  	s10 =	sshrl.u32 @!p1 s10, $0x3;
	s12 =	sand.u32 @!p1 $0x1FFFF800, s12;
	[sflag:s31] =	ssyncadd.s32 $0xFFFF8000  }
.Ltmp23:
0x2d5: {  	s12 =	sadd.s32 @!p1 s4, s12;
	[bflag:$0x0] =	sbarrier.arrive $0xFFFF;
	(pc) =	sbr.rel .LBB2_26-.Ltmp23, $4  }
0x2d6: {  	[spmem:s13], [sflag:s18] =	dma.local @!p1 [hbm:s12], $0x1000  }
0x2d7: {  	s10 =	sadd.s32 @!p1 s1, s10;
	s12 =	simm.s32 @!p1 $0x0;
	s13 =	simm.s32 @!p1 $0xA400  }
0x2d8: {  	[tilespmem:s13], [sflag:$0x2] =	stream.linear.gather @!p1 [hbm4b:s10+s12], $0x400, $0x38;
	[tilespmem:$0x1B1B0] =	vst v63  }
0x2d9: {  	s10 =	simm.s32 $0x0;
	s12 =	simm.s32 $0xAC00;
	s13 =	simm.s32 $0x2100  }
.LBB2_27:
0x2da: {  	p1 =	sne.s32 s8, s21  }
0x2db: {  	v5 =	vshll.u32 @p1 v39, $0x5;
	v7 =	vlaneseq.u32 @p1  }
0x2dc: {  	v8 =	vor.u32 @p1 v7, v5  }
0x2dd: {  	v7 =	vor.u32 @p1 $0x10, v7  }
0x2de: {  	v5 =	vor.u32 @p1 v7, v5;
	_ =	sdelay $0x1  }
0x2df: {  	s21 =	simm.s32 @p1 $0x0  }
0x2e0: {  	v7 =	vadd.f32 @!p1 v4, v3;
	[tilespmem:v8+s21+$0x0] =	vst.idx.add.f32.msk @p1 $0xffff, v2;
	v2 =	vadd.f32 @!p1 v6, v2;
	_ =	sdelay $0x1  }
0x2e1: {  	s8 =	smov.u32 @p1 s20;
	[tilespmem:v5+s21+$0x0] =	vst.idx.add.f32.msk @p1 $0xffff, v3;
	v3 =	vpsel p1, v4, v7;
	v2 =	vpsel p1, v6, v2  }
.LBB2_31:
0x2e2: {  	s10 =	sadd.s32 $0x10, s10  }
0x2e3: {  	p1 =	sne.s32 s10, $0x400  }
.Ltmp24:
0x2e4: {  	_ = 	snop;
	(pc) =	sbr.rel @!p1 .LBB2_32-.Ltmp24, $2  }
0x2e5: {  	_ =	sdelay $0x2  }
0x2e6: {  	s12 =	sadd.s32 $0x10, s12;
	s13 =	sadd.s32 $0x200, s13  }
.LBB2_26:
0x2e7: {  	v33 =	vld [tilespmem:s12+$0x0]  }
0x2e8: {  	v36 =	vld [tilespmem:s13+$0xFFFFFF40]  }
0x2e9: {  	v34 =	vld [tilespmem:s13+$0xFFFFFF60]  }
0x2ea: {  	v35 =	vld [tilespmem:s13+$0xFFFFFF80]  }
0x2eb: {  	v32 =	vld [tilespmem:s13+$0xFFFFFFA0]  }
0x2ec: {  	v30 =	vld [tilespmem:s13+$0xFFFFFFC0]  }
0x2ed: {  	v31 =	vld [tilespmem:s13+$0xFFFFFFE0]  }
0x2ee: {  	v29 =	vld [tilespmem:s13+$0x0]  }
0x2ef: {  	v27 =	vld [tilespmem:s13+$0x20]  }
0x2f0: {  	v28 =	vld [tilespmem:s13+$0x40]  }
0x2f1: {  	v26 =	vld [tilespmem:s13+$0x60]  }
0x2f2: {  	v24 =	vld [tilespmem:s13+$0x80]  }
0x2f3: {  	v25 =	vld [tilespmem:s13+$0xA0]  }
0x2f4: {  	v23 =	vld [tilespmem:s13+$0xC0];
	v4 =	vxor.u32 $0x80000000, v33  }
0x2f5: {  	v18 =	vld [tilespmem:s13+$0xE0];
	(xrf0) =	vmax.scan.msk.u32 $0xffff, v4  }
0x2f6: {  	v5 =	vld [tilespmem:s13+$0xFFFFFF10];
	(xrf0) =	vmin.scan.msk.u32 $0xffff, v4  }
0x2f7: {  	v7 =	vld [tilespmem:s13+$0xFFFFFF30]  }
0x2f8: {  	v8 =	vld [tilespmem:s13+$0xFFFFFF50]  }
0x2f9: {  	v9 =	vld [tilespmem:s13+$0xFFFFFF70]  }
0x2fa: {  	v10 =	vld [tilespmem:s13+$0xFFFFFF90]  }
0x2fb: {  	v11 =	vld [tilespmem:s13+$0xFFFFFFB0];
	v4, _, _ =	vpop (xrf0)  }
0x2fc: {  	v12 =	vld [tilespmem:s13+$0xFFFFFFD0];
	(v2sf) =	vpush v4, $0xF;
	v4, _, _ =	vpop (xrf0)  }
0x2fd: {  	v13 =	vld [tilespmem:s13+$0xFFFFFFF0];
	(v2sf) =	vpush v4, $0xF  }
0x2fe: {  	v14 =	vld [tilespmem:s13+$0x10]  }
0x2ff: {  	v15 =	vld [tilespmem:s13+$0x30]  }
0x300: {  	v16 =	vld [tilespmem:s13+$0x50]  }
0x301: {  	v17 =	vld [tilespmem:s13+$0x70]  }
0x302: {  	v19 =	vld [tilespmem:s13+$0x90]  }
0x303: {  	v20 =	vld [tilespmem:s13+$0xB0];
	v6 =	vadd.f32 v34, v36;
	v39 =	vadd.f32 v32, v35  }
0x304: {  	v21 =	vld [tilespmem:s13+$0xD0];
	v40 =	vadd.f32 v31, v30;
	v41 =	vadd.f32 v27, v29  }
0x305: {  	v22 =	vld [tilespmem:s13+$0xF0];
	v42 =	vadd.f32 v26, v28;
	v43 =	vadd.f32 v25, v24  }
0x306: {  	v37 =	vld [tilespmem:s13+$0xFFFFFF00];
	v44 =	vadd.f32 v18, v23;
	v55 =	vadd.f32 v7, v5  }
0x307: {  	v38 =	vld [tilespmem:s13+$0xFFFFFF20];
	v56 =	vadd.f32 v9, v8;
	v57 =	vadd.f32 v11, v10  }
0x308: {  	v58 =	vadd.f32 v13, v12;
	v45 =	vadd.f32 v15, v14  }
0x309: {  	v46 =	vadd.f32 v17, v16;
	v47 =	vadd.f32 v20, v19  }
0x30a: {  	v48 =	vadd.f32 v22, v21;
	v53 =	vadd.f32 v42, v41  }
0x30b: {  	v54 =	vadd.f32 v44, v43;
	v41 =	vadd.f32 v56, v55;
	s20 =	spop (v2sf)  }
0x30c: {  	v59 =	vadd.f32 v58, v57;
	v4 =	vadd.f32 v38, v37;
	s21 =	spop (v2sf)  }
0x30d: {  	v60 =	vadd.f32 v46, v45;
	v61 =	vadd.f32 v48, v47;
	p1 =	sne.s32 s21, s20  }
.Ltmp25:
0x30e: {  	v4 =	vadd.f32 v6, v4;
	v6 =	vadd.f32 v40, v39;
	(pc) =	sbr.rel @!p1 .LBB2_27-.Ltmp25, $3  }
0x30f: {  	v62 =	vadd.f32 v59, v41;
	v63 =	vadd.f32 v61, v60  }
0x310: {  	v4 =	vadd.f32 v6, v4;
	v6 =	vadd.f32 v54, v53;
	_ =	sdelay $0x1  }
0x311: {  	v39 =	vmov s8;
	v6 =	vadd.f32 v6, v4;
	v4 =	vadd.f32 v63, v62;
	s20 =	sxor.u32 $0x80000000, s20;
	s21 =	sxor.u32 $0x80000000, s21  }
0x312: {  	vm0 =	veq.s32 v33, s21;
	vm1 =	veq.s32 v33, s20  }
0x313: {  	vm1 =	vmor vm0, vm1  }
0x314: {  	v40 =	vsel vm1, $0x3F800000, v0  }
0x315: {  	(xrf0) =	vmin.scan.msk.f32 $0xffff, v40;
	_ =	sdelay $0x5  }
0x316: {  	v40, _, _ =	vpop (xrf0)  }
0x317: {  	(v2sf) =	vpush v40, $0xF;
	_ =	sdelay $0xd  }
0x318: {  	v63 =	vshll.u32 v39, $0x5  }
0x319: {  	v39 =	vor.u32 $0x10, v1;
	v41 =	vor.u32 v1, v63;
	s8 =	spop (v2sf)  }
0x31a: {  	v40 =	vor.u32 v39, v63;
	p1 =	sgt.f32 s8, $0.0e+00  }
.Ltmp26:
0x31b: {  	_ = 	snop;
	(pc) =	sbr.rel @!p1 .LBB2_30-.Ltmp26, $3  }
0x31c: {  	_ =	sdelay $0x1  }
0x31d: {  	[tilespmem:v41+s3+$0x0] =	vst.idx.add.f32.msk $0xffff, v2  }
0x31e: {  	[tilespmem:v40+s3+$0x0] =	vst.idx.add.f32.msk $0xffff, v3  }
0x31f: {  	v2 =	vmpcnt.ones.xlane vm0;
	_ =	sdelay $0x1  }
0x320: {  	vm0 =	vgt.s32 v2, $0x0;
	vm1 =	vgt.s32 v2, $0x1  }
0x321: {  	vm2 =	vgt.s32 v2, $0x2;
	vm3 =	vgt.s32 v2, $0x3;
	vm4 =	vgt.s32 v2, $0x4  }
0x322: {  	vm5 =	vgt.s32 v2, $0x5;
	vm6 =	vgt.s32 v2, $0x6;
	vm7 =	vgt.s32 v2, $0x7  }
0x323: {  	vm8 =	vgt.s32 v2, $0x8;
	vm9 =	vgt.s32 v2, $0x9;
	vm10 =	vgt.s32 v2, $0xA  }
0x324: {  	vm11 =	vgt.s32 v2, $0xB;
	vm12 =	vgt.s32 v2, $0xC;
	vm13 =	vgt.s32 v2, $0xD  }
0x325: {  	vm14 =	vgt.s32 v2, $0xE;
	vm15 =	vgt.s32 v2, $0xF;
	v3 =	vnsel vm0, $0x0, v37  }
0x326: {  	v33 =	vnsel vm1, $0x0, v38;
	v36 =	vnsel vm2, $0x0, v36;
	v34 =	vnsel vm3, $0x0, v34  }
0x327: {  	v35 =	vnsel vm4, $0x0, v35;
	v32 =	vnsel vm5, $0x0, v32;
	v30 =	vnsel vm6, $0x0, v30  }
0x328: {  	v31 =	vnsel vm7, $0x0, v31;
	v29 =	vnsel vm8, $0x0, v29;
	v27 =	vnsel vm9, $0x0, v27  }
0x329: {  	v28 =	vnsel vm10, $0x0, v28;
	v26 =	vnsel vm11, $0x0, v26;
	v24 =	vnsel vm12, $0x0, v24  }
0x32a: {  	v25 =	vnsel vm13, $0x0, v25;
	v23 =	vnsel vm14, $0x0, v23;
	v18 =	vnsel vm15, $0x0, v18  }
0x32b: {  	v5 =	vnsel vm0, $0x0, v5;
	v7 =	vnsel vm1, $0x0, v7;
	v8 =	vnsel vm2, $0x0, v8  }
0x32c: {  	v9 =	vnsel vm3, $0x0, v9;
	v10 =	vnsel vm4, $0x0, v10;
	v11 =	vnsel vm5, $0x0, v11  }
0x32d: {  	v12 =	vnsel vm6, $0x0, v12;
	v13 =	vnsel vm7, $0x0, v13;
	v14 =	vnsel vm8, $0x0, v14  }
0x32e: {  	v15 =	vnsel vm9, $0x0, v15;
	v3 =	vadd.f32 v33, v3;
	v48 =	vadd.f32 v34, v36  }
0x32f: {  	v16 =	vnsel vm10, $0x0, v16;
	v2 =	vadd.f32 v32, v35;
	v30 =	vadd.f32 v31, v30  }
0x330: {  	v17 =	vnsel vm11, $0x0, v17;
	v27 =	vadd.f32 v27, v29;
	v26 =	vadd.f32 v26, v28  }
0x331: {  	v19 =	vnsel vm12, $0x0, v19;
	v24 =	vadd.f32 v25, v24;
	v18 =	vadd.f32 v18, v23  }
0x332: {  	v20 =	vnsel vm13, $0x0, v20;
	v5 =	vadd.f32 v7, v5;
	v50 =	vadd.f32 v9, v8  }
0x333: {  	v51 =	vnsel vm14, $0x0, v21;
	v52 =	vadd.f32 v11, v10;
	v53 =	vadd.f32 v13, v12  }
0x334: {  	v54 =	vnsel vm15, $0x0, v22;
	v55 =	vadd.f32 v15, v14;
	v56 =	vadd.f32 v17, v16  }
0x335: {  	v58 =	vadd.f32 v20, v19;
	v8 =	vadd.f32 v54, v51  }
0x336: {  	v3 =	vadd.f32 v48, v3;
	v2 =	vadd.f32 v30, v2  }
0x337: {  	v57 =	vmov s21;
	v49 =	vadd.f32 v26, v27;
	v18 =	vadd.f32 v18, v24  }
0x338: {  	v60 =	vshll.u32 v57, $0x5;
	v5 =	vadd.f32 v50, v5;
	v59 =	vadd.f32 v53, v52  }
0x339: {  	v62 =	vor.u32 v1, v60;
	v61 =	vadd.f32 v56, v55;
	v8 =	vadd.f32 v8, v58  }
0x33a: {  	v9 =	vor.u32 v39, v60;
	v2 =	vadd.f32 v2, v3;
	v3 =	vadd.f32 v18, v49  }
.Ltmp27:
0x33b: {  	v5 =	vadd.f32 v59, v5;
	v63 =	vadd.f32 v8, v61;
	(pc) =	sbr.rel .LBB2_31-.Ltmp27, $4  }
0x33c: {  	v2 =	vadd.f32 v3, v2  }
0x33d: {  	v3 =	vadd.f32 v63, v5  }
0x33e: {  	[tilespmem:v62+s3+$0x0] =	vst.idx.add.f32.msk $0xffff, v2  }
0x33f: {  	s8 =	smov.u32 s20;
	v2 =	vsub.f32 v6, v2;
	[tilespmem:v9+s3+$0x0] =	vst.idx.add.f32.msk $0xffff, v3;
	v3 =	vsub.f32 v4, v3  }
.LBB2_30:
0x340: {  	v2 =	vmov s10;
	v3 =	vmul.u32 $0x20, v1  }
0x341: {  	v2 =	vshll.u32 v2, $0x5  }
0x342: {  	v2 =	vor.u32 v3, v2;
	_ =	sdelay $0x4  }
0x343: {  	v4 =	vshll.u32 v33, $0x5;
	v3 =	vld.idx.msk [tilespmem:v2+s30+$0x0], $0xffff  }
0x344: {  	v5 =	vor.u32 $0x1, v2;
	_ =	sdelay $0x3  }
0x345: {  	[tilespmem:v4+s3+$0x0] =	vst.idx.add.f32.msk $0xffff, v3  }
0x346: {  	v3 =	vld.idx.msk [tilespmem:v5+s30+$0x0], $0xffff;
	v5 =	vor.u32 $0x1, v4  }
0x347: {  	v6 =	vor.u32 $0x2, v2;
	_ =	sdelay $0x3  }
0x348: {  	[tilespmem:v5+s3+$0x0] =	vst.idx.add.f32.msk $0xffff, v3  }
0x349: {  	v5 =	vor.u32 $0x2, v4;
	v3 =	vld.idx.msk [tilespmem:v6+s30+$0x0], $0xffff  }
0x34a: {  	v36 =	vor.u32 $0x3, v2;
	_ =	sdelay $0x3  }
0x34b: {  	[tilespmem:v5+s3+$0x0] =	vst.idx.add.f32.msk $0xffff, v3  }
0x34c: {  	v5 =	vor.u32 $0x3, v4;
	v3 =	vld.idx.msk [tilespmem:v36+s30+$0x0], $0xffff  }
0x34d: {  	v37 =	vor.u32 $0x4, v2;
	_ =	sdelay $0x3  }
0x34e: {  	[tilespmem:v5+s3+$0x0] =	vst.idx.add.f32.msk $0xffff, v3  }
0x34f: {  	v5 =	vor.u32 $0x4, v4;
	v3 =	vld.idx.msk [tilespmem:v37+s30+$0x0], $0xffff  }
0x350: {  	v38 =	vor.u32 $0x5, v2;
	_ =	sdelay $0x3  }
0x351: {  	[tilespmem:v5+s3+$0x0] =	vst.idx.add.f32.msk $0xffff, v3  }
0x352: {  	v5 =	vor.u32 $0x5, v4;
	v3 =	vld.idx.msk [tilespmem:v38+s30+$0x0], $0xffff  }
0x353: {  	v39 =	vor.u32 $0x6, v2;
	_ =	sdelay $0x3  }
0x354: {  	[tilespmem:v5+s3+$0x0] =	vst.idx.add.f32.msk $0xffff, v3  }
0x355: {  	v5 =	vor.u32 $0x6, v4;
	v3 =	vld.idx.msk [tilespmem:v39+s30+$0x0], $0xffff  }
0x356: {  	v40 =	vor.u32 $0x7, v2;
	_ =	sdelay $0x3  }
0x357: {  	[tilespmem:v5+s3+$0x0] =	vst.idx.add.f32.msk $0xffff, v3  }
0x358: {  	v5 =	vor.u32 $0x7, v4;
	v3 =	vld.idx.msk [tilespmem:v40+s30+$0x0], $0xffff  }
0x359: {  	v41 =	vor.u32 $0x8, v2;
	_ =	sdelay $0x3  }
0x35a: {  	[tilespmem:v5+s3+$0x0] =	vst.idx.add.f32.msk $0xffff, v3  }
0x35b: {  	v5 =	vor.u32 $0x8, v4;
	v3 =	vld.idx.msk [tilespmem:v41+s30+$0x0], $0xffff  }
0x35c: {  	v42 =	vor.u32 $0x9, v2;
	_ =	sdelay $0x3  }
0x35d: {  	[tilespmem:v5+s3+$0x0] =	vst.idx.add.f32.msk $0xffff, v3  }
0x35e: {  	v5 =	vor.u32 $0x9, v4;
	v3 =	vld.idx.msk [tilespmem:v42+s30+$0x0], $0xffff  }
0x35f: {  	v43 =	vor.u32 $0xA, v2;
	_ =	sdelay $0x3  }
0x360: {  	[tilespmem:v5+s3+$0x0] =	vst.idx.add.f32.msk $0xffff, v3  }
0x361: {  	v5 =	vor.u32 $0xA, v4;
	v3 =	vld.idx.msk [tilespmem:v43+s30+$0x0], $0xffff  }
0x362: {  	v44 =	vor.u32 $0xB, v2;
	_ =	sdelay $0x3  }
0x363: {  	[tilespmem:v5+s3+$0x0] =	vst.idx.add.f32.msk $0xffff, v3  }
0x364: {  	v5 =	vor.u32 $0xB, v4;
	v3 =	vld.idx.msk [tilespmem:v44+s30+$0x0], $0xffff  }
0x365: {  	v45 =	vor.u32 $0xC, v2;
	_ =	sdelay $0x3  }
0x366: {  	[tilespmem:v5+s3+$0x0] =	vst.idx.add.f32.msk $0xffff, v3  }
0x367: {  	v5 =	vor.u32 $0xC, v4;
	v3 =	vld.idx.msk [tilespmem:v45+s30+$0x0], $0xffff  }
0x368: {  	v46 =	vor.u32 $0xD, v2;
	_ =	sdelay $0x3  }
0x369: {  	[tilespmem:v5+s3+$0x0] =	vst.idx.add.f32.msk $0xffff, v3  }
0x36a: {  	v5 =	vor.u32 $0xD, v4;
	v3 =	vld.idx.msk [tilespmem:v46+s30+$0x0], $0xffff  }
0x36b: {  	v47 =	vor.u32 $0xE, v2;
	_ =	sdelay $0x3  }
0x36c: {  	[tilespmem:v5+s3+$0x0] =	vst.idx.add.f32.msk $0xffff, v3  }
0x36d: {  	v5 =	vor.u32 $0xE, v4;
	v3 =	vld.idx.msk [tilespmem:v47+s30+$0x0], $0xffff  }
0x36e: {  	v48 =	vor.u32 $0xF, v2;
	_ =	sdelay $0x3  }
0x36f: {  	[tilespmem:v5+s3+$0x0] =	vst.idx.add.f32.msk $0xffff, v3  }
0x370: {  	v5 =	vor.u32 $0xF, v4;
	v3 =	vld.idx.msk [tilespmem:v48+s30+$0x0], $0xffff  }
0x371: {  	v49 =	vor.u32 $0x10, v2;
	_ =	sdelay $0x3  }
0x372: {  	[tilespmem:v5+s3+$0x0] =	vst.idx.add.f32.msk $0xffff, v3  }
0x373: {  	v5 =	vor.u32 $0x10, v4;
	v3 =	vld.idx.msk [tilespmem:v49+s30+$0x0], $0xffff  }
0x374: {  	v50 =	vor.u32 $0x11, v2;
	_ =	sdelay $0x3  }
0x375: {  	[tilespmem:v5+s3+$0x0] =	vst.idx.add.f32.msk $0xffff, v3  }
0x376: {  	v5 =	vor.u32 $0x11, v4;
	v3 =	vld.idx.msk [tilespmem:v50+s30+$0x0], $0xffff  }
0x377: {  	v51 =	vor.u32 $0x12, v2;
	_ =	sdelay $0x3  }
0x378: {  	[tilespmem:v5+s3+$0x0] =	vst.idx.add.f32.msk $0xffff, v3  }
0x379: {  	v5 =	vor.u32 $0x12, v4;
	v3 =	vld.idx.msk [tilespmem:v51+s30+$0x0], $0xffff  }
0x37a: {  	v52 =	vor.u32 $0x13, v2;
	_ =	sdelay $0x3  }
0x37b: {  	[tilespmem:v5+s3+$0x0] =	vst.idx.add.f32.msk $0xffff, v3  }
0x37c: {  	v5 =	vor.u32 $0x13, v4;
	v3 =	vld.idx.msk [tilespmem:v52+s30+$0x0], $0xffff  }
0x37d: {  	v53 =	vor.u32 $0x14, v2;
	_ =	sdelay $0x3  }
0x37e: {  	[tilespmem:v5+s3+$0x0] =	vst.idx.add.f32.msk $0xffff, v3  }
0x37f: {  	v5 =	vor.u32 $0x14, v4;
	v3 =	vld.idx.msk [tilespmem:v53+s30+$0x0], $0xffff  }
0x380: {  	v54 =	vor.u32 $0x15, v2;
	_ =	sdelay $0x3  }
0x381: {  	[tilespmem:v5+s3+$0x0] =	vst.idx.add.f32.msk $0xffff, v3  }
0x382: {  	v5 =	vor.u32 $0x15, v4;
	v3 =	vld.idx.msk [tilespmem:v54+s30+$0x0], $0xffff  }
0x383: {  	v55 =	vor.u32 $0x16, v2;
	_ =	sdelay $0x3  }
0x384: {  	[tilespmem:v5+s3+$0x0] =	vst.idx.add.f32.msk $0xffff, v3  }
0x385: {  	v5 =	vor.u32 $0x16, v4;
	v3 =	vld.idx.msk [tilespmem:v55+s30+$0x0], $0xffff  }
0x386: {  	v56 =	vor.u32 $0x17, v2;
	_ =	sdelay $0x3  }
0x387: {  	[tilespmem:v5+s3+$0x0] =	vst.idx.add.f32.msk $0xffff, v3  }
0x388: {  	v5 =	vor.u32 $0x17, v4;
	v3 =	vld.idx.msk [tilespmem:v56+s30+$0x0], $0xffff  }
0x389: {  	v57 =	vor.u32 $0x18, v2;
	_ =	sdelay $0x3  }
0x38a: {  	[tilespmem:v5+s3+$0x0] =	vst.idx.add.f32.msk $0xffff, v3  }
0x38b: {  	v5 =	vor.u32 $0x18, v4;
	v3 =	vld.idx.msk [tilespmem:v57+s30+$0x0], $0xffff  }
0x38c: {  	v58 =	vor.u32 $0x19, v2;
	_ =	sdelay $0x3  }
0x38d: {  	[tilespmem:v5+s3+$0x0] =	vst.idx.add.f32.msk $0xffff, v3  }
0x38e: {  	v5 =	vor.u32 $0x19, v4;
	v3 =	vld.idx.msk [tilespmem:v58+s30+$0x0], $0xffff  }
0x38f: {  	v59 =	vor.u32 $0x1A, v2;
	_ =	sdelay $0x3  }
0x390: {  	[tilespmem:v5+s3+$0x0] =	vst.idx.add.f32.msk $0xffff, v3  }
0x391: {  	v5 =	vor.u32 $0x1A, v4;
	v3 =	vld.idx.msk [tilespmem:v59+s30+$0x0], $0xffff  }
0x392: {  	v60 =	vor.u32 $0x1B, v2;
	_ =	sdelay $0x3  }
0x393: {  	[tilespmem:v5+s3+$0x0] =	vst.idx.add.f32.msk $0xffff, v3  }
0x394: {  	v5 =	vor.u32 $0x1B, v4;
	v3 =	vld.idx.msk [tilespmem:v60+s30+$0x0], $0xffff  }
0x395: {  	v61 =	vor.u32 $0x1C, v2;
	_ =	sdelay $0x3  }
0x396: {  	[tilespmem:v5+s3+$0x0] =	vst.idx.add.f32.msk $0xffff, v3  }
0x397: {  	v5 =	vor.u32 $0x1C, v4;
	v3 =	vld.idx.msk [tilespmem:v61+s30+$0x0], $0xffff  }
0x398: {  	v62 =	vor.u32 $0x1D, v2;
	_ =	sdelay $0x3  }
0x399: {  	[tilespmem:v5+s3+$0x0] =	vst.idx.add.f32.msk $0xffff, v3  }
0x39a: {  	v5 =	vor.u32 $0x1D, v4;
	v3 =	vld.idx.msk [tilespmem:v62+s30+$0x0], $0xffff  }
0x39b: {  	v63 =	vor.u32 $0x1E, v2;
	_ =	sdelay $0x3  }
0x39c: {  	[tilespmem:v5+s3+$0x0] =	vst.idx.add.f32.msk $0xffff, v3  }
0x39d: {  	v5 =	vor.u32 $0x1E, v4;
	v3 =	vld.idx.msk [tilespmem:v63+s30+$0x0], $0xffff  }
0x39e: {  	v2 =	vor.u32 $0x1F, v2;
	_ =	sdelay $0x3  }
0x39f: {  	[tilespmem:v5+s3+$0x0] =	vst.idx.add.f32.msk $0xffff, v3  }
0x3a0: {  	v3 =	vor.u32 $0x1F, v4;
	v2 =	vld.idx.msk [tilespmem:v2+s30+$0x0], $0xffff  }
.Ltmp28:
0x3a1: {  	_ = 	snop;
	(pc) =	sbr.rel .LBB2_31-.Ltmp28, $2  }
0x3a2: {  	_ =	sdelay $0x2  }
0x3a3: {  	s8 =	smov.u32 s20;
	[tilespmem:v3+s3+$0x0] =	vst.idx.add.f32.msk $0xffff, v2;
	v2 =	vimm.f32 $0.0e+00;
	v3 =	vimm.f32 $0.0e+00  }
.LBB2_33:
.Ltmp29:
0x3a4: {  	(pc) =	sbr.rel @p0 .LBB2_41-.Ltmp29, $1  }
0x3a5: {  	_ =	sdelay $0x3  }
0x3a6: {  	s10 =	rddreg [dreg:$0xb]  }
0x3a7: {  	s12 =	rddreg [dreg:$0xf]  }
0x3a8: {  	[spmem:s12], [sflag:s9] =	dma.local [hbm:s10], $0x680  }
0x3a9: {  	s17 =	simm.s32 $0x0;
	s18 =	simm.s32 $0xB000;
	s10 =	rddreg [dreg:$0xc]  }
0x3aa: {  	[tilespmem:s18], [sflag:$0x1] =	stream.linear.gather [hbm4b:s10+s17], $0x1A0, $0x38;
	[tilespmem:$0x1B1B0] =	vst v63  }
0x3ab: {  	_ =	swait.ge [sflag:s26], $0x680  }
0x3ac: {  	[sflag:s26] =	ssyncset.done $0x0  }
0x3ad: {  	[sflag:s26] =	ssyncadd.s32 $0xFFFFF980  }
0x3ae: {  	_ =	swait.ge [sflag:s26], $0x1A0  }
0x3af: {  	[sflag:s26] =	ssyncset.done $0x0  }
0x3b0: {  	[sflag:s26] =	ssyncadd.s32 $0xFFFFFE60  }
.Ltmp30:
0x3b1: {  	[bflag:$0x0] =	sbarrier.arrive $0xFFFF;
	(pc) =	sbr.rel .LBB2_35-.Ltmp30, $4  }
0x3b2: {  	[tilespmem:s30], [sflag:$0x3] =	stream.strided.gather [spmem:s14], $0x3400, s29, s28, $0x38;
	[tilespmem:$0x1B1B0] =	vst v63  }
0x3b3: {  	_ =	swait.ge [sflag:s31], $0x3400  }
0x3b4: {  	[sflag:s31] =	ssyncset.done $0x0  }
0x3b5: {  	s10 =	simm.s32 $0x2100;
	[sflag:s31] =	ssyncadd.s32 $0xFFFFCC00  }
.LBB2_36:
0x3b6: {  	p1 =	sne.s32 s8, s12  }
0x3b7: {  	v5 =	vshll.u32 @p1 v39, $0x5;
	v7 =	vlaneseq.u32 @p1  }
0x3b8: {  	v8 =	vor.u32 @p1 v7, v5  }
0x3b9: {  	v7 =	vor.u32 @p1 $0x10, v7  }
0x3ba: {  	v5 =	vor.u32 @p1 v7, v5;
	_ =	sdelay $0x1  }
0x3bb: {  	s12 =	simm.s32 @p1 $0x0  }
0x3bc: {  	v7 =	vadd.f32 @!p1 v4, v3;
	[tilespmem:v8+s12+$0x0] =	vst.idx.add.f32.msk @p1 $0xffff, v2;
	v2 =	vadd.f32 @!p1 v6, v2  }
0x3bd: {  	s8 =	smov.u32 @p1 s16  }
0x3be: {  	s16 =	smov.u32 s8;
	[tilespmem:v5+s12+$0x0] =	vst.idx.add.f32.msk @p1 $0xffff, v3;
	v3 =	vpsel p1, v4, v7;
	v2 =	vpsel p1, v6, v2  }
.LBB2_40:
0x3bf: {  	s17 =	sadd.s32 $0x10, s17  }
0x3c0: {  	p1 =	seq.s32 s17, $0x1A0  }
.Ltmp31:
0x3c1: {  	_ = 	snop;
	(pc) =	sbr.rel @p1 .LBB2_48-.Ltmp31, $2  }
0x3c2: {  	_ =	sdelay $0x2  }
0x3c3: {  	s18 =	sadd.s32 $0x10, s18;
	s10 =	sadd.s32 $0x200, s10;
	s8 =	smov.u32 s16  }
.LBB2_35:
0x3c4: {  	v33 =	vld [tilespmem:s18+$0x0]  }
0x3c5: {  	v36 =	vld [tilespmem:s10+$0xFFFFFF40]  }
0x3c6: {  	v34 =	vld [tilespmem:s10+$0xFFFFFF60]  }
0x3c7: {  	v35 =	vld [tilespmem:s10+$0xFFFFFF80]  }
0x3c8: {  	v32 =	vld [tilespmem:s10+$0xFFFFFFA0]  }
0x3c9: {  	v30 =	vld [tilespmem:s10+$0xFFFFFFC0]  }
0x3ca: {  	v31 =	vld [tilespmem:s10+$0xFFFFFFE0]  }
0x3cb: {  	v29 =	vld [tilespmem:s10+$0x0]  }
0x3cc: {  	v27 =	vld [tilespmem:s10+$0x20]  }
0x3cd: {  	v28 =	vld [tilespmem:s10+$0x40]  }
0x3ce: {  	v26 =	vld [tilespmem:s10+$0x60]  }
0x3cf: {  	v24 =	vld [tilespmem:s10+$0x80]  }
0x3d0: {  	v25 =	vld [tilespmem:s10+$0xA0]  }
0x3d1: {  	v23 =	vld [tilespmem:s10+$0xC0];
	v4 =	vxor.u32 $0x80000000, v33  }
0x3d2: {  	v18 =	vld [tilespmem:s10+$0xE0];
	(xrf0) =	vmax.scan.msk.u32 $0xffff, v4  }
0x3d3: {  	v5 =	vld [tilespmem:s10+$0xFFFFFF10];
	(xrf0) =	vmin.scan.msk.u32 $0xffff, v4  }
0x3d4: {  	v7 =	vld [tilespmem:s10+$0xFFFFFF30]  }
0x3d5: {  	v8 =	vld [tilespmem:s10+$0xFFFFFF50]  }
0x3d6: {  	v9 =	vld [tilespmem:s10+$0xFFFFFF70]  }
0x3d7: {  	v10 =	vld [tilespmem:s10+$0xFFFFFF90]  }
0x3d8: {  	v11 =	vld [tilespmem:s10+$0xFFFFFFB0];
	v4, _, _ =	vpop (xrf0)  }
0x3d9: {  	v12 =	vld [tilespmem:s10+$0xFFFFFFD0];
	(v2sf) =	vpush v4, $0xF;
	v4, _, _ =	vpop (xrf0)  }
0x3da: {  	v13 =	vld [tilespmem:s10+$0xFFFFFFF0];
	(v2sf) =	vpush v4, $0xF  }
0x3db: {  	v14 =	vld [tilespmem:s10+$0x10]  }
0x3dc: {  	v15 =	vld [tilespmem:s10+$0x30]  }
0x3dd: {  	v16 =	vld [tilespmem:s10+$0x50]  }
0x3de: {  	v17 =	vld [tilespmem:s10+$0x70]  }
0x3df: {  	v19 =	vld [tilespmem:s10+$0x90]  }
0x3e0: {  	v20 =	vld [tilespmem:s10+$0xB0];
	v6 =	vadd.f32 v34, v36;
	v39 =	vadd.f32 v32, v35  }
0x3e1: {  	v21 =	vld [tilespmem:s10+$0xD0];
	v40 =	vadd.f32 v31, v30;
	v41 =	vadd.f32 v27, v29  }
0x3e2: {  	v22 =	vld [tilespmem:s10+$0xF0];
	v42 =	vadd.f32 v26, v28;
	v43 =	vadd.f32 v25, v24  }
0x3e3: {  	v37 =	vld [tilespmem:s10+$0xFFFFFF00];
	v44 =	vadd.f32 v18, v23;
	v55 =	vadd.f32 v7, v5  }
0x3e4: {  	v38 =	vld [tilespmem:s10+$0xFFFFFF20];
	v56 =	vadd.f32 v9, v8;
	v57 =	vadd.f32 v11, v10  }
0x3e5: {  	v58 =	vadd.f32 v13, v12;
	v45 =	vadd.f32 v15, v14  }
0x3e6: {  	v46 =	vadd.f32 v17, v16;
	v47 =	vadd.f32 v20, v19  }
0x3e7: {  	v48 =	vadd.f32 v22, v21;
	v53 =	vadd.f32 v42, v41  }
0x3e8: {  	v54 =	vadd.f32 v44, v43;
	v41 =	vadd.f32 v56, v55;
	s12 =	spop (v2sf)  }
0x3e9: {  	v59 =	vadd.f32 v58, v57;
	v4 =	vadd.f32 v38, v37;
	s13 =	spop (v2sf)  }
0x3ea: {  	v60 =	vadd.f32 v46, v45;
	v61 =	vadd.f32 v48, v47;
	p1 =	sne.s32 s13, s12  }
.Ltmp32:
0x3eb: {  	v4 =	vadd.f32 v6, v4;
	v6 =	vadd.f32 v40, v39;
	(pc) =	sbr.rel @!p1 .LBB2_36-.Ltmp32, $3  }
0x3ec: {  	v62 =	vadd.f32 v59, v41;
	v63 =	vadd.f32 v61, v60  }
0x3ed: {  	v4 =	vadd.f32 v6, v4;
	v6 =	vadd.f32 v54, v53;
	_ =	sdelay $0x1  }
0x3ee: {  	v39 =	vmov s8;
	v6 =	vadd.f32 v6, v4;
	v4 =	vadd.f32 v63, v62;
	s16 =	sxor.u32 $0x80000000, s12;
	s12 =	sxor.u32 $0x80000000, s13  }
0x3ef: {  	vm0 =	veq.s32 v33, s12;
	vm1 =	veq.s32 v33, s16  }
0x3f0: {  	vm1 =	vmor vm0, vm1  }
0x3f1: {  	v40 =	vsel vm1, $0x3F800000, v0  }
0x3f2: {  	(xrf0) =	vmin.scan.msk.f32 $0xffff, v40;
	_ =	sdelay $0x5  }
0x3f3: {  	v40, _, _ =	vpop (xrf0)  }
0x3f4: {  	(v2sf) =	vpush v40, $0xF;
	_ =	sdelay $0xd  }
0x3f5: {  	v63 =	vshll.u32 v39, $0x5  }
0x3f6: {  	v39 =	vor.u32 $0x10, v1;
	v41 =	vor.u32 v1, v63;
	s8 =	spop (v2sf)  }
0x3f7: {  	v40 =	vor.u32 v39, v63;
	p1 =	sgt.f32 s8, $0.0e+00  }
.Ltmp33:
0x3f8: {  	_ = 	snop;
	(pc) =	sbr.rel @!p1 .LBB2_39-.Ltmp33, $3  }
0x3f9: {  	_ =	sdelay $0x1  }
0x3fa: {  	[tilespmem:v41+s3+$0x0] =	vst.idx.add.f32.msk $0xffff, v2  }
0x3fb: {  	[tilespmem:v40+s3+$0x0] =	vst.idx.add.f32.msk $0xffff, v3  }
0x3fc: {  	v2 =	vmpcnt.ones.xlane vm0;
	_ =	sdelay $0x1  }
0x3fd: {  	vm0 =	vgt.s32 v2, $0x0;
	vm1 =	vgt.s32 v2, $0x1  }
0x3fe: {  	vm2 =	vgt.s32 v2, $0x2;
	vm3 =	vgt.s32 v2, $0x3;
	vm4 =	vgt.s32 v2, $0x4  }
0x3ff: {  	vm5 =	vgt.s32 v2, $0x5;
	vm6 =	vgt.s32 v2, $0x6;
	vm7 =	vgt.s32 v2, $0x7  }
0x400: {  	vm8 =	vgt.s32 v2, $0x8;
	vm9 =	vgt.s32 v2, $0x9;
	vm10 =	vgt.s32 v2, $0xA  }
0x401: {  	vm11 =	vgt.s32 v2, $0xB;
	vm12 =	vgt.s32 v2, $0xC;
	vm13 =	vgt.s32 v2, $0xD  }
0x402: {  	vm14 =	vgt.s32 v2, $0xE;
	vm15 =	vgt.s32 v2, $0xF;
	v3 =	vnsel vm0, $0x0, v37  }
0x403: {  	v33 =	vnsel vm1, $0x0, v38;
	v36 =	vnsel vm2, $0x0, v36;
	v34 =	vnsel vm3, $0x0, v34  }
0x404: {  	v35 =	vnsel vm4, $0x0, v35;
	v32 =	vnsel vm5, $0x0, v32;
	v30 =	vnsel vm6, $0x0, v30  }
0x405: {  	v31 =	vnsel vm7, $0x0, v31;
	v29 =	vnsel vm8, $0x0, v29;
	v27 =	vnsel vm9, $0x0, v27  }
0x406: {  	v28 =	vnsel vm10, $0x0, v28;
	v26 =	vnsel vm11, $0x0, v26;
	v24 =	vnsel vm12, $0x0, v24  }
0x407: {  	v25 =	vnsel vm13, $0x0, v25;
	v23 =	vnsel vm14, $0x0, v23;
	v18 =	vnsel vm15, $0x0, v18  }
0x408: {  	v5 =	vnsel vm0, $0x0, v5;
	v7 =	vnsel vm1, $0x0, v7;
	v8 =	vnsel vm2, $0x0, v8  }
0x409: {  	v9 =	vnsel vm3, $0x0, v9;
	v10 =	vnsel vm4, $0x0, v10;
	v11 =	vnsel vm5, $0x0, v11  }
0x40a: {  	v12 =	vnsel vm6, $0x0, v12;
	v13 =	vnsel vm7, $0x0, v13;
	v14 =	vnsel vm8, $0x0, v14  }
0x40b: {  	v15 =	vnsel vm9, $0x0, v15;
	v3 =	vadd.f32 v33, v3;
	v48 =	vadd.f32 v34, v36  }
0x40c: {  	v16 =	vnsel vm10, $0x0, v16;
	v2 =	vadd.f32 v32, v35;
	v30 =	vadd.f32 v31, v30  }
0x40d: {  	v17 =	vnsel vm11, $0x0, v17;
	v27 =	vadd.f32 v27, v29;
	v26 =	vadd.f32 v26, v28  }
0x40e: {  	v19 =	vnsel vm12, $0x0, v19;
	v24 =	vadd.f32 v25, v24;
	v18 =	vadd.f32 v18, v23  }
0x40f: {  	v20 =	vnsel vm13, $0x0, v20;
	v5 =	vadd.f32 v7, v5;
	v50 =	vadd.f32 v9, v8  }
0x410: {  	v51 =	vnsel vm14, $0x0, v21;
	v52 =	vadd.f32 v11, v10;
	v53 =	vadd.f32 v13, v12  }
0x411: {  	v54 =	vnsel vm15, $0x0, v22;
	v55 =	vadd.f32 v15, v14;
	v56 =	vadd.f32 v17, v16  }
0x412: {  	v58 =	vadd.f32 v20, v19;
	v8 =	vadd.f32 v54, v51  }
0x413: {  	v3 =	vadd.f32 v48, v3;
	v2 =	vadd.f32 v30, v2  }
0x414: {  	v57 =	vmov s12;
	v49 =	vadd.f32 v26, v27;
	v18 =	vadd.f32 v18, v24  }
0x415: {  	v60 =	vshll.u32 v57, $0x5;
	v5 =	vadd.f32 v50, v5;
	v59 =	vadd.f32 v53, v52  }
0x416: {  	v62 =	vor.u32 v1, v60;
	v61 =	vadd.f32 v56, v55;
	v8 =	vadd.f32 v8, v58  }
0x417: {  	v9 =	vor.u32 v39, v60;
	v2 =	vadd.f32 v2, v3;
	v3 =	vadd.f32 v18, v49  }
.Ltmp34:
0x418: {  	v5 =	vadd.f32 v59, v5;
	v63 =	vadd.f32 v8, v61;
	(pc) =	sbr.rel .LBB2_40-.Ltmp34, $4  }
0x419: {  	v2 =	vadd.f32 v3, v2  }
0x41a: {  	v3 =	vadd.f32 v63, v5  }
0x41b: {  	[tilespmem:v62+s3+$0x0] =	vst.idx.add.f32.msk $0xffff, v2  }
0x41c: {  	v2 =	vsub.f32 v6, v2;
	[tilespmem:v9+s3+$0x0] =	vst.idx.add.f32.msk $0xffff, v3;
	v3 =	vsub.f32 v4, v3  }
.LBB2_39:
0x41d: {  	v2 =	vmov s17;
	v3 =	vmul.u32 $0x20, v1  }
0x41e: {  	v2 =	vshll.u32 v2, $0x5  }
0x41f: {  	v2 =	vor.u32 v3, v2;
	_ =	sdelay $0x4  }
0x420: {  	v4 =	vshll.u32 v33, $0x5;
	v3 =	vld.idx.msk [tilespmem:v2+s30+$0x0], $0xffff  }
0x421: {  	v5 =	vor.u32 $0x1, v2;
	_ =	sdelay $0x3  }
0x422: {  	[tilespmem:v4+s3+$0x0] =	vst.idx.add.f32.msk $0xffff, v3  }
0x423: {  	v3 =	vld.idx.msk [tilespmem:v5+s30+$0x0], $0xffff;
	v5 =	vor.u32 $0x1, v4  }
0x424: {  	v6 =	vor.u32 $0x2, v2;
	_ =	sdelay $0x3  }
0x425: {  	[tilespmem:v5+s3+$0x0] =	vst.idx.add.f32.msk $0xffff, v3  }
0x426: {  	v5 =	vor.u32 $0x2, v4;
	v3 =	vld.idx.msk [tilespmem:v6+s30+$0x0], $0xffff  }
0x427: {  	v36 =	vor.u32 $0x3, v2;
	_ =	sdelay $0x3  }
0x428: {  	[tilespmem:v5+s3+$0x0] =	vst.idx.add.f32.msk $0xffff, v3  }
0x429: {  	v5 =	vor.u32 $0x3, v4;
	v3 =	vld.idx.msk [tilespmem:v36+s30+$0x0], $0xffff  }
0x42a: {  	v37 =	vor.u32 $0x4, v2;
	_ =	sdelay $0x3  }
0x42b: {  	[tilespmem:v5+s3+$0x0] =	vst.idx.add.f32.msk $0xffff, v3  }
0x42c: {  	v5 =	vor.u32 $0x4, v4;
	v3 =	vld.idx.msk [tilespmem:v37+s30+$0x0], $0xffff  }
0x42d: {  	v38 =	vor.u32 $0x5, v2;
	_ =	sdelay $0x3  }
0x42e: {  	[tilespmem:v5+s3+$0x0] =	vst.idx.add.f32.msk $0xffff, v3  }
0x42f: {  	v5 =	vor.u32 $0x5, v4;
	v3 =	vld.idx.msk [tilespmem:v38+s30+$0x0], $0xffff  }
0x430: {  	v39 =	vor.u32 $0x6, v2;
	_ =	sdelay $0x3  }
0x431: {  	[tilespmem:v5+s3+$0x0] =	vst.idx.add.f32.msk $0xffff, v3  }
0x432: {  	v5 =	vor.u32 $0x6, v4;
	v3 =	vld.idx.msk [tilespmem:v39+s30+$0x0], $0xffff  }
0x433: {  	v40 =	vor.u32 $0x7, v2;
	_ =	sdelay $0x3  }
0x434: {  	[tilespmem:v5+s3+$0x0] =	vst.idx.add.f32.msk $0xffff, v3  }
0x435: {  	v5 =	vor.u32 $0x7, v4;
	v3 =	vld.idx.msk [tilespmem:v40+s30+$0x0], $0xffff  }
0x436: {  	v41 =	vor.u32 $0x8, v2;
	_ =	sdelay $0x3  }
0x437: {  	[tilespmem:v5+s3+$0x0] =	vst.idx.add.f32.msk $0xffff, v3  }
0x438: {  	v5 =	vor.u32 $0x8, v4;
	v3 =	vld.idx.msk [tilespmem:v41+s30+$0x0], $0xffff  }
0x439: {  	v42 =	vor.u32 $0x9, v2;
	_ =	sdelay $0x3  }
0x43a: {  	[tilespmem:v5+s3+$0x0] =	vst.idx.add.f32.msk $0xffff, v3  }
0x43b: {  	v5 =	vor.u32 $0x9, v4;
	v3 =	vld.idx.msk [tilespmem:v42+s30+$0x0], $0xffff  }
0x43c: {  	v43 =	vor.u32 $0xA, v2;
	_ =	sdelay $0x3  }
0x43d: {  	[tilespmem:v5+s3+$0x0] =	vst.idx.add.f32.msk $0xffff, v3  }
0x43e: {  	v5 =	vor.u32 $0xA, v4;
	v3 =	vld.idx.msk [tilespmem:v43+s30+$0x0], $0xffff  }
0x43f: {  	v44 =	vor.u32 $0xB, v2;
	_ =	sdelay $0x3  }
0x440: {  	[tilespmem:v5+s3+$0x0] =	vst.idx.add.f32.msk $0xffff, v3  }
0x441: {  	v5 =	vor.u32 $0xB, v4;
	v3 =	vld.idx.msk [tilespmem:v44+s30+$0x0], $0xffff  }
0x442: {  	v45 =	vor.u32 $0xC, v2;
	_ =	sdelay $0x3  }
0x443: {  	[tilespmem:v5+s3+$0x0] =	vst.idx.add.f32.msk $0xffff, v3  }
0x444: {  	v5 =	vor.u32 $0xC, v4;
	v3 =	vld.idx.msk [tilespmem:v45+s30+$0x0], $0xffff  }
0x445: {  	v46 =	vor.u32 $0xD, v2;
	_ =	sdelay $0x3  }
0x446: {  	[tilespmem:v5+s3+$0x0] =	vst.idx.add.f32.msk $0xffff, v3  }
0x447: {  	v5 =	vor.u32 $0xD, v4;
	v3 =	vld.idx.msk [tilespmem:v46+s30+$0x0], $0xffff  }
0x448: {  	v47 =	vor.u32 $0xE, v2;
	_ =	sdelay $0x3  }
0x449: {  	[tilespmem:v5+s3+$0x0] =	vst.idx.add.f32.msk $0xffff, v3  }
0x44a: {  	v5 =	vor.u32 $0xE, v4;
	v3 =	vld.idx.msk [tilespmem:v47+s30+$0x0], $0xffff  }
0x44b: {  	v48 =	vor.u32 $0xF, v2;
	_ =	sdelay $0x3  }
0x44c: {  	[tilespmem:v5+s3+$0x0] =	vst.idx.add.f32.msk $0xffff, v3  }
0x44d: {  	v5 =	vor.u32 $0xF, v4;
	v3 =	vld.idx.msk [tilespmem:v48+s30+$0x0], $0xffff  }
0x44e: {  	v49 =	vor.u32 $0x10, v2;
	_ =	sdelay $0x3  }
0x44f: {  	[tilespmem:v5+s3+$0x0] =	vst.idx.add.f32.msk $0xffff, v3  }
0x450: {  	v5 =	vor.u32 $0x10, v4;
	v3 =	vld.idx.msk [tilespmem:v49+s30+$0x0], $0xffff  }
0x451: {  	v50 =	vor.u32 $0x11, v2;
	_ =	sdelay $0x3  }
0x452: {  	[tilespmem:v5+s3+$0x0] =	vst.idx.add.f32.msk $0xffff, v3  }
0x453: {  	v5 =	vor.u32 $0x11, v4;
	v3 =	vld.idx.msk [tilespmem:v50+s30+$0x0], $0xffff  }
0x454: {  	v51 =	vor.u32 $0x12, v2;
	_ =	sdelay $0x3  }
0x455: {  	[tilespmem:v5+s3+$0x0] =	vst.idx.add.f32.msk $0xffff, v3  }
0x456: {  	v5 =	vor.u32 $0x12, v4;
	v3 =	vld.idx.msk [tilespmem:v51+s30+$0x0], $0xffff  }
0x457: {  	v52 =	vor.u32 $0x13, v2;
	_ =	sdelay $0x3  }
0x458: {  	[tilespmem:v5+s3+$0x0] =	vst.idx.add.f32.msk $0xffff, v3  }
0x459: {  	v5 =	vor.u32 $0x13, v4;
	v3 =	vld.idx.msk [tilespmem:v52+s30+$0x0], $0xffff  }
0x45a: {  	v53 =	vor.u32 $0x14, v2;
	_ =	sdelay $0x3  }
0x45b: {  	[tilespmem:v5+s3+$0x0] =	vst.idx.add.f32.msk $0xffff, v3  }
0x45c: {  	v5 =	vor.u32 $0x14, v4;
	v3 =	vld.idx.msk [tilespmem:v53+s30+$0x0], $0xffff  }
0x45d: {  	v54 =	vor.u32 $0x15, v2;
	_ =	sdelay $0x3  }
0x45e: {  	[tilespmem:v5+s3+$0x0] =	vst.idx.add.f32.msk $0xffff, v3  }
0x45f: {  	v5 =	vor.u32 $0x15, v4;
	v3 =	vld.idx.msk [tilespmem:v54+s30+$0x0], $0xffff  }
0x460: {  	v55 =	vor.u32 $0x16, v2;
	_ =	sdelay $0x3  }
0x461: {  	[tilespmem:v5+s3+$0x0] =	vst.idx.add.f32.msk $0xffff, v3  }
0x462: {  	v5 =	vor.u32 $0x16, v4;
	v3 =	vld.idx.msk [tilespmem:v55+s30+$0x0], $0xffff  }
0x463: {  	v56 =	vor.u32 $0x17, v2;
	_ =	sdelay $0x3  }
0x464: {  	[tilespmem:v5+s3+$0x0] =	vst.idx.add.f32.msk $0xffff, v3  }
0x465: {  	v5 =	vor.u32 $0x17, v4;
	v3 =	vld.idx.msk [tilespmem:v56+s30+$0x0], $0xffff  }
0x466: {  	v57 =	vor.u32 $0x18, v2;
	_ =	sdelay $0x3  }
0x467: {  	[tilespmem:v5+s3+$0x0] =	vst.idx.add.f32.msk $0xffff, v3  }
0x468: {  	v5 =	vor.u32 $0x18, v4;
	v3 =	vld.idx.msk [tilespmem:v57+s30+$0x0], $0xffff  }
0x469: {  	v58 =	vor.u32 $0x19, v2;
	_ =	sdelay $0x3  }
0x46a: {  	[tilespmem:v5+s3+$0x0] =	vst.idx.add.f32.msk $0xffff, v3  }
0x46b: {  	v5 =	vor.u32 $0x19, v4;
	v3 =	vld.idx.msk [tilespmem:v58+s30+$0x0], $0xffff  }
0x46c: {  	v59 =	vor.u32 $0x1A, v2;
	_ =	sdelay $0x3  }
0x46d: {  	[tilespmem:v5+s3+$0x0] =	vst.idx.add.f32.msk $0xffff, v3  }
0x46e: {  	v5 =	vor.u32 $0x1A, v4;
	v3 =	vld.idx.msk [tilespmem:v59+s30+$0x0], $0xffff  }
0x46f: {  	v60 =	vor.u32 $0x1B, v2;
	_ =	sdelay $0x3  }
0x470: {  	[tilespmem:v5+s3+$0x0] =	vst.idx.add.f32.msk $0xffff, v3  }
0x471: {  	v5 =	vor.u32 $0x1B, v4;
	v3 =	vld.idx.msk [tilespmem:v60+s30+$0x0], $0xffff  }
0x472: {  	v61 =	vor.u32 $0x1C, v2;
	_ =	sdelay $0x3  }
0x473: {  	[tilespmem:v5+s3+$0x0] =	vst.idx.add.f32.msk $0xffff, v3  }
0x474: {  	v5 =	vor.u32 $0x1C, v4;
	v3 =	vld.idx.msk [tilespmem:v61+s30+$0x0], $0xffff  }
0x475: {  	v62 =	vor.u32 $0x1D, v2;
	_ =	sdelay $0x3  }
0x476: {  	[tilespmem:v5+s3+$0x0] =	vst.idx.add.f32.msk $0xffff, v3  }
0x477: {  	v5 =	vor.u32 $0x1D, v4;
	v3 =	vld.idx.msk [tilespmem:v62+s30+$0x0], $0xffff  }
0x478: {  	v63 =	vor.u32 $0x1E, v2;
	_ =	sdelay $0x3  }
0x479: {  	[tilespmem:v5+s3+$0x0] =	vst.idx.add.f32.msk $0xffff, v3  }
0x47a: {  	v5 =	vor.u32 $0x1E, v4;
	v3 =	vld.idx.msk [tilespmem:v63+s30+$0x0], $0xffff  }
0x47b: {  	v2 =	vor.u32 $0x1F, v2;
	_ =	sdelay $0x3  }
0x47c: {  	[tilespmem:v5+s3+$0x0] =	vst.idx.add.f32.msk $0xffff, v3  }
0x47d: {  	v3 =	vor.u32 $0x1F, v4;
	v2 =	vld.idx.msk [tilespmem:v2+s30+$0x0], $0xffff  }
.Ltmp35:
0x47e: {  	_ = 	snop;
	(pc) =	sbr.rel .LBB2_40-.Ltmp35, $2  }
0x47f: {  	_ =	sdelay $0x2  }
0x480: {  	[tilespmem:v3+s3+$0x0] =	vst.idx.add.f32.msk $0xffff, v2;
	v2 =	vimm.f32 $0.0e+00;
	v3 =	vimm.f32 $0.0e+00  }
.LBB2_41:
0x481: {  	s10 =	rddreg [dreg:$0x9]  }
0x482: {  	s12 =	rddreg [dreg:$0x10]  }
0x483: {  	[spmem:s12], [sflag:s9] =	dma.local [hbm:s10], $0x6C0  }
0x484: {  	s17 =	simm.s32 $0x0;
	s18 =	simm.s32 $0xB000;
	s10 =	rddreg [dreg:$0xa]  }
0x485: {  	[tilespmem:s18], [sflag:$0x1] =	stream.linear.gather [hbm4b:s10+s17], $0x1B0, $0x38;
	[tilespmem:$0x1B1B0] =	vst v63  }
0x486: {  	_ =	swait.ge [sflag:s26], $0x6C0  }
0x487: {  	[sflag:s26] =	ssyncset.done $0x0  }
0x488: {  	[sflag:s26] =	ssyncadd.s32 $0xFFFFF940  }
0x489: {  	_ =	swait.ge [sflag:s26], $0x1B0  }
0x48a: {  	[sflag:s26] =	ssyncset.done $0x0  }
0x48b: {  	[sflag:s26] =	ssyncadd.s32 $0xFFFFFE50  }
.Ltmp36:
0x48c: {  	[bflag:$0x0] =	sbarrier.arrive $0xFFFF;
	(pc) =	sbr.rel .LBB2_42-.Ltmp36, $4  }
0x48d: {  	[tilespmem:s30], [sflag:$0x3] =	stream.strided.gather [spmem:s14], $0x3600, s29, s28, $0x38;
	[tilespmem:$0x1B1B0] =	vst v63  }
0x48e: {  	_ =	swait.ge [sflag:s31], $0x3600  }
0x48f: {  	[sflag:s31] =	ssyncset.done $0x0  }
0x490: {  	s10 =	simm.s32 $0x2100;
	[sflag:s31] =	ssyncadd.s32 $0xFFFFCA00  }
.LBB2_43:
0x491: {  	p1 =	sne.s32 s8, s12  }
0x492: {  	v5 =	vshll.u32 @p1 v39, $0x5;
	v7 =	vlaneseq.u32 @p1  }
0x493: {  	v8 =	vor.u32 @p1 v7, v5  }
0x494: {  	v7 =	vor.u32 @p1 $0x10, v7  }
0x495: {  	v5 =	vor.u32 @p1 v7, v5;
	_ =	sdelay $0x1  }
0x496: {  	s12 =	simm.s32 @p1 $0x0  }
0x497: {  	v7 =	vadd.f32 @!p1 v4, v3;
	[tilespmem:v8+s12+$0x0] =	vst.idx.add.f32.msk @p1 $0xffff, v2;
	v2 =	vadd.f32 @!p1 v6, v2  }
0x498: {  	s8 =	smov.u32 @p1 s16  }
0x499: {  	s16 =	smov.u32 s8;
	[tilespmem:v5+s12+$0x0] =	vst.idx.add.f32.msk @p1 $0xffff, v3;
	v3 =	vpsel p1, v4, v7;
	v2 =	vpsel p1, v6, v2  }
.LBB2_47:
0x49a: {  	s17 =	sadd.s32 $0x10, s17  }
0x49b: {  	p1 =	sne.s32 s17, $0x1B0  }
.Ltmp37:
0x49c: {  	_ = 	snop;
	(pc) =	sbr.rel @!p1 .LBB2_48-.Ltmp37, $2  }
0x49d: {  	_ =	sdelay $0x2  }
0x49e: {  	s18 =	sadd.s32 $0x10, s18;
	s10 =	sadd.s32 $0x200, s10;
	s8 =	smov.u32 s16  }
.LBB2_42:
0x49f: {  	v33 =	vld [tilespmem:s18+$0x0]  }
0x4a0: {  	v36 =	vld [tilespmem:s10+$0xFFFFFF40]  }
0x4a1: {  	v34 =	vld [tilespmem:s10+$0xFFFFFF60]  }
0x4a2: {  	v35 =	vld [tilespmem:s10+$0xFFFFFF80]  }
0x4a3: {  	v32 =	vld [tilespmem:s10+$0xFFFFFFA0]  }
0x4a4: {  	v30 =	vld [tilespmem:s10+$0xFFFFFFC0]  }
0x4a5: {  	v31 =	vld [tilespmem:s10+$0xFFFFFFE0]  }
0x4a6: {  	v29 =	vld [tilespmem:s10+$0x0]  }
0x4a7: {  	v27 =	vld [tilespmem:s10+$0x20]  }
0x4a8: {  	v28 =	vld [tilespmem:s10+$0x40]  }
0x4a9: {  	v26 =	vld [tilespmem:s10+$0x60]  }
0x4aa: {  	v24 =	vld [tilespmem:s10+$0x80]  }
0x4ab: {  	v25 =	vld [tilespmem:s10+$0xA0]  }
0x4ac: {  	v23 =	vld [tilespmem:s10+$0xC0];
	v4 =	vxor.u32 $0x80000000, v33  }
0x4ad: {  	v18 =	vld [tilespmem:s10+$0xE0];
	(xrf0) =	vmax.scan.msk.u32 $0xffff, v4  }
0x4ae: {  	v5 =	vld [tilespmem:s10+$0xFFFFFF10];
	(xrf0) =	vmin.scan.msk.u32 $0xffff, v4  }
0x4af: {  	v7 =	vld [tilespmem:s10+$0xFFFFFF30]  }
0x4b0: {  	v8 =	vld [tilespmem:s10+$0xFFFFFF50]  }
0x4b1: {  	v9 =	vld [tilespmem:s10+$0xFFFFFF70]  }
0x4b2: {  	v10 =	vld [tilespmem:s10+$0xFFFFFF90]  }
0x4b3: {  	v11 =	vld [tilespmem:s10+$0xFFFFFFB0];
	v4, _, _ =	vpop (xrf0)  }
0x4b4: {  	v12 =	vld [tilespmem:s10+$0xFFFFFFD0];
	(v2sf) =	vpush v4, $0xF;
	v4, _, _ =	vpop (xrf0)  }
0x4b5: {  	v13 =	vld [tilespmem:s10+$0xFFFFFFF0];
	(v2sf) =	vpush v4, $0xF  }
0x4b6: {  	v14 =	vld [tilespmem:s10+$0x10]  }
0x4b7: {  	v15 =	vld [tilespmem:s10+$0x30]  }
0x4b8: {  	v16 =	vld [tilespmem:s10+$0x50]  }
0x4b9: {  	v17 =	vld [tilespmem:s10+$0x70]  }
0x4ba: {  	v19 =	vld [tilespmem:s10+$0x90]  }
0x4bb: {  	v20 =	vld [tilespmem:s10+$0xB0];
	v6 =	vadd.f32 v34, v36;
	v39 =	vadd.f32 v32, v35  }
0x4bc: {  	v21 =	vld [tilespmem:s10+$0xD0];
	v40 =	vadd.f32 v31, v30;
	v41 =	vadd.f32 v27, v29  }
0x4bd: {  	v22 =	vld [tilespmem:s10+$0xF0];
	v42 =	vadd.f32 v26, v28;
	v43 =	vadd.f32 v25, v24  }
0x4be: {  	v37 =	vld [tilespmem:s10+$0xFFFFFF00];
	v44 =	vadd.f32 v18, v23;
	v55 =	vadd.f32 v7, v5  }
0x4bf: {  	v38 =	vld [tilespmem:s10+$0xFFFFFF20];
	v56 =	vadd.f32 v9, v8;
	v57 =	vadd.f32 v11, v10  }
0x4c0: {  	v58 =	vadd.f32 v13, v12;
	v45 =	vadd.f32 v15, v14  }
0x4c1: {  	v46 =	vadd.f32 v17, v16;
	v47 =	vadd.f32 v20, v19  }
0x4c2: {  	v48 =	vadd.f32 v22, v21;
	v53 =	vadd.f32 v42, v41  }
0x4c3: {  	v54 =	vadd.f32 v44, v43;
	v41 =	vadd.f32 v56, v55;
	s12 =	spop (v2sf)  }
0x4c4: {  	v59 =	vadd.f32 v58, v57;
	v4 =	vadd.f32 v38, v37;
	s13 =	spop (v2sf)  }
0x4c5: {  	v60 =	vadd.f32 v46, v45;
	v61 =	vadd.f32 v48, v47;
	p1 =	sne.s32 s13, s12  }
.Ltmp38:
0x4c6: {  	v4 =	vadd.f32 v6, v4;
	v6 =	vadd.f32 v40, v39;
	(pc) =	sbr.rel @!p1 .LBB2_43-.Ltmp38, $3  }
0x4c7: {  	v62 =	vadd.f32 v59, v41;
	v63 =	vadd.f32 v61, v60  }
0x4c8: {  	v4 =	vadd.f32 v6, v4;
	v6 =	vadd.f32 v54, v53;
	_ =	sdelay $0x1  }
0x4c9: {  	v39 =	vmov s8;
	v6 =	vadd.f32 v6, v4;
	v4 =	vadd.f32 v63, v62;
	s16 =	sxor.u32 $0x80000000, s12;
	s12 =	sxor.u32 $0x80000000, s13  }
0x4ca: {  	vm0 =	veq.s32 v33, s12;
	vm1 =	veq.s32 v33, s16  }
0x4cb: {  	vm1 =	vmor vm0, vm1  }
0x4cc: {  	v40 =	vsel vm1, $0x3F800000, v0  }
0x4cd: {  	(xrf0) =	vmin.scan.msk.f32 $0xffff, v40;
	_ =	sdelay $0x5  }
0x4ce: {  	v40, _, _ =	vpop (xrf0)  }
0x4cf: {  	(v2sf) =	vpush v40, $0xF;
	_ =	sdelay $0xd  }
0x4d0: {  	v63 =	vshll.u32 v39, $0x5  }
0x4d1: {  	v39 =	vor.u32 $0x10, v1;
	v41 =	vor.u32 v1, v63;
	s8 =	spop (v2sf)  }
0x4d2: {  	v40 =	vor.u32 v39, v63;
	p1 =	sgt.f32 s8, $0.0e+00  }
.Ltmp39:
0x4d3: {  	_ = 	snop;
	(pc) =	sbr.rel @!p1 .LBB2_46-.Ltmp39, $3  }
0x4d4: {  	_ =	sdelay $0x1  }
0x4d5: {  	[tilespmem:v41+s3+$0x0] =	vst.idx.add.f32.msk $0xffff, v2  }
0x4d6: {  	[tilespmem:v40+s3+$0x0] =	vst.idx.add.f32.msk $0xffff, v3  }
0x4d7: {  	v2 =	vmpcnt.ones.xlane vm0;
	_ =	sdelay $0x1  }
0x4d8: {  	vm0 =	vgt.s32 v2, $0x0;
	vm1 =	vgt.s32 v2, $0x1  }
0x4d9: {  	vm2 =	vgt.s32 v2, $0x2;
	vm3 =	vgt.s32 v2, $0x3;
	vm4 =	vgt.s32 v2, $0x4  }
0x4da: {  	vm5 =	vgt.s32 v2, $0x5;
	vm6 =	vgt.s32 v2, $0x6;
	vm7 =	vgt.s32 v2, $0x7  }
0x4db: {  	vm8 =	vgt.s32 v2, $0x8;
	vm9 =	vgt.s32 v2, $0x9;
	vm10 =	vgt.s32 v2, $0xA  }
0x4dc: {  	vm11 =	vgt.s32 v2, $0xB;
	vm12 =	vgt.s32 v2, $0xC;
	vm13 =	vgt.s32 v2, $0xD  }
0x4dd: {  	vm14 =	vgt.s32 v2, $0xE;
	vm15 =	vgt.s32 v2, $0xF;
	v3 =	vnsel vm0, $0x0, v37  }
0x4de: {  	v33 =	vnsel vm1, $0x0, v38;
	v36 =	vnsel vm2, $0x0, v36;
	v34 =	vnsel vm3, $0x0, v34  }
0x4df: {  	v35 =	vnsel vm4, $0x0, v35;
	v32 =	vnsel vm5, $0x0, v32;
	v30 =	vnsel vm6, $0x0, v30  }
0x4e0: {  	v31 =	vnsel vm7, $0x0, v31;
	v29 =	vnsel vm8, $0x0, v29;
	v27 =	vnsel vm9, $0x0, v27  }
0x4e1: {  	v28 =	vnsel vm10, $0x0, v28;
	v26 =	vnsel vm11, $0x0, v26;
	v24 =	vnsel vm12, $0x0, v24  }
0x4e2: {  	v25 =	vnsel vm13, $0x0, v25;
	v23 =	vnsel vm14, $0x0, v23;
	v18 =	vnsel vm15, $0x0, v18  }
0x4e3: {  	v5 =	vnsel vm0, $0x0, v5;
	v7 =	vnsel vm1, $0x0, v7;
	v8 =	vnsel vm2, $0x0, v8  }
0x4e4: {  	v9 =	vnsel vm3, $0x0, v9;
	v10 =	vnsel vm4, $0x0, v10;
	v11 =	vnsel vm5, $0x0, v11  }
0x4e5: {  	v12 =	vnsel vm6, $0x0, v12;
	v13 =	vnsel vm7, $0x0, v13;
	v14 =	vnsel vm8, $0x0, v14  }
0x4e6: {  	v15 =	vnsel vm9, $0x0, v15;
	v3 =	vadd.f32 v33, v3;
	v48 =	vadd.f32 v34, v36  }
0x4e7: {  	v16 =	vnsel vm10, $0x0, v16;
	v2 =	vadd.f32 v32, v35;
	v30 =	vadd.f32 v31, v30  }
0x4e8: {  	v17 =	vnsel vm11, $0x0, v17;
	v27 =	vadd.f32 v27, v29;
	v26 =	vadd.f32 v26, v28  }
0x4e9: {  	v19 =	vnsel vm12, $0x0, v19;
	v24 =	vadd.f32 v25, v24;
	v18 =	vadd.f32 v18, v23  }
0x4ea: {  	v20 =	vnsel vm13, $0x0, v20;
	v5 =	vadd.f32 v7, v5;
	v50 =	vadd.f32 v9, v8  }
0x4eb: {  	v51 =	vnsel vm14, $0x0, v21;
	v52 =	vadd.f32 v11, v10;
	v53 =	vadd.f32 v13, v12  }
0x4ec: {  	v54 =	vnsel vm15, $0x0, v22;
	v55 =	vadd.f32 v15, v14;
	v56 =	vadd.f32 v17, v16  }
0x4ed: {  	v58 =	vadd.f32 v20, v19;
	v8 =	vadd.f32 v54, v51  }
0x4ee: {  	v3 =	vadd.f32 v48, v3;
	v2 =	vadd.f32 v30, v2  }
0x4ef: {  	v57 =	vmov s12;
	v49 =	vadd.f32 v26, v27;
	v18 =	vadd.f32 v18, v24  }
0x4f0: {  	v60 =	vshll.u32 v57, $0x5;
	v5 =	vadd.f32 v50, v5;
	v59 =	vadd.f32 v53, v52  }
0x4f1: {  	v62 =	vor.u32 v1, v60;
	v61 =	vadd.f32 v56, v55;
	v8 =	vadd.f32 v8, v58  }
0x4f2: {  	v9 =	vor.u32 v39, v60;
	v2 =	vadd.f32 v2, v3;
	v3 =	vadd.f32 v18, v49  }
.Ltmp40:
0x4f3: {  	v5 =	vadd.f32 v59, v5;
	v63 =	vadd.f32 v8, v61;
	(pc) =	sbr.rel .LBB2_47-.Ltmp40, $4  }
0x4f4: {  	v2 =	vadd.f32 v3, v2  }
0x4f5: {  	v3 =	vadd.f32 v63, v5  }
0x4f6: {  	[tilespmem:v62+s3+$0x0] =	vst.idx.add.f32.msk $0xffff, v2  }
0x4f7: {  	v2 =	vsub.f32 v6, v2;
	[tilespmem:v9+s3+$0x0] =	vst.idx.add.f32.msk $0xffff, v3;
	v3 =	vsub.f32 v4, v3  }
.LBB2_46:
0x4f8: {  	v2 =	vmov s17;
	v3 =	vmul.u32 $0x20, v1  }
0x4f9: {  	v2 =	vshll.u32 v2, $0x5  }
0x4fa: {  	v2 =	vor.u32 v3, v2;
	_ =	sdelay $0x4  }
0x4fb: {  	v4 =	vshll.u32 v33, $0x5;
	v3 =	vld.idx.msk [tilespmem:v2+s30+$0x0], $0xffff  }
0x4fc: {  	v5 =	vor.u32 $0x1, v2;
	_ =	sdelay $0x3  }
0x4fd: {  	[tilespmem:v4+s3+$0x0] =	vst.idx.add.f32.msk $0xffff, v3  }
0x4fe: {  	v3 =	vld.idx.msk [tilespmem:v5+s30+$0x0], $0xffff;
	v5 =	vor.u32 $0x1, v4  }
0x4ff: {  	v6 =	vor.u32 $0x2, v2;
	_ =	sdelay $0x3  }
0x500: {  	[tilespmem:v5+s3+$0x0] =	vst.idx.add.f32.msk $0xffff, v3  }
0x501: {  	v5 =	vor.u32 $0x2, v4;
	v3 =	vld.idx.msk [tilespmem:v6+s30+$0x0], $0xffff  }
0x502: {  	v36 =	vor.u32 $0x3, v2;
	_ =	sdelay $0x3  }
0x503: {  	[tilespmem:v5+s3+$0x0] =	vst.idx.add.f32.msk $0xffff, v3  }
0x504: {  	v5 =	vor.u32 $0x3, v4;
	v3 =	vld.idx.msk [tilespmem:v36+s30+$0x0], $0xffff  }
0x505: {  	v37 =	vor.u32 $0x4, v2;
	_ =	sdelay $0x3  }
0x506: {  	[tilespmem:v5+s3+$0x0] =	vst.idx.add.f32.msk $0xffff, v3  }
0x507: {  	v5 =	vor.u32 $0x4, v4;
	v3 =	vld.idx.msk [tilespmem:v37+s30+$0x0], $0xffff  }
0x508: {  	v38 =	vor.u32 $0x5, v2;
	_ =	sdelay $0x3  }
0x509: {  	[tilespmem:v5+s3+$0x0] =	vst.idx.add.f32.msk $0xffff, v3  }
0x50a: {  	v5 =	vor.u32 $0x5, v4;
	v3 =	vld.idx.msk [tilespmem:v38+s30+$0x0], $0xffff  }
0x50b: {  	v39 =	vor.u32 $0x6, v2;
	_ =	sdelay $0x3  }
0x50c: {  	[tilespmem:v5+s3+$0x0] =	vst.idx.add.f32.msk $0xffff, v3  }
0x50d: {  	v5 =	vor.u32 $0x6, v4;
	v3 =	vld.idx.msk [tilespmem:v39+s30+$0x0], $0xffff  }
0x50e: {  	v40 =	vor.u32 $0x7, v2;
	_ =	sdelay $0x3  }
0x50f: {  	[tilespmem:v5+s3+$0x0] =	vst.idx.add.f32.msk $0xffff, v3  }
0x510: {  	v5 =	vor.u32 $0x7, v4;
	v3 =	vld.idx.msk [tilespmem:v40+s30+$0x0], $0xffff  }
0x511: {  	v41 =	vor.u32 $0x8, v2;
	_ =	sdelay $0x3  }
0x512: {  	[tilespmem:v5+s3+$0x0] =	vst.idx.add.f32.msk $0xffff, v3  }
0x513: {  	v5 =	vor.u32 $0x8, v4;
	v3 =	vld.idx.msk [tilespmem:v41+s30+$0x0], $0xffff  }
0x514: {  	v42 =	vor.u32 $0x9, v2;
	_ =	sdelay $0x3  }
0x515: {  	[tilespmem:v5+s3+$0x0] =	vst.idx.add.f32.msk $0xffff, v3  }
0x516: {  	v5 =	vor.u32 $0x9, v4;
	v3 =	vld.idx.msk [tilespmem:v42+s30+$0x0], $0xffff  }
0x517: {  	v43 =	vor.u32 $0xA, v2;
	_ =	sdelay $0x3  }
0x518: {  	[tilespmem:v5+s3+$0x0] =	vst.idx.add.f32.msk $0xffff, v3  }
0x519: {  	v5 =	vor.u32 $0xA, v4;
	v3 =	vld.idx.msk [tilespmem:v43+s30+$0x0], $0xffff  }
0x51a: {  	v44 =	vor.u32 $0xB, v2;
	_ =	sdelay $0x3  }
0x51b: {  	[tilespmem:v5+s3+$0x0] =	vst.idx.add.f32.msk $0xffff, v3  }
0x51c: {  	v5 =	vor.u32 $0xB, v4;
	v3 =	vld.idx.msk [tilespmem:v44+s30+$0x0], $0xffff  }
0x51d: {  	v45 =	vor.u32 $0xC, v2;
	_ =	sdelay $0x3  }
0x51e: {  	[tilespmem:v5+s3+$0x0] =	vst.idx.add.f32.msk $0xffff, v3  }
0x51f: {  	v5 =	vor.u32 $0xC, v4;
	v3 =	vld.idx.msk [tilespmem:v45+s30+$0x0], $0xffff  }
0x520: {  	v46 =	vor.u32 $0xD, v2;
	_ =	sdelay $0x3  }
0x521: {  	[tilespmem:v5+s3+$0x0] =	vst.idx.add.f32.msk $0xffff, v3  }
0x522: {  	v5 =	vor.u32 $0xD, v4;
	v3 =	vld.idx.msk [tilespmem:v46+s30+$0x0], $0xffff  }
0x523: {  	v47 =	vor.u32 $0xE, v2;
	_ =	sdelay $0x3  }
0x524: {  	[tilespmem:v5+s3+$0x0] =	vst.idx.add.f32.msk $0xffff, v3  }
0x525: {  	v5 =	vor.u32 $0xE, v4;
	v3 =	vld.idx.msk [tilespmem:v47+s30+$0x0], $0xffff  }
0x526: {  	v48 =	vor.u32 $0xF, v2;
	_ =	sdelay $0x3  }
0x527: {  	[tilespmem:v5+s3+$0x0] =	vst.idx.add.f32.msk $0xffff, v3  }
0x528: {  	v5 =	vor.u32 $0xF, v4;
	v3 =	vld.idx.msk [tilespmem:v48+s30+$0x0], $0xffff  }
0x529: {  	v49 =	vor.u32 $0x10, v2;
	_ =	sdelay $0x3  }
0x52a: {  	[tilespmem:v5+s3+$0x0] =	vst.idx.add.f32.msk $0xffff, v3  }
0x52b: {  	v5 =	vor.u32 $0x10, v4;
	v3 =	vld.idx.msk [tilespmem:v49+s30+$0x0], $0xffff  }
0x52c: {  	v50 =	vor.u32 $0x11, v2;
	_ =	sdelay $0x3  }
0x52d: {  	[tilespmem:v5+s3+$0x0] =	vst.idx.add.f32.msk $0xffff, v3  }
0x52e: {  	v5 =	vor.u32 $0x11, v4;
	v3 =	vld.idx.msk [tilespmem:v50+s30+$0x0], $0xffff  }
0x52f: {  	v51 =	vor.u32 $0x12, v2;
	_ =	sdelay $0x3  }
0x530: {  	[tilespmem:v5+s3+$0x0] =	vst.idx.add.f32.msk $0xffff, v3  }
0x531: {  	v5 =	vor.u32 $0x12, v4;
	v3 =	vld.idx.msk [tilespmem:v51+s30+$0x0], $0xffff  }
0x532: {  	v52 =	vor.u32 $0x13, v2;
	_ =	sdelay $0x3  }
0x533: {  	[tilespmem:v5+s3+$0x0] =	vst.idx.add.f32.msk $0xffff, v3  }
0x534: {  	v5 =	vor.u32 $0x13, v4;
	v3 =	vld.idx.msk [tilespmem:v52+s30+$0x0], $0xffff  }
0x535: {  	v53 =	vor.u32 $0x14, v2;
	_ =	sdelay $0x3  }
0x536: {  	[tilespmem:v5+s3+$0x0] =	vst.idx.add.f32.msk $0xffff, v3  }
0x537: {  	v5 =	vor.u32 $0x14, v4;
	v3 =	vld.idx.msk [tilespmem:v53+s30+$0x0], $0xffff  }
0x538: {  	v54 =	vor.u32 $0x15, v2;
	_ =	sdelay $0x3  }
0x539: {  	[tilespmem:v5+s3+$0x0] =	vst.idx.add.f32.msk $0xffff, v3  }
0x53a: {  	v5 =	vor.u32 $0x15, v4;
	v3 =	vld.idx.msk [tilespmem:v54+s30+$0x0], $0xffff  }
0x53b: {  	v55 =	vor.u32 $0x16, v2;
	_ =	sdelay $0x3  }
0x53c: {  	[tilespmem:v5+s3+$0x0] =	vst.idx.add.f32.msk $0xffff, v3  }
0x53d: {  	v5 =	vor.u32 $0x16, v4;
	v3 =	vld.idx.msk [tilespmem:v55+s30+$0x0], $0xffff  }
0x53e: {  	v56 =	vor.u32 $0x17, v2;
	_ =	sdelay $0x3  }
0x53f: {  	[tilespmem:v5+s3+$0x0] =	vst.idx.add.f32.msk $0xffff, v3  }
0x540: {  	v5 =	vor.u32 $0x17, v4;
	v3 =	vld.idx.msk [tilespmem:v56+s30+$0x0], $0xffff  }
0x541: {  	v57 =	vor.u32 $0x18, v2;
	_ =	sdelay $0x3  }
0x542: {  	[tilespmem:v5+s3+$0x0] =	vst.idx.add.f32.msk $0xffff, v3  }
0x543: {  	v5 =	vor.u32 $0x18, v4;
	v3 =	vld.idx.msk [tilespmem:v57+s30+$0x0], $0xffff  }
0x544: {  	v58 =	vor.u32 $0x19, v2;
	_ =	sdelay $0x3  }
0x545: {  	[tilespmem:v5+s3+$0x0] =	vst.idx.add.f32.msk $0xffff, v3  }
0x546: {  	v5 =	vor.u32 $0x19, v4;
	v3 =	vld.idx.msk [tilespmem:v58+s30+$0x0], $0xffff  }
0x547: {  	v59 =	vor.u32 $0x1A, v2;
	_ =	sdelay $0x3  }
0x548: {  	[tilespmem:v5+s3+$0x0] =	vst.idx.add.f32.msk $0xffff, v3  }
0x549: {  	v5 =	vor.u32 $0x1A, v4;
	v3 =	vld.idx.msk [tilespmem:v59+s30+$0x0], $0xffff  }
0x54a: {  	v60 =	vor.u32 $0x1B, v2;
	_ =	sdelay $0x3  }
0x54b: {  	[tilespmem:v5+s3+$0x0] =	vst.idx.add.f32.msk $0xffff, v3  }
0x54c: {  	v5 =	vor.u32 $0x1B, v4;
	v3 =	vld.idx.msk [tilespmem:v60+s30+$0x0], $0xffff  }
0x54d: {  	v61 =	vor.u32 $0x1C, v2;
	_ =	sdelay $0x3  }
0x54e: {  	[tilespmem:v5+s3+$0x0] =	vst.idx.add.f32.msk $0xffff, v3  }
0x54f: {  	v5 =	vor.u32 $0x1C, v4;
	v3 =	vld.idx.msk [tilespmem:v61+s30+$0x0], $0xffff  }
0x550: {  	v62 =	vor.u32 $0x1D, v2;
	_ =	sdelay $0x3  }
0x551: {  	[tilespmem:v5+s3+$0x0] =	vst.idx.add.f32.msk $0xffff, v3  }
0x552: {  	v5 =	vor.u32 $0x1D, v4;
	v3 =	vld.idx.msk [tilespmem:v62+s30+$0x0], $0xffff  }
0x553: {  	v63 =	vor.u32 $0x1E, v2;
	_ =	sdelay $0x3  }
0x554: {  	[tilespmem:v5+s3+$0x0] =	vst.idx.add.f32.msk $0xffff, v3  }
0x555: {  	v5 =	vor.u32 $0x1E, v4;
	v3 =	vld.idx.msk [tilespmem:v63+s30+$0x0], $0xffff  }
0x556: {  	v2 =	vor.u32 $0x1F, v2;
	_ =	sdelay $0x3  }
0x557: {  	[tilespmem:v5+s3+$0x0] =	vst.idx.add.f32.msk $0xffff, v3  }
0x558: {  	v3 =	vor.u32 $0x1F, v4;
	v2 =	vld.idx.msk [tilespmem:v2+s30+$0x0], $0xffff  }
.Ltmp41:
0x559: {  	_ = 	snop;
	(pc) =	sbr.rel .LBB2_47-.Ltmp41, $2  }
0x55a: {  	_ =	sdelay $0x2  }
0x55b: {  	[tilespmem:v3+s3+$0x0] =	vst.idx.add.f32.msk $0xffff, v2;
	v2 =	vimm.f32 $0.0e+00;
	v3 =	vimm.f32 $0.0e+00  }
.LBB2_49:
0x55c: {  	_ =	sfence.sel $0x180000  }
0x55d: {  	[bflag:$0x0] =	sbarrier.arrive $0xFFFF  }
0x55e: {  	_ =	strace $0x9000004A  }
0x55f: {  	s0 =	stileid.u32;
	[bflag:$0x2] =	sbarrier.arrive $0xFFFF  }
0x560: {  	p0 =	sne.s32 s0, $0x0;
	s0 =	rddreg [dreg:$0x4]  }
0x561: {  	s0 =	sadd.s32 @!p0 $0x100000, s0  }
0x562: {  	[sflag:s0] =	ssyncadd.tile.s32 @!p0 $0x1;
	_ =	shalt  }
.Lfunc_end2:
_tile_overlayer_lowered:
.L_overlay_start_2:
0x563: {  	(tag) =	ssettag $0x2  }
0x564: {  	s0 =	rddreg [dreg:$0x0];
	s2 =	stileid.u32  }
0x565: {  	s1 =	rddreg [dreg:$0x1];
	p0 =	sne.s32 s2, $0x0  }
0x566: {  	s3 =	rddreg [dreg:$0x2];
	[bflag:$0x3] =	sbarrier.arrive $0xFFFF;
	s2 =	simm.s32 @!p0 $0x1C03  }
0x567: {  	[timem:s3], [sflag:s2] =	dma.local @!p0 [hbm:s0], s1  }
0x568: {  	s0 =	simm.s32 @!p0 $0x3  }
0x569: {  	_ =	swait.ge @!p0 [sflag:s0], s1  }
0x56a: {  	s1 =	ssub.s32 @!p0 $0x0, s1;
	[sflag:s0] =	ssyncset.done @!p0 $0x0  }
0x56b: {  	[sflag:s0] =	ssyncadd.s32 @!p0 s1  }
0x56c: {  	[bflag:$0x3] =	sbarrier.arrive $0xFFFF  }
0x56d: {  	_ =	shalt  }

// kernel: sparse-core-data-format-call.cloned.1.call-start
scs
called_computation_lowered:
.L_overlay_start_0:
0x0: {  	s2 =	sld [smem:$0x3FD9]  }
0x1: {  	s3 =	sld [smem:$0x3FFE];
	_ =	sdelay $0x1  }
0x2: {  	s1 =	srdreg.scid  }
0x3: {  	s0 =	sand.u32 $0x1, s1  }
0x4: {  	s18 =	sshll.u32 s0, $0xA;
	s2 =	sadd.s32 s3, s2  }
0x5: {  	s2 =	sadd.s32 s2, s18  }
0x6: {  	[smem:$0x3FC6] =	sst s2  }
0x7: {  	_ = 	snop  }
0x8: {  	s2 =	sld [smem:$0x3FC9];
	(tm) =	ssettm $0x1  }
0x9: {  	s19 =	sld [smem:$0x3FFB];
	_ =	sdelay $0x3  }
0xa: {  	_ =	strace s19  }
0xb: {  	s3 =	sld [smem:$0x3FFC];
	_ =	sdelay $0x3  }
0xc: {  	_ =	strace s3  }
0xd: {  	s3 =	sld [smem:$0x3FFD];
	_ =	sdelay $0x3  }
0xe: {  	_ =	strace s3  }
0xf: {  	_ =	strace $0x8FFFFFFF  }
0x10: {  	s20 =	sld [smem:$0x3FDB];
	_ =	sdelay $0x1  }
0x11: {  	s4 =	simm.s32 $_scs_section_size  }
0x12: {  	s5 =	simm.s32 $_size__tile_overlayer_lowered;
	s6 =	simm.s32 $_tile_overlayer_lowered  }
0x13: {  	s23 =	simm.s32 $0x1BFF;
	s22 =	sshll.u32 s6, $0x1;
	s3 =	sadd.s32 s4, s20  }
0x14: {  	s7 =	simm.s32 $0x0;
	s21 =	sshll.u32 s5, $0x1;
	s5 =	sadd.s32 s22, s3  }
0x15: {  	[timem:s7], [sflag:s23] =	dma.local [hbm:s5], s21  }
0x16: {  	_ =	swait.ge [sflag:s23], s21  }
0x17: {  	s4 =	ssub.s32 $0x0, s21;
	[sflag:s23] =	ssyncset.done $0x0  }
0x18: {  	[sflag:s23] =	ssyncadd.s32 s4;
	_ =	sdelay $0x1  }
0x19: {  	s24 =	simm.s32 $0x1B8B  }
0x1a: {  	_ =	swait.ge [sflag:s24], $0x1  }
0x1b: {  	[sflag:s24] =	ssyncset.done $0x0  }
0x1c: {  	s26 =	simm.s32 $0x1B8E;
	s25 =	sld [smem:$0x3FFE];
	[sflag:s24] =	ssyncadd.s32 $0xFFFFFFFF  }
0x1d: {  	s27 =	simm.s32 $execute0_lowered;
	[smem:$0x3FD2] =	sst s26  }
0x1e: {  	s5 =	sshll.u32 s27, $0x1;
	_ =	strace $0x80000046;
	[dreg:$0x1] =	wrdreg $0xFFFFFFFF  }
0x1f: {  	s28 =	simm.s32 $_size_execute0_lowered;
	s3 =	sadd.s32 s3, s5;
	[dreg:$0x0] =	wrdreg $0x0  }
0x20: {  	s5 =	sshll.u32 s28, $0x1;
	[dreg:$0x2] =	wrdreg s3  }
0x21: {  	[dreg:$0x3] =	wrdreg s5  }
0x22: {  	[dreg:$0x4] =	wrdreg $0xC0  }
0x23: {  	_ =	task [dreg:s7], $0x5FFFF  }
0x24: {  	[dreg:$0x1] =	wrdreg $0xFFFFFFFF  }
0x25: {  	[dreg:$0x0] =	wrdreg $0x60  }
0x26: {  	[dreg:$0x2] =	wrdreg s2  }
0x27: {  	[dreg:$0x3] =	wrdreg s25  }
0x28: {  	[dreg:$0x4] =	wrdreg $0x9  }
0x29: {  	_ =	task.clear_ibuf [dreg:s7], $0x5FFFF;
	_ =	strace $0x90000046  }
0x2a: {  	s29 =	simm.s32 $0x9;
	_ =	strace $0x80000048  }
0x2b: {  	_ =	swait.ge [sflag:s29], $0x1  }
0x2c: {  	[sflag:s29] =	ssyncadd.s32 $0xFFFFFFFF  }
0x2d: {  	_ =	strace $0x90000048  }
0x2e: {  	_ =	sfence  }
0x2f: {  	s30 =	sld [smem:$0x0];
	_ =	sdelay $0x2  }
0x30: {  	s31 =	sshll.u32 s1, $0xD;
	s1 =	sshrl.u32 s1, $0x2  }
0x31: {  	s3 =	sand.u32 $0x4000, s31;
	s1 =	sadd.s32 s1, s30  }
0x32: {  	s0 =	sor.u32 s3, s0;
	s1 =	sshll.u32 s1, $0x11  }
0x33: {  	s0 =	sor.u32 s1, s0  }
0x34: {  	s0 =	sadd.s32 $0x8F2B, s0  }
0x35: {  	[sflag:s0] =	ssyncadd.remote.s32 $0x1  }
0x36: {  	_ =	sfence.sel $0xFFFF  }
0x37: {  	[dreg:$0x0] =	wrdreg $0xFFFFFFFF;
	(pc) =	sbr.abs _section_cstart, $3  }
0x38: {  	[dreg:$0x1] =	wrdreg $0xFFFFFFFF  }
0x39: {  	_ =	task.clear_ibuf [dreg:s7], $0x2FFFF;
	_ =	strace $0x9FFFFFFF  }
0x3a: {  	(tm) =	ssettm $0x7FFFFFFF  }
0x3b: {  	_ =	shalt  }
tec
execute0_lowered:
.L_overlay_start_1:
0x0: {  	(tag) =	ssettag $0x1  }
0x1: {  	s0 =	srdreg.scid;
	s2 =	rddreg [dreg:$0x0]  }
0x2: {  	s5 =	rddreg [dreg:$0x1];
	s1 =	stileid.u32  }
0x3: {  	s4 =	simm.s32 $0x1;
	s6 =	simm.s32 $0x2;
	s0 =	sshll.u32 s0, $0x4  }
0x4: {  	s8 =	simm.s32 $0x0;
	s9 =	simm.s32 $0x0;
	s3 =	sand.u32 $0x10, s0  }
.Ltmp0:
0x5: {  	s13 =	simm.s32 $0x0;
	s3 =	sor.u32 s1, s3;
	(pc) =	sbr.rel .LBB1_1-.Ltmp0, $4  }
0x6: {  	s0 =	rddreg [dreg:$0x2];
	_ =	strace $0x80000047;
	s3 =	sshll.u32 s3, $0x2  }
0x7: {  	s10 =	simm.s32 $0x0;
	[sflag:s4] =	ssyncpa.u1 $0x0;
	s7 =	ssub.s32 $0x1868, s3  }
0x8: {  	s12 =	simm.s32 $0x0;
	[sflag:s6] =	ssyncpa.u1 $0x0;
	s6 =	sshrl.u32 s7, $0x7  }
0x9: {  	s5 =	sadd.s32 $0x800, s5;
	s11 =	smov.u32 s3;
	s7 =	sadd.s32 $0x2, s6  }
.LBB1_9:
0xa: {  	s15 =	sshll.u32 s12, $0xE  }
0xb: {  	s16 =	sshll.u32 s10, $0x9;
	s15 =	sand.u32 $0x4000, s15  }
0xc: {  	s16 =	sadd.s32 s5, s16;
	s15 =	sor.u32 $0x8000, s15  }
0xd: {  	[hbm4b:s16+s8] =	stream.linear.scatter [tilespmem:s15], [sflag:$0x2], s14, $0x38;
	[tilespmem:$0x10000] =	vst v63  }
.LBB1_10:
0xe: {  	p0 =	slt.u32 s12, $0x2  }
0xf: {  	p1 =	sgt.s32 @!p0 s13, $0x1866  }
0x10: {  	s14 =	smov.u32 s13;
	s15 =	sshra.s32 @!p0 s13, $0x1F;
	p1 =	por !p1, p0  }
0x11: {  	s13 =	sand.u32 @!p0 s15, s13;
	s14 =	simm.s32 @p1 $0x1866  }
0x12: {  	s13 =	ssub.s32 @!p0 s14, s13  }
0x13: {  	s13 =	sadd.s32 @!p0 $0xFFFFE79A, s13  }
0x14: {  	s14 =	sshll.u32 @!p0 s13, $0xE  }
0x15: {  	p1 =	sgt.s32 @!p0 s13, $0x3;
	s13 =	ssub.s32 @!p0 $0x10000, s14  }
0x16: {  	s15 =	sadd.s32 $0x80, s11;
	p1 =	por !p1, p0;
	s13 =	sshrl.u32 @!p0 s13, $0x2  }
0x17: {  	s13 =	simm.s32 @!p1 $0x0;
	p1 =	sgt.s32 s15, $0x1869  }
0x18: {  	s15 =	smov.u32 @p1 s3;
	p1 =	sne.s32 s12, s7  }
.Ltmp1:
0x19: {  	_ = 	snop;
	(pc) =	sbr.rel @!p1 .LBB1_11-.Ltmp1, $4  }
0x1a: {  	s14 =	simm.s32 @!p0 $0x2  }
0x1b: {  	s9 =	sadd.s32 $0x4000, s9;
	_ =	swait.ge @!p0 [sflag:s14], s13;
	s16 =	ssub.s32 @!p0 $0x0, s13  }
0x1c: {  	s13 =	smov.u32 s10;
	s12 =	sadd.s32 $0x1, s12;
	[sflag:s14] =	ssyncset.done @!p0 $0x0  }
0x1d: {  	s10 =	smov.u32 s11;
	s11 =	smov.u32 s15;
	[sflag:s14] =	ssyncadd.s32 @!p0 s16  }
.LBB1_1:
0x1e: {  	p0 =	sgt.u32 s12, s6  }
0x1f: {  	p1 =	sgt.s32 @!p0 s11, $0x1866  }
0x20: {  	s14 =	smov.u32 s11;
	s15 =	sshra.s32 @!p0 s11, $0x1F;
	p1 =	por !p1, p0  }
0x21: {  	s15 =	sand.u32 @!p0 s15, s11;
	s14 =	simm.s32 @p1 $0x1866  }
0x22: {  	s14 =	ssub.s32 @!p0 s14, s15  }
0x23: {  	s14 =	sadd.s32 @!p0 $0xFFFFE79A, s14  }
0x24: {  	s17 =	simm.s32 @!p0 $0x0;
	s15 =	sxor.u32 @!p0 $0xFFFFFFFF, s12;
	s16 =	sshll.u32 @!p0 s14, $0xE  }
0x25: {  	s15 =	sshll.u32 @!p0 s15, $0xE;
	p1 =	sgt.s32 @!p0 s14, $0x3;
	s14 =	ssub.s32 @!p0 $0x10000, s16  }
0x26: {  	p1 =	por !p1, p0;
	s16 =	sshll.u32 @!p0 s11, $0x9;
	s14 =	sshrl.u32 @!p0 s14, $0x2  }
0x27: {  	s15 =	sand.u32 @!p0 $0x4000, s15;
	s16 =	sadd.s32 @!p0 s2, s16;
	s14 =	simm.s32 @!p1 $0x0  }
0x28: {  	[tilespmem:s15], [sflag:$0x1] =	stream.linear.gather @!p0 [hbm4b:s16+s17], s14, $0x38;
	[tilespmem:$0x10000] =	vst v63  }
0x29: {  	p0 =	seq.s32 s12, $0x0  }
0x2a: {  	p1 =	sge.u32 @!p0 s12, s7  }
0x2b: {  	p0 =	por p0, p1  }
.Ltmp2:
0x2c: {  	_ = 	snop;
	(pc) =	sbr.rel @p0 .LBB1_10-.Ltmp2, $1  }
0x2d: {  	_ =	sdelay $0x3  }
0x2e: {  	p0 =	sgt.s32 s10, $0x1866;
	s14 =	smov.u32 s10;
	s15 =	sshra.s32 s10, $0x1F  }
0x2f: {  	s14 =	simm.s32 @!p0 $0x1866;
	s15 =	sand.u32 s15, s10  }
0x30: {  	s14 =	ssub.s32 s14, s15  }
0x31: {  	s16 =	sadd.s32 $0x4, s10;
	s14 =	sadd.s32 $0xFFFFE79A, s14  }
0x32: {  	p1 =	slt.s32 s16, $0x186A;
	s30 =	sshll.u32 s14, $0xE  }
0x33: {  	s16 =	simm.s32 @!p1 $0x186A;
	s15 =	ssub.s32 $0x10000, s30  }
0x34: {  	p0 =	sgt.s32 s14, $0x3;
	s14 =	sshrl.u32 s15, $0x2;
	s15 =	ssub.s32 s16, s10  }
0x35: {  	s14 =	simm.s32 @p0 $0x0;
	p0 =	slt.s32 s15, $0x1  }
.Ltmp3:
0x36: {  	_ = 	snop;
	(pc) =	sbr.rel @p0 .LBB1_9-.Ltmp3, $4  }
0x37: {  	_ = 	snop  }
0x38: {  	_ =	swait.ge [sflag:s4], s14  }
0x39: {  	s31 =	ssub.s32 $0x0, s14;
	[sflag:s4] =	ssyncset.done $0x0  }
0x3a: {  	[sflag:s4] =	ssyncadd.s32 s31  }
0x3b: {  	s17 =	sand.u32 $0x4000, s9  }
0x3c: {  	s18 =	simm.s32 $0x0;
	s16 =	sor.u32 $0x40, s17;
	s17 =	sor.u32 $0x8040, s17  }
.LBB1_4:
0x3d: {  	s19 =	smov.u32 s17;
	s20 =	smov.u32 s16;
	s21 =	simm.s32 $0x0  }
.LBB1_5:
0x3e: {  	v0 =	vmov s19;
	v2 =	vld [tilespmem:s20+$0x30]  }
0x3f: {  	v4 =	vld [tilespmem:s20+$0xFFFFFFD0]  }
0x40: {  	v6 =	vld [tilespmem:s20+$0xFFFFFFE0]  }
0x41: {  	v7 =	vld [tilespmem:s20+$0xFFFFFFF0]  }
0x42: {  	s22 =	simm.s32 $0x0;
	v1 =	vld [tilespmem:s20+$0x0]  }
0x43: {  	v3 =	vld [tilespmem:s20+$0x10];
	[tilespmem:v0+s22+$0x30 ss:$0x1] =	vst.idx.msk $0xffff, v2  }
0x44: {  	v5 =	vld [tilespmem:s20+$0x20];
	[tilespmem:v0+s22+$0xFFFFFFD0 ss:$0x1] =	vst.idx.msk $0xffff, v4  }
0x45: {  	s23 =	sadd.s32 $0x80, s20;
	v2 =	vld [tilespmem:s20+$0xFFFFFFC0];
	[tilespmem:v0+s22+$0xFFFFFFE0 ss:$0x1] =	vst.idx.msk $0xffff, v6  }
0x46: {  	s24 =	simm.s32 $0x800;
	s25 =	simm.s32 $0x1000;
	v4 =	vld [tilespmem:s23+$0x30];
	[tilespmem:v0+s22+$0xFFFFFFF0 ss:$0x1] =	vst.idx.msk $0xffff, v7  }
.LBB1_6:
0x47: {  	p0 =	sne.s32 s25, $0x3800;
	v6 =	vld [tilespmem:s23+$0xFFFFFFD0];
	[tilespmem:v0+s22+$0x0 ss:$0x1] =	vst.idx.msk $0xffff, v1  }
0x48: {  	v7 =	vld [tilespmem:s23+$0xFFFFFFE0];
	[tilespmem:v0+s22+$0x10 ss:$0x1] =	vst.idx.msk $0xffff, v3  }
0x49: {  	v8 =	vld [tilespmem:s23+$0xFFFFFFF0];
	[tilespmem:v0+s22+$0x20 ss:$0x1] =	vst.idx.msk $0xffff, v5  }
.Ltmp4:
0x4a: {  	v1 =	vld [tilespmem:s23+$0x0];
	[tilespmem:v0+s22+$0xFFFFFFC0 ss:$0x1] =	vst.idx.msk $0xffff, v2;
	s22 =	sshra.s32 s24, $0x2;
	s24 =	smov.u32 s25;
	(pc) =	sbr.rel @p0 .LBB1_6-.Ltmp4, $4  }
0x4b: {  	v3 =	vld [tilespmem:s23+$0x10];
	[tilespmem:v0+s22+$0x30 ss:$0x1] =	vst.idx.msk $0xffff, v4  }
0x4c: {  	[tilespmem:v0+s22+$0xFFFFFFD0 ss:$0x1] =	vst.idx.msk $0xffff, v6;
	v5 =	vld [tilespmem:s23+$0x20]  }
0x4d: {  	v2 =	vld [tilespmem:s23+$0xFFFFFFC0];
	[tilespmem:v0+s22+$0xFFFFFFE0 ss:$0x1] =	vst.idx.msk $0xffff, v7;
	s23 =	sadd.s32 $0x80, s23  }
0x4e: {  	s25 =	sadd.s32 $0x800, s25;
	v4 =	vld [tilespmem:s23+$0x30];
	[tilespmem:v0+s22+$0xFFFFFFF0 ss:$0x1] =	vst.idx.msk $0xffff, v8  }
0x4f: {  	_ =	sdelay $0x3  }
0x50: {  	v6 =	vld [tilespmem:s23+$0xFFFFFFD0];
	[tilespmem:v0+s22+$0x0 ss:$0x1] =	vst.idx.msk $0xffff, v1  }
0x51: {  	v58 =	vld [tilespmem:s23+$0xFFFFFFE0];
	[tilespmem:v0+s22+$0x10 ss:$0x1] =	vst.idx.msk $0xffff, v3  }
0x52: {  	v59 =	vld [tilespmem:s23+$0xFFFFFFF0];
	[tilespmem:v0+s22+$0x20 ss:$0x1] =	vst.idx.msk $0xffff, v5  }
0x53: {  	s24 =	sshra.s32 s24, $0x2;
	v60 =	vld [tilespmem:s23+$0x0];
	[tilespmem:v0+s22+$0xFFFFFFC0 ss:$0x1] =	vst.idx.msk $0xffff, v2  }
0x54: {  	v61 =	vld [tilespmem:s23+$0x10];
	[tilespmem:v0+s24+$0x30 ss:$0x1] =	vst.idx.msk $0xffff, v4  }
0x55: {  	v62 =	vld [tilespmem:s23+$0x20];
	s21 =	sadd.s32 $0x1, s21;
	[tilespmem:v0+s24+$0xFFFFFFD0 ss:$0x1] =	vst.idx.msk $0xffff, v6  }
0x56: {  	v63 =	vld [tilespmem:s23+$0xFFFFFFC0];
	p0 =	sne.s32 s21, $0x4;
	[tilespmem:v0+s24+$0xFFFFFFE0 ss:$0x1] =	vst.idx.msk $0xffff, v58  }
.Ltmp5:
0x57: {  	[tilespmem:v0+s24+$0xFFFFFFF0 ss:$0x1] =	vst.idx.msk $0xffff, v59;
	(pc) =	sbr.rel @p0 .LBB1_5-.Ltmp5, $4  }
0x58: {  	[tilespmem:v0+s24+$0x0 ss:$0x1] =	vst.idx.msk $0xffff, v60  }
0x59: {  	[tilespmem:v0+s24+$0x10 ss:$0x1] =	vst.idx.msk $0xffff, v61  }
0x5a: {  	[tilespmem:v0+s24+$0x20 ss:$0x1] =	vst.idx.msk $0xffff, v62  }
0x5b: {  	s20 =	sadd.s32 $0x400, s20;
	s19 =	sadd.s32 $0x80, s19;
	[tilespmem:v0+s24+$0xFFFFFFC0 ss:$0x1] =	vst.idx.msk $0xffff, v63  }
0x5c: {  	s18 =	sadd.s32 $0x1, s18  }
0x5d: {  	p0 =	sne.s32 s18, s15  }
.Ltmp6:
0x5e: {  	_ = 	snop;
	(pc) =	sbr.rel @p0 .LBB1_4-.Ltmp6, $4  }
.Ltmp7:
0x5f: {  	_ = 	snop;
	(pc) =	sbr.rel @!p0 .LBB1_9-.Ltmp7, $4  }
0x60: {  	_ = 	snop  }
0x61: {  	_ = 	snop  }
0x62: {  	s16 =	sadd.s32 $0x1000, s16;
	s17 =	sadd.s32 $0x1000, s17  }
0x63: {  	_ = 	snop  }
.LBB1_11:
0x64: {  	_ =	sfence.sel $0x180000  }
0x65: {  	s2 =	simm.s32 $0x1;
	[bflag:$0x0] =	sbarrier.arrive $0xFFFF  }
0x66: {  	s31 =	simm.s32 $0x2;
	[sflag:s2] =	ssyncpa.u1 $0x1  }
0x67: {  	[sflag:s31] =	ssyncpa.u1 $0x1  }
0x68: {  	p0 =	sne.s32 s1, $0x0;
	_ =	strace $0x90000047  }
0x69: {  	s0 =	sadd.s32 @!p0 $0x100000, s0;
	[bflag:$0x2] =	sbarrier.arrive $0xFFFF  }
0x6a: {  	[sflag:s0] =	ssyncadd.tile.s32 @!p0 $0x1;
	_ =	shalt  }
.Lfunc_end1:
_tile_overlayer_lowered:
.L_overlay_start_2:
0x6b: {  	(tag) =	ssettag $0x2  }
0x6c: {  	s0 =	rddreg [dreg:$0x0];
	s2 =	stileid.u32  }
0x6d: {  	s1 =	rddreg [dreg:$0x1];
	p0 =	sne.s32 s2, $0x0  }
0x6e: {  	s3 =	rddreg [dreg:$0x2];
	[bflag:$0x3] =	sbarrier.arrive $0xFFFF;
	s2 =	simm.s32 @!p0 $0x1C01  }
0x6f: {  	[timem:s3], [sflag:s2] =	dma.local @!p0 [hbm:s0], s1  }
0x70: {  	s0 =	simm.s32 @!p0 $0x1  }
0x71: {  	_ =	swait.ge @!p0 [sflag:s0], s1  }
0x72: {  	s1 =	ssub.s32 @!p0 $0x0, s1;
	[sflag:s0] =	ssyncset.done @!p0 $0x0  }
0x73: {  	[sflag:s0] =	ssyncadd.s32 @!p0 s1  }
0x74: {  	[bflag:$0x3] =	sbarrier.arrive $0xFFFF  }
0x75: {  	_ =	shalt  }

</sc_bundles>
